<compile_context>
chip_gen: v7x
topology: tpu7x:2x2x1
jax: 0.10.2.dev20260603
libtpu: 0.0.44.dev20260713+nightly
codegen_flags: <defaults>
</compile_context>

<pallas_src>
import functools

import jax
import jax.numpy as jnp
from jax import lax
from jax.experimental import pallas as pl
from jax.experimental.pallas import tpu as pltpu
from jax.experimental.pallas import tpu_sc as plsc

_T = 4
_TH = _TW = 1024
_C = 4
_L = 16
_WL = 128

_P = 2048
_RPB = 4


def _sc_build_table(tex5s):
    info = plsc.get_sparse_core_info()
    mesh = plsc.VectorSubcoreMesh(core_axis_name="c", subcore_axis_name="s")
    blocks = _TH // 8 // _RPB

    @functools.partial(
        pl.kernel,
        mesh=mesh,
        out_type=jax.ShapeDtypeStruct((_T * _TH * _TW, 2 * _C), jnp.float32),
        compiler_params=pltpu.CompilerParams(
            needs_layout_passes=False, use_tc_tiling_on_sc=False),
        scratch_types=[
            pltpu.VMEM((2, _RPB, _TW // _WL, _C, _WL), jnp.float32),
            pltpu.VMEM((2, _RPB * _TW, 2 * _C), jnp.float32),
            pltpu.SemaphoreType.DMA,
            pltpu.SemaphoreType.DMA,
        ],
    )
    def bk(t0, t1, t2, t3, tab, in_v, out_v, sem_in, sem_out):
        wid = lax.axis_index("s") * info.num_cores + lax.axis_index("c")
        m = wid >> 3
        hb = (wid & 7) * (_TH // 8)
        lanes = lax.iota(jnp.int32, _L)

        def build(tex_ref, mm):
            def tab_slice(bi):
                h0 = hb + bi * _RPB
                row0 = pl.multiple_of(mm * (_TH * _TW) + h0 * _TW,
                                      _RPB * _TW)
                return tab.at[pl.ds(row0, _RPB * _TW)]

            def issue_in(bi, s):
                pltpu.async_copy(tex_ref.at[pl.ds(hb + bi * _RPB, _RPB)],
                                 in_v.at[s], sem_in)

            def wait_in(bi, s):
                pltpu.make_async_copy(
                    tex_ref.at[pl.ds(hb + bi * _RPB, _RPB)], in_v.at[s],
                    sem_in).wait()

            def transpose(s):
                @plsc.parallel_loop(0, _RPB * (_TW // _L), unroll=4)
                def _(i):
                    r = i >> 6
                    g = i & 63
                    wt = g >> 3
                    wl0 = (g & 7) << 4
                    p16 = (r << 10) + (g << 4) + lanes
                    pm1 = (r << 10) + (((g << 4) + lanes - 1) & (_TW - 1))
                    for c in range(_C):
                        t = in_v[s, r, wt, c, pl.ds(wl0, _L)]
                        plsc.store_scatter(
                            out_v.at[s],
                            [p16, jnp.full((_L,), c, jnp.int32)], t)
                        plsc.store_scatter(
                            out_v.at[s],
                            [pm1, jnp.full((_L,), c + 4, jnp.int32)], t)

            issue_in(0, 0)

            def blk_body(bi, _):
                s = bi & 1

                @pl.when(bi + 1 < blocks)
                def _():
                    issue_in(bi + 1, 1 - s)

                wait_in(bi, s)

                @pl.when(bi > 1)
                def _():
                    pltpu.make_async_copy(out_v.at[s], tab_slice(bi - 2),
                                          sem_out).wait()

                transpose(s)
                pltpu.async_copy(out_v.at[s], tab_slice(bi), sem_out)
                return ()

            lax.fori_loop(0, blocks, blk_body, ())
            for tail in (blocks - 2, blocks - 1):
                pltpu.make_async_copy(out_v.at[tail & 1], tab_slice(tail),
                                      sem_out).wait()

        for mm, tex_ref in enumerate((t0, t1, t2, t3)):
            @pl.when(m == mm)
            def _(tex_ref=tex_ref, mm=mm):
                build(tex_ref, mm)

    return bk(*tex5s)


def _sc_sample(uv5, fm5, table, b, h, w):
    n = b * h * w
    info = plsc.get_sparse_core_info()
    nw = info.num_cores * info.num_subcores
    per_w = n // nw
    rows_w = per_w // w
    rpc = _P // w
    n_chunks = per_w // _P
    nwt = w // _WL
    mesh = plsc.VectorSubcoreMesh(core_axis_name="c", subcore_axis_name="s")

    @functools.partial(
        pl.kernel,
        mesh=mesh,
        out_type=jax.ShapeDtypeStruct((b, h, nwt, _C, _WL), jnp.float32),
        compiler_params=pltpu.CompilerParams(
            needs_layout_passes=False, use_tc_tiling_on_sc=False),
        scratch_types=[
            pltpu.VMEM((3, rpc, nwt, 2, _WL), jnp.float32),
            pltpu.VMEM((3, nwt, rpc, _WL), jnp.int32),
            pltpu.VMEM((2, 2, _P), jnp.int32),
            pltpu.VMEM((2, _P, 2 * _C), jnp.float32),
            pltpu.VMEM((2, _P, 2 * _C), jnp.float32),
            pltpu.VMEM((2, rpc, nwt, _C, _WL), jnp.float32),
            pltpu.SemaphoreType.DMA,
            pltpu.SemaphoreType.DMA,
            pltpu.SemaphoreType.DMA,
        ],
    )
    def k(uv_hbm, fm_hbm, tab_hbm, out_hbm,
          uv_v, fm_v, idx_v, top_v, bot_v, o_v, sem_in, sem_g, sem_out):
        wid = lax.axis_index("s") * info.num_cores + lax.axis_index("c")
        lanes = lax.iota(jnp.int32, _L)

        def frac(val, scale):
            x = val * scale - 0.5
            xt = x.astype(jnp.int32)
            x0 = jnp.where(x < xt.astype(jnp.float32), xt - 1, xt)
            return x0, x - x0.astype(jnp.float32)

        def coords(kc):
            r0 = wid * rows_w + kc * rpc
            return r0 // h, r0 % h

        def issue_in(kc, s):
            bi, h0 = coords(kc)
            pltpu.async_copy(uv_hbm.at[bi, pl.ds(h0, rpc)], uv_v.at[s],
                             sem_in)
            pltpu.async_copy(fm_hbm.at[bi, h0 // 8, :, pl.ds(h0 % 8, rpc)],
                             fm_v.at[s], sem_in)

        def wait_in(kc, s):
            bi, h0 = coords(kc)
            pltpu.make_async_copy(uv_hbm.at[bi, pl.ds(h0, rpc)], uv_v.at[s],
                                  sem_in).wait()
            pltpu.make_async_copy(fm_hbm.at[bi, h0 // 8, :,
                                            pl.ds(h0 % 8, rpc)],
                                  fm_v.at[s], sem_in).wait()

        def phase2_and_fire(s3, s):
            @plsc.parallel_loop(0, _P // _L, unroll=4)
            def _(i):
                hs = i >> 5
                wt = (i >> 3) & 3
                wl0 = (i & 7) << 4
                csl = pl.ds(wl0, _L)
                uu = uv_v[s3, hs, wt, 0, csl]
                vv = uv_v[s3, hs, wt, 1, csl]
                fm = fm_v[s3, wt, hs, csl]
                x0, _fx = frac(uu, float(_TW))
                y0, _fy = frac(vv, float(_TH))
                base_m = (fm << 20) + (x0 & (_TW - 1))
                sl = pl.ds(i * _L, _L)
                idx_v[s, 0, sl] = base_m + ((y0 & (_TH - 1)) << 10)
                idx_v[s, 1, sl] = base_m + (((y0 + 1) & (_TH - 1)) << 10)

            pltpu.async_copy(tab_hbm.at[idx_v.at[s, 0]], top_v.at[s], sem_g)
            pltpu.async_copy(tab_hbm.at[idx_v.at[s, 1]], bot_v.at[s], sem_g)

        def combine_and_out(kc, s):
            s3 = kc % 3
            pltpu.make_async_copy(tab_hbm.at[idx_v.at[s, 0]], top_v.at[s],
                                  sem_g).wait()
            pltpu.make_async_copy(tab_hbm.at[idx_v.at[s, 1]], bot_v.at[s],
                                  sem_g).wait()

            @pl.when(kc > 1)
            def _():
                bi2, h02 = coords(kc - 2)
                pltpu.make_async_copy(o_v.at[s], out_hbm.at[bi2,
                                                            pl.ds(h02, rpc)],
                                      sem_out).wait()

            @plsc.parallel_loop(0, _P // _L, unroll=2)
            def _(i):
                hs = i >> 5
                wt = (i >> 3) & 3
                wl0 = (i & 7) << 4
                csl = pl.ds(wl0, _L)
                uu = uv_v[s3, hs, wt, 0, csl]
                vv = uv_v[s3, hs, wt, 1, csl]
                _x0, fx = frac(uu, float(_TW))
                _y0, fy = frac(vv, float(_TH))
                omx = 1.0 - fx
                omy = 1.0 - fy
                p16 = i * _L + lanes
                for c in range(_C):
                    cc = jnp.full((_L,), c, jnp.int32)
                    cc1 = jnp.full((_L,), c + 4, jnp.int32)
                    t00 = plsc.load_gather(top_v.at[s], [p16, cc])
                    t01 = plsc.load_gather(top_v.at[s], [p16, cc1])
                    t10 = plsc.load_gather(bot_v.at[s], [p16, cc])
                    t11 = plsc.load_gather(bot_v.at[s], [p16, cc1])
                    top = t00 * omx + t01 * fx
                    bot = t10 * omx + t11 * fx
                    o_v[s, hs, wt, c, csl] = top * omy + bot * fy

            bi, h0 = coords(kc)
            pltpu.async_copy(o_v.at[s], out_hbm.at[bi, pl.ds(h0, rpc)],
                             sem_out)

        issue_in(0, 0)

        def chunk_body(kc, _):
            s = kc & 1
            s3 = kc % 3
            wait_in(kc, s3)

            @pl.when(kc + 1 < n_chunks)
            def _():
                issue_in(kc + 1, (kc + 1) % 3)

            phase2_and_fire(s3, s)

            @pl.when(kc > 0)
            def _():
                combine_and_out(kc - 1, 1 - s)
            return ()

        lax.fori_loop(0, n_chunks, chunk_body, ())
        combine_and_out(n_chunks - 1, (n_chunks - 1) & 1)
        for tail in (n_chunks - 2, n_chunks - 1):
            bi, h0 = coords(tail)
            pltpu.make_async_copy(o_v.at[tail & 1],
                                  out_hbm.at[bi, pl.ds(h0, rpc)],
                                  sem_out).wait()

    return k(uv5, fm5, table)


def kernel(uv, f_mat, tex0, tex1, tex2, tex3):
    b, h, w, _ = uv.shape
    tex5s = [
        t.reshape(_TH, _TW // _WL, _WL, _C).transpose(0, 1, 3, 2)
        for t in (tex0, tex1, tex2, tex3)
    ]
    table = _sc_build_table(tex5s)
    uv5 = uv.reshape(b, h, w // _WL, _WL, 2).transpose(0, 1, 2, 4, 3)
    fm5 = f_mat.reshape(b, h // 8, 8, w // _WL, _WL).transpose(0, 1, 3, 2, 4)
    out5 = _sc_sample(uv5, fm5, table, b, h, w)
    return out5.transpose(0, 1, 2, 4, 3).reshape(b, h, w, _C)

# --- scband reference (transcript-rebuilt; emitter-appended) ---
"""Pipeline reference for scband-multi-texture2-d-1047972021061 (READ-ONLY COPY).

The authoritative reference and input builder live on the scoring server;
editing this copy changes nothing except your own understanding.
"""

import jax, jax.numpy as jnp
import numpy as np

T = 4
TH, TW, C = 1024, 1024, 4
B, H, W = 4, 512, 512


def setup_inputs(seed: int = 0) -> dict:
    key = jax.random.key(seed)
    ks = jax.random.split(key, 2 + T)
    uv = jax.random.uniform(ks[0], (B, H, W, 2), dtype=jnp.float32)
    f_mat = jax.random.randint(ks[1], (B, H, W), 0, T).astype(jnp.int32)
    inp = {"uv": uv, "f_mat": f_mat}
    for i in range(T):
        inp[f"tex{i}"] = jax.random.normal(ks[2 + i], (TH, TW, C), dtype=jnp.float32)
    return inp


def _bilinear(tex, uv):
    # nvdiffrast-style bilinear texture sampling, boundary_mode='wrap',
    # texel centers at (i + 0.5) / size, no mipmapping (uv_da=None).
    Ht, Wt, Ct = tex.shape
    x = uv[..., 0] * Wt - 0.5
    y = uv[..., 1] * Ht - 0.5
    x0 = jnp.floor(x)
    y0 = jnp.floor(y)
    fx = (x - x0)[..., None]
    fy = (y - y0)[..., None]
    x0i = x0.astype(jnp.int32)
    y0i = y0.astype(jnp.int32)
    x0w = jnp.mod(x0i, Wt)
    x1w = jnp.mod(x0i + 1, Wt)
    y0w = jnp.mod(y0i, Ht)
    y1w = jnp.mod(y0i + 1, Ht)
    tf = tex.reshape(Ht * Wt, Ct)
    t00 = jnp.take(tf, y0w * Wt + x0w, axis=0)
    t01 = jnp.take(tf, y0w * Wt + x1w, axis=0)
    t10 = jnp.take(tf, y1w * Wt + x0w, axis=0)
    t11 = jnp.take(tf, y1w * Wt + x1w, axis=0)
    top = t00 * (1.0 - fx) + t01 * fx
    bot = t10 * (1.0 - fx) + t11 * fx
    return top * (1.0 - fy) + bot * fy


def reference(uv, f_mat, tex0, tex1, tex2, tex3):
    texs = [tex0, tex1, tex2, tex3]
    # sample every texture at every uv, then per-pixel select by f_mat
    stacked = jnp.stack([_bilinear(t, uv) for t in texs], axis=0)  # [T, B, H, W, C]
    idx = jnp.broadcast_to(f_mat[None, ..., None].astype(jnp.int32), (1,) + stacked.shape[1:])
    out = jnp.take_along_axis(stacked, idx, axis=0)[0]
    return out

if __name__ == "__main__":
    import jax
    _d = setup_inputs()
    print(jax.jit(kernel)(*tuple(_d.values())))

</pallas_src>

<mosaic_0001>
#map = affine_map<(d0, d1) -> (0, 0, 0, 0)>
#map1 = affine_map<(d0, d1) -> (0, 0)>
module attributes {stable_mosaic.version = 14 : i64} {
  func.func @bk(%arg0: i32, %arg1: i32, %arg2: memref<1024x8x4x128xf32, #tpu.memory_space<hbm>>, %arg3: memref<1024x8x4x128xf32, #tpu.memory_space<hbm>>, %arg4: memref<1024x8x4x128xf32, #tpu.memory_space<hbm>>, %arg5: memref<1024x8x4x128xf32, #tpu.memory_space<hbm>>, %arg6: memref<4194304x8xf32, #tpu.memory_space<hbm>>, %arg7: memref<2x4x8x4x128xf32, #tpu.memory_space<vmem>>, %arg8: memref<2x4096x8xf32, #tpu.memory_space<vmem>>, %arg9: memref<!tpu.dma_semaphore, #tpu.memory_space<semaphore_mem>>, %arg10: memref<!tpu.dma_semaphore, #tpu.memory_space<semaphore_mem>>) attributes {dimension_semantics = [#tpu.dimension_semantics<core_parallel>, #tpu.dimension_semantics<subcore_parallel>], iteration_bounds = array<i64: 2, 16>, scalar_prefetch = 0 : i64, scratch_operands = 4 : i64, tpu.core_type = #tpu.core_type<sc_vector_subcore>, window_params = [{transform_indices = #map}, {transform_indices = #map}, {transform_indices = #map}, {transform_indices = #map}, {transform_indices = #map1}]} {
    %mul3A = arith.constant 2 : i32
    %mul3A_0 = arith.muli %arg1, %mul3A : i32
    %add3A = arith.addi %mul3A_0, %arg0 : i32
    %shift_right_arithmetic3A = arith.constant 3 : i32
    %shift_right_arithmetic3A_1 = arith.shrsi %add3A, %shift_right_arithmetic3A : i32
    %and3A = arith.constant 7 : i32
    %and3A_2 = arith.andi %add3A, %and3A : i32
    %mul3A_3 = arith.constant 128 : i32
    %mul3A_4 = arith.muli %and3A_2, %mul3A_3 : i32
    %iota3A = tpu.iota {dimensions = array<i32: 0>} : vector<16xi32>
    %eq3A = arith.constant 0 : i32
    %eq3A_5 = arith.cmpi eq, %shift_right_arithmetic3A_1, %eq3A : i32
    %convert_element_type3A = arith.extui %eq3A_5 : i1 to i32
    %cond3A = arith.constant 0 : i32
    %cond3A_6 = arith.cmpi ne, %convert_element_type3A, %cond3A : i32
    scf.if %cond3A_6 {
      %add3A_22 = arith.constant 0 : i32
      %add3A_23 = arith.addi %mul3A_4, %add3A_22 : i32
      %dma_start3A = arith.constant 0 : i32
      %dma_start3A_24 = arith.constant 0 : i32
      %dma_start3A_25 = arith.constant 0 : i32
      %dma_start3A_26 = arith.constant 0 : i32
      %dma_start3A_27 = arith.constant 0 : i32
      %dma_start3A_28 = tpu.memref_slice %arg7[%dma_start3A, %dma_start3A_24, %dma_start3A_25, %dma_start3A_26, %dma_start3A_27] : memref<2x4x8x4x128xf32, #tpu.memory_space<vmem>> -> memref<1x4x8x4x128xf32, #tpu.memory_space<vmem>>
      %dma_start3A_29 = tpu.memref_squeeze %dma_start3A_28 : memref<1x4x8x4x128xf32, #tpu.memory_space<vmem>> -> memref<4x8x4x128xf32, #tpu.memory_space<vmem>>
      %dma_start3A_30 = arith.constant 0 : i32
      %dma_start3A_31 = arith.constant 0 : i32
      %dma_start3A_32 = arith.constant 0 : i32
      %dma_start3A_33 = tpu.memref_slice %arg2[%add3A_23, %dma_start3A_30, %dma_start3A_31, %dma_start3A_32] : memref<1024x8x4x128xf32, #tpu.memory_space<hbm>> -> memref<4x8x4x128xf32, #tpu.memory_space<hbm>>
      %dma_start3A_34 = arith.constant 0 : i32
      %dma_start3A_35 = arith.constant 0 : i32
      %dma_start3A_36 = arith.constant 0 : i32
      %dma_start3A_37 = arith.constant 0 : i32
      %dma_start3A_38 = tpu.memref_slice %arg7[%dma_start3A, %dma_start3A_34, %dma_start3A_35, %dma_start3A_36, %dma_start3A_37] : memref<2x4x8x4x128xf32, #tpu.memory_space<vmem>> -> memref<1x4x8x4x128xf32, #tpu.memory_space<vmem>>
      %dma_start3A_39 = tpu.memref_squeeze %dma_start3A_38 : memref<1x4x8x4x128xf32, #tpu.memory_space<vmem>> -> memref<4x8x4x128xf32, #tpu.memory_space<vmem>>
      %dma_start3A_40 = arith.constant 0 : i32
      %dma_start3A_41 = arith.constant 0 : i32
      %dma_start3A_42 = arith.constant 0 : i32
      %dma_start3A_43 = tpu.memref_slice %arg2[%add3A_23, %dma_start3A_40, %dma_start3A_41, %dma_start3A_42] : memref<1024x8x4x128xf32, #tpu.memory_space<hbm>> -> memref<4x8x4x128xf32, #tpu.memory_space<hbm>>
      tpu.enqueue_dma source(%dma_start3A_43 : memref<4x8x4x128xf32, #tpu.memory_space<hbm>>) target(%dma_start3A_39 : memref<4x8x4x128xf32, #tpu.memory_space<vmem>>) target_semaphore(%arg9 : memref<!tpu.dma_semaphore, #tpu.memory_space<semaphore_mem>>)
      %scan3A = arith.constant 0 : i32
      %scan3A_44 = arith.constant 32 : i32
      %scan3A_45 = arith.addi %scan3A, %scan3A_44 : i32
      %scan3A_46 = arith.constant 1 : i32
      scf.for %scan3A_86 = %scan3A to %scan3A_45 step %scan3A_46  : i32 {
        %and3A_87 = arith.constant 1 : i32
        %and3A_88 = arith.andi %scan3A_86, %and3A_87 : i32
        %add3A_89 = arith.constant 1 : i32
        %add3A_90 = arith.addi %scan3A_86, %add3A_89 : i32
        %lt3A = arith.constant 32 : i32
        %lt3A_91 = arith.cmpi slt, %add3A_90, %lt3A : i32
        %convert_element_type3A_92 = arith.extui %lt3A_91 : i1 to i32
        %cond3A_93 = arith.constant 0 : i32
        %cond3A_94 = arith.cmpi ne, %convert_element_type3A_92, %cond3A_93 : i32
        scf.if %cond3A_94 {
          %add3A_144 = arith.constant 1 : i32
          %add3A_145 = arith.addi %scan3A_86, %add3A_144 : i32
          %sub3A = arith.constant 1 : i32
          %sub3A_146 = arith.subi %sub3A, %and3A_88 : i32
          %mul3A_147 = arith.constant 4 : i32
          %mul3A_148 = arith.muli %add3A_145, %mul3A_147 : i32
          %add3A_149 = arith.addi %mul3A_4, %mul3A_148 : i32
          %dma_start3A_150 = arith.constant 0 : i32
          %dma_start3A_151 = arith.constant 0 : i32
          %dma_start3A_152 = arith.constant 0 : i32
          %dma_start3A_153 = arith.constant 0 : i32
          %dma_start3A_154 = tpu.memref_slice %arg7[%sub3A_146, %dma_start3A_150, %dma_start3A_151, %dma_start3A_152, %dma_start3A_153] : memref<2x4x8x4x128xf32, #tpu.memory_space<vmem>> -> memref<1x4x8x4x128xf32, #tpu.memory_space<vmem>>
          %dma_start3A_155 = tpu.memref_squeeze %dma_start3A_154 : memref<1x4x8x4x128xf32, #tpu.memory_space<vmem>> -> memref<4x8x4x128xf32, #tpu.memory_space<vmem>>
          %dma_start3A_156 = arith.constant 0 : i32
          %dma_start3A_157 = arith.constant 0 : i32
          %dma_start3A_158 = arith.constant 0 : i32
          %dma_start3A_159 = tpu.memref_slice %arg2[%add3A_149, %dma_start3A_156, %dma_start3A_157, %dma_start3A_158] : memref<1024x8x4x128xf32, #tpu.memory_space<hbm>> -> memref<4x8x4x128xf32, #tpu.memory_space<hbm>>
          %dma_start3A_160 = arith.constant 0 : i32
          %dma_start3A_161 = arith.constant 0 : i32
          %dma_start3A_162 = arith.constant 0 : i32
          %dma_start3A_163 = arith.constant 0 : i32
          %dma_start3A_164 = tpu.memref_slice %arg7[%sub3A_146, %dma_start3A_160, %dma_start3A_161, %dma_start3A_162, %dma_start3A_163] : memref<2x4x8x4x128xf32, #tpu.memory_space<vmem>> -> memref<1x4x8x4x128xf32, #tpu.memory_space<vmem>>
          %dma_start3A_165 = tpu.memref_squeeze %dma_start3A_164 : memref<1x4x8x4x128xf32, #tpu.memory_space<vmem>> -> memref<4x8x4x128xf32, #tpu.memory_space<vmem>>
          %dma_start3A_166 = arith.constant 0 : i32
          %dma_start3A_167 = arith.constant 0 : i32
          %dma_start3A_168 = arith.constant 0 : i32
          %dma_start3A_169 = tpu.memref_slice %arg2[%add3A_149, %dma_start3A_166, %dma_start3A_167, %dma_start3A_168] : memref<1024x8x4x128xf32, #tpu.memory_space<hbm>> -> memref<4x8x4x128xf32, #tpu.memory_space<hbm>>
          tpu.enqueue_dma source(%dma_start3A_169 : memref<4x8x4x128xf32, #tpu.memory_space<hbm>>) target(%dma_start3A_165 : memref<4x8x4x128xf32, #tpu.memory_space<vmem>>) target_semaphore(%arg9 : memref<!tpu.dma_semaphore, #tpu.memory_space<semaphore_mem>>)
        } else {
        }
        %mul3A_95 = arith.constant 4 : i32
        %mul3A_96 = arith.muli %scan3A_86, %mul3A_95 : i32
        %add3A_97 = arith.addi %mul3A_4, %mul3A_96 : i32
        %dma_wait3A_98 = arith.constant 0 : i32
        %dma_wait3A_99 = arith.constant 0 : i32
        %dma_wait3A_100 = arith.constant 0 : i32
        %dma_wait3A_101 = arith.constant 0 : i32
        %dma_wait3A_102 = tpu.memref_slice %arg7[%and3A_88, %dma_wait3A_98, %dma_wait3A_99, %dma_wait3A_100, %dma_wait3A_101] : memref<2x4x8x4x128xf32, #tpu.memory_space<vmem>> -> memref<1x4x8x4x128xf32, #tpu.memory_space<vmem>>
        %dma_wait3A_103 = tpu.memref_squeeze %dma_wait3A_102 : memref<1x4x8x4x128xf32, #tpu.memory_space<vmem>> -> memref<4x8x4x128xf32, #tpu.memory_space<vmem>>
        %dma_wait3A_104 = arith.constant 0 : i32
        %dma_wait3A_105 = arith.constant 0 : i32
        %dma_wait3A_106 = arith.constant 0 : i32
        %dma_wait3A_107 = tpu.memref_slice %arg2[%add3A_97, %dma_wait3A_104, %dma_wait3A_105, %dma_wait3A_106] : memref<1024x8x4x128xf32, #tpu.memory_space<hbm>> -> memref<4x8x4x128xf32, #tpu.memory_space<hbm>>
        %dma_wait3A_108 = arith.constant 0 : i32
        %dma_wait3A_109 = arith.constant 0 : i32
        %dma_wait3A_110 = arith.constant 0 : i32
        %dma_wait3A_111 = arith.constant 0 : i32
        %dma_wait3A_112 = tpu.memref_slice %arg7[%and3A_88, %dma_wait3A_108, %dma_wait3A_109, %dma_wait3A_110, %dma_wait3A_111] : memref<2x4x8x4x128xf32, #tpu.memory_space<vmem>> -> memref<1x4x8x4x128xf32, #tpu.memory_space<vmem>>
        %dma_wait3A_113 = tpu.memref_squeeze %dma_wait3A_112 : memref<1x4x8x4x128xf32, #tpu.memory_space<vmem>> -> memref<4x8x4x128xf32, #tpu.memory_space<vmem>>
        %dma_wait3A_114 = arith.constant 0 : i32
        %dma_wait3A_115 = arith.constant 0 : i32
        %dma_wait3A_116 = arith.constant 0 : i32
        %dma_wait3A_117 = tpu.memref_slice %arg2[%add3A_97, %dma_wait3A_114, %dma_wait3A_115, %dma_wait3A_116] : memref<1024x8x4x128xf32, #tpu.memory_space<hbm>> -> memref<4x8x4x128xf32, #tpu.memory_space<hbm>>
        tpu.wait_dma2 semaphore(%arg9 : memref<!tpu.dma_semaphore, #tpu.memory_space<semaphore_mem>>) src(%dma_wait3A_117 : memref<4x8x4x128xf32, #tpu.memory_space<hbm>>) dst(%dma_wait3A_113 : memref<4x8x4x128xf32, #tpu.memory_space<vmem>>)
        %gt3A = arith.constant 1 : i32
        %gt3A_118 = arith.cmpi sgt, %scan3A_86, %gt3A : i32
        %convert_element_type3A_119 = arith.extui %gt3A_118 : i1 to i32
        %cond3A_120 = arith.constant 0 : i32
        %cond3A_121 = arith.cmpi ne, %convert_element_type3A_119, %cond3A_120 : i32
        scf.if %cond3A_121 {
          %sub3A = arith.constant 2 : i32
          %sub3A_144 = arith.subi %scan3A_86, %sub3A : i32
          %mul3A_145 = arith.constant 4 : i32
          %mul3A_146 = arith.muli %sub3A_144, %mul3A_145 : i32
          %add3A_147 = arith.addi %mul3A_4, %mul3A_146 : i32
          %mul3A_148 = arith.constant 1024 : i32
          %mul3A_149 = arith.muli %add3A_147, %mul3A_148 : i32
          %add3A_150 = arith.constant 0 : i32
          %add3A_151 = arith.addi %add3A_150, %mul3A_149 : i32
          %multiple_of3A_152 = tpu.assume_multiple %add3A_151, 4096 : i32
          %dma_wait3A_153 = arith.constant 0 : i32
          %dma_wait3A_154 = arith.constant 0 : i32
          %dma_wait3A_155 = tpu.memref_slice %arg8[%and3A_88, %dma_wait3A_153, %dma_wait3A_154] : memref<2x4096x8xf32, #tpu.memory_space<vmem>> -> memref<1x4096x8xf32, #tpu.memory_space<vmem>>
          %dma_wait3A_156 = tpu.memref_squeeze %dma_wait3A_155 : memref<1x4096x8xf32, #tpu.memory_space<vmem>> -> memref<4096x8xf32, #tpu.memory_space<vmem>>
          %dma_wait3A_157 = arith.constant 0 : i32
          %dma_wait3A_158 = tpu.memref_slice %arg6[%multiple_of3A_152, %dma_wait3A_157] : memref<4194304x8xf32, #tpu.memory_space<hbm>> -> memref<4096x8xf32, #tpu.memory_space<hbm>>
          %dma_wait3A_159 = arith.constant 0 : i32
          %dma_wait3A_160 = tpu.memref_slice %arg6[%multiple_of3A_152, %dma_wait3A_159] : memref<4194304x8xf32, #tpu.memory_space<hbm>> -> memref<4096x8xf32, #tpu.memory_space<hbm>>
          %dma_wait3A_161 = arith.constant 0 : i32
          %dma_wait3A_162 = arith.constant 0 : i32
          %dma_wait3A_163 = tpu.memref_slice %arg8[%and3A_88, %dma_wait3A_161, %dma_wait3A_162] : memref<2x4096x8xf32, #tpu.memory_space<vmem>> -> memref<1x4096x8xf32, #tpu.memory_space<vmem>>
          %dma_wait3A_164 = tpu.memref_squeeze %dma_wait3A_163 : memref<1x4096x8xf32, #tpu.memory_space<vmem>> -> memref<4096x8xf32, #tpu.memory_space<vmem>>
          tpu.wait_dma2 semaphore(%arg10 : memref<!tpu.dma_semaphore, #tpu.memory_space<semaphore_mem>>) src(%dma_wait3A_164 : memref<4096x8xf32, #tpu.memory_space<vmem>>) dst(%dma_wait3A_160 : memref<4096x8xf32, #tpu.memory_space<hbm>>)
        } else {
        }
        %parallel_loop3A = arith.constant 0 : i32
        %parallel_loop3A_122 = arith.constant 256 : i32
        %parallel_loop3A_123 = arith.constant 1 : i32
        scf.for %parallel_loop3A_144 = %parallel_loop3A to %parallel_loop3A_122 step %parallel_loop3A_123  : i32 {
          %parallel_loop3A_145 = arith.constant 6 : i32
          %parallel_loop3A_146 = arith.shrsi %parallel_loop3A_144, %parallel_loop3A_145 : i32
          %parallel_loop3A_147 = arith.constant 63 : i32
          %parallel_loop3A_148 = arith.andi %parallel_loop3A_144, %parallel_loop3A_147 : i32
          %parallel_loop3A_149 = arith.constant 3 : i32
          %parallel_loop3A_150 = arith.shrsi %parallel_loop3A_148, %parallel_loop3A_149 : i32
          %parallel_loop3A_151 = arith.constant 7 : i32
          %parallel_loop3A_152 = arith.andi %parallel_loop3A_148, %parallel_loop3A_151 : i32
          %parallel_loop3A_153 = arith.constant 4 : i32
          %parallel_loop3A_154 = arith.shli %parallel_loop3A_152, %parallel_loop3A_153 : i32
          %parallel_loop3A_155 = arith.constant 10 : i32
          %parallel_loop3A_156 = arith.shli %parallel_loop3A_146, %parallel_loop3A_155 : i32
          %parallel_loop3A_157 = arith.constant 4 : i32
          %parallel_loop3A_158 = arith.shli %parallel_loop3A_148, %parallel_loop3A_157 : i32
          %parallel_loop3A_159 = arith.addi %parallel_loop3A_156, %parallel_loop3A_158 : i32
          %parallel_loop3A_160 = vector.broadcast %parallel_loop3A_159 : i32 to vector<16xi32>
          %parallel_loop3A_161 = arith.addi %parallel_loop3A_160, %iota3A : vector<16xi32>
          %parallel_loop3A_162 = arith.constant 10 : i32
          %parallel_loop3A_163 = arith.shli %parallel_loop3A_146, %parallel_loop3A_162 : i32
          %parallel_loop3A_164 = arith.constant 4 : i32
          %parallel_loop3A_165 = arith.shli %parallel_loop3A_148, %parallel_loop3A_164 : i32
          %parallel_loop3A_166 = vector.broadcast %parallel_loop3A_165 : i32 to vector<16xi32>
          %parallel_loop3A_167 = arith.addi %parallel_loop3A_166, %iota3A : vector<16xi32>
          %parallel_loop3A_168 = arith.constant 1 : i32
          %parallel_loop3A_169 = vector.broadcast %parallel_loop3A_168 : i32 to vector<16xi32>
          %parallel_loop3A_170 = arith.subi %parallel_loop3A_167, %parallel_loop3A_169 : vector<16xi32>
          %parallel_loop3A_171 = arith.constant 1023 : i32
          %parallel_loop3A_172 = vector.broadcast %parallel_loop3A_171 : i32 to vector<16xi32>
          %parallel_loop3A_173 = arith.andi %parallel_loop3A_170, %parallel_loop3A_172 : vector<16xi32>
          %parallel_loop3A_174 = vector.broadcast %parallel_loop3A_163 : i32 to vector<16xi32>
          %parallel_loop3A_175 = arith.addi %parallel_loop3A_174, %parallel_loop3A_173 : vector<16xi32>
          %parallel_loop3A_176 = arith.constant 0 : i32
          %parallel_loop3A_177 = arith.index_cast %and3A_88 : i32 to index
          %parallel_loop3A_178 = arith.index_cast %parallel_loop3A_146 : i32 to index
          %parallel_loop3A_179 = arith.index_cast %parallel_loop3A_150 : i32 to index
          %parallel_loop3A_180 = arith.index_cast %parallel_loop3A_176 : i32 to index
          %parallel_loop3A_181 = arith.index_cast %parallel_loop3A_154 : i32 to index
          %parallel_loop3A_182 = tpu.vector_load %arg7[%parallel_loop3A_177, %parallel_loop3A_178, %parallel_loop3A_179, %parallel_loop3A_180, %parallel_loop3A_181] {strides = array<i32>} : memref<2x4x8x4x128xf32, #tpu.memory_space<vmem>>, vector<16xf32>,
          %parallel_loop3A_183 = arith.constant 0 : i32
          %parallel_loop3A_184 = vector.broadcast %parallel_loop3A_183 : i32 to vector<16xi32>
          %parallel_loop3A_185 = arith.constant 0 : i32
          %parallel_loop3A_186 = arith.constant 0 : i32
          %parallel_loop3A_187 = tpu.memref_slice %arg8[%and3A_88, %parallel_loop3A_185, %parallel_loop3A_186] : memref<2x4096x8xf32, #tpu.memory_space<vmem>> -> memref<1x4096x8xf32, #tpu.memory_space<vmem>>
          %parallel_loop3A_188 = tpu.memref_squeeze %parallel_loop3A_187 : memref<1x4096x8xf32, #tpu.memory_space<vmem>> -> memref<4096x8xf32, #tpu.memory_space<vmem>>
          tpu.vector_store_idx %parallel_loop3A_188[%parallel_loop3A_161, %parallel_loop3A_184], %parallel_loop3A_182 : memref<4096x8xf32, #tpu.memory_space<vmem>>[vector<16xi32>, vector<16xi32>], vector<16xf32>,
          %parallel_loop3A_189 = arith.constant 4 : i32
          %parallel_loop3A_190 = vector.broadcast %parallel_loop3A_189 : i32 to vector<16xi32>
          %parallel_loop3A_191 = arith.constant 0 : i32
          %parallel_loop3A_192 = arith.constant 0 : i32
          %parallel_loop3A_193 = tpu.memref_slice %arg8[%and3A_88, %parallel_loop3A_191, %parallel_loop3A_192] : memref<2x4096x8xf32, #tpu.memory_space<vmem>> -> memref<1x4096x8xf32, #tpu.memory_space<vmem>>
          %parallel_loop3A_194 = tpu.memref_squeeze %parallel_loop3A_193 : memref<1x4096x8xf32, #tpu.memory_space<vmem>> -> memref<4096x8xf32, #tpu.memory_space<vmem>>
          tpu.vector_store_idx %parallel_loop3A_194[%parallel_loop3A_175, %parallel_loop3A_190], %parallel_loop3A_182 : memref<4096x8xf32, #tpu.memory_space<vmem>>[vector<16xi32>, vector<16xi32>], vector<16xf32>,
          %parallel_loop3A_195 = arith.constant 1 : i32
          %parallel_loop3A_196 = arith.index_cast %and3A_88 : i32 to index
          %parallel_loop3A_197 = arith.index_cast %parallel_loop3A_146 : i32 to index
          %parallel_loop3A_198 = arith.index_cast %parallel_loop3A_150 : i32 to index
          %parallel_loop3A_199 = arith.index_cast %parallel_loop3A_195 : i32 to index
          %parallel_loop3A_200 = arith.index_cast %parallel_loop3A_154 : i32 to index
          %parallel_loop3A_201 = tpu.vector_load %arg7[%parallel_loop3A_196, %parallel_loop3A_197, %parallel_loop3A_198, %parallel_loop3A_199, %parallel_loop3A_200] {strides = array<i32>} : memref<2x4x8x4x128xf32, #tpu.memory_space<vmem>>, vector<16xf32>,
          %parallel_loop3A_202 = arith.constant 1 : i32
          %parallel_loop3A_203 = vector.broadcast %parallel_loop3A_202 : i32 to vector<16xi32>
          %parallel_loop3A_204 = arith.constant 0 : i32
          %parallel_loop3A_205 = arith.constant 0 : i32
          %parallel_loop3A_206 = tpu.memref_slice %arg8[%and3A_88, %parallel_loop3A_204, %parallel_loop3A_205] : memref<2x4096x8xf32, #tpu.memory_space<vmem>> -> memref<1x4096x8xf32, #tpu.memory_space<vmem>>
          %parallel_loop3A_207 = tpu.memref_squeeze %parallel_loop3A_206 : memref<1x4096x8xf32, #tpu.memory_space<vmem>> -> memref<4096x8xf32, #tpu.memory_space<vmem>>
          tpu.vector_store_idx %parallel_loop3A_207[%parallel_loop3A_161, %parallel_loop3A_203], %parallel_loop3A_201 : memref<4096x8xf32, #tpu.memory_space<vmem>>[vector<16xi32>, vector<16xi32>], vector<16xf32>,
          %parallel_loop3A_208 = arith.constant 5 : i32
          %parallel_loop3A_209 = vector.broadcast %parallel_loop3A_208 : i32 to vector<16xi32>
          %parallel_loop3A_210 = arith.constant 0 : i32
          %parallel_loop3A_211 = arith.constant 0 : i32
          %parallel_loop3A_212 = tpu.memref_slice %arg8[%and3A_88, %parallel_loop3A_210, %parallel_loop3A_211] : memref<2x4096x8xf32, #tpu.memory_space<vmem>> -> memref<1x4096x8xf32, #tpu.memory_space<vmem>>
          %parallel_loop3A_213 = tpu.memref_squeeze %parallel_loop3A_212 : memref<1x4096x8xf32, #tpu.memory_space<vmem>> -> memref<4096x8xf32, #tpu.memory_space<vmem>>
          tpu.vector_store_idx %parallel_loop3A_213[%parallel_loop3A_175, %parallel_loop3A_209], %parallel_loop3A_201 : memref<4096x8xf32, #tpu.memory_space<vmem>>[vector<16xi32>, vector<16xi32>], vector<16xf32>,
          %parallel_loop3A_214 = arith.constant 2 : i32
          %parallel_loop3A_215 = arith.index_cast %and3A_88 : i32 to index
          %parallel_loop3A_216 = arith.index_cast %parallel_loop3A_146 : i32 to index
          %parallel_loop3A_217 = arith.index_cast %parallel_loop3A_150 : i32 to index
          %parallel_loop3A_218 = arith.index_cast %parallel_loop3A_214 : i32 to index
          %parallel_loop3A_219 = arith.index_cast %parallel_loop3A_154 : i32 to index
          %parallel_loop3A_220 = tpu.vector_load %arg7[%parallel_loop3A_215, %parallel_loop3A_216, %parallel_loop3A_217, %parallel_loop3A_218, %parallel_loop3A_219] {strides = array<i32>} : memref<2x4x8x4x128xf32, #tpu.memory_space<vmem>>, vector<16xf32>,
          %parallel_loop3A_221 = arith.constant 2 : i32
          %parallel_loop3A_222 = vector.broadcast %parallel_loop3A_221 : i32 to vector<16xi32>
          %parallel_loop3A_223 = arith.constant 0 : i32
          %parallel_loop3A_224 = arith.constant 0 : i32
          %parallel_loop3A_225 = tpu.memref_slice %arg8[%and3A_88, %parallel_loop3A_223, %parallel_loop3A_224] : memref<2x4096x8xf32, #tpu.memory_space<vmem>> -> memref<1x4096x8xf32, #tpu.memory_space<vmem>>
          %parallel_loop3A_226 = tpu.memref_squeeze %parallel_loop3A_225 : memref<1x4096x8xf32, #tpu.memory_space<vmem>> -> memref<4096x8xf32, #tpu.memory_space<vmem>>
          tpu.vector_store_idx %parallel_loop3A_226[%parallel_loop3A_161, %parallel_loop3A_222], %parallel_loop3A_220 : memref<4096x8xf32, #tpu.memory_space<vmem>>[vector<16xi32>, vector<16xi32>], vector<16xf32>,
          %parallel_loop3A_227 = arith.constant 6 : i32
          %parallel_loop3A_228 = vector.broadcast %parallel_loop3A_227 : i32 to vector<16xi32>
          %parallel_loop3A_229 = arith.constant 0 : i32
          %parallel_loop3A_230 = arith.constant 0 : i32
          %parallel_loop3A_231 = tpu.memref_slice %arg8[%and3A_88, %parallel_loop3A_229, %parallel_loop3A_230] : memref<2x4096x8xf32, #tpu.memory_space<vmem>> -> memref<1x4096x8xf32, #tpu.memory_space<vmem>>
          %parallel_loop3A_232 = tpu.memref_squeeze %parallel_loop3A_231 : memref<1x4096x8xf32, #tpu.memory_space<vmem>> -> memref<4096x8xf32, #tpu.memory_space<vmem>>
          tpu.vector_store_idx %parallel_loop3A_232[%parallel_loop3A_175, %parallel_loop3A_228], %parallel_loop3A_220 : memref<4096x8xf32, #tpu.memory_space<vmem>>[vector<16xi32>, vector<16xi32>], vector<16xf32>,
          %parallel_loop3A_233 = arith.constant 3 : i32
          %parallel_loop3A_234 = arith.index_cast %and3A_88 : i32 to index
          %parallel_loop3A_235 = arith.index_cast %parallel_loop3A_146 : i32 to index
          %parallel_loop3A_236 = arith.index_cast %parallel_loop3A_150 : i32 to index
          %parallel_loop3A_237 = arith.index_cast %parallel_loop3A_233 : i32 to index
          %parallel_loop3A_238 = arith.index_cast %parallel_loop3A_154 : i32 to index
          %parallel_loop3A_239 = tpu.vector_load %arg7[%parallel_loop3A_234, %parallel_loop3A_235, %parallel_loop3A_236, %parallel_loop3A_237, %parallel_loop3A_238] {strides = array<i32>} : memref<2x4x8x4x128xf32, #tpu.memory_space<vmem>>, vector<16xf32>,
          %parallel_loop3A_240 = arith.constant 3 : i32
          %parallel_loop3A_241 = vector.broadcast %parallel_loop3A_240 : i32 to vector<16xi32>
          %parallel_loop3A_242 = arith.constant 0 : i32
          %parallel_loop3A_243 = arith.constant 0 : i32
          %parallel_loop3A_244 = tpu.memref_slice %arg8[%and3A_88, %parallel_loop3A_242, %parallel_loop3A_243] : memref<2x4096x8xf32, #tpu.memory_space<vmem>> -> memref<1x4096x8xf32, #tpu.memory_space<vmem>>
          %parallel_loop3A_245 = tpu.memref_squeeze %parallel_loop3A_244 : memref<1x4096x8xf32, #tpu.memory_space<vmem>> -> memref<4096x8xf32, #tpu.memory_space<vmem>>
          tpu.vector_store_idx %parallel_loop3A_245[%parallel_loop3A_161, %parallel_loop3A_241], %parallel_loop3A_239 : memref<4096x8xf32, #tpu.memory_space<vmem>>[vector<16xi32>, vector<16xi32>], vector<16xf32>,
          %parallel_loop3A_246 = arith.constant 7 : i32
          %parallel_loop3A_247 = vector.broadcast %parallel_loop3A_246 : i32 to vector<16xi32>
          %parallel_loop3A_248 = arith.constant 0 : i32
          %parallel_loop3A_249 = arith.constant 0 : i32
          %parallel_loop3A_250 = tpu.memref_slice %arg8[%and3A_88, %parallel_loop3A_248, %parallel_loop3A_249] : memref<2x4096x8xf32, #tpu.memory_space<vmem>> -> memref<1x4096x8xf32, #tpu.memory_space<vmem>>
          %parallel_loop3A_251 = tpu.memref_squeeze %parallel_loop3A_250 : memref<1x4096x8xf32, #tpu.memory_space<vmem>> -> memref<4096x8xf32, #tpu.memory_space<vmem>>
          tpu.vector_store_idx %parallel_loop3A_251[%parallel_loop3A_175, %parallel_loop3A_247], %parallel_loop3A_239 : memref<4096x8xf32, #tpu.memory_space<vmem>>[vector<16xi32>, vector<16xi32>], vector<16xf32>,
        } {sc.loop_unroll_factor = 4 : i64, sc.parallel_access}
        %mul3A_124 = arith.constant 4 : i32
        %mul3A_125 = arith.muli %scan3A_86, %mul3A_124 : i32
        %add3A_126 = arith.addi %mul3A_4, %mul3A_125 : i32
        %mul3A_127 = arith.constant 1024 : i32
        %mul3A_128 = arith.muli %add3A_126, %mul3A_127 : i32
        %add3A_129 = arith.constant 0 : i32
        %add3A_130 = arith.addi %add3A_129, %mul3A_128 : i32
        %multiple_of3A_131 = tpu.assume_multiple %add3A_130, 4096 : i32
        %dma_start3A_132 = arith.constant 0 : i32
        %dma_start3A_133 = arith.constant 0 : i32
        %dma_start3A_134 = tpu.memref_slice %arg8[%and3A_88, %dma_start3A_132, %dma_start3A_133] : memref<2x4096x8xf32, #tpu.memory_space<vmem>> -> memref<1x4096x8xf32, #tpu.memory_space<vmem>>
        %dma_start3A_135 = tpu.memref_squeeze %dma_start3A_134 : memref<1x4096x8xf32, #tpu.memory_space<vmem>> -> memref<4096x8xf32, #tpu.memory_space<vmem>>
        %dma_start3A_136 = arith.constant 0 : i32
        %dma_start3A_137 = tpu.memref_slice %arg6[%multiple_of3A_131, %dma_start3A_136] : memref<4194304x8xf32, #tpu.memory_space<hbm>> -> memref<4096x8xf32, #tpu.memory_space<hbm>>
        %dma_start3A_138 = arith.constant 0 : i32
        %dma_start3A_139 = tpu.memref_slice %arg6[%multiple_of3A_131, %dma_start3A_138] : memref<4194304x8xf32, #tpu.memory_space<hbm>> -> memref<4096x8xf32, #tpu.memory_space<hbm>>
        %dma_start3A_140 = arith.constant 0 : i32
        %dma_start3A_141 = arith.constant 0 : i32
        %dma_start3A_142 = tpu.memref_slice %arg8[%and3A_88, %dma_start3A_140, %dma_start3A_141] : memref<2x4096x8xf32, #tpu.memory_space<vmem>> -> memref<1x4096x8xf32, #tpu.memory_space<vmem>>
        %dma_start3A_143 = tpu.memref_squeeze %dma_start3A_142 : memref<1x4096x8xf32, #tpu.memory_space<vmem>> -> memref<4096x8xf32, #tpu.memory_space<vmem>>
        tpu.enqueue_dma source(%dma_start3A_143 : memref<4096x8xf32, #tpu.memory_space<vmem>>) target(%dma_start3A_139 : memref<4096x8xf32, #tpu.memory_space<hbm>>) target_semaphore(%arg10 : memref<!tpu.dma_semaphore, #tpu.memory_space<semaphore_mem>>)
      }
      %scan3A_47 = arith.constant 32 : i32
      %add3A_48 = arith.constant 120 : i32
      %add3A_49 = arith.addi %mul3A_4, %add3A_48 : i32
      %mul3A_50 = arith.constant 1024 : i32
      %mul3A_51 = arith.muli %add3A_49, %mul3A_50 : i32
      %add3A_52 = arith.constant 0 : i32
      %add3A_53 = arith.addi %add3A_52, %mul3A_51 : i32
      %multiple_of3A = tpu.assume_multiple %add3A_53, 4096 : i32
      %dma_wait3A = arith.constant 0 : i32
      %dma_wait3A_54 = arith.constant 0 : i32
      %dma_wait3A_55 = arith.constant 0 : i32
      %dma_wait3A_56 = tpu.memref_slice %arg8[%dma_wait3A, %dma_wait3A_54, %dma_wait3A_55] : memref<2x4096x8xf32, #tpu.memory_space<vmem>> -> memref<1x4096x8xf32, #tpu.memory_space<vmem>>
      %dma_wait3A_57 = tpu.memref_squeeze %dma_wait3A_56 : memref<1x4096x8xf32, #tpu.memory_space<vmem>> -> memref<4096x8xf32, #tpu.memory_space<vmem>>
      %dma_wait3A_58 = arith.constant 0 : i32
      %dma_wait3A_59 = tpu.memref_slice %arg6[%multiple_of3A, %dma_wait3A_58] : memref<4194304x8xf32, #tpu.memory_space<hbm>> -> memref<4096x8xf32, #tpu.memory_space<hbm>>
      %dma_wait3A_60 = arith.constant 0 : i32
      %dma_wait3A_61 = tpu.memref_slice %arg6[%multiple_of3A, %dma_wait3A_60] : memref<4194304x8xf32, #tpu.memory_space<hbm>> -> memref<4096x8xf32, #tpu.memory_space<hbm>>
      %dma_wait3A_62 = arith.constant 0 : i32
      %dma_wait3A_63 = arith.constant 0 : i32
      %dma_wait3A_64 = tpu.memref_slice %arg8[%dma_wait3A, %dma_wait3A_62, %dma_wait3A_63] : memref<2x4096x8xf32, #tpu.memory_space<vmem>> -> memref<1x4096x8xf32, #tpu.memory_space<vmem>>
      %dma_wait3A_65 = tpu.memref_squeeze %dma_wait3A_64 : memref<1x4096x8xf32, #tpu.memory_space<vmem>> -> memref<4096x8xf32, #tpu.memory_space<vmem>>
      tpu.wait_dma2 semaphore(%arg10 : memref<!tpu.dma_semaphore, #tpu.memory_space<semaphore_mem>>) src(%dma_wait3A_65 : memref<4096x8xf32, #tpu.memory_space<vmem>>) dst(%dma_wait3A_61 : memref<4096x8xf32, #tpu.memory_space<hbm>>)
      %add3A_66 = arith.constant 124 : i32
      %add3A_67 = arith.addi %mul3A_4, %add3A_66 : i32
      %mul3A_68 = arith.constant 1024 : i32
      %mul3A_69 = arith.muli %add3A_67, %mul3A_68 : i32
      %add3A_70 = arith.constant 0 : i32
      %add3A_71 = arith.addi %add3A_70, %mul3A_69 : i32
      %multiple_of3A_72 = tpu.assume_multiple %add3A_71, 4096 : i32
      %dma_wait3A_73 = arith.constant 1 : i32
      %dma_wait3A_74 = arith.constant 0 : i32
      %dma_wait3A_75 = arith.constant 0 : i32
      %dma_wait3A_76 = tpu.memref_slice %arg8[%dma_wait3A_73, %dma_wait3A_74, %dma_wait3A_75] : memref<2x4096x8xf32, #tpu.memory_space<vmem>> -> memref<1x4096x8xf32, #tpu.memory_space<vmem>>
      %dma_wait3A_77 = tpu.memref_squeeze %dma_wait3A_76 : memref<1x4096x8xf32, #tpu.memory_space<vmem>> -> memref<4096x8xf32, #tpu.memory_space<vmem>>
      %dma_wait3A_78 = arith.constant 0 : i32
      %dma_wait3A_79 = tpu.memref_slice %arg6[%multiple_of3A_72, %dma_wait3A_78] : memref<4194304x8xf32, #tpu.memory_space<hbm>> -> memref<4096x8xf32, #tpu.memory_space<hbm>>
      %dma_wait3A_80 = arith.constant 0 : i32
      %dma_wait3A_81 = tpu.memref_slice %arg6[%multiple_of3A_72, %dma_wait3A_80] : memref<4194304x8xf32, #tpu.memory_space<hbm>> -> memref<4096x8xf32, #tpu.memory_space<hbm>>
      %dma_wait3A_82 = arith.constant 0 : i32
      %dma_wait3A_83 = arith.constant 0 : i32
      %dma_wait3A_84 = tpu.memref_slice %arg8[%dma_wait3A_73, %dma_wait3A_82, %dma_wait3A_83] : memref<2x4096x8xf32, #tpu.memory_space<vmem>> -> memref<1x4096x8xf32, #tpu.memory_space<vmem>>
      %dma_wait3A_85 = tpu.memref_squeeze %dma_wait3A_84 : memref<1x4096x8xf32, #tpu.memory_space<vmem>> -> memref<4096x8xf32, #tpu.memory_space<vmem>>
      tpu.wait_dma2 semaphore(%arg10 : memref<!tpu.dma_semaphore, #tpu.memory_space<semaphore_mem>>) src(%dma_wait3A_85 : memref<4096x8xf32, #tpu.memory_space<vmem>>) dst(%dma_wait3A_81 : memref<4096x8xf32, #tpu.memory_space<hbm>>)
    } else {
    }
    %eq3A_7 = arith.constant 1 : i32
    %eq3A_8 = arith.cmpi eq, %shift_right_arithmetic3A_1, %eq3A_7 : i32
    %convert_element_type3A_9 = arith.extui %eq3A_8 : i1 to i32
    %cond3A_10 = arith.constant 0 : i32
    %cond3A_11 = arith.cmpi ne, %convert_element_type3A_9, %cond3A_10 : i32
    scf.if %cond3A_11 {
      %add3A_22 = arith.constant 0 : i32
      %add3A_23 = arith.addi %mul3A_4, %add3A_22 : i32
      %dma_start3A = arith.constant 0 : i32
      %dma_start3A_24 = arith.constant 0 : i32
      %dma_start3A_25 = arith.constant 0 : i32
      %dma_start3A_26 = arith.constant 0 : i32
      %dma_start3A_27 = arith.constant 0 : i32
      %dma_start3A_28 = tpu.memref_slice %arg7[%dma_start3A, %dma_start3A_24, %dma_start3A_25, %dma_start3A_26, %dma_start3A_27] : memref<2x4x8x4x128xf32, #tpu.memory_space<vmem>> -> memref<1x4x8x4x128xf32, #tpu.memory_space<vmem>>
      %dma_start3A_29 = tpu.memref_squeeze %dma_start3A_28 : memref<1x4x8x4x128xf32, #tpu.memory_space<vmem>> -> memref<4x8x4x128xf32, #tpu.memory_space<vmem>>
      %dma_start3A_30 = arith.constant 0 : i32
      %dma_start3A_31 = arith.constant 0 : i32
      %dma_start3A_32 = arith.constant 0 : i32
      %dma_start3A_33 = tpu.memref_slice %arg3[%add3A_23, %dma_start3A_30, %dma_start3A_31, %dma_start3A_32] : memref<1024x8x4x128xf32, #tpu.memory_space<hbm>> -> memref<4x8x4x128xf32, #tpu.memory_space<hbm>>
      %dma_start3A_34 = arith.constant 0 : i32
      %dma_start3A_35 = arith.constant 0 : i32
      %dma_start3A_36 = arith.constant 0 : i32
      %dma_start3A_37 = arith.constant 0 : i32
      %dma_start3A_38 = tpu.memref_slice %arg7[%dma_start3A, %dma_start3A_34, %dma_start3A_35, %dma_start3A_36, %dma_start3A_37] : memref<2x4x8x4x128xf32, #tpu.memory_space<vmem>> -> memref<1x4x8x4x128xf32, #tpu.memory_space<vmem>>
      %dma_start3A_39 = tpu.memref_squeeze %dma_start3A_38 : memref<1x4x8x4x128xf32, #tpu.memory_space<vmem>> -> memref<4x8x4x128xf32, #tpu.memory_space<vmem>>
      %dma_start3A_40 = arith.constant 0 : i32
      %dma_start3A_41 = arith.constant 0 : i32
      %dma_start3A_42 = arith.constant 0 : i32
      %dma_start3A_43 = tpu.memref_slice %arg3[%add3A_23, %dma_start3A_40, %dma_start3A_41, %dma_start3A_42] : memref<1024x8x4x128xf32, #tpu.memory_space<hbm>> -> memref<4x8x4x128xf32, #tpu.memory_space<hbm>>
      tpu.enqueue_dma source(%dma_start3A_43 : memref<4x8x4x128xf32, #tpu.memory_space<hbm>>) target(%dma_start3A_39 : memref<4x8x4x128xf32, #tpu.memory_space<vmem>>) target_semaphore(%arg9 : memref<!tpu.dma_semaphore, #tpu.memory_space<semaphore_mem>>)
      %scan3A = arith.constant 0 : i32
      %scan3A_44 = arith.constant 32 : i32
      %scan3A_45 = arith.addi %scan3A, %scan3A_44 : i32
      %scan3A_46 = arith.constant 1 : i32
      scf.for %scan3A_86 = %scan3A to %scan3A_45 step %scan3A_46  : i32 {
        %and3A_87 = arith.constant 1 : i32
        %and3A_88 = arith.andi %scan3A_86, %and3A_87 : i32
        %add3A_89 = arith.constant 1 : i32
        %add3A_90 = arith.addi %scan3A_86, %add3A_89 : i32
        %lt3A = arith.constant 32 : i32
        %lt3A_91 = arith.cmpi slt, %add3A_90, %lt3A : i32
        %convert_element_type3A_92 = arith.extui %lt3A_91 : i1 to i32
        %cond3A_93 = arith.constant 0 : i32
        %cond3A_94 = arith.cmpi ne, %convert_element_type3A_92, %cond3A_93 : i32
        scf.if %cond3A_94 {
          %add3A_144 = arith.constant 1 : i32
          %add3A_145 = arith.addi %scan3A_86, %add3A_144 : i32
          %sub3A = arith.constant 1 : i32
          %sub3A_146 = arith.subi %sub3A, %and3A_88 : i32
          %mul3A_147 = arith.constant 4 : i32
          %mul3A_148 = arith.muli %add3A_145, %mul3A_147 : i32
          %add3A_149 = arith.addi %mul3A_4, %mul3A_148 : i32
          %dma_start3A_150 = arith.constant 0 : i32
          %dma_start3A_151 = arith.constant 0 : i32
          %dma_start3A_152 = arith.constant 0 : i32
          %dma_start3A_153 = arith.constant 0 : i32
          %dma_start3A_154 = tpu.memref_slice %arg7[%sub3A_146, %dma_start3A_150, %dma_start3A_151, %dma_start3A_152, %dma_start3A_153] : memref<2x4x8x4x128xf32, #tpu.memory_space<vmem>> -> memref<1x4x8x4x128xf32, #tpu.memory_space<vmem>>
          %dma_start3A_155 = tpu.memref_squeeze %dma_start3A_154 : memref<1x4x8x4x128xf32, #tpu.memory_space<vmem>> -> memref<4x8x4x128xf32, #tpu.memory_space<vmem>>
          %dma_start3A_156 = arith.constant 0 : i32
          %dma_start3A_157 = arith.constant 0 : i32
          %dma_start3A_158 = arith.constant 0 : i32
          %dma_start3A_159 = tpu.memref_slice %arg3[%add3A_149, %dma_start3A_156, %dma_start3A_157, %dma_start3A_158] : memref<1024x8x4x128xf32, #tpu.memory_space<hbm>> -> memref<4x8x4x128xf32, #tpu.memory_space<hbm>>
          %dma_start3A_160 = arith.constant 0 : i32
          %dma_start3A_161 = arith.constant 0 : i32
          %dma_start3A_162 = arith.constant 0 : i32
          %dma_start3A_163 = arith.constant 0 : i32
          %dma_start3A_164 = tpu.memref_slice %arg7[%sub3A_146, %dma_start3A_160, %dma_start3A_161, %dma_start3A_162, %dma_start3A_163] : memref<2x4x8x4x128xf32, #tpu.memory_space<vmem>> -> memref<1x4x8x4x128xf32, #tpu.memory_space<vmem>>
          %dma_start3A_165 = tpu.memref_squeeze %dma_start3A_164 : memref<1x4x8x4x128xf32, #tpu.memory_space<vmem>> -> memref<4x8x4x128xf32, #tpu.memory_space<vmem>>
          %dma_start3A_166 = arith.constant 0 : i32
          %dma_start3A_167 = arith.constant 0 : i32
          %dma_start3A_168 = arith.constant 0 : i32
          %dma_start3A_169 = tpu.memref_slice %arg3[%add3A_149, %dma_start3A_166, %dma_start3A_167, %dma_start3A_168] : memref<1024x8x4x128xf32, #tpu.memory_space<hbm>> -> memref<4x8x4x128xf32, #tpu.memory_space<hbm>>
          tpu.enqueue_dma source(%dma_start3A_169 : memref<4x8x4x128xf32, #tpu.memory_space<hbm>>) target(%dma_start3A_165 : memref<4x8x4x128xf32, #tpu.memory_space<vmem>>) target_semaphore(%arg9 : memref<!tpu.dma_semaphore, #tpu.memory_space<semaphore_mem>>)
        } else {
        }
        %mul3A_95 = arith.constant 4 : i32
        %mul3A_96 = arith.muli %scan3A_86, %mul3A_95 : i32
        %add3A_97 = arith.addi %mul3A_4, %mul3A_96 : i32
        %dma_wait3A_98 = arith.constant 0 : i32
        %dma_wait3A_99 = arith.constant 0 : i32
        %dma_wait3A_100 = arith.constant 0 : i32
        %dma_wait3A_101 = arith.constant 0 : i32
        %dma_wait3A_102 = tpu.memref_slice %arg7[%and3A_88, %dma_wait3A_98, %dma_wait3A_99, %dma_wait3A_100, %dma_wait3A_101] : memref<2x4x8x4x128xf32, #tpu.memory_space<vmem>> -> memref<1x4x8x4x128xf32, #tpu.memory_space<vmem>>
        %dma_wait3A_103 = tpu.memref_squeeze %dma_wait3A_102 : memref<1x4x8x4x128xf32, #tpu.memory_space<vmem>> -> memref<4x8x4x128xf32, #tpu.memory_space<vmem>>
        %dma_wait3A_104 = arith.constant 0 : i32
        %dma_wait3A_105 = arith.constant 0 : i32
        %dma_wait3A_106 = arith.constant 0 : i32
        %dma_wait3A_107 = tpu.memref_slice %arg3[%add3A_97, %dma_wait3A_104, %dma_wait3A_105, %dma_wait3A_106] : memref<1024x8x4x128xf32, #tpu.memory_space<hbm>> -> memref<4x8x4x128xf32, #tpu.memory_space<hbm>>
        %dma_wait3A_108 = arith.constant 0 : i32
        %dma_wait3A_109 = arith.constant 0 : i32
        %dma_wait3A_110 = arith.constant 0 : i32
        %dma_wait3A_111 = arith.constant 0 : i32
        %dma_wait3A_112 = tpu.memref_slice %arg7[%and3A_88, %dma_wait3A_108, %dma_wait3A_109, %dma_wait3A_110, %dma_wait3A_111] : memref<2x4x8x4x128xf32, #tpu.memory_space<vmem>> -> memref<1x4x8x4x128xf32, #tpu.memory_space<vmem>>
        %dma_wait3A_113 = tpu.memref_squeeze %dma_wait3A_112 : memref<1x4x8x4x128xf32, #tpu.memory_space<vmem>> -> memref<4x8x4x128xf32, #tpu.memory_space<vmem>>
        %dma_wait3A_114 = arith.constant 0 : i32
        %dma_wait3A_115 = arith.constant 0 : i32
        %dma_wait3A_116 = arith.constant 0 : i32
        %dma_wait3A_117 = tpu.memref_slice %arg3[%add3A_97, %dma_wait3A_114, %dma_wait3A_115, %dma_wait3A_116] : memref<1024x8x4x128xf32, #tpu.memory_space<hbm>> -> memref<4x8x4x128xf32, #tpu.memory_space<hbm>>
        tpu.wait_dma2 semaphore(%arg9 : memref<!tpu.dma_semaphore, #tpu.memory_space<semaphore_mem>>) src(%dma_wait3A_117 : memref<4x8x4x128xf32, #tpu.memory_space<hbm>>) dst(%dma_wait3A_113 : memref<4x8x4x128xf32, #tpu.memory_space<vmem>>)
        %gt3A = arith.constant 1 : i32
        %gt3A_118 = arith.cmpi sgt, %scan3A_86, %gt3A : i32
        %convert_element_type3A_119 = arith.extui %gt3A_118 : i1 to i32
        %cond3A_120 = arith.constant 0 : i32
        %cond3A_121 = arith.cmpi ne, %convert_element_type3A_119, %cond3A_120 : i32
        scf.if %cond3A_121 {
          %sub3A = arith.constant 2 : i32
          %sub3A_144 = arith.subi %scan3A_86, %sub3A : i32
          %mul3A_145 = arith.constant 4 : i32
          %mul3A_146 = arith.muli %sub3A_144, %mul3A_145 : i32
          %add3A_147 = arith.addi %mul3A_4, %mul3A_146 : i32
          %mul3A_148 = arith.constant 1024 : i32
          %mul3A_149 = arith.muli %add3A_147, %mul3A_148 : i32
          %add3A_150 = arith.constant 1048576 : i32
          %add3A_151 = arith.addi %add3A_150, %mul3A_149 : i32
          %multiple_of3A_152 = tpu.assume_multiple %add3A_151, 4096 : i32
          %dma_wait3A_153 = arith.constant 0 : i32
          %dma_wait3A_154 = arith.constant 0 : i32
          %dma_wait3A_155 = tpu.memref_slice %arg8[%and3A_88, %dma_wait3A_153, %dma_wait3A_154] : memref<2x4096x8xf32, #tpu.memory_space<vmem>> -> memref<1x4096x8xf32, #tpu.memory_space<vmem>>
          %dma_wait3A_156 = tpu.memref_squeeze %dma_wait3A_155 : memref<1x4096x8xf32, #tpu.memory_space<vmem>> -> memref<4096x8xf32, #tpu.memory_space<vmem>>
          %dma_wait3A_157 = arith.constant 0 : i32
          %dma_wait3A_158 = tpu.memref_slice %arg6[%multiple_of3A_152, %dma_wait3A_157] : memref<4194304x8xf32, #tpu.memory_space<hbm>> -> memref<4096x8xf32, #tpu.memory_space<hbm>>
          %dma_wait3A_159 = arith.constant 0 : i32
          %dma_wait3A_160 = tpu.memref_slice %arg6[%multiple_of3A_152, %dma_wait3A_159] : memref<4194304x8xf32, #tpu.memory_space<hbm>> -> memref<4096x8xf32, #tpu.memory_space<hbm>>
          %dma_wait3A_161 = arith.constant 0 : i32
          %dma_wait3A_162 = arith.constant 0 : i32
          %dma_wait3A_163 = tpu.memref_slice %arg8[%and3A_88, %dma_wait3A_161, %dma_wait3A_162] : memref<2x4096x8xf32, #tpu.memory_space<vmem>> -> memref<1x4096x8xf32, #tpu.memory_space<vmem>>
          %dma_wait3A_164 = tpu.memref_squeeze %dma_wait3A_163 : memref<1x4096x8xf32, #tpu.memory_space<vmem>> -> memref<4096x8xf32, #tpu.memory_space<vmem>>
          tpu.wait_dma2 semaphore(%arg10 : memref<!tpu.dma_semaphore, #tpu.memory_space<semaphore_mem>>) src(%dma_wait3A_164 : memref<4096x8xf32, #tpu.memory_space<vmem>>) dst(%dma_wait3A_160 : memref<4096x8xf32, #tpu.memory_space<hbm>>)
        } else {
        }
        %parallel_loop3A = arith.constant 0 : i32
        %parallel_loop3A_122 = arith.constant 256 : i32
        %parallel_loop3A_123 = arith.constant 1 : i32
        scf.for %parallel_loop3A_144 = %parallel_loop3A to %parallel_loop3A_122 step %parallel_loop3A_123  : i32 {
          %parallel_loop3A_145 = arith.constant 6 : i32
          %parallel_loop3A_146 = arith.shrsi %parallel_loop3A_144, %parallel_loop3A_145 : i32
          %parallel_loop3A_147 = arith.constant 63 : i32
          %parallel_loop3A_148 = arith.andi %parallel_loop3A_144, %parallel_loop3A_147 : i32
          %parallel_loop3A_149 = arith.constant 3 : i32
          %parallel_loop3A_150 = arith.shrsi %parallel_loop3A_148, %parallel_loop3A_149 : i32
          %parallel_loop3A_151 = arith.constant 7 : i32
          %parallel_loop3A_152 = arith.andi %parallel_loop3A_148, %parallel_loop3A_151 : i32
          %parallel_loop3A_153 = arith.constant 4 : i32
          %parallel_loop3A_154 = arith.shli %parallel_loop3A_152, %parallel_loop3A_153 : i32
          %parallel_loop3A_155 = arith.constant 10 : i32
          %parallel_loop3A_156 = arith.shli %parallel_loop3A_146, %parallel_loop3A_155 : i32
          %parallel_loop3A_157 = arith.constant 4 : i32
          %parallel_loop3A_158 = arith.shli %parallel_loop3A_148, %parallel_loop3A_157 : i32
          %parallel_loop3A_159 = arith.addi %parallel_loop3A_156, %parallel_loop3A_158 : i32
          %parallel_loop3A_160 = vector.broadcast %parallel_loop3A_159 : i32 to vector<16xi32>
          %parallel_loop3A_161 = arith.addi %parallel_loop3A_160, %iota3A : vector<16xi32>
          %parallel_loop3A_162 = arith.constant 10 : i32
          %parallel_loop3A_163 = arith.shli %parallel_loop3A_146, %parallel_loop3A_162 : i32
          %parallel_loop3A_164 = arith.constant 4 : i32
          %parallel_loop3A_165 = arith.shli %parallel_loop3A_148, %parallel_loop3A_164 : i32
          %parallel_loop3A_166 = vector.broadcast %parallel_loop3A_165 : i32 to vector<16xi32>
          %parallel_loop3A_167 = arith.addi %parallel_loop3A_166, %iota3A : vector<16xi32>
          %parallel_loop3A_168 = arith.constant 1 : i32
          %parallel_loop3A_169 = vector.broadcast %parallel_loop3A_168 : i32 to vector<16xi32>
          %parallel_loop3A_170 = arith.subi %parallel_loop3A_167, %parallel_loop3A_169 : vector<16xi32>
          %parallel_loop3A_171 = arith.constant 1023 : i32
          %parallel_loop3A_172 = vector.broadcast %parallel_loop3A_171 : i32 to vector<16xi32>
          %parallel_loop3A_173 = arith.andi %parallel_loop3A_170, %parallel_loop3A_172 : vector<16xi32>
          %parallel_loop3A_174 = vector.broadcast %parallel_loop3A_163 : i32 to vector<16xi32>
          %parallel_loop3A_175 = arith.addi %parallel_loop3A_174, %parallel_loop3A_173 : vector<16xi32>
          %parallel_loop3A_176 = arith.constant 0 : i32
          %parallel_loop3A_177 = arith.index_cast %and3A_88 : i32 to index
          %parallel_loop3A_178 = arith.index_cast %parallel_loop3A_146 : i32 to index
          %parallel_loop3A_179 = arith.index_cast %parallel_loop3A_150 : i32 to index
          %parallel_loop3A_180 = arith.index_cast %parallel_loop3A_176 : i32 to index
          %parallel_loop3A_181 = arith.index_cast %parallel_loop3A_154 : i32 to index
          %parallel_loop3A_182 = tpu.vector_load %arg7[%parallel_loop3A_177, %parallel_loop3A_178, %parallel_loop3A_179, %parallel_loop3A_180, %parallel_loop3A_181] {strides = array<i32>} : memref<2x4x8x4x128xf32, #tpu.memory_space<vmem>>, vector<16xf32>,
          %parallel_loop3A_183 = arith.constant 0 : i32
          %parallel_loop3A_184 = vector.broadcast %parallel_loop3A_183 : i32 to vector<16xi32>
          %parallel_loop3A_185 = arith.constant 0 : i32
          %parallel_loop3A_186 = arith.constant 0 : i32
          %parallel_loop3A_187 = tpu.memref_slice %arg8[%and3A_88, %parallel_loop3A_185, %parallel_loop3A_186] : memref<2x4096x8xf32, #tpu.memory_space<vmem>> -> memref<1x4096x8xf32, #tpu.memory_space<vmem>>
          %parallel_loop3A_188 = tpu.memref_squeeze %parallel_loop3A_187 : memref<1x4096x8xf32, #tpu.memory_space<vmem>> -> memref<4096x8xf32, #tpu.memory_space<vmem>>
          tpu.vector_store_idx %parallel_loop3A_188[%parallel_loop3A_161, %parallel_loop3A_184], %parallel_loop3A_182 : memref<4096x8xf32, #tpu.memory_space<vmem>>[vector<16xi32>, vector<16xi32>], vector<16xf32>,
          %parallel_loop3A_189 = arith.constant 4 : i32
          %parallel_loop3A_190 = vector.broadcast %parallel_loop3A_189 : i32 to vector<16xi32>
          %parallel_loop3A_191 = arith.constant 0 : i32
          %parallel_loop3A_192 = arith.constant 0 : i32
          %parallel_loop3A_193 = tpu.memref_slice %arg8[%and3A_88, %parallel_loop3A_191, %parallel_loop3A_192] : memref<2x4096x8xf32, #tpu.memory_space<vmem>> -> memref<1x4096x8xf32, #tpu.memory_space<vmem>>
          %parallel_loop3A_194 = tpu.memref_squeeze %parallel_loop3A_193 : memref<1x4096x8xf32, #tpu.memory_space<vmem>> -> memref<4096x8xf32, #tpu.memory_space<vmem>>
          tpu.vector_store_idx %parallel_loop3A_194[%parallel_loop3A_175, %parallel_loop3A_190], %parallel_loop3A_182 : memref<4096x8xf32, #tpu.memory_space<vmem>>[vector<16xi32>, vector<16xi32>], vector<16xf32>,
          %parallel_loop3A_195 = arith.constant 1 : i32
          %parallel_loop3A_196 = arith.index_cast %and3A_88 : i32 to index
          %parallel_loop3A_197 = arith.index_cast %parallel_loop3A_146 : i32 to index
          %parallel_loop3A_198 = arith.index_cast %parallel_loop3A_150 : i32 to index
          %parallel_loop3A_199 = arith.index_cast %parallel_loop3A_195 : i32 to index
          %parallel_loop3A_200 = arith.index_cast %parallel_loop3A_154 : i32 to index
          %parallel_loop3A_201 = tpu.vector_load %arg7[%parallel_loop3A_196, %parallel_loop3A_197, %parallel_loop3A_198, %parallel_loop3A_199, %parallel_loop3A_200] {strides = array<i32>} : memref<2x4x8x4x128xf32, #tpu.memory_space<vmem>>, vector<16xf32>,
          %parallel_loop3A_202 = arith.constant 1 : i32
          %parallel_loop3A_203 = vector.broadcast %parallel_loop3A_202 : i32 to vector<16xi32>
          %parallel_loop3A_204 = arith.constant 0 : i32
          %parallel_loop3A_205 = arith.constant 0 : i32
          %parallel_loop3A_206 = tpu.memref_slice %arg8[%and3A_88, %parallel_loop3A_204, %parallel_loop3A_205] : memref<2x4096x8xf32, #tpu.memory_space<vmem>> -> memref<1x4096x8xf32, #tpu.memory_space<vmem>>
          %parallel_loop3A_207 = tpu.memref_squeeze %parallel_loop3A_206 : memref<1x4096x8xf32, #tpu.memory_space<vmem>> -> memref<4096x8xf32, #tpu.memory_space<vmem>>
          tpu.vector_store_idx %parallel_loop3A_207[%parallel_loop3A_161, %parallel_loop3A_203], %parallel_loop3A_201 : memref<4096x8xf32, #tpu.memory_space<vmem>>[vector<16xi32>, vector<16xi32>], vector<16xf32>,
          %parallel_loop3A_208 = arith.constant 5 : i32
          %parallel_loop3A_209 = vector.broadcast %parallel_loop3A_208 : i32 to vector<16xi32>
          %parallel_loop3A_210 = arith.constant 0 : i32
          %parallel_loop3A_211 = arith.constant 0 : i32
          %parallel_loop3A_212 = tpu.memref_slice %arg8[%and3A_88, %parallel_loop3A_210, %parallel_loop3A_211] : memref<2x4096x8xf32, #tpu.memory_space<vmem>> -> memref<1x4096x8xf32, #tpu.memory_space<vmem>>
          %parallel_loop3A_213 = tpu.memref_squeeze %parallel_loop3A_212 : memref<1x4096x8xf32, #tpu.memory_space<vmem>> -> memref<4096x8xf32, #tpu.memory_space<vmem>>
          tpu.vector_store_idx %parallel_loop3A_213[%parallel_loop3A_175, %parallel_loop3A_209], %parallel_loop3A_201 : memref<4096x8xf32, #tpu.memory_space<vmem>>[vector<16xi32>, vector<16xi32>], vector<16xf32>,
          %parallel_loop3A_214 = arith.constant 2 : i32
          %parallel_loop3A_215 = arith.index_cast %and3A_88 : i32 to index
          %parallel_loop3A_216 = arith.index_cast %parallel_loop3A_146 : i32 to index
          %parallel_loop3A_217 = arith.index_cast %parallel_loop3A_150 : i32 to index
          %parallel_loop3A_218 = arith.index_cast %parallel_loop3A_214 : i32 to index
          %parallel_loop3A_219 = arith.index_cast %parallel_loop3A_154 : i32 to index
          %parallel_loop3A_220 = tpu.vector_load %arg7[%parallel_loop3A_215, %parallel_loop3A_216, %parallel_loop3A_217, %parallel_loop3A_218, %parallel_loop3A_219] {strides = array<i32>} : memref<2x4x8x4x128xf32, #tpu.memory_space<vmem>>, vector<16xf32>,
          %parallel_loop3A_221 = arith.constant 2 : i32
          %parallel_loop3A_222 = vector.broadcast %parallel_loop3A_221 : i32 to vector<16xi32>
          %parallel_loop3A_223 = arith.constant 0 : i32
          %parallel_loop3A_224 = arith.constant 0 : i32
          %parallel_loop3A_225 = tpu.memref_slice %arg8[%and3A_88, %parallel_loop3A_223, %parallel_loop3A_224] : memref<2x4096x8xf32, #tpu.memory_space<vmem>> -> memref<1x4096x8xf32, #tpu.memory_space<vmem>>
          %parallel_loop3A_226 = tpu.memref_squeeze %parallel_loop3A_225 : memref<1x4096x8xf32, #tpu.memory_space<vmem>> -> memref<4096x8xf32, #tpu.memory_space<vmem>>
          tpu.vector_store_idx %parallel_loop3A_226[%parallel_loop3A_161, %parallel_loop3A_222], %parallel_loop3A_220 : memref<4096x8xf32, #tpu.memory_space<vmem>>[vector<16xi32>, vector<16xi32>], vector<16xf32>,
          %parallel_loop3A_227 = arith.constant 6 : i32
          %parallel_loop3A_228 = vector.broadcast %parallel_loop3A_227 : i32 to vector<16xi32>
          %parallel_loop3A_229 = arith.constant 0 : i32
          %parallel_loop3A_230 = arith.constant 0 : i32
          %parallel_loop3A_231 = tpu.memref_slice %arg8[%and3A_88, %parallel_loop3A_229, %parallel_loop3A_230] : memref<2x4096x8xf32, #tpu.memory_space<vmem>> -> memref<1x4096x8xf32, #tpu.memory_space<vmem>>
          %parallel_loop3A_232 = tpu.memref_squeeze %parallel_loop3A_231 : memref<1x4096x8xf32, #tpu.memory_space<vmem>> -> memref<4096x8xf32, #tpu.memory_space<vmem>>
          tpu.vector_store_idx %parallel_loop3A_232[%parallel_loop3A_175, %parallel_loop3A_228], %parallel_loop3A_220 : memref<4096x8xf32, #tpu.memory_space<vmem>>[vector<16xi32>, vector<16xi32>], vector<16xf32>,
          %parallel_loop3A_233 = arith.constant 3 : i32
          %parallel_loop3A_234 = arith.index_cast %and3A_88 : i32 to index
          %parallel_loop3A_235 = arith.index_cast %parallel_loop3A_146 : i32 to index
          %parallel_loop3A_236 = arith.index_cast %parallel_loop3A_150 : i32 to index
          %parallel_loop3A_237 = arith.index_cast %parallel_loop3A_233 : i32 to index
          %parallel_loop3A_238 = arith.index_cast %parallel_loop3A_154 : i32 to index
          %parallel_loop3A_239 = tpu.vector_load %arg7[%parallel_loop3A_234, %parallel_loop3A_235, %parallel_loop3A_236, %parallel_loop3A_237, %parallel_loop3A_238] {strides = array<i32>} : memref<2x4x8x4x128xf32, #tpu.memory_space<vmem>>, vector<16xf32>,
          %parallel_loop3A_240 = arith.constant 3 : i32
          %parallel_loop3A_241 = vector.broadcast %parallel_loop3A_240 : i32 to vector<16xi32>
          %parallel_loop3A_242 = arith.constant 0 : i32
          %parallel_loop3A_243 = arith.constant 0 : i32
          %parallel_loop3A_244 = tpu.memref_slice %arg8[%and3A_88, %parallel_loop3A_242, %parallel_loop3A_243] : memref<2x4096x8xf32, #tpu.memory_space<vmem>> -> memref<1x4096x8xf32, #tpu.memory_space<vmem>>
          %parallel_loop3A_245 = tpu.memref_squeeze %parallel_loop3A_244 : memref<1x4096x8xf32, #tpu.memory_space<vmem>> -> memref<4096x8xf32, #tpu.memory_space<vmem>>
          tpu.vector_store_idx %parallel_loop3A_245[%parallel_loop3A_161, %parallel_loop3A_241], %parallel_loop3A_239 : memref<4096x8xf32, #tpu.memory_space<vmem>>[vector<16xi32>, vector<16xi32>], vector<16xf32>,
          %parallel_loop3A_246 = arith.constant 7 : i32
          %parallel_loop3A_247 = vector.broadcast %parallel_loop3A_246 : i32 to vector<16xi32>
          %parallel_loop3A_248 = arith.constant 0 : i32
          %parallel_loop3A_249 = arith.constant 0 : i32
          %parallel_loop3A_250 = tpu.memref_slice %arg8[%and3A_88, %parallel_loop3A_248, %parallel_loop3A_249] : memref<2x4096x8xf32, #tpu.memory_space<vmem>> -> memref<1x4096x8xf32, #tpu.memory_space<vmem>>
          %parallel_loop3A_251 = tpu.memref_squeeze %parallel_loop3A_250 : memref<1x4096x8xf32, #tpu.memory_space<vmem>> -> memref<4096x8xf32, #tpu.memory_space<vmem>>
          tpu.vector_store_idx %parallel_loop3A_251[%parallel_loop3A_175, %parallel_loop3A_247], %parallel_loop3A_239 : memref<4096x8xf32, #tpu.memory_space<vmem>>[vector<16xi32>, vector<16xi32>], vector<16xf32>,
        } {sc.loop_unroll_factor = 4 : i64, sc.parallel_access}
        %mul3A_124 = arith.constant 4 : i32
        %mul3A_125 = arith.muli %scan3A_86, %mul3A_124 : i32
        %add3A_126 = arith.addi %mul3A_4, %mul3A_125 : i32
        %mul3A_127 = arith.constant 1024 : i32
        %mul3A_128 = arith.muli %add3A_126, %mul3A_127 : i32
        %add3A_129 = arith.constant 1048576 : i32
        %add3A_130 = arith.addi %add3A_129, %mul3A_128 : i32
        %multiple_of3A_131 = tpu.assume_multiple %add3A_130, 4096 : i32
        %dma_start3A_132 = arith.constant 0 : i32
        %dma_start3A_133 = arith.constant 0 : i32
        %dma_start3A_134 = tpu.memref_slice %arg8[%and3A_88, %dma_start3A_132, %dma_start3A_133] : memref<2x4096x8xf32, #tpu.memory_space<vmem>> -> memref<1x4096x8xf32, #tpu.memory_space<vmem>>
        %dma_start3A_135 = tpu.memref_squeeze %dma_start3A_134 : memref<1x4096x8xf32, #tpu.memory_space<vmem>> -> memref<4096x8xf32, #tpu.memory_space<vmem>>
        %dma_start3A_136 = arith.constant 0 : i32
        %dma_start3A_137 = tpu.memref_slice %arg6[%multiple_of3A_131, %dma_start3A_136] : memref<4194304x8xf32, #tpu.memory_space<hbm>> -> memref<4096x8xf32, #tpu.memory_space<hbm>>
        %dma_start3A_138 = arith.constant 0 : i32
        %dma_start3A_139 = tpu.memref_slice %arg6[%multiple_of3A_131, %dma_start3A_138] : memref<4194304x8xf32, #tpu.memory_space<hbm>> -> memref<4096x8xf32, #tpu.memory_space<hbm>>
        %dma_start3A_140 = arith.constant 0 : i32
        %dma_start3A_141 = arith.constant 0 : i32
        %dma_start3A_142 = tpu.memref_slice %arg8[%and3A_88, %dma_start3A_140, %dma_start3A_141] : memref<2x4096x8xf32, #tpu.memory_space<vmem>> -> memref<1x4096x8xf32, #tpu.memory_space<vmem>>
        %dma_start3A_143 = tpu.memref_squeeze %dma_start3A_142 : memref<1x4096x8xf32, #tpu.memory_space<vmem>> -> memref<4096x8xf32, #tpu.memory_space<vmem>>
        tpu.enqueue_dma source(%dma_start3A_143 : memref<4096x8xf32, #tpu.memory_space<vmem>>) target(%dma_start3A_139 : memref<4096x8xf32, #tpu.memory_space<hbm>>) target_semaphore(%arg10 : memref<!tpu.dma_semaphore, #tpu.memory_space<semaphore_mem>>)
      }
      %scan3A_47 = arith.constant 32 : i32
      %add3A_48 = arith.constant 120 : i32
      %add3A_49 = arith.addi %mul3A_4, %add3A_48 : i32
      %mul3A_50 = arith.constant 1024 : i32
      %mul3A_51 = arith.muli %add3A_49, %mul3A_50 : i32
      %add3A_52 = arith.constant 1048576 : i32
      %add3A_53 = arith.addi %add3A_52, %mul3A_51 : i32
      %multiple_of3A = tpu.assume_multiple %add3A_53, 4096 : i32
      %dma_wait3A = arith.constant 0 : i32
      %dma_wait3A_54 = arith.constant 0 : i32
      %dma_wait3A_55 = arith.constant 0 : i32
      %dma_wait3A_56 = tpu.memref_slice %arg8[%dma_wait3A, %dma_wait3A_54, %dma_wait3A_55] : memref<2x4096x8xf32, #tpu.memory_space<vmem>> -> memref<1x4096x8xf32, #tpu.memory_space<vmem>>
      %dma_wait3A_57 = tpu.memref_squeeze %dma_wait3A_56 : memref<1x4096x8xf32, #tpu.memory_space<vmem>> -> memref<4096x8xf32, #tpu.memory_space<vmem>>
      %dma_wait3A_58 = arith.constant 0 : i32
      %dma_wait3A_59 = tpu.memref_slice %arg6[%multiple_of3A, %dma_wait3A_58] : memref<4194304x8xf32, #tpu.memory_space<hbm>> -> memref<4096x8xf32, #tpu.memory_space<hbm>>
      %dma_wait3A_60 = arith.constant 0 : i32
      %dma_wait3A_61 = tpu.memref_slice %arg6[%multiple_of3A, %dma_wait3A_60] : memref<4194304x8xf32, #tpu.memory_space<hbm>> -> memref<4096x8xf32, #tpu.memory_space<hbm>>
      %dma_wait3A_62 = arith.constant 0 : i32
      %dma_wait3A_63 = arith.constant 0 : i32
      %dma_wait3A_64 = tpu.memref_slice %arg8[%dma_wait3A, %dma_wait3A_62, %dma_wait3A_63] : memref<2x4096x8xf32, #tpu.memory_space<vmem>> -> memref<1x4096x8xf32, #tpu.memory_space<vmem>>
      %dma_wait3A_65 = tpu.memref_squeeze %dma_wait3A_64 : memref<1x4096x8xf32, #tpu.memory_space<vmem>> -> memref<4096x8xf32, #tpu.memory_space<vmem>>
      tpu.wait_dma2 semaphore(%arg10 : memref<!tpu.dma_semaphore, #tpu.memory_space<semaphore_mem>>) src(%dma_wait3A_65 : memref<4096x8xf32, #tpu.memory_space<vmem>>) dst(%dma_wait3A_61 : memref<4096x8xf32, #tpu.memory_space<hbm>>)
      %add3A_66 = arith.constant 124 : i32
      %add3A_67 = arith.addi %mul3A_4, %add3A_66 : i32
      %mul3A_68 = arith.constant 1024 : i32
      %mul3A_69 = arith.muli %add3A_67, %mul3A_68 : i32
      %add3A_70 = arith.constant 1048576 : i32
      %add3A_71 = arith.addi %add3A_70, %mul3A_69 : i32
      %multiple_of3A_72 = tpu.assume_multiple %add3A_71, 4096 : i32
      %dma_wait3A_73 = arith.constant 1 : i32
      %dma_wait3A_74 = arith.constant 0 : i32
      %dma_wait3A_75 = arith.constant 0 : i32
      %dma_wait3A_76 = tpu.memref_slice %arg8[%dma_wait3A_73, %dma_wait3A_74, %dma_wait3A_75] : memref<2x4096x8xf32, #tpu.memory_space<vmem>> -> memref<1x4096x8xf32, #tpu.memory_space<vmem>>
      %dma_wait3A_77 = tpu.memref_squeeze %dma_wait3A_76 : memref<1x4096x8xf32, #tpu.memory_space<vmem>> -> memref<4096x8xf32, #tpu.memory_space<vmem>>
      %dma_wait3A_78 = arith.constant 0 : i32
      %dma_wait3A_79 = tpu.memref_slice %arg6[%multiple_of3A_72, %dma_wait3A_78] : memref<4194304x8xf32, #tpu.memory_space<hbm>> -> memref<4096x8xf32, #tpu.memory_space<hbm>>
      %dma_wait3A_80 = arith.constant 0 : i32
      %dma_wait3A_81 = tpu.memref_slice %arg6[%multiple_of3A_72, %dma_wait3A_80] : memref<4194304x8xf32, #tpu.memory_space<hbm>> -> memref<4096x8xf32, #tpu.memory_space<hbm>>
      %dma_wait3A_82 = arith.constant 0 : i32
      %dma_wait3A_83 = arith.constant 0 : i32
      %dma_wait3A_84 = tpu.memref_slice %arg8[%dma_wait3A_73, %dma_wait3A_82, %dma_wait3A_83] : memref<2x4096x8xf32, #tpu.memory_space<vmem>> -> memref<1x4096x8xf32, #tpu.memory_space<vmem>>
      %dma_wait3A_85 = tpu.memref_squeeze %dma_wait3A_84 : memref<1x4096x8xf32, #tpu.memory_space<vmem>> -> memref<4096x8xf32, #tpu.memory_space<vmem>>
      tpu.wait_dma2 semaphore(%arg10 : memref<!tpu.dma_semaphore, #tpu.memory_space<semaphore_mem>>) src(%dma_wait3A_85 : memref<4096x8xf32, #tpu.memory_space<vmem>>) dst(%dma_wait3A_81 : memref<4096x8xf32, #tpu.memory_space<hbm>>)
    } else {
    }
    %eq3A_12 = arith.constant 2 : i32
    %eq3A_13 = arith.cmpi eq, %shift_right_arithmetic3A_1, %eq3A_12 : i32
    %convert_element_type3A_14 = arith.extui %eq3A_13 : i1 to i32
    %cond3A_15 = arith.constant 0 : i32
    %cond3A_16 = arith.cmpi ne, %convert_element_type3A_14, %cond3A_15 : i32
    scf.if %cond3A_16 {
      %add3A_22 = arith.constant 0 : i32
      %add3A_23 = arith.addi %mul3A_4, %add3A_22 : i32
      %dma_start3A = arith.constant 0 : i32
      %dma_start3A_24 = arith.constant 0 : i32
      %dma_start3A_25 = arith.constant 0 : i32
      %dma_start3A_26 = arith.constant 0 : i32
      %dma_start3A_27 = arith.constant 0 : i32
      %dma_start3A_28 = tpu.memref_slice %arg7[%dma_start3A, %dma_start3A_24, %dma_start3A_25, %dma_start3A_26, %dma_start3A_27] : memref<2x4x8x4x128xf32, #tpu.memory_space<vmem>> -> memref<1x4x8x4x128xf32, #tpu.memory_space<vmem>>
      %dma_start3A_29 = tpu.memref_squeeze %dma_start3A_28 : memref<1x4x8x4x128xf32, #tpu.memory_space<vmem>> -> memref<4x8x4x128xf32, #tpu.memory_space<vmem>>
      %dma_start3A_30 = arith.constant 0 : i32
      %dma_start3A_31 = arith.constant 0 : i32
      %dma_start3A_32 = arith.constant 0 : i32
      %dma_start3A_33 = tpu.memref_slice %arg4[%add3A_23, %dma_start3A_30, %dma_start3A_31, %dma_start3A_32] : memref<1024x8x4x128xf32, #tpu.memory_space<hbm>> -> memref<4x8x4x128xf32, #tpu.memory_space<hbm>>
      %dma_start3A_34 = arith.constant 0 : i32
      %dma_start3A_35 = arith.constant 0 : i32
      %dma_start3A_36 = arith.constant 0 : i32
      %dma_start3A_37 = arith.constant 0 : i32
      %dma_start3A_38 = tpu.memref_slice %arg7[%dma_start3A, %dma_start3A_34, %dma_start3A_35, %dma_start3A_36, %dma_start3A_37] : memref<2x4x8x4x128xf32, #tpu.memory_space<vmem>> -> memref<1x4x8x4x128xf32, #tpu.memory_space<vmem>>
      %dma_start3A_39 = tpu.memref_squeeze %dma_start3A_38 : memref<1x4x8x4x128xf32, #tpu.memory_space<vmem>> -> memref<4x8x4x128xf32, #tpu.memory_space<vmem>>
      %dma_start3A_40 = arith.constant 0 : i32
      %dma_start3A_41 = arith.constant 0 : i32
      %dma_start3A_42 = arith.constant 0 : i32
      %dma_start3A_43 = tpu.memref_slice %arg4[%add3A_23, %dma_start3A_40, %dma_start3A_41, %dma_start3A_42] : memref<1024x8x4x128xf32, #tpu.memory_space<hbm>> -> memref<4x8x4x128xf32, #tpu.memory_space<hbm>>
      tpu.enqueue_dma source(%dma_start3A_43 : memref<4x8x4x128xf32, #tpu.memory_space<hbm>>) target(%dma_start3A_39 : memref<4x8x4x128xf32, #tpu.memory_space<vmem>>) target_semaphore(%arg9 : memref<!tpu.dma_semaphore, #tpu.memory_space<semaphore_mem>>)
      %scan3A = arith.constant 0 : i32
      %scan3A_44 = arith.constant 32 : i32
      %scan3A_45 = arith.addi %scan3A, %scan3A_44 : i32
      %scan3A_46 = arith.constant 1 : i32
      scf.for %scan3A_86 = %scan3A to %scan3A_45 step %scan3A_46  : i32 {
        %and3A_87 = arith.constant 1 : i32
        %and3A_88 = arith.andi %scan3A_86, %and3A_87 : i32
        %add3A_89 = arith.constant 1 : i32
        %add3A_90 = arith.addi %scan3A_86, %add3A_89 : i32
        %lt3A = arith.constant 32 : i32
        %lt3A_91 = arith.cmpi slt, %add3A_90, %lt3A : i32
        %convert_element_type3A_92 = arith.extui %lt3A_91 : i1 to i32
        %cond3A_93 = arith.constant 0 : i32
        %cond3A_94 = arith.cmpi ne, %convert_element_type3A_92, %cond3A_93 : i32
        scf.if %cond3A_94 {
          %add3A_144 = arith.constant 1 : i32
          %add3A_145 = arith.addi %scan3A_86, %add3A_144 : i32
          %sub3A = arith.constant 1 : i32
          %sub3A_146 = arith.subi %sub3A, %and3A_88 : i32
          %mul3A_147 = arith.constant 4 : i32
          %mul3A_148 = arith.muli %add3A_145, %mul3A_147 : i32
          %add3A_149 = arith.addi %mul3A_4, %mul3A_148 : i32
          %dma_start3A_150 = arith.constant 0 : i32
          %dma_start3A_151 = arith.constant 0 : i32
          %dma_start3A_152 = arith.constant 0 : i32
          %dma_start3A_153 = arith.constant 0 : i32
          %dma_start3A_154 = tpu.memref_slice %arg7[%sub3A_146, %dma_start3A_150, %dma_start3A_151, %dma_start3A_152, %dma_start3A_153] : memref<2x4x8x4x128xf32, #tpu.memory_space<vmem>> -> memref<1x4x8x4x128xf32, #tpu.memory_space<vmem>>
          %dma_start3A_155 = tpu.memref_squeeze %dma_start3A_154 : memref<1x4x8x4x128xf32, #tpu.memory_space<vmem>> -> memref<4x8x4x128xf32, #tpu.memory_space<vmem>>
          %dma_start3A_156 = arith.constant 0 : i32
          %dma_start3A_157 = arith.constant 0 : i32
          %dma_start3A_158 = arith.constant 0 : i32
          %dma_start3A_159 = tpu.memref_slice %arg4[%add3A_149, %dma_start3A_156, %dma_start3A_157, %dma_start3A_158] : memref<1024x8x4x128xf32, #tpu.memory_space<hbm>> -> memref<4x8x4x128xf32, #tpu.memory_space<hbm>>
          %dma_start3A_160 = arith.constant 0 : i32
          %dma_start3A_161 = arith.constant 0 : i32
          %dma_start3A_162 = arith.constant 0 : i32
          %dma_start3A_163 = arith.constant 0 : i32
          %dma_start3A_164 = tpu.memref_slice %arg7[%sub3A_146, %dma_start3A_160, %dma_start3A_161, %dma_start3A_162, %dma_start3A_163] : memref<2x4x8x4x128xf32, #tpu.memory_space<vmem>> -> memref<1x4x8x4x128xf32, #tpu.memory_space<vmem>>
          %dma_start3A_165 = tpu.memref_squeeze %dma_start3A_164 : memref<1x4x8x4x128xf32, #tpu.memory_space<vmem>> -> memref<4x8x4x128xf32, #tpu.memory_space<vmem>>
          %dma_start3A_166 = arith.constant 0 : i32
          %dma_start3A_167 = arith.constant 0 : i32
          %dma_start3A_168 = arith.constant 0 : i32
          %dma_start3A_169 = tpu.memref_slice %arg4[%add3A_149, %dma_start3A_166, %dma_start3A_167, %dma_start3A_168] : memref<1024x8x4x128xf32, #tpu.memory_space<hbm>> -> memref<4x8x4x128xf32, #tpu.memory_space<hbm>>
          tpu.enqueue_dma source(%dma_start3A_169 : memref<4x8x4x128xf32, #tpu.memory_space<hbm>>) target(%dma_start3A_165 : memref<4x8x4x128xf32, #tpu.memory_space<vmem>>) target_semaphore(%arg9 : memref<!tpu.dma_semaphore, #tpu.memory_space<semaphore_mem>>)
        } else {
        }
        %mul3A_95 = arith.constant 4 : i32
        %mul3A_96 = arith.muli %scan3A_86, %mul3A_95 : i32
        %add3A_97 = arith.addi %mul3A_4, %mul3A_96 : i32
        %dma_wait3A_98 = arith.constant 0 : i32
        %dma_wait3A_99 = arith.constant 0 : i32
        %dma_wait3A_100 = arith.constant 0 : i32
        %dma_wait3A_101 = arith.constant 0 : i32
        %dma_wait3A_102 = tpu.memref_slice %arg7[%and3A_88, %dma_wait3A_98, %dma_wait3A_99, %dma_wait3A_100, %dma_wait3A_101] : memref<2x4x8x4x128xf32, #tpu.memory_space<vmem>> -> memref<1x4x8x4x128xf32, #tpu.memory_space<vmem>>
        %dma_wait3A_103 = tpu.memref_squeeze %dma_wait3A_102 : memref<1x4x8x4x128xf32, #tpu.memory_space<vmem>> -> memref<4x8x4x128xf32, #tpu.memory_space<vmem>>
        %dma_wait3A_104 = arith.constant 0 : i32
        %dma_wait3A_105 = arith.constant 0 : i32
        %dma_wait3A_106 = arith.constant 0 : i32
        %dma_wait3A_107 = tpu.memref_slice %arg4[%add3A_97, %dma_wait3A_104, %dma_wait3A_105, %dma_wait3A_106] : memref<1024x8x4x128xf32, #tpu.memory_space<hbm>> -> memref<4x8x4x128xf32, #tpu.memory_space<hbm>>
        %dma_wait3A_108 = arith.constant 0 : i32
        %dma_wait3A_109 = arith.constant 0 : i32
        %dma_wait3A_110 = arith.constant 0 : i32
        %dma_wait3A_111 = arith.constant 0 : i32
        %dma_wait3A_112 = tpu.memref_slice %arg7[%and3A_88, %dma_wait3A_108, %dma_wait3A_109, %dma_wait3A_110, %dma_wait3A_111] : memref<2x4x8x4x128xf32, #tpu.memory_space<vmem>> -> memref<1x4x8x4x128xf32, #tpu.memory_space<vmem>>
        %dma_wait3A_113 = tpu.memref_squeeze %dma_wait3A_112 : memref<1x4x8x4x128xf32, #tpu.memory_space<vmem>> -> memref<4x8x4x128xf32, #tpu.memory_space<vmem>>
        %dma_wait3A_114 = arith.constant 0 : i32
        %dma_wait3A_115 = arith.constant 0 : i32
        %dma_wait3A_116 = arith.constant 0 : i32
        %dma_wait3A_117 = tpu.memref_slice %arg4[%add3A_97, %dma_wait3A_114, %dma_wait3A_115, %dma_wait3A_116] : memref<1024x8x4x128xf32, #tpu.memory_space<hbm>> -> memref<4x8x4x128xf32, #tpu.memory_space<hbm>>
        tpu.wait_dma2 semaphore(%arg9 : memref<!tpu.dma_semaphore, #tpu.memory_space<semaphore_mem>>) src(%dma_wait3A_117 : memref<4x8x4x128xf32, #tpu.memory_space<hbm>>) dst(%dma_wait3A_113 : memref<4x8x4x128xf32, #tpu.memory_space<vmem>>)
        %gt3A = arith.constant 1 : i32
        %gt3A_118 = arith.cmpi sgt, %scan3A_86, %gt3A : i32
        %convert_element_type3A_119 = arith.extui %gt3A_118 : i1 to i32
        %cond3A_120 = arith.constant 0 : i32
        %cond3A_121 = arith.cmpi ne, %convert_element_type3A_119, %cond3A_120 : i32
        scf.if %cond3A_121 {
          %sub3A = arith.constant 2 : i32
          %sub3A_144 = arith.subi %scan3A_86, %sub3A : i32
          %mul3A_145 = arith.constant 4 : i32
          %mul3A_146 = arith.muli %sub3A_144, %mul3A_145 : i32
          %add3A_147 = arith.addi %mul3A_4, %mul3A_146 : i32
          %mul3A_148 = arith.constant 1024 : i32
          %mul3A_149 = arith.muli %add3A_147, %mul3A_148 : i32
          %add3A_150 = arith.constant 2097152 : i32
          %add3A_151 = arith.addi %add3A_150, %mul3A_149 : i32
          %multiple_of3A_152 = tpu.assume_multiple %add3A_151, 4096 : i32
          %dma_wait3A_153 = arith.constant 0 : i32
          %dma_wait3A_154 = arith.constant 0 : i32
          %dma_wait3A_155 = tpu.memref_slice %arg8[%and3A_88, %dma_wait3A_153, %dma_wait3A_154] : memref<2x4096x8xf32, #tpu.memory_space<vmem>> -> memref<1x4096x8xf32, #tpu.memory_space<vmem>>
          %dma_wait3A_156 = tpu.memref_squeeze %dma_wait3A_155 : memref<1x4096x8xf32, #tpu.memory_space<vmem>> -> memref<4096x8xf32, #tpu.memory_space<vmem>>
          %dma_wait3A_157 = arith.constant 0 : i32
          %dma_wait3A_158 = tpu.memref_slice %arg6[%multiple_of3A_152, %dma_wait3A_157] : memref<4194304x8xf32, #tpu.memory_space<hbm>> -> memref<4096x8xf32, #tpu.memory_space<hbm>>
          %dma_wait3A_159 = arith.constant 0 : i32
          %dma_wait3A_160 = tpu.memref_slice %arg6[%multiple_of3A_152, %dma_wait3A_159] : memref<4194304x8xf32, #tpu.memory_space<hbm>> -> memref<4096x8xf32, #tpu.memory_space<hbm>>
          %dma_wait3A_161 = arith.constant 0 : i32
          %dma_wait3A_162 = arith.constant 0 : i32
          %dma_wait3A_163 = tpu.memref_slice %arg8[%and3A_88, %dma_wait3A_161, %dma_wait3A_162] : memref<2x4096x8xf32, #tpu.memory_space<vmem>> -> memref<1x4096x8xf32, #tpu.memory_space<vmem>>
          %dma_wait3A_164 = tpu.memref_squeeze %dma_wait3A_163 : memref<1x4096x8xf32, #tpu.memory_space<vmem>> -> memref<4096x8xf32, #tpu.memory_space<vmem>>
          tpu.wait_dma2 semaphore(%arg10 : memref<!tpu.dma_semaphore, #tpu.memory_space<semaphore_mem>>) src(%dma_wait3A_164 : memref<4096x8xf32, #tpu.memory_space<vmem>>) dst(%dma_wait3A_160 : memref<4096x8xf32, #tpu.memory_space<hbm>>)
        } else {
        }
        %parallel_loop3A = arith.constant 0 : i32
        %parallel_loop3A_122 = arith.constant 256 : i32
        %parallel_loop3A_123 = arith.constant 1 : i32
        scf.for %parallel_loop3A_144 = %parallel_loop3A to %parallel_loop3A_122 step %parallel_loop3A_123  : i32 {
          %parallel_loop3A_145 = arith.constant 6 : i32
          %parallel_loop3A_146 = arith.shrsi %parallel_loop3A_144, %parallel_loop3A_145 : i32
          %parallel_loop3A_147 = arith.constant 63 : i32
          %parallel_loop3A_148 = arith.andi %parallel_loop3A_144, %parallel_loop3A_147 : i32
          %parallel_loop3A_149 = arith.constant 3 : i32
          %parallel_loop3A_150 = arith.shrsi %parallel_loop3A_148, %parallel_loop3A_149 : i32
          %parallel_loop3A_151 = arith.constant 7 : i32
          %parallel_loop3A_152 = arith.andi %parallel_loop3A_148, %parallel_loop3A_151 : i32
          %parallel_loop3A_153 = arith.constant 4 : i32
          %parallel_loop3A_154 = arith.shli %parallel_loop3A_152, %parallel_loop3A_153 : i32
          %parallel_loop3A_155 = arith.constant 10 : i32
          %parallel_loop3A_156 = arith.shli %parallel_loop3A_146, %parallel_loop3A_155 : i32
          %parallel_loop3A_157 = arith.constant 4 : i32
          %parallel_loop3A_158 = arith.shli %parallel_loop3A_148, %parallel_loop3A_157 : i32
          %parallel_loop3A_159 = arith.addi %parallel_loop3A_156, %parallel_loop3A_158 : i32
          %parallel_loop3A_160 = vector.broadcast %parallel_loop3A_159 : i32 to vector<16xi32>
          %parallel_loop3A_161 = arith.addi %parallel_loop3A_160, %iota3A : vector<16xi32>
          %parallel_loop3A_162 = arith.constant 10 : i32
          %parallel_loop3A_163 = arith.shli %parallel_loop3A_146, %parallel_loop3A_162 : i32
          %parallel_loop3A_164 = arith.constant 4 : i32
          %parallel_loop3A_165 = arith.shli %parallel_loop3A_148, %parallel_loop3A_164 : i32
          %parallel_loop3A_166 = vector.broadcast %parallel_loop3A_165 : i32 to vector<16xi32>
          %parallel_loop3A_167 = arith.addi %parallel_loop3A_166, %iota3A : vector<16xi32>
          %parallel_loop3A_168 = arith.constant 1 : i32
          %parallel_loop3A_169 = vector.broadcast %parallel_loop3A_168 : i32 to vector<16xi32>
          %parallel_loop3A_170 = arith.subi %parallel_loop3A_167, %parallel_loop3A_169 : vector<16xi32>
          %parallel_loop3A_171 = arith.constant 1023 : i32
          %parallel_loop3A_172 = vector.broadcast %parallel_loop3A_171 : i32 to vector<16xi32>
          %parallel_loop3A_173 = arith.andi %parallel_loop3A_170, %parallel_loop3A_172 : vector<16xi32>
          %parallel_loop3A_174 = vector.broadcast %parallel_loop3A_163 : i32 to vector<16xi32>
          %parallel_loop3A_175 = arith.addi %parallel_loop3A_174, %parallel_loop3A_173 : vector<16xi32>
          %parallel_loop3A_176 = arith.constant 0 : i32
          %parallel_loop3A_177 = arith.index_cast %and3A_88 : i32 to index
          %parallel_loop3A_178 = arith.index_cast %parallel_loop3A_146 : i32 to index
          %parallel_loop3A_179 = arith.index_cast %parallel_loop3A_150 : i32 to index
          %parallel_loop3A_180 = arith.index_cast %parallel_loop3A_176 : i32 to index
          %parallel_loop3A_181 = arith.index_cast %parallel_loop3A_154 : i32 to index
          %parallel_loop3A_182 = tpu.vector_load %arg7[%parallel_loop3A_177, %parallel_loop3A_178, %parallel_loop3A_179, %parallel_loop3A_180, %parallel_loop3A_181] {strides = array<i32>} : memref<2x4x8x4x128xf32, #tpu.memory_space<vmem>>, vector<16xf32>,
          %parallel_loop3A_183 = arith.constant 0 : i32
          %parallel_loop3A_184 = vector.broadcast %parallel_loop3A_183 : i32 to vector<16xi32>
          %parallel_loop3A_185 = arith.constant 0 : i32
          %parallel_loop3A_186 = arith.constant 0 : i32
          %parallel_loop3A_187 = tpu.memref_slice %arg8[%and3A_88, %parallel_loop3A_185, %parallel_loop3A_186] : memref<2x4096x8xf32, #tpu.memory_space<vmem>> -> memref<1x4096x8xf32, #tpu.memory_space<vmem>>
          %parallel_loop3A_188 = tpu.memref_squeeze %parallel_loop3A_187 : memref<1x4096x8xf32, #tpu.memory_space<vmem>> -> memref<4096x8xf32, #tpu.memory_space<vmem>>
          tpu.vector_store_idx %parallel_loop3A_188[%parallel_loop3A_161, %parallel_loop3A_184], %parallel_loop3A_182 : memref<4096x8xf32, #tpu.memory_space<vmem>>[vector<16xi32>, vector<16xi32>], vector<16xf32>,
          %parallel_loop3A_189 = arith.constant 4 : i32
          %parallel_loop3A_190 = vector.broadcast %parallel_loop3A_189 : i32 to vector<16xi32>
          %parallel_loop3A_191 = arith.constant 0 : i32
          %parallel_loop3A_192 = arith.constant 0 : i32
          %parallel_loop3A_193 = tpu.memref_slice %arg8[%and3A_88, %parallel_loop3A_191, %parallel_loop3A_192] : memref<2x4096x8xf32, #tpu.memory_space<vmem>> -> memref<1x4096x8xf32, #tpu.memory_space<vmem>>
          %parallel_loop3A_194 = tpu.memref_squeeze %parallel_loop3A_193 : memref<1x4096x8xf32, #tpu.memory_space<vmem>> -> memref<4096x8xf32, #tpu.memory_space<vmem>>
          tpu.vector_store_idx %parallel_loop3A_194[%parallel_loop3A_175, %parallel_loop3A_190], %parallel_loop3A_182 : memref<4096x8xf32, #tpu.memory_space<vmem>>[vector<16xi32>, vector<16xi32>], vector<16xf32>,
          %parallel_loop3A_195 = arith.constant 1 : i32
          %parallel_loop3A_196 = arith.index_cast %and3A_88 : i32 to index
          %parallel_loop3A_197 = arith.index_cast %parallel_loop3A_146 : i32 to index
          %parallel_loop3A_198 = arith.index_cast %parallel_loop3A_150 : i32 to index
          %parallel_loop3A_199 = arith.index_cast %parallel_loop3A_195 : i32 to index
          %parallel_loop3A_200 = arith.index_cast %parallel_loop3A_154 : i32 to index
          %parallel_loop3A_201 = tpu.vector_load %arg7[%parallel_loop3A_196, %parallel_loop3A_197, %parallel_loop3A_198, %parallel_loop3A_199, %parallel_loop3A_200] {strides = array<i32>} : memref<2x4x8x4x128xf32, #tpu.memory_space<vmem>>, vector<16xf32>,
          %parallel_loop3A_202 = arith.constant 1 : i32
          %parallel_loop3A_203 = vector.broadcast %parallel_loop3A_202 : i32 to vector<16xi32>
          %parallel_loop3A_204 = arith.constant 0 : i32
          %parallel_loop3A_205 = arith.constant 0 : i32
          %parallel_loop3A_206 = tpu.memref_slice %arg8[%and3A_88, %parallel_loop3A_204, %parallel_loop3A_205] : memref<2x4096x8xf32, #tpu.memory_space<vmem>> -> memref<1x4096x8xf32, #tpu.memory_space<vmem>>
          %parallel_loop3A_207 = tpu.memref_squeeze %parallel_loop3A_206 : memref<1x4096x8xf32, #tpu.memory_space<vmem>> -> memref<4096x8xf32, #tpu.memory_space<vmem>>
          tpu.vector_store_idx %parallel_loop3A_207[%parallel_loop3A_161, %parallel_loop3A_203], %parallel_loop3A_201 : memref<4096x8xf32, #tpu.memory_space<vmem>>[vector<16xi32>, vector<16xi32>], vector<16xf32>,
          %parallel_loop3A_208 = arith.constant 5 : i32
          %parallel_loop3A_209 = vector.broadcast %parallel_loop3A_208 : i32 to vector<16xi32>
          %parallel_loop3A_210 = arith.constant 0 : i32
          %parallel_loop3A_211 = arith.constant 0 : i32
          %parallel_loop3A_212 = tpu.memref_slice %arg8[%and3A_88, %parallel_loop3A_210, %parallel_loop3A_211] : memref<2x4096x8xf32, #tpu.memory_space<vmem>> -> memref<1x4096x8xf32, #tpu.memory_space<vmem>>
          %parallel_loop3A_213 = tpu.memref_squeeze %parallel_loop3A_212 : memref<1x4096x8xf32, #tpu.memory_space<vmem>> -> memref<4096x8xf32, #tpu.memory_space<vmem>>
          tpu.vector_store_idx %parallel_loop3A_213[%parallel_loop3A_175, %parallel_loop3A_209], %parallel_loop3A_201 : memref<4096x8xf32, #tpu.memory_space<vmem>>[vector<16xi32>, vector<16xi32>], vector<16xf32>,
          %parallel_loop3A_214 = arith.constant 2 : i32
          %parallel_loop3A_215 = arith.index_cast %and3A_88 : i32 to index
          %parallel_loop3A_216 = arith.index_cast %parallel_loop3A_146 : i32 to index
          %parallel_loop3A_217 = arith.index_cast %parallel_loop3A_150 : i32 to index
          %parallel_loop3A_218 = arith.index_cast %parallel_loop3A_214 : i32 to index
          %parallel_loop3A_219 = arith.index_cast %parallel_loop3A_154 : i32 to index
          %parallel_loop3A_220 = tpu.vector_load %arg7[%parallel_loop3A_215, %parallel_loop3A_216, %parallel_loop3A_217, %parallel_loop3A_218, %parallel_loop3A_219] {strides = array<i32>} : memref<2x4x8x4x128xf32, #tpu.memory_space<vmem>>, vector<16xf32>,
          %parallel_loop3A_221 = arith.constant 2 : i32
          %parallel_loop3A_222 = vector.broadcast %parallel_loop3A_221 : i32 to vector<16xi32>
          %parallel_loop3A_223 = arith.constant 0 : i32
          %parallel_loop3A_224 = arith.constant 0 : i32
          %parallel_loop3A_225 = tpu.memref_slice %arg8[%and3A_88, %parallel_loop3A_223, %parallel_loop3A_224] : memref<2x4096x8xf32, #tpu.memory_space<vmem>> -> memref<1x4096x8xf32, #tpu.memory_space<vmem>>
          %parallel_loop3A_226 = tpu.memref_squeeze %parallel_loop3A_225 : memref<1x4096x8xf32, #tpu.memory_space<vmem>> -> memref<4096x8xf32, #tpu.memory_space<vmem>>
          tpu.vector_store_idx %parallel_loop3A_226[%parallel_loop3A_161, %parallel_loop3A_222], %parallel_loop3A_220 : memref<4096x8xf32, #tpu.memory_space<vmem>>[vector<16xi32>, vector<16xi32>], vector<16xf32>,
          %parallel_loop3A_227 = arith.constant 6 : i32
          %parallel_loop3A_228 = vector.broadcast %parallel_loop3A_227 : i32 to vector<16xi32>
          %parallel_loop3A_229 = arith.constant 0 : i32
          %parallel_loop3A_230 = arith.constant 0 : i32
          %parallel_loop3A_231 = tpu.memref_slice %arg8[%and3A_88, %parallel_loop3A_229, %parallel_loop3A_230] : memref<2x4096x8xf32, #tpu.memory_space<vmem>> -> memref<1x4096x8xf32, #tpu.memory_space<vmem>>
          %parallel_loop3A_232 = tpu.memref_squeeze %parallel_loop3A_231 : memref<1x4096x8xf32, #tpu.memory_space<vmem>> -> memref<4096x8xf32, #tpu.memory_space<vmem>>
          tpu.vector_store_idx %parallel_loop3A_232[%parallel_loop3A_175, %parallel_loop3A_228], %parallel_loop3A_220 : memref<4096x8xf32, #tpu.memory_space<vmem>>[vector<16xi32>, vector<16xi32>], vector<16xf32>,
          %parallel_loop3A_233 = arith.constant 3 : i32
          %parallel_loop3A_234 = arith.index_cast %and3A_88 : i32 to index
          %parallel_loop3A_235 = arith.index_cast %parallel_loop3A_146 : i32 to index
          %parallel_loop3A_236 = arith.index_cast %parallel_loop3A_150 : i32 to index
          %parallel_loop3A_237 = arith.index_cast %parallel_loop3A_233 : i32 to index
          %parallel_loop3A_238 = arith.index_cast %parallel_loop3A_154 : i32 to index
          %parallel_loop3A_239 = tpu.vector_load %arg7[%parallel_loop3A_234, %parallel_loop3A_235, %parallel_loop3A_236, %parallel_loop3A_237, %parallel_loop3A_238] {strides = array<i32>} : memref<2x4x8x4x128xf32, #tpu.memory_space<vmem>>, vector<16xf32>,
          %parallel_loop3A_240 = arith.constant 3 : i32
          %parallel_loop3A_241 = vector.broadcast %parallel_loop3A_240 : i32 to vector<16xi32>
          %parallel_loop3A_242 = arith.constant 0 : i32
          %parallel_loop3A_243 = arith.constant 0 : i32
          %parallel_loop3A_244 = tpu.memref_slice %arg8[%and3A_88, %parallel_loop3A_242, %parallel_loop3A_243] : memref<2x4096x8xf32, #tpu.memory_space<vmem>> -> memref<1x4096x8xf32, #tpu.memory_space<vmem>>
          %parallel_loop3A_245 = tpu.memref_squeeze %parallel_loop3A_244 : memref<1x4096x8xf32, #tpu.memory_space<vmem>> -> memref<4096x8xf32, #tpu.memory_space<vmem>>
          tpu.vector_store_idx %parallel_loop3A_245[%parallel_loop3A_161, %parallel_loop3A_241], %parallel_loop3A_239 : memref<4096x8xf32, #tpu.memory_space<vmem>>[vector<16xi32>, vector<16xi32>], vector<16xf32>,
          %parallel_loop3A_246 = arith.constant 7 : i32
          %parallel_loop3A_247 = vector.broadcast %parallel_loop3A_246 : i32 to vector<16xi32>
          %parallel_loop3A_248 = arith.constant 0 : i32
          %parallel_loop3A_249 = arith.constant 0 : i32
          %parallel_loop3A_250 = tpu.memref_slice %arg8[%and3A_88, %parallel_loop3A_248, %parallel_loop3A_249] : memref<2x4096x8xf32, #tpu.memory_space<vmem>> -> memref<1x4096x8xf32, #tpu.memory_space<vmem>>
          %parallel_loop3A_251 = tpu.memref_squeeze %parallel_loop3A_250 : memref<1x4096x8xf32, #tpu.memory_space<vmem>> -> memref<4096x8xf32, #tpu.memory_space<vmem>>
          tpu.vector_store_idx %parallel_loop3A_251[%parallel_loop3A_175, %parallel_loop3A_247], %parallel_loop3A_239 : memref<4096x8xf32, #tpu.memory_space<vmem>>[vector<16xi32>, vector<16xi32>], vector<16xf32>,
        } {sc.loop_unroll_factor = 4 : i64, sc.parallel_access}
        %mul3A_124 = arith.constant 4 : i32
        %mul3A_125 = arith.muli %scan3A_86, %mul3A_124 : i32
        %add3A_126 = arith.addi %mul3A_4, %mul3A_125 : i32
        %mul3A_127 = arith.constant 1024 : i32
        %mul3A_128 = arith.muli %add3A_126, %mul3A_127 : i32
        %add3A_129 = arith.constant 2097152 : i32
        %add3A_130 = arith.addi %add3A_129, %mul3A_128 : i32
        %multiple_of3A_131 = tpu.assume_multiple %add3A_130, 4096 : i32
        %dma_start3A_132 = arith.constant 0 : i32
        %dma_start3A_133 = arith.constant 0 : i32
        %dma_start3A_134 = tpu.memref_slice %arg8[%and3A_88, %dma_start3A_132, %dma_start3A_133] : memref<2x4096x8xf32, #tpu.memory_space<vmem>> -> memref<1x4096x8xf32, #tpu.memory_space<vmem>>
        %dma_start3A_135 = tpu.memref_squeeze %dma_start3A_134 : memref<1x4096x8xf32, #tpu.memory_space<vmem>> -> memref<4096x8xf32, #tpu.memory_space<vmem>>
        %dma_start3A_136 = arith.constant 0 : i32
        %dma_start3A_137 = tpu.memref_slice %arg6[%multiple_of3A_131, %dma_start3A_136] : memref<4194304x8xf32, #tpu.memory_space<hbm>> -> memref<4096x8xf32, #tpu.memory_space<hbm>>
        %dma_start3A_138 = arith.constant 0 : i32
        %dma_start3A_139 = tpu.memref_slice %arg6[%multiple_of3A_131, %dma_start3A_138] : memref<4194304x8xf32, #tpu.memory_space<hbm>> -> memref<4096x8xf32, #tpu.memory_space<hbm>>
        %dma_start3A_140 = arith.constant 0 : i32
        %dma_start3A_141 = arith.constant 0 : i32
        %dma_start3A_142 = tpu.memref_slice %arg8[%and3A_88, %dma_start3A_140, %dma_start3A_141] : memref<2x4096x8xf32, #tpu.memory_space<vmem>> -> memref<1x4096x8xf32, #tpu.memory_space<vmem>>
        %dma_start3A_143 = tpu.memref_squeeze %dma_start3A_142 : memref<1x4096x8xf32, #tpu.memory_space<vmem>> -> memref<4096x8xf32, #tpu.memory_space<vmem>>
        tpu.enqueue_dma source(%dma_start3A_143 : memref<4096x8xf32, #tpu.memory_space<vmem>>) target(%dma_start3A_139 : memref<4096x8xf32, #tpu.memory_space<hbm>>) target_semaphore(%arg10 : memref<!tpu.dma_semaphore, #tpu.memory_space<semaphore_mem>>)
      }
      %scan3A_47 = arith.constant 32 : i32
      %add3A_48 = arith.constant 120 : i32
      %add3A_49 = arith.addi %mul3A_4, %add3A_48 : i32
      %mul3A_50 = arith.constant 1024 : i32
      %mul3A_51 = arith.muli %add3A_49, %mul3A_50 : i32
      %add3A_52 = arith.constant 2097152 : i32
      %add3A_53 = arith.addi %add3A_52, %mul3A_51 : i32
      %multiple_of3A = tpu.assume_multiple %add3A_53, 4096 : i32
      %dma_wait3A = arith.constant 0 : i32
      %dma_wait3A_54 = arith.constant 0 : i32
      %dma_wait3A_55 = arith.constant 0 : i32
      %dma_wait3A_56 = tpu.memref_slice %arg8[%dma_wait3A, %dma_wait3A_54, %dma_wait3A_55] : memref<2x4096x8xf32, #tpu.memory_space<vmem>> -> memref<1x4096x8xf32, #tpu.memory_space<vmem>>
      %dma_wait3A_57 = tpu.memref_squeeze %dma_wait3A_56 : memref<1x4096x8xf32, #tpu.memory_space<vmem>> -> memref<4096x8xf32, #tpu.memory_space<vmem>>
      %dma_wait3A_58 = arith.constant 0 : i32
      %dma_wait3A_59 = tpu.memref_slice %arg6[%multiple_of3A, %dma_wait3A_58] : memref<4194304x8xf32, #tpu.memory_space<hbm>> -> memref<4096x8xf32, #tpu.memory_space<hbm>>
      %dma_wait3A_60 = arith.constant 0 : i32
      %dma_wait3A_61 = tpu.memref_slice %arg6[%multiple_of3A, %dma_wait3A_60] : memref<4194304x8xf32, #tpu.memory_space<hbm>> -> memref<4096x8xf32, #tpu.memory_space<hbm>>
      %dma_wait3A_62 = arith.constant 0 : i32
      %dma_wait3A_63 = arith.constant 0 : i32
      %dma_wait3A_64 = tpu.memref_slice %arg8[%dma_wait3A, %dma_wait3A_62, %dma_wait3A_63] : memref<2x4096x8xf32, #tpu.memory_space<vmem>> -> memref<1x4096x8xf32, #tpu.memory_space<vmem>>
      %dma_wait3A_65 = tpu.memref_squeeze %dma_wait3A_64 : memref<1x4096x8xf32, #tpu.memory_space<vmem>> -> memref<4096x8xf32, #tpu.memory_space<vmem>>
      tpu.wait_dma2 semaphore(%arg10 : memref<!tpu.dma_semaphore, #tpu.memory_space<semaphore_mem>>) src(%dma_wait3A_65 : memref<4096x8xf32, #tpu.memory_space<vmem>>) dst(%dma_wait3A_61 : memref<4096x8xf32, #tpu.memory_space<hbm>>)
      %add3A_66 = arith.constant 124 : i32
      %add3A_67 = arith.addi %mul3A_4, %add3A_66 : i32
      %mul3A_68 = arith.constant 1024 : i32
      %mul3A_69 = arith.muli %add3A_67, %mul3A_68 : i32
      %add3A_70 = arith.constant 2097152 : i32
      %add3A_71 = arith.addi %add3A_70, %mul3A_69 : i32
      %multiple_of3A_72 = tpu.assume_multiple %add3A_71, 4096 : i32
      %dma_wait3A_73 = arith.constant 1 : i32
      %dma_wait3A_74 = arith.constant 0 : i32
      %dma_wait3A_75 = arith.constant 0 : i32
      %dma_wait3A_76 = tpu.memref_slice %arg8[%dma_wait3A_73, %dma_wait3A_74, %dma_wait3A_75] : memref<2x4096x8xf32, #tpu.memory_space<vmem>> -> memref<1x4096x8xf32, #tpu.memory_space<vmem>>
      %dma_wait3A_77 = tpu.memref_squeeze %dma_wait3A_76 : memref<1x4096x8xf32, #tpu.memory_space<vmem>> -> memref<4096x8xf32, #tpu.memory_space<vmem>>
      %dma_wait3A_78 = arith.constant 0 : i32
      %dma_wait3A_79 = tpu.memref_slice %arg6[%multiple_of3A_72, %dma_wait3A_78] : memref<4194304x8xf32, #tpu.memory_space<hbm>> -> memref<4096x8xf32, #tpu.memory_space<hbm>>
      %dma_wait3A_80 = arith.constant 0 : i32
      %dma_wait3A_81 = tpu.memref_slice %arg6[%multiple_of3A_72, %dma_wait3A_80] : memref<4194304x8xf32, #tpu.memory_space<hbm>> -> memref<4096x8xf32, #tpu.memory_space<hbm>>
      %dma_wait3A_82 = arith.constant 0 : i32
      %dma_wait3A_83 = arith.constant 0 : i32
      %dma_wait3A_84 = tpu.memref_slice %arg8[%dma_wait3A_73, %dma_wait3A_82, %dma_wait3A_83] : memref<2x4096x8xf32, #tpu.memory_space<vmem>> -> memref<1x4096x8xf32, #tpu.memory_space<vmem>>
      %dma_wait3A_85 = tpu.memref_squeeze %dma_wait3A_84 : memref<1x4096x8xf32, #tpu.memory_space<vmem>> -> memref<4096x8xf32, #tpu.memory_space<vmem>>
      tpu.wait_dma2 semaphore(%arg10 : memref<!tpu.dma_semaphore, #tpu.memory_space<semaphore_mem>>) src(%dma_wait3A_85 : memref<4096x8xf32, #tpu.memory_space<vmem>>) dst(%dma_wait3A_81 : memref<4096x8xf32, #tpu.memory_space<hbm>>)
    } else {
    }
    %eq3A_17 = arith.constant 3 : i32
    %eq3A_18 = arith.cmpi eq, %shift_right_arithmetic3A_1, %eq3A_17 : i32
    %convert_element_type3A_19 = arith.extui %eq3A_18 : i1 to i32
    %cond3A_20 = arith.constant 0 : i32
    %cond3A_21 = arith.cmpi ne, %convert_element_type3A_19, %cond3A_20 : i32
    scf.if %cond3A_21 {
      %add3A_22 = arith.constant 0 : i32
      %add3A_23 = arith.addi %mul3A_4, %add3A_22 : i32
      %dma_start3A = arith.constant 0 : i32
      %dma_start3A_24 = arith.constant 0 : i32
      %dma_start3A_25 = arith.constant 0 : i32
      %dma_start3A_26 = arith.constant 0 : i32
      %dma_start3A_27 = arith.constant 0 : i32
      %dma_start3A_28 = tpu.memref_slice %arg7[%dma_start3A, %dma_start3A_24, %dma_start3A_25, %dma_start3A_26, %dma_start3A_27] : memref<2x4x8x4x128xf32, #tpu.memory_space<vmem>> -> memref<1x4x8x4x128xf32, #tpu.memory_space<vmem>>
      %dma_start3A_29 = tpu.memref_squeeze %dma_start3A_28 : memref<1x4x8x4x128xf32, #tpu.memory_space<vmem>> -> memref<4x8x4x128xf32, #tpu.memory_space<vmem>>
      %dma_start3A_30 = arith.constant 0 : i32
      %dma_start3A_31 = arith.constant 0 : i32
      %dma_start3A_32 = arith.constant 0 : i32
      %dma_start3A_33 = tpu.memref_slice %arg5[%add3A_23, %dma_start3A_30, %dma_start3A_31, %dma_start3A_32] : memref<1024x8x4x128xf32, #tpu.memory_space<hbm>> -> memref<4x8x4x128xf32, #tpu.memory_space<hbm>>
      %dma_start3A_34 = arith.constant 0 : i32
      %dma_start3A_35 = arith.constant 0 : i32
      %dma_start3A_36 = arith.constant 0 : i32
      %dma_start3A_37 = arith.constant 0 : i32
      %dma_start3A_38 = tpu.memref_slice %arg7[%dma_start3A, %dma_start3A_34, %dma_start3A_35, %dma_start3A_36, %dma_start3A_37] : memref<2x4x8x4x128xf32, #tpu.memory_space<vmem>> -> memref<1x4x8x4x128xf32, #tpu.memory_space<vmem>>
      %dma_start3A_39 = tpu.memref_squeeze %dma_start3A_38 : memref<1x4x8x4x128xf32, #tpu.memory_space<vmem>> -> memref<4x8x4x128xf32, #tpu.memory_space<vmem>>
      %dma_start3A_40 = arith.constant 0 : i32
      %dma_start3A_41 = arith.constant 0 : i32
      %dma_start3A_42 = arith.constant 0 : i32
      %dma_start3A_43 = tpu.memref_slice %arg5[%add3A_23, %dma_start3A_40, %dma_start3A_41, %dma_start3A_42] : memref<1024x8x4x128xf32, #tpu.memory_space<hbm>> -> memref<4x8x4x128xf32, #tpu.memory_space<hbm>>
      tpu.enqueue_dma source(%dma_start3A_43 : memref<4x8x4x128xf32, #tpu.memory_space<hbm>>) target(%dma_start3A_39 : memref<4x8x4x128xf32, #tpu.memory_space<vmem>>) target_semaphore(%arg9 : memref<!tpu.dma_semaphore, #tpu.memory_space<semaphore_mem>>)
      %scan3A = arith.constant 0 : i32
      %scan3A_44 = arith.constant 32 : i32
      %scan3A_45 = arith.addi %scan3A, %scan3A_44 : i32
      %scan3A_46 = arith.constant 1 : i32
      scf.for %scan3A_86 = %scan3A to %scan3A_45 step %scan3A_46  : i32 {
        %and3A_87 = arith.constant 1 : i32
        %and3A_88 = arith.andi %scan3A_86, %and3A_87 : i32
        %add3A_89 = arith.constant 1 : i32
        %add3A_90 = arith.addi %scan3A_86, %add3A_89 : i32
        %lt3A = arith.constant 32 : i32
        %lt3A_91 = arith.cmpi slt, %add3A_90, %lt3A : i32
        %convert_element_type3A_92 = arith.extui %lt3A_91 : i1 to i32
        %cond3A_93 = arith.constant 0 : i32
        %cond3A_94 = arith.cmpi ne, %convert_element_type3A_92, %cond3A_93 : i32
        scf.if %cond3A_94 {
          %add3A_144 = arith.constant 1 : i32
          %add3A_145 = arith.addi %scan3A_86, %add3A_144 : i32
          %sub3A = arith.constant 1 : i32
          %sub3A_146 = arith.subi %sub3A, %and3A_88 : i32
          %mul3A_147 = arith.constant 4 : i32
          %mul3A_148 = arith.muli %add3A_145, %mul3A_147 : i32
          %add3A_149 = arith.addi %mul3A_4, %mul3A_148 : i32
          %dma_start3A_150 = arith.constant 0 : i32
          %dma_start3A_151 = arith.constant 0 : i32
          %dma_start3A_152 = arith.constant 0 : i32
          %dma_start3A_153 = arith.constant 0 : i32
          %dma_start3A_154 = tpu.memref_slice %arg7[%sub3A_146, %dma_start3A_150, %dma_start3A_151, %dma_start3A_152, %dma_start3A_153] : memref<2x4x8x4x128xf32, #tpu.memory_space<vmem>> -> memref<1x4x8x4x128xf32, #tpu.memory_space<vmem>>
          %dma_start3A_155 = tpu.memref_squeeze %dma_start3A_154 : memref<1x4x8x4x128xf32, #tpu.memory_space<vmem>> -> memref<4x8x4x128xf32, #tpu.memory_space<vmem>>
          %dma_start3A_156 = arith.constant 0 : i32
          %dma_start3A_157 = arith.constant 0 : i32
          %dma_start3A_158 = arith.constant 0 : i32
          %dma_start3A_159 = tpu.memref_slice %arg5[%add3A_149, %dma_start3A_156, %dma_start3A_157, %dma_start3A_158] : memref<1024x8x4x128xf32, #tpu.memory_space<hbm>> -> memref<4x8x4x128xf32, #tpu.memory_space<hbm>>
          %dma_start3A_160 = arith.constant 0 : i32
          %dma_start3A_161 = arith.constant 0 : i32
          %dma_start3A_162 = arith.constant 0 : i32
          %dma_start3A_163 = arith.constant 0 : i32
          %dma_start3A_164 = tpu.memref_slice %arg7[%sub3A_146, %dma_start3A_160, %dma_start3A_161, %dma_start3A_162, %dma_start3A_163] : memref<2x4x8x4x128xf32, #tpu.memory_space<vmem>> -> memref<1x4x8x4x128xf32, #tpu.memory_space<vmem>>
          %dma_start3A_165 = tpu.memref_squeeze %dma_start3A_164 : memref<1x4x8x4x128xf32, #tpu.memory_space<vmem>> -> memref<4x8x4x128xf32, #tpu.memory_space<vmem>>
          %dma_start3A_166 = arith.constant 0 : i32
          %dma_start3A_167 = arith.constant 0 : i32
          %dma_start3A_168 = arith.constant 0 : i32
          %dma_start3A_169 = tpu.memref_slice %arg5[%add3A_149, %dma_start3A_166, %dma_start3A_167, %dma_start3A_168] : memref<1024x8x4x128xf32, #tpu.memory_space<hbm>> -> memref<4x8x4x128xf32, #tpu.memory_space<hbm>>
          tpu.enqueue_dma source(%dma_start3A_169 : memref<4x8x4x128xf32, #tpu.memory_space<hbm>>) target(%dma_start3A_165 : memref<4x8x4x128xf32, #tpu.memory_space<vmem>>) target_semaphore(%arg9 : memref<!tpu.dma_semaphore, #tpu.memory_space<semaphore_mem>>)
        } else {
        }
        %mul3A_95 = arith.constant 4 : i32
        %mul3A_96 = arith.muli %scan3A_86, %mul3A_95 : i32
        %add3A_97 = arith.addi %mul3A_4, %mul3A_96 : i32
        %dma_wait3A_98 = arith.constant 0 : i32
        %dma_wait3A_99 = arith.constant 0 : i32
        %dma_wait3A_100 = arith.constant 0 : i32
        %dma_wait3A_101 = arith.constant 0 : i32
        %dma_wait3A_102 = tpu.memref_slice %arg7[%and3A_88, %dma_wait3A_98, %dma_wait3A_99, %dma_wait3A_100, %dma_wait3A_101] : memref<2x4x8x4x128xf32, #tpu.memory_space<vmem>> -> memref<1x4x8x4x128xf32, #tpu.memory_space<vmem>>
        %dma_wait3A_103 = tpu.memref_squeeze %dma_wait3A_102 : memref<1x4x8x4x128xf32, #tpu.memory_space<vmem>> -> memref<4x8x4x128xf32, #tpu.memory_space<vmem>>
        %dma_wait3A_104 = arith.constant 0 : i32
        %dma_wait3A_105 = arith.constant 0 : i32
        %dma_wait3A_106 = arith.constant 0 : i32
        %dma_wait3A_107 = tpu.memref_slice %arg5[%add3A_97, %dma_wait3A_104, %dma_wait3A_105, %dma_wait3A_106] : memref<1024x8x4x128xf32, #tpu.memory_space<hbm>> -> memref<4x8x4x128xf32, #tpu.memory_space<hbm>>
        %dma_wait3A_108 = arith.constant 0 : i32
        %dma_wait3A_109 = arith.constant 0 : i32
        %dma_wait3A_110 = arith.constant 0 : i32
        %dma_wait3A_111 = arith.constant 0 : i32
        %dma_wait3A_112 = tpu.memref_slice %arg7[%and3A_88, %dma_wait3A_108, %dma_wait3A_109, %dma_wait3A_110, %dma_wait3A_111] : memref<2x4x8x4x128xf32, #tpu.memory_space<vmem>> -> memref<1x4x8x4x128xf32, #tpu.memory_space<vmem>>
        %dma_wait3A_113 = tpu.memref_squeeze %dma_wait3A_112 : memref<1x4x8x4x128xf32, #tpu.memory_space<vmem>> -> memref<4x8x4x128xf32, #tpu.memory_space<vmem>>
        %dma_wait3A_114 = arith.constant 0 : i32
        %dma_wait3A_115 = arith.constant 0 : i32
        %dma_wait3A_116 = arith.constant 0 : i32
        %dma_wait3A_117 = tpu.memref_slice %arg5[%add3A_97, %dma_wait3A_114, %dma_wait3A_115, %dma_wait3A_116] : memref<1024x8x4x128xf32, #tpu.memory_space<hbm>> -> memref<4x8x4x128xf32, #tpu.memory_space<hbm>>
        tpu.wait_dma2 semaphore(%arg9 : memref<!tpu.dma_semaphore, #tpu.memory_space<semaphore_mem>>) src(%dma_wait3A_117 : memref<4x8x4x128xf32, #tpu.memory_space<hbm>>) dst(%dma_wait3A_113 : memref<4x8x4x128xf32, #tpu.memory_space<vmem>>)
        %gt3A = arith.constant 1 : i32
        %gt3A_118 = arith.cmpi sgt, %scan3A_86, %gt3A : i32
        %convert_element_type3A_119 = arith.extui %gt3A_118 : i1 to i32
        %cond3A_120 = arith.constant 0 : i32
        %cond3A_121 = arith.cmpi ne, %convert_element_type3A_119, %cond3A_120 : i32
        scf.if %cond3A_121 {
          %sub3A = arith.constant 2 : i32
          %sub3A_144 = arith.subi %scan3A_86, %sub3A : i32
          %mul3A_145 = arith.constant 4 : i32
          %mul3A_146 = arith.muli %sub3A_144, %mul3A_145 : i32
          %add3A_147 = arith.addi %mul3A_4, %mul3A_146 : i32
          %mul3A_148 = arith.constant 1024 : i32
          %mul3A_149 = arith.muli %add3A_147, %mul3A_148 : i32
          %add3A_150 = arith.constant 3145728 : i32
          %add3A_151 = arith.addi %add3A_150, %mul3A_149 : i32
          %multiple_of3A_152 = tpu.assume_multiple %add3A_151, 4096 : i32
          %dma_wait3A_153 = arith.constant 0 : i32
          %dma_wait3A_154 = arith.constant 0 : i32
          %dma_wait3A_155 = tpu.memref_slice %arg8[%and3A_88, %dma_wait3A_153, %dma_wait3A_154] : memref<2x4096x8xf32, #tpu.memory_space<vmem>> -> memref<1x4096x8xf32, #tpu.memory_space<vmem>>
          %dma_wait3A_156 = tpu.memref_squeeze %dma_wait3A_155 : memref<1x4096x8xf32, #tpu.memory_space<vmem>> -> memref<4096x8xf32, #tpu.memory_space<vmem>>
          %dma_wait3A_157 = arith.constant 0 : i32
          %dma_wait3A_158 = tpu.memref_slice %arg6[%multiple_of3A_152, %dma_wait3A_157] : memref<4194304x8xf32, #tpu.memory_space<hbm>> -> memref<4096x8xf32, #tpu.memory_space<hbm>>
          %dma_wait3A_159 = arith.constant 0 : i32
          %dma_wait3A_160 = tpu.memref_slice %arg6[%multiple_of3A_152, %dma_wait3A_159] : memref<4194304x8xf32, #tpu.memory_space<hbm>> -> memref<4096x8xf32, #tpu.memory_space<hbm>>
          %dma_wait3A_161 = arith.constant 0 : i32
          %dma_wait3A_162 = arith.constant 0 : i32
          %dma_wait3A_163 = tpu.memref_slice %arg8[%and3A_88, %dma_wait3A_161, %dma_wait3A_162] : memref<2x4096x8xf32, #tpu.memory_space<vmem>> -> memref<1x4096x8xf32, #tpu.memory_space<vmem>>
          %dma_wait3A_164 = tpu.memref_squeeze %dma_wait3A_163 : memref<1x4096x8xf32, #tpu.memory_space<vmem>> -> memref<4096x8xf32, #tpu.memory_space<vmem>>
          tpu.wait_dma2 semaphore(%arg10 : memref<!tpu.dma_semaphore, #tpu.memory_space<semaphore_mem>>) src(%dma_wait3A_164 : memref<4096x8xf32, #tpu.memory_space<vmem>>) dst(%dma_wait3A_160 : memref<4096x8xf32, #tpu.memory_space<hbm>>)
        } else {
        }
        %parallel_loop3A = arith.constant 0 : i32
        %parallel_loop3A_122 = arith.constant 256 : i32
        %parallel_loop3A_123 = arith.constant 1 : i32
        scf.for %parallel_loop3A_144 = %parallel_loop3A to %parallel_loop3A_122 step %parallel_loop3A_123  : i32 {
          %parallel_loop3A_145 = arith.constant 6 : i32
          %parallel_loop3A_146 = arith.shrsi %parallel_loop3A_144, %parallel_loop3A_145 : i32
          %parallel_loop3A_147 = arith.constant 63 : i32
          %parallel_loop3A_148 = arith.andi %parallel_loop3A_144, %parallel_loop3A_147 : i32
          %parallel_loop3A_149 = arith.constant 3 : i32
          %parallel_loop3A_150 = arith.shrsi %parallel_loop3A_148, %parallel_loop3A_149 : i32
          %parallel_loop3A_151 = arith.constant 7 : i32
          %parallel_loop3A_152 = arith.andi %parallel_loop3A_148, %parallel_loop3A_151 : i32
          %parallel_loop3A_153 = arith.constant 4 : i32
          %parallel_loop3A_154 = arith.shli %parallel_loop3A_152, %parallel_loop3A_153 : i32
          %parallel_loop3A_155 = arith.constant 10 : i32
          %parallel_loop3A_156 = arith.shli %parallel_loop3A_146, %parallel_loop3A_155 : i32
          %parallel_loop3A_157 = arith.constant 4 : i32
          %parallel_loop3A_158 = arith.shli %parallel_loop3A_148, %parallel_loop3A_157 : i32
          %parallel_loop3A_159 = arith.addi %parallel_loop3A_156, %parallel_loop3A_158 : i32
          %parallel_loop3A_160 = vector.broadcast %parallel_loop3A_159 : i32 to vector<16xi32>
          %parallel_loop3A_161 = arith.addi %parallel_loop3A_160, %iota3A : vector<16xi32>
          %parallel_loop3A_162 = arith.constant 10 : i32
          %parallel_loop3A_163 = arith.shli %parallel_loop3A_146, %parallel_loop3A_162 : i32
          %parallel_loop3A_164 = arith.constant 4 : i32
          %parallel_loop3A_165 = arith.shli %parallel_loop3A_148, %parallel_loop3A_164 : i32
          %parallel_loop3A_166 = vector.broadcast %parallel_loop3A_165 : i32 to vector<16xi32>
          %parallel_loop3A_167 = arith.addi %parallel_loop3A_166, %iota3A : vector<16xi32>
          %parallel_loop3A_168 = arith.constant 1 : i32
          %parallel_loop3A_169 = vector.broadcast %parallel_loop3A_168 : i32 to vector<16xi32>
          %parallel_loop3A_170 = arith.subi %parallel_loop3A_167, %parallel_loop3A_169 : vector<16xi32>
          %parallel_loop3A_171 = arith.constant 1023 : i32
          %parallel_loop3A_172 = vector.broadcast %parallel_loop3A_171 : i32 to vector<16xi32>
          %parallel_loop3A_173 = arith.andi %parallel_loop3A_170, %parallel_loop3A_172 : vector<16xi32>
          %parallel_loop3A_174 = vector.broadcast %parallel_loop3A_163 : i32 to vector<16xi32>
          %parallel_loop3A_175 = arith.addi %parallel_loop3A_174, %parallel_loop3A_173 : vector<16xi32>
          %parallel_loop3A_176 = arith.constant 0 : i32
          %parallel_loop3A_177 = arith.index_cast %and3A_88 : i32 to index
          %parallel_loop3A_178 = arith.index_cast %parallel_loop3A_146 : i32 to index
          %parallel_loop3A_179 = arith.index_cast %parallel_loop3A_150 : i32 to index
          %parallel_loop3A_180 = arith.index_cast %parallel_loop3A_176 : i32 to index
          %parallel_loop3A_181 = arith.index_cast %parallel_loop3A_154 : i32 to index
          %parallel_loop3A_182 = tpu.vector_load %arg7[%parallel_loop3A_177, %parallel_loop3A_178, %parallel_loop3A_179, %parallel_loop3A_180, %parallel_loop3A_181] {strides = array<i32>} : memref<2x4x8x4x128xf32, #tpu.memory_space<vmem>>, vector<16xf32>,
          %parallel_loop3A_183 = arith.constant 0 : i32
          %parallel_loop3A_184 = vector.broadcast %parallel_loop3A_183 : i32 to vector<16xi32>
          %parallel_loop3A_185 = arith.constant 0 : i32
          %parallel_loop3A_186 = arith.constant 0 : i32
          %parallel_loop3A_187 = tpu.memref_slice %arg8[%and3A_88, %parallel_loop3A_185, %parallel_loop3A_186] : memref<2x4096x8xf32, #tpu.memory_space<vmem>> -> memref<1x4096x8xf32, #tpu.memory_space<vmem>>
          %parallel_loop3A_188 = tpu.memref_squeeze %parallel_loop3A_187 : memref<1x4096x8xf32, #tpu.memory_space<vmem>> -> memref<4096x8xf32, #tpu.memory_space<vmem>>
          tpu.vector_store_idx %parallel_loop3A_188[%parallel_loop3A_161, %parallel_loop3A_184], %parallel_loop3A_182 : memref<4096x8xf32, #tpu.memory_space<vmem>>[vector<16xi32>, vector<16xi32>], vector<16xf32>,
          %parallel_loop3A_189 = arith.constant 4 : i32
          %parallel_loop3A_190 = vector.broadcast %parallel_loop3A_189 : i32 to vector<16xi32>
          %parallel_loop3A_191 = arith.constant 0 : i32
          %parallel_loop3A_192 = arith.constant 0 : i32
          %parallel_loop3A_193 = tpu.memref_slice %arg8[%and3A_88, %parallel_loop3A_191, %parallel_loop3A_192] : memref<2x4096x8xf32, #tpu.memory_space<vmem>> -> memref<1x4096x8xf32, #tpu.memory_space<vmem>>
          %parallel_loop3A_194 = tpu.memref_squeeze %parallel_loop3A_193 : memref<1x4096x8xf32, #tpu.memory_space<vmem>> -> memref<4096x8xf32, #tpu.memory_space<vmem>>
          tpu.vector_store_idx %parallel_loop3A_194[%parallel_loop3A_175, %parallel_loop3A_190], %parallel_loop3A_182 : memref<4096x8xf32, #tpu.memory_space<vmem>>[vector<16xi32>, vector<16xi32>], vector<16xf32>,
          %parallel_loop3A_195 = arith.constant 1 : i32
          %parallel_loop3A_196 = arith.index_cast %and3A_88 : i32 to index
          %parallel_loop3A_197 = arith.index_cast %parallel_loop3A_146 : i32 to index
          %parallel_loop3A_198 = arith.index_cast %parallel_loop3A_150 : i32 to index
          %parallel_loop3A_199 = arith.index_cast %parallel_loop3A_195 : i32 to index
          %parallel_loop3A_200 = arith.index_cast %parallel_loop3A_154 : i32 to index
          %parallel_loop3A_201 = tpu.vector_load %arg7[%parallel_loop3A_196, %parallel_loop3A_197, %parallel_loop3A_198, %parallel_loop3A_199, %parallel_loop3A_200] {strides = array<i32>} : memref<2x4x8x4x128xf32, #tpu.memory_space<vmem>>, vector<16xf32>,
          %parallel_loop3A_202 = arith.constant 1 : i32
          %parallel_loop3A_203 = vector.broadcast %parallel_loop3A_202 : i32 to vector<16xi32>
          %parallel_loop3A_204 = arith.constant 0 : i32
          %parallel_loop3A_205 = arith.constant 0 : i32
          %parallel_loop3A_206 = tpu.memref_slice %arg8[%and3A_88, %parallel_loop3A_204, %parallel_loop3A_205] : memref<2x4096x8xf32, #tpu.memory_space<vmem>> -> memref<1x4096x8xf32, #tpu.memory_space<vmem>>
          %parallel_loop3A_207 = tpu.memref_squeeze %parallel_loop3A_206 : memref<1x4096x8xf32, #tpu.memory_space<vmem>> -> memref<4096x8xf32, #tpu.memory_space<vmem>>
          tpu.vector_store_idx %parallel_loop3A_207[%parallel_loop3A_161, %parallel_loop3A_203], %parallel_loop3A_201 : memref<4096x8xf32, #tpu.memory_space<vmem>>[vector<16xi32>, vector<16xi32>], vector<16xf32>,
          %parallel_loop3A_208 = arith.constant 5 : i32
          %parallel_loop3A_209 = vector.broadcast %parallel_loop3A_208 : i32 to vector<16xi32>
          %parallel_loop3A_210 = arith.constant 0 : i32
          %parallel_loop3A_211 = arith.constant 0 : i32
          %parallel_loop3A_212 = tpu.memref_slice %arg8[%and3A_88, %parallel_loop3A_210, %parallel_loop3A_211] : memref<2x4096x8xf32, #tpu.memory_space<vmem>> -> memref<1x4096x8xf32, #tpu.memory_space<vmem>>
          %parallel_loop3A_213 = tpu.memref_squeeze %parallel_loop3A_212 : memref<1x4096x8xf32, #tpu.memory_space<vmem>> -> memref<4096x8xf32, #tpu.memory_space<vmem>>
          tpu.vector_store_idx %parallel_loop3A_213[%parallel_loop3A_175, %parallel_loop3A_209], %parallel_loop3A_201 : memref<4096x8xf32, #tpu.memory_space<vmem>>[vector<16xi32>, vector<16xi32>], vector<16xf32>,
          %parallel_loop3A_214 = arith.constant 2 : i32
          %parallel_loop3A_215 = arith.index_cast %and3A_88 : i32 to index
          %parallel_loop3A_216 = arith.index_cast %parallel_loop3A_146 : i32 to index
          %parallel_loop3A_217 = arith.index_cast %parallel_loop3A_150 : i32 to index
          %parallel_loop3A_218 = arith.index_cast %parallel_loop3A_214 : i32 to index
          %parallel_loop3A_219 = arith.index_cast %parallel_loop3A_154 : i32 to index
          %parallel_loop3A_220 = tpu.vector_load %arg7[%parallel_loop3A_215, %parallel_loop3A_216, %parallel_loop3A_217, %parallel_loop3A_218, %parallel_loop3A_219] {strides = array<i32>} : memref<2x4x8x4x128xf32, #tpu.memory_space<vmem>>, vector<16xf32>,
          %parallel_loop3A_221 = arith.constant 2 : i32
          %parallel_loop3A_222 = vector.broadcast %parallel_loop3A_221 : i32 to vector<16xi32>
          %parallel_loop3A_223 = arith.constant 0 : i32
          %parallel_loop3A_224 = arith.constant 0 : i32
          %parallel_loop3A_225 = tpu.memref_slice %arg8[%and3A_88, %parallel_loop3A_223, %parallel_loop3A_224] : memref<2x4096x8xf32, #tpu.memory_space<vmem>> -> memref<1x4096x8xf32, #tpu.memory_space<vmem>>
          %parallel_loop3A_226 = tpu.memref_squeeze %parallel_loop3A_225 : memref<1x4096x8xf32, #tpu.memory_space<vmem>> -> memref<4096x8xf32, #tpu.memory_space<vmem>>
          tpu.vector_store_idx %parallel_loop3A_226[%parallel_loop3A_161, %parallel_loop3A_222], %parallel_loop3A_220 : memref<4096x8xf32, #tpu.memory_space<vmem>>[vector<16xi32>, vector<16xi32>], vector<16xf32>,
          %parallel_loop3A_227 = arith.constant 6 : i32
          %parallel_loop3A_228 = vector.broadcast %parallel_loop3A_227 : i32 to vector<16xi32>
          %parallel_loop3A_229 = arith.constant 0 : i32
          %parallel_loop3A_230 = arith.constant 0 : i32
          %parallel_loop3A_231 = tpu.memref_slice %arg8[%and3A_88, %parallel_loop3A_229, %parallel_loop3A_230] : memref<2x4096x8xf32, #tpu.memory_space<vmem>> -> memref<1x4096x8xf32, #tpu.memory_space<vmem>>
          %parallel_loop3A_232 = tpu.memref_squeeze %parallel_loop3A_231 : memref<1x4096x8xf32, #tpu.memory_space<vmem>> -> memref<4096x8xf32, #tpu.memory_space<vmem>>
          tpu.vector_store_idx %parallel_loop3A_232[%parallel_loop3A_175, %parallel_loop3A_228], %parallel_loop3A_220 : memref<4096x8xf32, #tpu.memory_space<vmem>>[vector<16xi32>, vector<16xi32>], vector<16xf32>,
          %parallel_loop3A_233 = arith.constant 3 : i32
          %parallel_loop3A_234 = arith.index_cast %and3A_88 : i32 to index
          %parallel_loop3A_235 = arith.index_cast %parallel_loop3A_146 : i32 to index
          %parallel_loop3A_236 = arith.index_cast %parallel_loop3A_150 : i32 to index
          %parallel_loop3A_237 = arith.index_cast %parallel_loop3A_233 : i32 to index
          %parallel_loop3A_238 = arith.index_cast %parallel_loop3A_154 : i32 to index
          %parallel_loop3A_239 = tpu.vector_load %arg7[%parallel_loop3A_234, %parallel_loop3A_235, %parallel_loop3A_236, %parallel_loop3A_237, %parallel_loop3A_238] {strides = array<i32>} : memref<2x4x8x4x128xf32, #tpu.memory_space<vmem>>, vector<16xf32>,
          %parallel_loop3A_240 = arith.constant 3 : i32
          %parallel_loop3A_241 = vector.broadcast %parallel_loop3A_240 : i32 to vector<16xi32>
          %parallel_loop3A_242 = arith.constant 0 : i32
          %parallel_loop3A_243 = arith.constant 0 : i32
          %parallel_loop3A_244 = tpu.memref_slice %arg8[%and3A_88, %parallel_loop3A_242, %parallel_loop3A_243] : memref<2x4096x8xf32, #tpu.memory_space<vmem>> -> memref<1x4096x8xf32, #tpu.memory_space<vmem>>
          %parallel_loop3A_245 = tpu.memref_squeeze %parallel_loop3A_244 : memref<1x4096x8xf32, #tpu.memory_space<vmem>> -> memref<4096x8xf32, #tpu.memory_space<vmem>>
          tpu.vector_store_idx %parallel_loop3A_245[%parallel_loop3A_161, %parallel_loop3A_241], %parallel_loop3A_239 : memref<4096x8xf32, #tpu.memory_space<vmem>>[vector<16xi32>, vector<16xi32>], vector<16xf32>,
          %parallel_loop3A_246 = arith.constant 7 : i32
          %parallel_loop3A_247 = vector.broadcast %parallel_loop3A_246 : i32 to vector<16xi32>
          %parallel_loop3A_248 = arith.constant 0 : i32
          %parallel_loop3A_249 = arith.constant 0 : i32
          %parallel_loop3A_250 = tpu.memref_slice %arg8[%and3A_88, %parallel_loop3A_248, %parallel_loop3A_249] : memref<2x4096x8xf32, #tpu.memory_space<vmem>> -> memref<1x4096x8xf32, #tpu.memory_space<vmem>>
          %parallel_loop3A_251 = tpu.memref_squeeze %parallel_loop3A_250 : memref<1x4096x8xf32, #tpu.memory_space<vmem>> -> memref<4096x8xf32, #tpu.memory_space<vmem>>
          tpu.vector_store_idx %parallel_loop3A_251[%parallel_loop3A_175, %parallel_loop3A_247], %parallel_loop3A_239 : memref<4096x8xf32, #tpu.memory_space<vmem>>[vector<16xi32>, vector<16xi32>], vector<16xf32>,
        } {sc.loop_unroll_factor = 4 : i64, sc.parallel_access}
        %mul3A_124 = arith.constant 4 : i32
        %mul3A_125 = arith.muli %scan3A_86, %mul3A_124 : i32
        %add3A_126 = arith.addi %mul3A_4, %mul3A_125 : i32
        %mul3A_127 = arith.constant 1024 : i32
        %mul3A_128 = arith.muli %add3A_126, %mul3A_127 : i32
        %add3A_129 = arith.constant 3145728 : i32
        %add3A_130 = arith.addi %add3A_129, %mul3A_128 : i32
        %multiple_of3A_131 = tpu.assume_multiple %add3A_130, 4096 : i32
        %dma_start3A_132 = arith.constant 0 : i32
        %dma_start3A_133 = arith.constant 0 : i32
        %dma_start3A_134 = tpu.memref_slice %arg8[%and3A_88, %dma_start3A_132, %dma_start3A_133] : memref<2x4096x8xf32, #tpu.memory_space<vmem>> -> memref<1x4096x8xf32, #tpu.memory_space<vmem>>
        %dma_start3A_135 = tpu.memref_squeeze %dma_start3A_134 : memref<1x4096x8xf32, #tpu.memory_space<vmem>> -> memref<4096x8xf32, #tpu.memory_space<vmem>>
        %dma_start3A_136 = arith.constant 0 : i32
        %dma_start3A_137 = tpu.memref_slice %arg6[%multiple_of3A_131, %dma_start3A_136] : memref<4194304x8xf32, #tpu.memory_space<hbm>> -> memref<4096x8xf32, #tpu.memory_space<hbm>>
        %dma_start3A_138 = arith.constant 0 : i32
        %dma_start3A_139 = tpu.memref_slice %arg6[%multiple_of3A_131, %dma_start3A_138] : memref<4194304x8xf32, #tpu.memory_space<hbm>> -> memref<4096x8xf32, #tpu.memory_space<hbm>>
        %dma_start3A_140 = arith.constant 0 : i32
        %dma_start3A_141 = arith.constant 0 : i32
        %dma_start3A_142 = tpu.memref_slice %arg8[%and3A_88, %dma_start3A_140, %dma_start3A_141] : memref<2x4096x8xf32, #tpu.memory_space<vmem>> -> memref<1x4096x8xf32, #tpu.memory_space<vmem>>
        %dma_start3A_143 = tpu.memref_squeeze %dma_start3A_142 : memref<1x4096x8xf32, #tpu.memory_space<vmem>> -> memref<4096x8xf32, #tpu.memory_space<vmem>>
        tpu.enqueue_dma source(%dma_start3A_143 : memref<4096x8xf32, #tpu.memory_space<vmem>>) target(%dma_start3A_139 : memref<4096x8xf32, #tpu.memory_space<hbm>>) target_semaphore(%arg10 : memref<!tpu.dma_semaphore, #tpu.memory_space<semaphore_mem>>)
      }
      %scan3A_47 = arith.constant 32 : i32
      %add3A_48 = arith.constant 120 : i32
      %add3A_49 = arith.addi %mul3A_4, %add3A_48 : i32
      %mul3A_50 = arith.constant 1024 : i32
      %mul3A_51 = arith.muli %add3A_49, %mul3A_50 : i32
      %add3A_52 = arith.constant 3145728 : i32
      %add3A_53 = arith.addi %add3A_52, %mul3A_51 : i32
      %multiple_of3A = tpu.assume_multiple %add3A_53, 4096 : i32
      %dma_wait3A = arith.constant 0 : i32
      %dma_wait3A_54 = arith.constant 0 : i32
      %dma_wait3A_55 = arith.constant 0 : i32
      %dma_wait3A_56 = tpu.memref_slice %arg8[%dma_wait3A, %dma_wait3A_54, %dma_wait3A_55] : memref<2x4096x8xf32, #tpu.memory_space<vmem>> -> memref<1x4096x8xf32, #tpu.memory_space<vmem>>
      %dma_wait3A_57 = tpu.memref_squeeze %dma_wait3A_56 : memref<1x4096x8xf32, #tpu.memory_space<vmem>> -> memref<4096x8xf32, #tpu.memory_space<vmem>>
      %dma_wait3A_58 = arith.constant 0 : i32
      %dma_wait3A_59 = tpu.memref_slice %arg6[%multiple_of3A, %dma_wait3A_58] : memref<4194304x8xf32, #tpu.memory_space<hbm>> -> memref<4096x8xf32, #tpu.memory_space<hbm>>
      %dma_wait3A_60 = arith.constant 0 : i32
      %dma_wait3A_61 = tpu.memref_slice %arg6[%multiple_of3A, %dma_wait3A_60] : memref<4194304x8xf32, #tpu.memory_space<hbm>> -> memref<4096x8xf32, #tpu.memory_space<hbm>>
      %dma_wait3A_62 = arith.constant 0 : i32
      %dma_wait3A_63 = arith.constant 0 : i32
      %dma_wait3A_64 = tpu.memref_slice %arg8[%dma_wait3A, %dma_wait3A_62, %dma_wait3A_63] : memref<2x4096x8xf32, #tpu.memory_space<vmem>> -> memref<1x4096x8xf32, #tpu.memory_space<vmem>>
      %dma_wait3A_65 = tpu.memref_squeeze %dma_wait3A_64 : memref<1x4096x8xf32, #tpu.memory_space<vmem>> -> memref<4096x8xf32, #tpu.memory_space<vmem>>
      tpu.wait_dma2 semaphore(%arg10 : memref<!tpu.dma_semaphore, #tpu.memory_space<semaphore_mem>>) src(%dma_wait3A_65 : memref<4096x8xf32, #tpu.memory_space<vmem>>) dst(%dma_wait3A_61 : memref<4096x8xf32, #tpu.memory_space<hbm>>)
      %add3A_66 = arith.constant 124 : i32
      %add3A_67 = arith.addi %mul3A_4, %add3A_66 : i32
      %mul3A_68 = arith.constant 1024 : i32
      %mul3A_69 = arith.muli %add3A_67, %mul3A_68 : i32
      %add3A_70 = arith.constant 3145728 : i32
      %add3A_71 = arith.addi %add3A_70, %mul3A_69 : i32
      %multiple_of3A_72 = tpu.assume_multiple %add3A_71, 4096 : i32
      %dma_wait3A_73 = arith.constant 1 : i32
      %dma_wait3A_74 = arith.constant 0 : i32
      %dma_wait3A_75 = arith.constant 0 : i32
      %dma_wait3A_76 = tpu.memref_slice %arg8[%dma_wait3A_73, %dma_wait3A_74, %dma_wait3A_75] : memref<2x4096x8xf32, #tpu.memory_space<vmem>> -> memref<1x4096x8xf32, #tpu.memory_space<vmem>>
      %dma_wait3A_77 = tpu.memref_squeeze %dma_wait3A_76 : memref<1x4096x8xf32, #tpu.memory_space<vmem>> -> memref<4096x8xf32, #tpu.memory_space<vmem>>
      %dma_wait3A_78 = arith.constant 0 : i32
      %dma_wait3A_79 = tpu.memref_slice %arg6[%multiple_of3A_72, %dma_wait3A_78] : memref<4194304x8xf32, #tpu.memory_space<hbm>> -> memref<4096x8xf32, #tpu.memory_space<hbm>>
      %dma_wait3A_80 = arith.constant 0 : i32
      %dma_wait3A_81 = tpu.memref_slice %arg6[%multiple_of3A_72, %dma_wait3A_80] : memref<4194304x8xf32, #tpu.memory_space<hbm>> -> memref<4096x8xf32, #tpu.memory_space<hbm>>
      %dma_wait3A_82 = arith.constant 0 : i32
      %dma_wait3A_83 = arith.constant 0 : i32
      %dma_wait3A_84 = tpu.memref_slice %arg8[%dma_wait3A_73, %dma_wait3A_82, %dma_wait3A_83] : memref<2x4096x8xf32, #tpu.memory_space<vmem>> -> memref<1x4096x8xf32, #tpu.memory_space<vmem>>
      %dma_wait3A_85 = tpu.memref_squeeze %dma_wait3A_84 : memref<1x4096x8xf32, #tpu.memory_space<vmem>> -> memref<4096x8xf32, #tpu.memory_space<vmem>>
      tpu.wait_dma2 semaphore(%arg10 : memref<!tpu.dma_semaphore, #tpu.memory_space<semaphore_mem>>) src(%dma_wait3A_85 : memref<4096x8xf32, #tpu.memory_space<vmem>>) dst(%dma_wait3A_81 : memref<4096x8xf32, #tpu.memory_space<hbm>>)
    } else {
    }
    return
  }
}

#map = affine_map<(d0, d1) -> (0, 0, 0, 0, 0)>
#map1 = affine_map<(d0, d1) -> (0, 0)>
module attributes {stable_mosaic.version = 14 : i64} {
  func.func @k(%arg0: i32, %arg1: i32, %arg2: memref<4x512x4x2x128xf32, #tpu.memory_space<hbm>>, %arg3: memref<4x64x4x8x128xi32, #tpu.memory_space<hbm>>, %arg4: memref<4194304x8xf32, #tpu.memory_space<hbm>>, %arg5: memref<4x512x4x4x128xf32, #tpu.memory_space<hbm>>, %arg6: memref<3x4x4x2x128xf32, #tpu.memory_space<vmem>>, %arg7: memref<3x4x4x128xi32, #tpu.memory_space<vmem>>, %arg8: memref<2x2x2048xi32, #tpu.memory_space<vmem>>, %arg9: memref<2x2048x8xf32, #tpu.memory_space<vmem>>, %arg10: memref<2x2048x8xf32, #tpu.memory_space<vmem>>, %arg11: memref<2x4x4x4x128xf32, #tpu.memory_space<vmem>>, %arg12: memref<!tpu.dma_semaphore, #tpu.memory_space<semaphore_mem>>, %arg13: memref<!tpu.dma_semaphore, #tpu.memory_space<semaphore_mem>>, %arg14: memref<!tpu.dma_semaphore, #tpu.memory_space<semaphore_mem>>) attributes {dimension_semantics = [#tpu.dimension_semantics<core_parallel>, #tpu.dimension_semantics<subcore_parallel>], iteration_bounds = array<i64: 2, 16>, scalar_prefetch = 0 : i64, scratch_operands = 9 : i64, tpu.core_type = #tpu.core_type<sc_vector_subcore>, window_params = [{transform_indices = #map}, {transform_indices = #map}, {transform_indices = #map1}, {transform_indices = #map}]} {
    %mul3A = arith.constant 2 : i32
    %mul3A_0 = arith.muli %arg1, %mul3A : i32
    %add3A = arith.addi %mul3A_0, %arg0 : i32
    %iota3A = tpu.iota {dimensions = array<i32: 0>} : vector<16xi32>
    %mul3A_1 = arith.constant 64 : i32
    %mul3A_2 = arith.muli %add3A, %mul3A_1 : i32
    %add3A_3 = arith.constant 0 : i32
    %add3A_4 = arith.addi %mul3A_2, %add3A_3 : i32
    %jit3A = arith.constant 512 : i32
    %div3A = arith.divsi %add3A_4, %jit3A : i32
    %sign3A = arith.constant 0 : i32
    %sign3A_5 = arith.cmpi sgt, %add3A_4, %sign3A : i32
    %sign3A_6 = arith.extui %sign3A_5 : i1 to i32
    %sign3A_7 = arith.constant 0 : i32
    %sign3A_8 = arith.cmpi slt, %add3A_4, %sign3A_7 : i32
    %sign3A_9 = arith.extui %sign3A_8 : i1 to i32
    %sign3A_10 = arith.subi %sign3A_6, %sign3A_9 : i32
    %sign3A_11 = arith.constant 0 : i32
    %sign3A_12 = arith.cmpi sgt, %jit3A, %sign3A_11 : i32
    %sign3A_13 = arith.extui %sign3A_12 : i1 to i32
    %sign3A_14 = arith.constant 0 : i32
    %sign3A_15 = arith.cmpi slt, %jit3A, %sign3A_14 : i32
    %sign3A_16 = arith.extui %sign3A_15 : i1 to i32
    %sign3A_17 = arith.subi %sign3A_13, %sign3A_16 : i32
    %ne3A = arith.cmpi ne, %sign3A_10, %sign3A_17 : i32
    %rem3A = arith.remsi %add3A_4, %jit3A : i32
    %ne3A_18 = arith.constant 0 : i32
    %ne3A_19 = arith.cmpi ne, %rem3A, %ne3A_18 : i32
    %and3A = arith.andi %ne3A, %ne3A_19 : i1
    %sub3A = arith.constant 1 : i32
    %sub3A_20 = arith.subi %div3A, %sub3A : i32
    %select_n3A = arith.select %and3A, %sub3A_20, %div3A : i32
    %jit3A_21 = arith.constant 512 : i32
    %eq3A = arith.constant 0 : i32
    %eq3A_22 = arith.cmpi eq, %jit3A_21, %eq3A : i32
    %jit3A_23 = arith.constant 1 : i32
    %select_n3A_24 = arith.select %eq3A_22, %jit3A_23, %jit3A_21 : i32
    %rem3A_25 = arith.remsi %add3A_4, %select_n3A_24 : i32
    %ne3A_26 = arith.constant 0 : i32
    %ne3A_27 = arith.cmpi ne, %rem3A_25, %ne3A_26 : i32
    %lt3A = arith.constant 0 : i32
    %lt3A_28 = arith.cmpi slt, %rem3A_25, %lt3A : i32
    %lt3A_29 = arith.constant 0 : i32
    %lt3A_30 = arith.cmpi slt, %select_n3A_24, %lt3A_29 : i32
    %ne3A_31 = arith.xori %lt3A_28, %lt3A_30 : i1
    %and3A_32 = arith.andi %ne3A_31, %ne3A_27 : i1
    %add3A_33 = arith.addi %rem3A_25, %select_n3A_24 : i32
    %select_n3A_34 = arith.select %and3A_32, %add3A_33, %rem3A_25 : i32
    %dma_start3A = arith.constant 0 : i32
    %dma_start3A_35 = arith.constant 0 : i32
    %dma_start3A_36 = arith.constant 0 : i32
    %dma_start3A_37 = arith.constant 0 : i32
    %dma_start3A_38 = arith.constant 0 : i32
    %dma_start3A_39 = tpu.memref_slice %arg6[%dma_start3A, %dma_start3A_35, %dma_start3A_36, %dma_start3A_37, %dma_start3A_38] : memref<3x4x4x2x128xf32, #tpu.memory_space<vmem>> -> memref<1x4x4x2x128xf32, #tpu.memory_space<vmem>>
    %dma_start3A_40 = tpu.memref_squeeze %dma_start3A_39 : memref<1x4x4x2x128xf32, #tpu.memory_space<vmem>> -> memref<4x4x2x128xf32, #tpu.memory_space<vmem>>
    %dma_start3A_41 = arith.constant 0 : i32
    %dma_start3A_42 = arith.constant 0 : i32
    %dma_start3A_43 = arith.constant 0 : i32
    %dma_start3A_44 = tpu.memref_slice %arg2[%select_n3A, %select_n3A_34, %dma_start3A_41, %dma_start3A_42, %dma_start3A_43] : memref<4x512x4x2x128xf32, #tpu.memory_space<hbm>> -> memref<1x4x4x2x128xf32, #tpu.memory_space<hbm>>
    %dma_start3A_45 = tpu.memref_squeeze %dma_start3A_44 : memref<1x4x4x2x128xf32, #tpu.memory_space<hbm>> -> memref<4x4x2x128xf32, #tpu.memory_space<hbm>>
    %dma_start3A_46 = arith.constant 0 : i32
    %dma_start3A_47 = arith.constant 0 : i32
    %dma_start3A_48 = arith.constant 0 : i32
    %dma_start3A_49 = arith.constant 0 : i32
    %dma_start3A_50 = tpu.memref_slice %arg6[%dma_start3A, %dma_start3A_46, %dma_start3A_47, %dma_start3A_48, %dma_start3A_49] : memref<3x4x4x2x128xf32, #tpu.memory_space<vmem>> -> memref<1x4x4x2x128xf32, #tpu.memory_space<vmem>>
    %dma_start3A_51 = tpu.memref_squeeze %dma_start3A_50 : memref<1x4x4x2x128xf32, #tpu.memory_space<vmem>> -> memref<4x4x2x128xf32, #tpu.memory_space<vmem>>
    %dma_start3A_52 = arith.constant 0 : i32
    %dma_start3A_53 = arith.constant 0 : i32
    %dma_start3A_54 = arith.constant 0 : i32
    %dma_start3A_55 = tpu.memref_slice %arg2[%select_n3A, %select_n3A_34, %dma_start3A_52, %dma_start3A_53, %dma_start3A_54] : memref<4x512x4x2x128xf32, #tpu.memory_space<hbm>> -> memref<1x4x4x2x128xf32, #tpu.memory_space<hbm>>
    %dma_start3A_56 = tpu.memref_squeeze %dma_start3A_55 : memref<1x4x4x2x128xf32, #tpu.memory_space<hbm>> -> memref<4x4x2x128xf32, #tpu.memory_space<hbm>>
    tpu.enqueue_dma source(%dma_start3A_56 : memref<4x4x2x128xf32, #tpu.memory_space<hbm>>) target(%dma_start3A_51 : memref<4x4x2x128xf32, #tpu.memory_space<vmem>>) target_semaphore(%arg12 : memref<!tpu.dma_semaphore, #tpu.memory_space<semaphore_mem>>)
    %jit3A_57 = arith.constant 8 : i32
    %div3A_58 = arith.divsi %select_n3A_34, %jit3A_57 : i32
    %sign3A_59 = arith.constant 0 : i32
    %sign3A_60 = arith.cmpi sgt, %select_n3A_34, %sign3A_59 : i32
    %sign3A_61 = arith.extui %sign3A_60 : i1 to i32
    %sign3A_62 = arith.constant 0 : i32
    %sign3A_63 = arith.cmpi slt, %select_n3A_34, %sign3A_62 : i32
    %sign3A_64 = arith.extui %sign3A_63 : i1 to i32
    %sign3A_65 = arith.subi %sign3A_61, %sign3A_64 : i32
    %sign3A_66 = arith.constant 0 : i32
    %sign3A_67 = arith.cmpi sgt, %jit3A_57, %sign3A_66 : i32
    %sign3A_68 = arith.extui %sign3A_67 : i1 to i32
    %sign3A_69 = arith.constant 0 : i32
    %sign3A_70 = arith.cmpi slt, %jit3A_57, %sign3A_69 : i32
    %sign3A_71 = arith.extui %sign3A_70 : i1 to i32
    %sign3A_72 = arith.subi %sign3A_68, %sign3A_71 : i32
    %ne3A_73 = arith.cmpi ne, %sign3A_65, %sign3A_72 : i32
    %rem3A_74 = arith.remsi %select_n3A_34, %jit3A_57 : i32
    %ne3A_75 = arith.constant 0 : i32
    %ne3A_76 = arith.cmpi ne, %rem3A_74, %ne3A_75 : i32
    %and3A_77 = arith.andi %ne3A_73, %ne3A_76 : i1
    %sub3A_78 = arith.constant 1 : i32
    %sub3A_79 = arith.subi %div3A_58, %sub3A_78 : i32
    %select_n3A_80 = arith.select %and3A_77, %sub3A_79, %div3A_58 : i32
    %jit3A_81 = arith.constant 8 : i32
    %eq3A_82 = arith.constant 0 : i32
    %eq3A_83 = arith.cmpi eq, %jit3A_81, %eq3A_82 : i32
    %jit3A_84 = arith.constant 1 : i32
    %select_n3A_85 = arith.select %eq3A_83, %jit3A_84, %jit3A_81 : i32
    %rem3A_86 = arith.remsi %select_n3A_34, %select_n3A_85 : i32
    %ne3A_87 = arith.constant 0 : i32
    %ne3A_88 = arith.cmpi ne, %rem3A_86, %ne3A_87 : i32
    %lt3A_89 = arith.constant 0 : i32
    %lt3A_90 = arith.cmpi slt, %rem3A_86, %lt3A_89 : i32
    %lt3A_91 = arith.constant 0 : i32
    %lt3A_92 = arith.cmpi slt, %select_n3A_85, %lt3A_91 : i32
    %ne3A_93 = arith.xori %lt3A_90, %lt3A_92 : i1
    %and3A_94 = arith.andi %ne3A_93, %ne3A_88 : i1
    %add3A_95 = arith.addi %rem3A_86, %select_n3A_85 : i32
    %select_n3A_96 = arith.select %and3A_94, %add3A_95, %rem3A_86 : i32
    %dma_start3A_97 = arith.constant 0 : i32
    %dma_start3A_98 = arith.constant 0 : i32
    %dma_start3A_99 = arith.constant 0 : i32
    %dma_start3A_100 = arith.constant 0 : i32
    %dma_start3A_101 = tpu.memref_slice %arg7[%dma_start3A_97, %dma_start3A_98, %dma_start3A_99, %dma_start3A_100] : memref<3x4x4x128xi32, #tpu.memory_space<vmem>> -> memref<1x4x4x128xi32, #tpu.memory_space<vmem>>
    %dma_start3A_102 = tpu.memref_squeeze %dma_start3A_101 : memref<1x4x4x128xi32, #tpu.memory_space<vmem>> -> memref<4x4x128xi32, #tpu.memory_space<vmem>>
    %dma_start3A_103 = arith.constant 0 : i32
    %dma_start3A_104 = arith.constant 0 : i32
    %dma_start3A_105 = tpu.memref_slice %arg3[%select_n3A, %select_n3A_80, %dma_start3A_103, %select_n3A_96, %dma_start3A_104] : memref<4x64x4x8x128xi32, #tpu.memory_space<hbm>> -> memref<1x1x4x4x128xi32, #tpu.memory_space<hbm>>
    %dma_start3A_106 = tpu.memref_squeeze %dma_start3A_105 : memref<1x1x4x4x128xi32, #tpu.memory_space<hbm>> -> memref<4x4x128xi32, #tpu.memory_space<hbm>>
    %dma_start3A_107 = arith.constant 0 : i32
    %dma_start3A_108 = arith.constant 0 : i32
    %dma_start3A_109 = arith.constant 0 : i32
    %dma_start3A_110 = tpu.memref_slice %arg7[%dma_start3A_97, %dma_start3A_107, %dma_start3A_108, %dma_start3A_109] : memref<3x4x4x128xi32, #tpu.memory_space<vmem>> -> memref<1x4x4x128xi32, #tpu.memory_space<vmem>>
    %dma_start3A_111 = tpu.memref_squeeze %dma_start3A_110 : memref<1x4x4x128xi32, #tpu.memory_space<vmem>> -> memref<4x4x128xi32, #tpu.memory_space<vmem>>
    %dma_start3A_112 = arith.constant 0 : i32
    %dma_start3A_113 = arith.constant 0 : i32
    %dma_start3A_114 = tpu.memref_slice %arg3[%select_n3A, %select_n3A_80, %dma_start3A_112, %select_n3A_96, %dma_start3A_113] : memref<4x64x4x8x128xi32, #tpu.memory_space<hbm>> -> memref<1x1x4x4x128xi32, #tpu.memory_space<hbm>>
    %dma_start3A_115 = tpu.memref_squeeze %dma_start3A_114 : memref<1x1x4x4x128xi32, #tpu.memory_space<hbm>> -> memref<4x4x128xi32, #tpu.memory_space<hbm>>
    tpu.enqueue_dma source(%dma_start3A_115 : memref<4x4x128xi32, #tpu.memory_space<hbm>>) target(%dma_start3A_111 : memref<4x4x128xi32, #tpu.memory_space<vmem>>) target_semaphore(%arg12 : memref<!tpu.dma_semaphore, #tpu.memory_space<semaphore_mem>>)
    %scan3A = arith.constant 0 : i32
    %scan3A_116 = arith.constant 16 : i32
    %scan3A_117 = arith.addi %scan3A, %scan3A_116 : i32
    %scan3A_118 = arith.constant 1 : i32
    scf.for %scan3A_415 = %scan3A to %scan3A_117 step %scan3A_118  : i32 {
      %and3A_416 = arith.constant 1 : i32
      %and3A_417 = arith.andi %scan3A_415, %and3A_416 : i32
      %jit3A_418 = arith.constant 3 : i32
      %eq3A_419 = arith.constant 0 : i32
      %eq3A_420 = arith.cmpi eq, %jit3A_418, %eq3A_419 : i32
      %jit3A_421 = arith.constant 1 : i32
      %select_n3A_422 = arith.select %eq3A_420, %jit3A_421, %jit3A_418 : i32
      %rem3A_423 = arith.remsi %scan3A_415, %select_n3A_422 : i32
      %ne3A_424 = arith.constant 0 : i32
      %ne3A_425 = arith.cmpi ne, %rem3A_423, %ne3A_424 : i32
      %lt3A_426 = arith.constant 0 : i32
      %lt3A_427 = arith.cmpi slt, %rem3A_423, %lt3A_426 : i32
      %lt3A_428 = arith.constant 0 : i32
      %lt3A_429 = arith.cmpi slt, %select_n3A_422, %lt3A_428 : i32
      %ne3A_430 = arith.xori %lt3A_427, %lt3A_429 : i1
      %and3A_431 = arith.andi %ne3A_430, %ne3A_425 : i1
      %add3A_432 = arith.addi %rem3A_423, %select_n3A_422 : i32
      %select_n3A_433 = arith.select %and3A_431, %add3A_432, %rem3A_423 : i32
      %mul3A_434 = arith.constant 64 : i32
      %mul3A_435 = arith.muli %add3A, %mul3A_434 : i32
      %mul3A_436 = arith.constant 4 : i32
      %mul3A_437 = arith.muli %scan3A_415, %mul3A_436 : i32
      %add3A_438 = arith.addi %mul3A_435, %mul3A_437 : i32
      %jit3A_439 = arith.constant 512 : i32
      %div3A_440 = arith.divsi %add3A_438, %jit3A_439 : i32
      %sign3A_441 = arith.constant 0 : i32
      %sign3A_442 = arith.cmpi sgt, %add3A_438, %sign3A_441 : i32
      %sign3A_443 = arith.extui %sign3A_442 : i1 to i32
      %sign3A_444 = arith.constant 0 : i32
      %sign3A_445 = arith.cmpi slt, %add3A_438, %sign3A_444 : i32
      %sign3A_446 = arith.extui %sign3A_445 : i1 to i32
      %sign3A_447 = arith.subi %sign3A_443, %sign3A_446 : i32
      %sign3A_448 = arith.constant 0 : i32
      %sign3A_449 = arith.cmpi sgt, %jit3A_439, %sign3A_448 : i32
      %sign3A_450 = arith.extui %sign3A_449 : i1 to i32
      %sign3A_451 = arith.constant 0 : i32
      %sign3A_452 = arith.cmpi slt, %jit3A_439, %sign3A_451 : i32
      %sign3A_453 = arith.extui %sign3A_452 : i1 to i32
      %sign3A_454 = arith.subi %sign3A_450, %sign3A_453 : i32
      %ne3A_455 = arith.cmpi ne, %sign3A_447, %sign3A_454 : i32
      %rem3A_456 = arith.remsi %add3A_438, %jit3A_439 : i32
      %ne3A_457 = arith.constant 0 : i32
      %ne3A_458 = arith.cmpi ne, %rem3A_456, %ne3A_457 : i32
      %and3A_459 = arith.andi %ne3A_455, %ne3A_458 : i1
      %sub3A_460 = arith.constant 1 : i32
      %sub3A_461 = arith.subi %div3A_440, %sub3A_460 : i32
      %select_n3A_462 = arith.select %and3A_459, %sub3A_461, %div3A_440 : i32
      %jit3A_463 = arith.constant 512 : i32
      %eq3A_464 = arith.constant 0 : i32
      %eq3A_465 = arith.cmpi eq, %jit3A_463, %eq3A_464 : i32
      %jit3A_466 = arith.constant 1 : i32
      %select_n3A_467 = arith.select %eq3A_465, %jit3A_466, %jit3A_463 : i32
      %rem3A_468 = arith.remsi %add3A_438, %select_n3A_467 : i32
      %ne3A_469 = arith.constant 0 : i32
      %ne3A_470 = arith.cmpi ne, %rem3A_468, %ne3A_469 : i32
      %lt3A_471 = arith.constant 0 : i32
      %lt3A_472 = arith.cmpi slt, %rem3A_468, %lt3A_471 : i32
      %lt3A_473 = arith.constant 0 : i32
      %lt3A_474 = arith.cmpi slt, %select_n3A_467, %lt3A_473 : i32
      %ne3A_475 = arith.xori %lt3A_472, %lt3A_474 : i1
      %and3A_476 = arith.andi %ne3A_475, %ne3A_470 : i1
      %add3A_477 = arith.addi %rem3A_468, %select_n3A_467 : i32
      %select_n3A_478 = arith.select %and3A_476, %add3A_477, %rem3A_468 : i32
      %dma_wait3A_479 = arith.constant 0 : i32
      %dma_wait3A_480 = arith.constant 0 : i32
      %dma_wait3A_481 = arith.constant 0 : i32
      %dma_wait3A_482 = arith.constant 0 : i32
      %dma_wait3A_483 = tpu.memref_slice %arg6[%select_n3A_433, %dma_wait3A_479, %dma_wait3A_480, %dma_wait3A_481, %dma_wait3A_482] : memref<3x4x4x2x128xf32, #tpu.memory_space<vmem>> -> memref<1x4x4x2x128xf32, #tpu.memory_space<vmem>>
      %dma_wait3A_484 = tpu.memref_squeeze %dma_wait3A_483 : memref<1x4x4x2x128xf32, #tpu.memory_space<vmem>> -> memref<4x4x2x128xf32, #tpu.memory_space<vmem>>
      %dma_wait3A_485 = arith.constant 0 : i32
      %dma_wait3A_486 = arith.constant 0 : i32
      %dma_wait3A_487 = arith.constant 0 : i32
      %dma_wait3A_488 = tpu.memref_slice %arg2[%select_n3A_462, %select_n3A_478, %dma_wait3A_485, %dma_wait3A_486, %dma_wait3A_487] : memref<4x512x4x2x128xf32, #tpu.memory_space<hbm>> -> memref<1x4x4x2x128xf32, #tpu.memory_space<hbm>>
      %dma_wait3A_489 = tpu.memref_squeeze %dma_wait3A_488 : memref<1x4x4x2x128xf32, #tpu.memory_space<hbm>> -> memref<4x4x2x128xf32, #tpu.memory_space<hbm>>
      %dma_wait3A_490 = arith.constant 0 : i32
      %dma_wait3A_491 = arith.constant 0 : i32
      %dma_wait3A_492 = arith.constant 0 : i32
      %dma_wait3A_493 = arith.constant 0 : i32
      %dma_wait3A_494 = tpu.memref_slice %arg6[%select_n3A_433, %dma_wait3A_490, %dma_wait3A_491, %dma_wait3A_492, %dma_wait3A_493] : memref<3x4x4x2x128xf32, #tpu.memory_space<vmem>> -> memref<1x4x4x2x128xf32, #tpu.memory_space<vmem>>
      %dma_wait3A_495 = tpu.memref_squeeze %dma_wait3A_494 : memref<1x4x4x2x128xf32, #tpu.memory_space<vmem>> -> memref<4x4x2x128xf32, #tpu.memory_space<vmem>>
      %dma_wait3A_496 = arith.constant 0 : i32
      %dma_wait3A_497 = arith.constant 0 : i32
      %dma_wait3A_498 = arith.constant 0 : i32
      %dma_wait3A_499 = tpu.memref_slice %arg2[%select_n3A_462, %select_n3A_478, %dma_wait3A_496, %dma_wait3A_497, %dma_wait3A_498] : memref<4x512x4x2x128xf32, #tpu.memory_space<hbm>> -> memref<1x4x4x2x128xf32, #tpu.memory_space<hbm>>
      %dma_wait3A_500 = tpu.memref_squeeze %dma_wait3A_499 : memref<1x4x4x2x128xf32, #tpu.memory_space<hbm>> -> memref<4x4x2x128xf32, #tpu.memory_space<hbm>>
      tpu.wait_dma2 semaphore(%arg12 : memref<!tpu.dma_semaphore, #tpu.memory_space<semaphore_mem>>) src(%dma_wait3A_500 : memref<4x4x2x128xf32, #tpu.memory_space<hbm>>) dst(%dma_wait3A_495 : memref<4x4x2x128xf32, #tpu.memory_space<vmem>>)
      %jit3A_501 = arith.constant 8 : i32
      %div3A_502 = arith.divsi %select_n3A_478, %jit3A_501 : i32
      %sign3A_503 = arith.constant 0 : i32
      %sign3A_504 = arith.cmpi sgt, %select_n3A_478, %sign3A_503 : i32
      %sign3A_505 = arith.extui %sign3A_504 : i1 to i32
      %sign3A_506 = arith.constant 0 : i32
      %sign3A_507 = arith.cmpi slt, %select_n3A_478, %sign3A_506 : i32
      %sign3A_508 = arith.extui %sign3A_507 : i1 to i32
      %sign3A_509 = arith.subi %sign3A_505, %sign3A_508 : i32
      %sign3A_510 = arith.constant 0 : i32
      %sign3A_511 = arith.cmpi sgt, %jit3A_501, %sign3A_510 : i32
      %sign3A_512 = arith.extui %sign3A_511 : i1 to i32
      %sign3A_513 = arith.constant 0 : i32
      %sign3A_514 = arith.cmpi slt, %jit3A_501, %sign3A_513 : i32
      %sign3A_515 = arith.extui %sign3A_514 : i1 to i32
      %sign3A_516 = arith.subi %sign3A_512, %sign3A_515 : i32
      %ne3A_517 = arith.cmpi ne, %sign3A_509, %sign3A_516 : i32
      %rem3A_518 = arith.remsi %select_n3A_478, %jit3A_501 : i32
      %ne3A_519 = arith.constant 0 : i32
      %ne3A_520 = arith.cmpi ne, %rem3A_518, %ne3A_519 : i32
      %and3A_521 = arith.andi %ne3A_517, %ne3A_520 : i1
      %sub3A_522 = arith.constant 1 : i32
      %sub3A_523 = arith.subi %div3A_502, %sub3A_522 : i32
      %select_n3A_524 = arith.select %and3A_521, %sub3A_523, %div3A_502 : i32
      %jit3A_525 = arith.constant 8 : i32
      %eq3A_526 = arith.constant 0 : i32
      %eq3A_527 = arith.cmpi eq, %jit3A_525, %eq3A_526 : i32
      %jit3A_528 = arith.constant 1 : i32
      %select_n3A_529 = arith.select %eq3A_527, %jit3A_528, %jit3A_525 : i32
      %rem3A_530 = arith.remsi %select_n3A_478, %select_n3A_529 : i32
      %ne3A_531 = arith.constant 0 : i32
      %ne3A_532 = arith.cmpi ne, %rem3A_530, %ne3A_531 : i32
      %lt3A_533 = arith.constant 0 : i32
      %lt3A_534 = arith.cmpi slt, %rem3A_530, %lt3A_533 : i32
      %lt3A_535 = arith.constant 0 : i32
      %lt3A_536 = arith.cmpi slt, %select_n3A_529, %lt3A_535 : i32
      %ne3A_537 = arith.xori %lt3A_534, %lt3A_536 : i1
      %and3A_538 = arith.andi %ne3A_537, %ne3A_532 : i1
      %add3A_539 = arith.addi %rem3A_530, %select_n3A_529 : i32
      %select_n3A_540 = arith.select %and3A_538, %add3A_539, %rem3A_530 : i32
      %dma_wait3A_541 = arith.constant 0 : i32
      %dma_wait3A_542 = arith.constant 0 : i32
      %dma_wait3A_543 = arith.constant 0 : i32
      %dma_wait3A_544 = tpu.memref_slice %arg7[%select_n3A_433, %dma_wait3A_541, %dma_wait3A_542, %dma_wait3A_543] : memref<3x4x4x128xi32, #tpu.memory_space<vmem>> -> memref<1x4x4x128xi32, #tpu.memory_space<vmem>>
      %dma_wait3A_545 = tpu.memref_squeeze %dma_wait3A_544 : memref<1x4x4x128xi32, #tpu.memory_space<vmem>> -> memref<4x4x128xi32, #tpu.memory_space<vmem>>
      %dma_wait3A_546 = arith.constant 0 : i32
      %dma_wait3A_547 = arith.constant 0 : i32
      %dma_wait3A_548 = tpu.memref_slice %arg3[%select_n3A_462, %select_n3A_524, %dma_wait3A_546, %select_n3A_540, %dma_wait3A_547] : memref<4x64x4x8x128xi32, #tpu.memory_space<hbm>> -> memref<1x1x4x4x128xi32, #tpu.memory_space<hbm>>
      %dma_wait3A_549 = tpu.memref_squeeze %dma_wait3A_548 : memref<1x1x4x4x128xi32, #tpu.memory_space<hbm>> -> memref<4x4x128xi32, #tpu.memory_space<hbm>>
      %dma_wait3A_550 = arith.constant 0 : i32
      %dma_wait3A_551 = arith.constant 0 : i32
      %dma_wait3A_552 = arith.constant 0 : i32
      %dma_wait3A_553 = tpu.memref_slice %arg7[%select_n3A_433, %dma_wait3A_550, %dma_wait3A_551, %dma_wait3A_552] : memref<3x4x4x128xi32, #tpu.memory_space<vmem>> -> memref<1x4x4x128xi32, #tpu.memory_space<vmem>>
      %dma_wait3A_554 = tpu.memref_squeeze %dma_wait3A_553 : memref<1x4x4x128xi32, #tpu.memory_space<vmem>> -> memref<4x4x128xi32, #tpu.memory_space<vmem>>
      %dma_wait3A_555 = arith.constant 0 : i32
      %dma_wait3A_556 = arith.constant 0 : i32
      %dma_wait3A_557 = tpu.memref_slice %arg3[%select_n3A_462, %select_n3A_524, %dma_wait3A_555, %select_n3A_540, %dma_wait3A_556] : memref<4x64x4x8x128xi32, #tpu.memory_space<hbm>> -> memref<1x1x4x4x128xi32, #tpu.memory_space<hbm>>
      %dma_wait3A_558 = tpu.memref_squeeze %dma_wait3A_557 : memref<1x1x4x4x128xi32, #tpu.memory_space<hbm>> -> memref<4x4x128xi32, #tpu.memory_space<hbm>>
      tpu.wait_dma2 semaphore(%arg12 : memref<!tpu.dma_semaphore, #tpu.memory_space<semaphore_mem>>) src(%dma_wait3A_558 : memref<4x4x128xi32, #tpu.memory_space<hbm>>) dst(%dma_wait3A_554 : memref<4x4x128xi32, #tpu.memory_space<vmem>>)
      %add3A_559 = arith.constant 1 : i32
      %add3A_560 = arith.addi %scan3A_415, %add3A_559 : i32
      %lt3A_561 = arith.constant 16 : i32
      %lt3A_562 = arith.cmpi slt, %add3A_560, %lt3A_561 : i32
      %convert_element_type3A = arith.extui %lt3A_562 : i1 to i32
      %cond3A = arith.constant 0 : i32
      %cond3A_563 = arith.cmpi ne, %convert_element_type3A, %cond3A : i32
      scf.if %cond3A_563 {
        %add3A_593 = arith.constant 1 : i32
        %add3A_594 = arith.addi %scan3A_415, %add3A_593 : i32
        %add3A_595 = arith.constant 1 : i32
        %add3A_596 = arith.addi %scan3A_415, %add3A_595 : i32
        %jit3A_597 = arith.constant 3 : i32
        %eq3A_598 = arith.constant 0 : i32
        %eq3A_599 = arith.cmpi eq, %jit3A_597, %eq3A_598 : i32
        %jit3A_600 = arith.constant 1 : i32
        %select_n3A_601 = arith.select %eq3A_599, %jit3A_600, %jit3A_597 : i32
        %rem3A_602 = arith.remsi %add3A_596, %select_n3A_601 : i32
        %ne3A_603 = arith.constant 0 : i32
        %ne3A_604 = arith.cmpi ne, %rem3A_602, %ne3A_603 : i32
        %lt3A_605 = arith.constant 0 : i32
        %lt3A_606 = arith.cmpi slt, %rem3A_602, %lt3A_605 : i32
        %lt3A_607 = arith.constant 0 : i32
        %lt3A_608 = arith.cmpi slt, %select_n3A_601, %lt3A_607 : i32
        %ne3A_609 = arith.xori %lt3A_606, %lt3A_608 : i1
        %and3A_610 = arith.andi %ne3A_609, %ne3A_604 : i1
        %add3A_611 = arith.addi %rem3A_602, %select_n3A_601 : i32
        %select_n3A_612 = arith.select %and3A_610, %add3A_611, %rem3A_602 : i32
        %mul3A_613 = arith.constant 64 : i32
        %mul3A_614 = arith.muli %add3A, %mul3A_613 : i32
        %mul3A_615 = arith.constant 4 : i32
        %mul3A_616 = arith.muli %add3A_594, %mul3A_615 : i32
        %add3A_617 = arith.addi %mul3A_614, %mul3A_616 : i32
        %jit3A_618 = arith.constant 512 : i32
        %div3A_619 = arith.divsi %add3A_617, %jit3A_618 : i32
        %sign3A_620 = arith.constant 0 : i32
        %sign3A_621 = arith.cmpi sgt, %add3A_617, %sign3A_620 : i32
        %sign3A_622 = arith.extui %sign3A_621 : i1 to i32
        %sign3A_623 = arith.constant 0 : i32
        %sign3A_624 = arith.cmpi slt, %add3A_617, %sign3A_623 : i32
        %sign3A_625 = arith.extui %sign3A_624 : i1 to i32
        %sign3A_626 = arith.subi %sign3A_622, %sign3A_625 : i32
        %sign3A_627 = arith.constant 0 : i32
        %sign3A_628 = arith.cmpi sgt, %jit3A_618, %sign3A_627 : i32
        %sign3A_629 = arith.extui %sign3A_628 : i1 to i32
        %sign3A_630 = arith.constant 0 : i32
        %sign3A_631 = arith.cmpi slt, %jit3A_618, %sign3A_630 : i32
        %sign3A_632 = arith.extui %sign3A_631 : i1 to i32
        %sign3A_633 = arith.subi %sign3A_629, %sign3A_632 : i32
        %ne3A_634 = arith.cmpi ne, %sign3A_626, %sign3A_633 : i32
        %rem3A_635 = arith.remsi %add3A_617, %jit3A_618 : i32
        %ne3A_636 = arith.constant 0 : i32
        %ne3A_637 = arith.cmpi ne, %rem3A_635, %ne3A_636 : i32
        %and3A_638 = arith.andi %ne3A_634, %ne3A_637 : i1
        %sub3A_639 = arith.constant 1 : i32
        %sub3A_640 = arith.subi %div3A_619, %sub3A_639 : i32
        %select_n3A_641 = arith.select %and3A_638, %sub3A_640, %div3A_619 : i32
        %jit3A_642 = arith.constant 512 : i32
        %eq3A_643 = arith.constant 0 : i32
        %eq3A_644 = arith.cmpi eq, %jit3A_642, %eq3A_643 : i32
        %jit3A_645 = arith.constant 1 : i32
        %select_n3A_646 = arith.select %eq3A_644, %jit3A_645, %jit3A_642 : i32
        %rem3A_647 = arith.remsi %add3A_617, %select_n3A_646 : i32
        %ne3A_648 = arith.constant 0 : i32
        %ne3A_649 = arith.cmpi ne, %rem3A_647, %ne3A_648 : i32
        %lt3A_650 = arith.constant 0 : i32
        %lt3A_651 = arith.cmpi slt, %rem3A_647, %lt3A_650 : i32
        %lt3A_652 = arith.constant 0 : i32
        %lt3A_653 = arith.cmpi slt, %select_n3A_646, %lt3A_652 : i32
        %ne3A_654 = arith.xori %lt3A_651, %lt3A_653 : i1
        %and3A_655 = arith.andi %ne3A_654, %ne3A_649 : i1
        %add3A_656 = arith.addi %rem3A_647, %select_n3A_646 : i32
        %select_n3A_657 = arith.select %and3A_655, %add3A_656, %rem3A_647 : i32
        %dma_start3A_658 = arith.constant 0 : i32
        %dma_start3A_659 = arith.constant 0 : i32
        %dma_start3A_660 = arith.constant 0 : i32
        %dma_start3A_661 = arith.constant 0 : i32
        %dma_start3A_662 = tpu.memref_slice %arg6[%select_n3A_612, %dma_start3A_658, %dma_start3A_659, %dma_start3A_660, %dma_start3A_661] : memref<3x4x4x2x128xf32, #tpu.memory_space<vmem>> -> memref<1x4x4x2x128xf32, #tpu.memory_space<vmem>>
        %dma_start3A_663 = tpu.memref_squeeze %dma_start3A_662 : memref<1x4x4x2x128xf32, #tpu.memory_space<vmem>> -> memref<4x4x2x128xf32, #tpu.memory_space<vmem>>
        %dma_start3A_664 = arith.constant 0 : i32
        %dma_start3A_665 = arith.constant 0 : i32
        %dma_start3A_666 = arith.constant 0 : i32
        %dma_start3A_667 = tpu.memref_slice %arg2[%select_n3A_641, %select_n3A_657, %dma_start3A_664, %dma_start3A_665, %dma_start3A_666] : memref<4x512x4x2x128xf32, #tpu.memory_space<hbm>> -> memref<1x4x4x2x128xf32, #tpu.memory_space<hbm>>
        %dma_start3A_668 = tpu.memref_squeeze %dma_start3A_667 : memref<1x4x4x2x128xf32, #tpu.memory_space<hbm>> -> memref<4x4x2x128xf32, #tpu.memory_space<hbm>>
        %dma_start3A_669 = arith.constant 0 : i32
        %dma_start3A_670 = arith.constant 0 : i32
        %dma_start3A_671 = arith.constant 0 : i32
        %dma_start3A_672 = arith.constant 0 : i32
        %dma_start3A_673 = tpu.memref_slice %arg6[%select_n3A_612, %dma_start3A_669, %dma_start3A_670, %dma_start3A_671, %dma_start3A_672] : memref<3x4x4x2x128xf32, #tpu.memory_space<vmem>> -> memref<1x4x4x2x128xf32, #tpu.memory_space<vmem>>
        %dma_start3A_674 = tpu.memref_squeeze %dma_start3A_673 : memref<1x4x4x2x128xf32, #tpu.memory_space<vmem>> -> memref<4x4x2x128xf32, #tpu.memory_space<vmem>>
        %dma_start3A_675 = arith.constant 0 : i32
        %dma_start3A_676 = arith.constant 0 : i32
        %dma_start3A_677 = arith.constant 0 : i32
        %dma_start3A_678 = tpu.memref_slice %arg2[%select_n3A_641, %select_n3A_657, %dma_start3A_675, %dma_start3A_676, %dma_start3A_677] : memref<4x512x4x2x128xf32, #tpu.memory_space<hbm>> -> memref<1x4x4x2x128xf32, #tpu.memory_space<hbm>>
        %dma_start3A_679 = tpu.memref_squeeze %dma_start3A_678 : memref<1x4x4x2x128xf32, #tpu.memory_space<hbm>> -> memref<4x4x2x128xf32, #tpu.memory_space<hbm>>
        tpu.enqueue_dma source(%dma_start3A_679 : memref<4x4x2x128xf32, #tpu.memory_space<hbm>>) target(%dma_start3A_674 : memref<4x4x2x128xf32, #tpu.memory_space<vmem>>) target_semaphore(%arg12 : memref<!tpu.dma_semaphore, #tpu.memory_space<semaphore_mem>>)
        %jit3A_680 = arith.constant 8 : i32
        %div3A_681 = arith.divsi %select_n3A_657, %jit3A_680 : i32
        %sign3A_682 = arith.constant 0 : i32
        %sign3A_683 = arith.cmpi sgt, %select_n3A_657, %sign3A_682 : i32
        %sign3A_684 = arith.extui %sign3A_683 : i1 to i32
        %sign3A_685 = arith.constant 0 : i32
        %sign3A_686 = arith.cmpi slt, %select_n3A_657, %sign3A_685 : i32
        %sign3A_687 = arith.extui %sign3A_686 : i1 to i32
        %sign3A_688 = arith.subi %sign3A_684, %sign3A_687 : i32
        %sign3A_689 = arith.constant 0 : i32
        %sign3A_690 = arith.cmpi sgt, %jit3A_680, %sign3A_689 : i32
        %sign3A_691 = arith.extui %sign3A_690 : i1 to i32
        %sign3A_692 = arith.constant 0 : i32
        %sign3A_693 = arith.cmpi slt, %jit3A_680, %sign3A_692 : i32
        %sign3A_694 = arith.extui %sign3A_693 : i1 to i32
        %sign3A_695 = arith.subi %sign3A_691, %sign3A_694 : i32
        %ne3A_696 = arith.cmpi ne, %sign3A_688, %sign3A_695 : i32
        %rem3A_697 = arith.remsi %select_n3A_657, %jit3A_680 : i32
        %ne3A_698 = arith.constant 0 : i32
        %ne3A_699 = arith.cmpi ne, %rem3A_697, %ne3A_698 : i32
        %and3A_700 = arith.andi %ne3A_696, %ne3A_699 : i1
        %sub3A_701 = arith.constant 1 : i32
        %sub3A_702 = arith.subi %div3A_681, %sub3A_701 : i32
        %select_n3A_703 = arith.select %and3A_700, %sub3A_702, %div3A_681 : i32
        %jit3A_704 = arith.constant 8 : i32
        %eq3A_705 = arith.constant 0 : i32
        %eq3A_706 = arith.cmpi eq, %jit3A_704, %eq3A_705 : i32
        %jit3A_707 = arith.constant 1 : i32
        %select_n3A_708 = arith.select %eq3A_706, %jit3A_707, %jit3A_704 : i32
        %rem3A_709 = arith.remsi %select_n3A_657, %select_n3A_708 : i32
        %ne3A_710 = arith.constant 0 : i32
        %ne3A_711 = arith.cmpi ne, %rem3A_709, %ne3A_710 : i32
        %lt3A_712 = arith.constant 0 : i32
        %lt3A_713 = arith.cmpi slt, %rem3A_709, %lt3A_712 : i32
        %lt3A_714 = arith.constant 0 : i32
        %lt3A_715 = arith.cmpi slt, %select_n3A_708, %lt3A_714 : i32
        %ne3A_716 = arith.xori %lt3A_713, %lt3A_715 : i1
        %and3A_717 = arith.andi %ne3A_716, %ne3A_711 : i1
        %add3A_718 = arith.addi %rem3A_709, %select_n3A_708 : i32
        %select_n3A_719 = arith.select %and3A_717, %add3A_718, %rem3A_709 : i32
        %dma_start3A_720 = arith.constant 0 : i32
        %dma_start3A_721 = arith.constant 0 : i32
        %dma_start3A_722 = arith.constant 0 : i32
        %dma_start3A_723 = tpu.memref_slice %arg7[%select_n3A_612, %dma_start3A_720, %dma_start3A_721, %dma_start3A_722] : memref<3x4x4x128xi32, #tpu.memory_space<vmem>> -> memref<1x4x4x128xi32, #tpu.memory_space<vmem>>
        %dma_start3A_724 = tpu.memref_squeeze %dma_start3A_723 : memref<1x4x4x128xi32, #tpu.memory_space<vmem>> -> memref<4x4x128xi32, #tpu.memory_space<vmem>>
        %dma_start3A_725 = arith.constant 0 : i32
        %dma_start3A_726 = arith.constant 0 : i32
        %dma_start3A_727 = tpu.memref_slice %arg3[%select_n3A_641, %select_n3A_703, %dma_start3A_725, %select_n3A_719, %dma_start3A_726] : memref<4x64x4x8x128xi32, #tpu.memory_space<hbm>> -> memref<1x1x4x4x128xi32, #tpu.memory_space<hbm>>
        %dma_start3A_728 = tpu.memref_squeeze %dma_start3A_727 : memref<1x1x4x4x128xi32, #tpu.memory_space<hbm>> -> memref<4x4x128xi32, #tpu.memory_space<hbm>>
        %dma_start3A_729 = arith.constant 0 : i32
        %dma_start3A_730 = arith.constant 0 : i32
        %dma_start3A_731 = arith.constant 0 : i32
        %dma_start3A_732 = tpu.memref_slice %arg7[%select_n3A_612, %dma_start3A_729, %dma_start3A_730, %dma_start3A_731] : memref<3x4x4x128xi32, #tpu.memory_space<vmem>> -> memref<1x4x4x128xi32, #tpu.memory_space<vmem>>
        %dma_start3A_733 = tpu.memref_squeeze %dma_start3A_732 : memref<1x4x4x128xi32, #tpu.memory_space<vmem>> -> memref<4x4x128xi32, #tpu.memory_space<vmem>>
        %dma_start3A_734 = arith.constant 0 : i32
        %dma_start3A_735 = arith.constant 0 : i32
        %dma_start3A_736 = tpu.memref_slice %arg3[%select_n3A_641, %select_n3A_703, %dma_start3A_734, %select_n3A_719, %dma_start3A_735] : memref<4x64x4x8x128xi32, #tpu.memory_space<hbm>> -> memref<1x1x4x4x128xi32, #tpu.memory_space<hbm>>
        %dma_start3A_737 = tpu.memref_squeeze %dma_start3A_736 : memref<1x1x4x4x128xi32, #tpu.memory_space<hbm>> -> memref<4x4x128xi32, #tpu.memory_space<hbm>>
        tpu.enqueue_dma source(%dma_start3A_737 : memref<4x4x128xi32, #tpu.memory_space<hbm>>) target(%dma_start3A_733 : memref<4x4x128xi32, #tpu.memory_space<vmem>>) target_semaphore(%arg12 : memref<!tpu.dma_semaphore, #tpu.memory_space<semaphore_mem>>)
      } else {
      }
      %parallel_loop3A_564 = arith.constant 0 : i32
      %parallel_loop3A_565 = arith.constant 128 : i32
      %parallel_loop3A_566 = arith.constant 1 : i32
      scf.for %parallel_loop3A_593 = %parallel_loop3A_564 to %parallel_loop3A_565 step %parallel_loop3A_566  : i32 {
        %parallel_loop3A_594 = arith.constant 5 : i32
        %parallel_loop3A_595 = arith.shrsi %parallel_loop3A_593, %parallel_loop3A_594 : i32
        %parallel_loop3A_596 = arith.constant 3 : i32
        %parallel_loop3A_597 = arith.shrsi %parallel_loop3A_593, %parallel_loop3A_596 : i32
        %parallel_loop3A_598 = arith.constant 3 : i32
        %parallel_loop3A_599 = arith.andi %parallel_loop3A_597, %parallel_loop3A_598 : i32
        %parallel_loop3A_600 = arith.constant 7 : i32
        %parallel_loop3A_601 = arith.andi %parallel_loop3A_593, %parallel_loop3A_600 : i32
        %parallel_loop3A_602 = arith.constant 4 : i32
        %parallel_loop3A_603 = arith.shli %parallel_loop3A_601, %parallel_loop3A_602 : i32
        %parallel_loop3A_604 = arith.constant 0 : i32
        %parallel_loop3A_605 = arith.index_cast %select_n3A_433 : i32 to index
        %parallel_loop3A_606 = arith.index_cast %parallel_loop3A_595 : i32 to index
        %parallel_loop3A_607 = arith.index_cast %parallel_loop3A_599 : i32 to index
        %parallel_loop3A_608 = arith.index_cast %parallel_loop3A_604 : i32 to index
        %parallel_loop3A_609 = arith.index_cast %parallel_loop3A_603 : i32 to index
        %parallel_loop3A_610 = tpu.vector_load %arg6[%parallel_loop3A_605, %parallel_loop3A_606, %parallel_loop3A_607, %parallel_loop3A_608, %parallel_loop3A_609] {strides = array<i32>} : memref<3x4x4x2x128xf32, #tpu.memory_space<vmem>>, vector<16xf32>,
        %parallel_loop3A_611 = arith.constant 1 : i32
        %parallel_loop3A_612 = arith.index_cast %select_n3A_433 : i32 to index
        %parallel_loop3A_613 = arith.index_cast %parallel_loop3A_595 : i32 to index
        %parallel_loop3A_614 = arith.index_cast %parallel_loop3A_599 : i32 to index
        %parallel_loop3A_615 = arith.index_cast %parallel_loop3A_611 : i32 to index
        %parallel_loop3A_616 = arith.index_cast %parallel_loop3A_603 : i32 to index
        %parallel_loop3A_617 = tpu.vector_load %arg6[%parallel_loop3A_612, %parallel_loop3A_613, %parallel_loop3A_614, %parallel_loop3A_615, %parallel_loop3A_616] {strides = array<i32>} : memref<3x4x4x2x128xf32, #tpu.memory_space<vmem>>, vector<16xf32>,
        %parallel_loop3A_618 = arith.index_cast %select_n3A_433 : i32 to index
        %parallel_loop3A_619 = arith.index_cast %parallel_loop3A_599 : i32 to index
        %parallel_loop3A_620 = arith.index_cast %parallel_loop3A_595 : i32 to index
        %parallel_loop3A_621 = arith.index_cast %parallel_loop3A_603 : i32 to index
        %parallel_loop3A_622 = tpu.vector_load %arg7[%parallel_loop3A_618, %parallel_loop3A_619, %parallel_loop3A_620, %parallel_loop3A_621] {strides = array<i32>} : memref<3x4x4x128xi32, #tpu.memory_space<vmem>>, vector<16xi32>,
        %parallel_loop3A_623 = arith.constant 1.024000e+03 : f32
        %parallel_loop3A_624 = vector.broadcast %parallel_loop3A_623 : f32 to vector<16xf32>
        %parallel_loop3A_625 = arith.mulf %parallel_loop3A_610, %parallel_loop3A_624 : vector<16xf32>
        %parallel_loop3A_626 = arith.constant 5.000000e-01 : f32
        %parallel_loop3A_627 = vector.broadcast %parallel_loop3A_626 : f32 to vector<16xf32>
        %parallel_loop3A_628 = arith.subf %parallel_loop3A_625, %parallel_loop3A_627 : vector<16xf32>
        %parallel_loop3A_629 = arith.fptosi %parallel_loop3A_628 : vector<16xf32> to vector<16xi32>
        %parallel_loop3A_630 = arith.sitofp %parallel_loop3A_629 : vector<16xi32> to vector<16xf32>
        %parallel_loop3A_631 = arith.cmpf olt, %parallel_loop3A_628, %parallel_loop3A_630 : vector<16xf32>
        %parallel_loop3A_632 = arith.constant 1 : i32
        %parallel_loop3A_633 = vector.broadcast %parallel_loop3A_632 : i32 to vector<16xi32>
        %parallel_loop3A_634 = arith.subi %parallel_loop3A_629, %parallel_loop3A_633 : vector<16xi32>
        %parallel_loop3A_635 = arith.select %parallel_loop3A_631, %parallel_loop3A_634, %parallel_loop3A_629 : vector<16xi1>, vector<16xi32>
        %parallel_loop3A_636 = arith.sitofp %parallel_loop3A_635 : vector<16xi32> to vector<16xf32>
        %parallel_loop3A_637 = arith.subf %parallel_loop3A_628, %parallel_loop3A_636 : vector<16xf32>
        %parallel_loop3A_638 = arith.constant 1.024000e+03 : f32
        %parallel_loop3A_639 = vector.broadcast %parallel_loop3A_638 : f32 to vector<16xf32>
        %parallel_loop3A_640 = arith.mulf %parallel_loop3A_617, %parallel_loop3A_639 : vector<16xf32>
        %parallel_loop3A_641 = arith.constant 5.000000e-01 : f32
        %parallel_loop3A_642 = vector.broadcast %parallel_loop3A_641 : f32 to vector<16xf32>
        %parallel_loop3A_643 = arith.subf %parallel_loop3A_640, %parallel_loop3A_642 : vector<16xf32>
        %parallel_loop3A_644 = arith.fptosi %parallel_loop3A_643 : vector<16xf32> to vector<16xi32>
        %parallel_loop3A_645 = arith.sitofp %parallel_loop3A_644 : vector<16xi32> to vector<16xf32>
        %parallel_loop3A_646 = arith.cmpf olt, %parallel_loop3A_643, %parallel_loop3A_645 : vector<16xf32>
        %parallel_loop3A_647 = arith.constant 1 : i32
        %parallel_loop3A_648 = vector.broadcast %parallel_loop3A_647 : i32 to vector<16xi32>
        %parallel_loop3A_649 = arith.subi %parallel_loop3A_644, %parallel_loop3A_648 : vector<16xi32>
        %parallel_loop3A_650 = arith.select %parallel_loop3A_646, %parallel_loop3A_649, %parallel_loop3A_644 : vector<16xi1>, vector<16xi32>
        %parallel_loop3A_651 = arith.sitofp %parallel_loop3A_650 : vector<16xi32> to vector<16xf32>
        %parallel_loop3A_652 = arith.subf %parallel_loop3A_643, %parallel_loop3A_651 : vector<16xf32>
        %parallel_loop3A_653 = arith.constant 20 : i32
        %parallel_loop3A_654 = vector.broadcast %parallel_loop3A_653 : i32 to vector<16xi32>
        %parallel_loop3A_655 = arith.shli %parallel_loop3A_622, %parallel_loop3A_654 : vector<16xi32>
        %parallel_loop3A_656 = arith.constant 1023 : i32
        %parallel_loop3A_657 = vector.broadcast %parallel_loop3A_656 : i32 to vector<16xi32>
        %parallel_loop3A_658 = arith.andi %parallel_loop3A_635, %parallel_loop3A_657 : vector<16xi32>
        %parallel_loop3A_659 = arith.addi %parallel_loop3A_655, %parallel_loop3A_658 : vector<16xi32>
        %parallel_loop3A_660 = arith.constant 16 : i32
        %parallel_loop3A_661 = arith.muli %parallel_loop3A_593, %parallel_loop3A_660 : i32
        %parallel_loop3A_662 = arith.constant 1023 : i32
        %parallel_loop3A_663 = vector.broadcast %parallel_loop3A_662 : i32 to vector<16xi32>
        %parallel_loop3A_664 = arith.andi %parallel_loop3A_650, %parallel_loop3A_663 : vector<16xi32>
        %parallel_loop3A_665 = arith.constant 10 : i32
        %parallel_loop3A_666 = vector.broadcast %parallel_loop3A_665 : i32 to vector<16xi32>
        %parallel_loop3A_667 = arith.shli %parallel_loop3A_664, %parallel_loop3A_666 : vector<16xi32>
        %parallel_loop3A_668 = arith.addi %parallel_loop3A_659, %parallel_loop3A_667 : vector<16xi32>
        %parallel_loop3A_669 = arith.constant 0 : i32
        %parallel_loop3A_670 = arith.index_cast %and3A_417 : i32 to index
        %parallel_loop3A_671 = arith.index_cast %parallel_loop3A_669 : i32 to index
        %parallel_loop3A_672 = arith.index_cast %parallel_loop3A_661 : i32 to index
        %parallel_loop3A_673 = tpu.vector_load %arg8[%parallel_loop3A_670, %parallel_loop3A_671, %parallel_loop3A_672] {strides = array<i32>} : memref<2x2x2048xi32, #tpu.memory_space<vmem>>, vector<16xi32>,
        tpu.vector_store %arg8[%parallel_loop3A_670, %parallel_loop3A_671, %parallel_loop3A_672], %parallel_loop3A_668 {strides = array<i32>} : memref<2x2x2048xi32, #tpu.memory_space<vmem>>, vector<16xi32>,
        %parallel_loop3A_674 = arith.constant 1 : i32
        %parallel_loop3A_675 = vector.broadcast %parallel_loop3A_674 : i32 to vector<16xi32>
        %parallel_loop3A_676 = arith.addi %parallel_loop3A_650, %parallel_loop3A_675 : vector<16xi32>
        %parallel_loop3A_677 = arith.constant 1023 : i32
        %parallel_loop3A_678 = vector.broadcast %parallel_loop3A_677 : i32 to vector<16xi32>
        %parallel_loop3A_679 = arith.andi %parallel_loop3A_676, %parallel_loop3A_678 : vector<16xi32>
        %parallel_loop3A_680 = arith.constant 10 : i32
        %parallel_loop3A_681 = vector.broadcast %parallel_loop3A_680 : i32 to vector<16xi32>
        %parallel_loop3A_682 = arith.shli %parallel_loop3A_679, %parallel_loop3A_681 : vector<16xi32>
        %parallel_loop3A_683 = arith.addi %parallel_loop3A_659, %parallel_loop3A_682 : vector<16xi32>
        %parallel_loop3A_684 = arith.constant 1 : i32
        %parallel_loop3A_685 = arith.index_cast %and3A_417 : i32 to index
        %parallel_loop3A_686 = arith.index_cast %parallel_loop3A_684 : i32 to index
        %parallel_loop3A_687 = arith.index_cast %parallel_loop3A_661 : i32 to index
        %parallel_loop3A_688 = tpu.vector_load %arg8[%parallel_loop3A_685, %parallel_loop3A_686, %parallel_loop3A_687] {strides = array<i32>} : memref<2x2x2048xi32, #tpu.memory_space<vmem>>, vector<16xi32>,
        tpu.vector_store %arg8[%parallel_loop3A_685, %parallel_loop3A_686, %parallel_loop3A_687], %parallel_loop3A_683 {strides = array<i32>} : memref<2x2x2048xi32, #tpu.memory_space<vmem>>, vector<16xi32>,
      } {sc.loop_unroll_factor = 4 : i64, sc.parallel_access}
      %dma_start3A_567 = arith.constant 0 : i32
      %dma_start3A_568 = arith.constant 0 : i32
      %dma_start3A_569 = arith.constant 0 : i32
      %dma_start3A_570 = tpu.memref_slice %arg9[%and3A_417, %dma_start3A_568, %dma_start3A_569] : memref<2x2048x8xf32, #tpu.memory_space<vmem>> -> memref<1x2048x8xf32, #tpu.memory_space<vmem>>
      %dma_start3A_571 = tpu.memref_squeeze %dma_start3A_570 : memref<1x2048x8xf32, #tpu.memory_space<vmem>> -> memref<2048x8xf32, #tpu.memory_space<vmem>>
      %dma_start3A_572 = arith.constant 0 : i32
      %dma_start3A_573 = tpu.memref_slice %arg8[%and3A_417, %dma_start3A_567, %dma_start3A_572] : memref<2x2x2048xi32, #tpu.memory_space<vmem>> -> memref<1x1x2048xi32, #tpu.memory_space<vmem>>
      %dma_start3A_574 = tpu.memref_squeeze %dma_start3A_573 : memref<1x1x2048xi32, #tpu.memory_space<vmem>> -> memref<2048xi32, #tpu.memory_space<vmem>>
      %dma_start3A_575 = arith.constant 0 : i32
      %dma_start3A_576 = arith.constant 0 : i32
      %dma_start3A_577 = tpu.memref_slice %arg4[%dma_start3A_575, %dma_start3A_576] : memref<4194304x8xf32, #tpu.memory_space<hbm>> -> memref<4194304x8xf32, #tpu.memory_space<hbm>>
      tpu.enqueue_indirect_dma source(%dma_start3A_577 : memref<4194304x8xf32, #tpu.memory_space<hbm>>) target(%dma_start3A_571 : memref<2048x8xf32, #tpu.memory_space<vmem>>) offsets(%dma_start3A_574 : memref<2048xi32, #tpu.memory_space<vmem>>) semaphore(%arg13 : memref<!tpu.dma_semaphore, #tpu.memory_space<semaphore_mem>>)
      %dma_start3A_578 = arith.constant 1 : i32
      %dma_start3A_579 = arith.constant 0 : i32
      %dma_start3A_580 = arith.constant 0 : i32
      %dma_start3A_581 = tpu.memref_slice %arg10[%and3A_417, %dma_start3A_579, %dma_start3A_580] : memref<2x2048x8xf32, #tpu.memory_space<vmem>> -> memref<1x2048x8xf32, #tpu.memory_space<vmem>>
      %dma_start3A_582 = tpu.memref_squeeze %dma_start3A_581 : memref<1x2048x8xf32, #tpu.memory_space<vmem>> -> memref<2048x8xf32, #tpu.memory_space<vmem>>
      %dma_start3A_583 = arith.constant 0 : i32
      %dma_start3A_584 = tpu.memref_slice %arg8[%and3A_417, %dma_start3A_578, %dma_start3A_583] : memref<2x2x2048xi32, #tpu.memory_space<vmem>> -> memref<1x1x2048xi32, #tpu.memory_space<vmem>>
      %dma_start3A_585 = tpu.memref_squeeze %dma_start3A_584 : memref<1x1x2048xi32, #tpu.memory_space<vmem>> -> memref<2048xi32, #tpu.memory_space<vmem>>
      %dma_start3A_586 = arith.constant 0 : i32
      %dma_start3A_587 = arith.constant 0 : i32
      %dma_start3A_588 = tpu.memref_slice %arg4[%dma_start3A_586, %dma_start3A_587] : memref<4194304x8xf32, #tpu.memory_space<hbm>> -> memref<4194304x8xf32, #tpu.memory_space<hbm>>
      tpu.enqueue_indirect_dma source(%dma_start3A_588 : memref<4194304x8xf32, #tpu.memory_space<hbm>>) target(%dma_start3A_582 : memref<2048x8xf32, #tpu.memory_space<vmem>>) offsets(%dma_start3A_585 : memref<2048xi32, #tpu.memory_space<vmem>>) semaphore(%arg13 : memref<!tpu.dma_semaphore, #tpu.memory_space<semaphore_mem>>)
      %gt3A = arith.constant 0 : i32
      %gt3A_589 = arith.cmpi sgt, %scan3A_415, %gt3A : i32
      %convert_element_type3A_590 = arith.extui %gt3A_589 : i1 to i32
      %cond3A_591 = arith.constant 0 : i32
      %cond3A_592 = arith.cmpi ne, %convert_element_type3A_590, %cond3A_591 : i32
      scf.if %cond3A_592 {
        %sub3A_593 = arith.constant 1 : i32
        %sub3A_594 = arith.subi %scan3A_415, %sub3A_593 : i32
        %sub3A_595 = arith.constant 1 : i32
        %sub3A_596 = arith.subi %sub3A_595, %and3A_417 : i32
        %jit3A_597 = arith.constant 3 : i32
        %eq3A_598 = arith.constant 0 : i32
        %eq3A_599 = arith.cmpi eq, %jit3A_597, %eq3A_598 : i32
        %jit3A_600 = arith.constant 1 : i32
        %select_n3A_601 = arith.select %eq3A_599, %jit3A_600, %jit3A_597 : i32
        %rem3A_602 = arith.remsi %sub3A_594, %select_n3A_601 : i32
        %ne3A_603 = arith.constant 0 : i32
        %ne3A_604 = arith.cmpi ne, %rem3A_602, %ne3A_603 : i32
        %lt3A_605 = arith.constant 0 : i32
        %lt3A_606 = arith.cmpi slt, %rem3A_602, %lt3A_605 : i32
        %lt3A_607 = arith.constant 0 : i32
        %lt3A_608 = arith.cmpi slt, %select_n3A_601, %lt3A_607 : i32
        %ne3A_609 = arith.xori %lt3A_606, %lt3A_608 : i1
        %and3A_610 = arith.andi %ne3A_609, %ne3A_604 : i1
        %add3A_611 = arith.addi %rem3A_602, %select_n3A_601 : i32
        %select_n3A_612 = arith.select %and3A_610, %add3A_611, %rem3A_602 : i32
        %dma_wait3A_613 = arith.constant 0 : i32
        %dma_wait3A_614 = arith.constant 0 : i32
        %dma_wait3A_615 = arith.constant 0 : i32
        %dma_wait3A_616 = tpu.memref_slice %arg9[%sub3A_596, %dma_wait3A_614, %dma_wait3A_615] : memref<2x2048x8xf32, #tpu.memory_space<vmem>> -> memref<1x2048x8xf32, #tpu.memory_space<vmem>>
        %dma_wait3A_617 = tpu.memref_squeeze %dma_wait3A_616 : memref<1x2048x8xf32, #tpu.memory_space<vmem>> -> memref<2048x8xf32, #tpu.memory_space<vmem>>
        %dma_wait3A_618 = arith.constant 0 : i32
        %dma_wait3A_619 = tpu.memref_slice %arg8[%sub3A_596, %dma_wait3A_613, %dma_wait3A_618] : memref<2x2x2048xi32, #tpu.memory_space<vmem>> -> memref<1x1x2048xi32, #tpu.memory_space<vmem>>
        %dma_wait3A_620 = tpu.memref_squeeze %dma_wait3A_619 : memref<1x1x2048xi32, #tpu.memory_space<vmem>> -> memref<2048xi32, #tpu.memory_space<vmem>>
        %dma_wait3A_621 = arith.constant 0 : i32
        %dma_wait3A_622 = arith.constant 0 : i32
        %dma_wait3A_623 = tpu.memref_slice %arg4[%dma_wait3A_621, %dma_wait3A_622] : memref<4194304x8xf32, #tpu.memory_space<hbm>> -> memref<4194304x8xf32, #tpu.memory_space<hbm>>
        tpu.wait_indirect_dma semaphore(%arg13 : memref<!tpu.dma_semaphore, #tpu.memory_space<semaphore_mem>>) src(%dma_wait3A_623 : memref<4194304x8xf32, #tpu.memory_space<hbm>>) dst(%dma_wait3A_617 : memref<2048x8xf32, #tpu.memory_space<vmem>>)
        %dma_wait3A_624 = arith.constant 1 : i32
        %dma_wait3A_625 = arith.constant 0 : i32
        %dma_wait3A_626 = arith.constant 0 : i32
        %dma_wait3A_627 = tpu.memref_slice %arg10[%sub3A_596, %dma_wait3A_625, %dma_wait3A_626] : memref<2x2048x8xf32, #tpu.memory_space<vmem>> -> memref<1x2048x8xf32, #tpu.memory_space<vmem>>
        %dma_wait3A_628 = tpu.memref_squeeze %dma_wait3A_627 : memref<1x2048x8xf32, #tpu.memory_space<vmem>> -> memref<2048x8xf32, #tpu.memory_space<vmem>>
        %dma_wait3A_629 = arith.constant 0 : i32
        %dma_wait3A_630 = tpu.memref_slice %arg8[%sub3A_596, %dma_wait3A_624, %dma_wait3A_629] : memref<2x2x2048xi32, #tpu.memory_space<vmem>> -> memref<1x1x2048xi32, #tpu.memory_space<vmem>>
        %dma_wait3A_631 = tpu.memref_squeeze %dma_wait3A_630 : memref<1x1x2048xi32, #tpu.memory_space<vmem>> -> memref<2048xi32, #tpu.memory_space<vmem>>
        %dma_wait3A_632 = arith.constant 0 : i32
        %dma_wait3A_633 = arith.constant 0 : i32
        %dma_wait3A_634 = tpu.memref_slice %arg4[%dma_wait3A_632, %dma_wait3A_633] : memref<4194304x8xf32, #tpu.memory_space<hbm>> -> memref<4194304x8xf32, #tpu.memory_space<hbm>>
        tpu.wait_indirect_dma semaphore(%arg13 : memref<!tpu.dma_semaphore, #tpu.memory_space<semaphore_mem>>) src(%dma_wait3A_634 : memref<4194304x8xf32, #tpu.memory_space<hbm>>) dst(%dma_wait3A_628 : memref<2048x8xf32, #tpu.memory_space<vmem>>)
        %gt3A_635 = arith.constant 1 : i32
        %gt3A_636 = arith.cmpi sgt, %sub3A_594, %gt3A_635 : i32
        %convert_element_type3A_637 = arith.extui %gt3A_636 : i1 to i32
        %cond3A_638 = arith.constant 0 : i32
        %cond3A_639 = arith.cmpi ne, %convert_element_type3A_637, %cond3A_638 : i32
        scf.if %cond3A_639 {
          %sub3A_710 = arith.constant 2 : i32
          %sub3A_711 = arith.subi %sub3A_594, %sub3A_710 : i32
          %mul3A_712 = arith.constant 64 : i32
          %mul3A_713 = arith.muli %add3A, %mul3A_712 : i32
          %mul3A_714 = arith.constant 4 : i32
          %mul3A_715 = arith.muli %sub3A_711, %mul3A_714 : i32
          %add3A_716 = arith.addi %mul3A_713, %mul3A_715 : i32
          %jit3A_717 = arith.constant 512 : i32
          %div3A_718 = arith.divsi %add3A_716, %jit3A_717 : i32
          %sign3A_719 = arith.constant 0 : i32
          %sign3A_720 = arith.cmpi sgt, %add3A_716, %sign3A_719 : i32
          %sign3A_721 = arith.extui %sign3A_720 : i1 to i32
          %sign3A_722 = arith.constant 0 : i32
          %sign3A_723 = arith.cmpi slt, %add3A_716, %sign3A_722 : i32
          %sign3A_724 = arith.extui %sign3A_723 : i1 to i32
          %sign3A_725 = arith.subi %sign3A_721, %sign3A_724 : i32
          %sign3A_726 = arith.constant 0 : i32
          %sign3A_727 = arith.cmpi sgt, %jit3A_717, %sign3A_726 : i32
          %sign3A_728 = arith.extui %sign3A_727 : i1 to i32
          %sign3A_729 = arith.constant 0 : i32
          %sign3A_730 = arith.cmpi slt, %jit3A_717, %sign3A_729 : i32
          %sign3A_731 = arith.extui %sign3A_730 : i1 to i32
          %sign3A_732 = arith.subi %sign3A_728, %sign3A_731 : i32
          %ne3A_733 = arith.cmpi ne, %sign3A_725, %sign3A_732 : i32
          %rem3A_734 = arith.remsi %add3A_716, %jit3A_717 : i32
          %ne3A_735 = arith.constant 0 : i32
          %ne3A_736 = arith.cmpi ne, %rem3A_734, %ne3A_735 : i32
          %and3A_737 = arith.andi %ne3A_733, %ne3A_736 : i1
          %sub3A_738 = arith.constant 1 : i32
          %sub3A_739 = arith.subi %div3A_718, %sub3A_738 : i32
          %select_n3A_740 = arith.select %and3A_737, %sub3A_739, %div3A_718 : i32
          %jit3A_741 = arith.constant 512 : i32
          %eq3A_742 = arith.constant 0 : i32
          %eq3A_743 = arith.cmpi eq, %jit3A_741, %eq3A_742 : i32
          %jit3A_744 = arith.constant 1 : i32
          %select_n3A_745 = arith.select %eq3A_743, %jit3A_744, %jit3A_741 : i32
          %rem3A_746 = arith.remsi %add3A_716, %select_n3A_745 : i32
          %ne3A_747 = arith.constant 0 : i32
          %ne3A_748 = arith.cmpi ne, %rem3A_746, %ne3A_747 : i32
          %lt3A_749 = arith.constant 0 : i32
          %lt3A_750 = arith.cmpi slt, %rem3A_746, %lt3A_749 : i32
          %lt3A_751 = arith.constant 0 : i32
          %lt3A_752 = arith.cmpi slt, %select_n3A_745, %lt3A_751 : i32
          %ne3A_753 = arith.xori %lt3A_750, %lt3A_752 : i1
          %and3A_754 = arith.andi %ne3A_753, %ne3A_748 : i1
          %add3A_755 = arith.addi %rem3A_746, %select_n3A_745 : i32
          %select_n3A_756 = arith.select %and3A_754, %add3A_755, %rem3A_746 : i32
          %dma_wait3A_757 = arith.constant 0 : i32
          %dma_wait3A_758 = arith.constant 0 : i32
          %dma_wait3A_759 = arith.constant 0 : i32
          %dma_wait3A_760 = arith.constant 0 : i32
          %dma_wait3A_761 = tpu.memref_slice %arg11[%sub3A_596, %dma_wait3A_757, %dma_wait3A_758, %dma_wait3A_759, %dma_wait3A_760] : memref<2x4x4x4x128xf32, #tpu.memory_space<vmem>> -> memref<1x4x4x4x128xf32, #tpu.memory_space<vmem>>
          %dma_wait3A_762 = tpu.memref_squeeze %dma_wait3A_761 : memref<1x4x4x4x128xf32, #tpu.memory_space<vmem>> -> memref<4x4x4x128xf32, #tpu.memory_space<vmem>>
          %dma_wait3A_763 = arith.constant 0 : i32
          %dma_wait3A_764 = arith.constant 0 : i32
          %dma_wait3A_765 = arith.constant 0 : i32
          %dma_wait3A_766 = tpu.memref_slice %arg5[%select_n3A_740, %select_n3A_756, %dma_wait3A_763, %dma_wait3A_764, %dma_wait3A_765] : memref<4x512x4x4x128xf32, #tpu.memory_space<hbm>> -> memref<1x4x4x4x128xf32, #tpu.memory_space<hbm>>
          %dma_wait3A_767 = tpu.memref_squeeze %dma_wait3A_766 : memref<1x4x4x4x128xf32, #tpu.memory_space<hbm>> -> memref<4x4x4x128xf32, #tpu.memory_space<hbm>>
          %dma_wait3A_768 = arith.constant 0 : i32
          %dma_wait3A_769 = arith.constant 0 : i32
          %dma_wait3A_770 = arith.constant 0 : i32
          %dma_wait3A_771 = tpu.memref_slice %arg5[%select_n3A_740, %select_n3A_756, %dma_wait3A_768, %dma_wait3A_769, %dma_wait3A_770] : memref<4x512x4x4x128xf32, #tpu.memory_space<hbm>> -> memref<1x4x4x4x128xf32, #tpu.memory_space<hbm>>
          %dma_wait3A_772 = tpu.memref_squeeze %dma_wait3A_771 : memref<1x4x4x4x128xf32, #tpu.memory_space<hbm>> -> memref<4x4x4x128xf32, #tpu.memory_space<hbm>>
          %dma_wait3A_773 = arith.constant 0 : i32
          %dma_wait3A_774 = arith.constant 0 : i32
          %dma_wait3A_775 = arith.constant 0 : i32
          %dma_wait3A_776 = arith.constant 0 : i32
          %dma_wait3A_777 = tpu.memref_slice %arg11[%sub3A_596, %dma_wait3A_773, %dma_wait3A_774, %dma_wait3A_775, %dma_wait3A_776] : memref<2x4x4x4x128xf32, #tpu.memory_space<vmem>> -> memref<1x4x4x4x128xf32, #tpu.memory_space<vmem>>
          %dma_wait3A_778 = tpu.memref_squeeze %dma_wait3A_777 : memref<1x4x4x4x128xf32, #tpu.memory_space<vmem>> -> memref<4x4x4x128xf32, #tpu.memory_space<vmem>>
          tpu.wait_dma2 semaphore(%arg14 : memref<!tpu.dma_semaphore, #tpu.memory_space<semaphore_mem>>) src(%dma_wait3A_778 : memref<4x4x4x128xf32, #tpu.memory_space<vmem>>) dst(%dma_wait3A_772 : memref<4x4x4x128xf32, #tpu.memory_space<hbm>>)
        } else {
        }
        %parallel_loop3A_640 = arith.constant 0 : i32
        %parallel_loop3A_641 = arith.constant 128 : i32
        %parallel_loop3A_642 = arith.constant 1 : i32
        scf.for %parallel_loop3A_710 = %parallel_loop3A_640 to %parallel_loop3A_641 step %parallel_loop3A_642  : i32 {
          %parallel_loop3A_711 = arith.constant 5 : i32
          %parallel_loop3A_712 = arith.shrsi %parallel_loop3A_710, %parallel_loop3A_711 : i32
          %parallel_loop3A_713 = arith.constant 3 : i32
          %parallel_loop3A_714 = arith.shrsi %parallel_loop3A_710, %parallel_loop3A_713 : i32
          %parallel_loop3A_715 = arith.constant 3 : i32
          %parallel_loop3A_716 = arith.andi %parallel_loop3A_714, %parallel_loop3A_715 : i32
          %parallel_loop3A_717 = arith.constant 7 : i32
          %parallel_loop3A_718 = arith.andi %parallel_loop3A_710, %parallel_loop3A_717 : i32
          %parallel_loop3A_719 = arith.constant 4 : i32
          %parallel_loop3A_720 = arith.shli %parallel_loop3A_718, %parallel_loop3A_719 : i32
          %parallel_loop3A_721 = arith.constant 0 : i32
          %parallel_loop3A_722 = arith.index_cast %select_n3A_612 : i32 to index
          %parallel_loop3A_723 = arith.index_cast %parallel_loop3A_712 : i32 to index
          %parallel_loop3A_724 = arith.index_cast %parallel_loop3A_716 : i32 to index
          %parallel_loop3A_725 = arith.index_cast %parallel_loop3A_721 : i32 to index
          %parallel_loop3A_726 = arith.index_cast %parallel_loop3A_720 : i32 to index
          %parallel_loop3A_727 = tpu.vector_load %arg6[%parallel_loop3A_722, %parallel_loop3A_723, %parallel_loop3A_724, %parallel_loop3A_725, %parallel_loop3A_726] {strides = array<i32>} : memref<3x4x4x2x128xf32, #tpu.memory_space<vmem>>, vector<16xf32>,
          %parallel_loop3A_728 = arith.constant 1 : i32
          %parallel_loop3A_729 = arith.index_cast %select_n3A_612 : i32 to index
          %parallel_loop3A_730 = arith.index_cast %parallel_loop3A_712 : i32 to index
          %parallel_loop3A_731 = arith.index_cast %parallel_loop3A_716 : i32 to index
          %parallel_loop3A_732 = arith.index_cast %parallel_loop3A_728 : i32 to index
          %parallel_loop3A_733 = arith.index_cast %parallel_loop3A_720 : i32 to index
          %parallel_loop3A_734 = tpu.vector_load %arg6[%parallel_loop3A_729, %parallel_loop3A_730, %parallel_loop3A_731, %parallel_loop3A_732, %parallel_loop3A_733] {strides = array<i32>} : memref<3x4x4x2x128xf32, #tpu.memory_space<vmem>>, vector<16xf32>,
          %parallel_loop3A_735 = arith.constant 1.024000e+03 : f32
          %parallel_loop3A_736 = vector.broadcast %parallel_loop3A_735 : f32 to vector<16xf32>
          %parallel_loop3A_737 = arith.mulf %parallel_loop3A_727, %parallel_loop3A_736 : vector<16xf32>
          %parallel_loop3A_738 = arith.constant 5.000000e-01 : f32
          %parallel_loop3A_739 = vector.broadcast %parallel_loop3A_738 : f32 to vector<16xf32>
          %parallel_loop3A_740 = arith.subf %parallel_loop3A_737, %parallel_loop3A_739 : vector<16xf32>
          %parallel_loop3A_741 = arith.fptosi %parallel_loop3A_740 : vector<16xf32> to vector<16xi32>
          %parallel_loop3A_742 = arith.sitofp %parallel_loop3A_741 : vector<16xi32> to vector<16xf32>
          %parallel_loop3A_743 = arith.cmpf olt, %parallel_loop3A_740, %parallel_loop3A_742 : vector<16xf32>
          %parallel_loop3A_744 = arith.constant 1 : i32
          %parallel_loop3A_745 = vector.broadcast %parallel_loop3A_744 : i32 to vector<16xi32>
          %parallel_loop3A_746 = arith.subi %parallel_loop3A_741, %parallel_loop3A_745 : vector<16xi32>
          %parallel_loop3A_747 = arith.select %parallel_loop3A_743, %parallel_loop3A_746, %parallel_loop3A_741 : vector<16xi1>, vector<16xi32>
          %parallel_loop3A_748 = arith.sitofp %parallel_loop3A_747 : vector<16xi32> to vector<16xf32>
          %parallel_loop3A_749 = arith.subf %parallel_loop3A_740, %parallel_loop3A_748 : vector<16xf32>
          %parallel_loop3A_750 = arith.constant 1.024000e+03 : f32
          %parallel_loop3A_751 = vector.broadcast %parallel_loop3A_750 : f32 to vector<16xf32>
          %parallel_loop3A_752 = arith.mulf %parallel_loop3A_734, %parallel_loop3A_751 : vector<16xf32>
          %parallel_loop3A_753 = arith.constant 5.000000e-01 : f32
          %parallel_loop3A_754 = vector.broadcast %parallel_loop3A_753 : f32 to vector<16xf32>
          %parallel_loop3A_755 = arith.subf %parallel_loop3A_752, %parallel_loop3A_754 : vector<16xf32>
          %parallel_loop3A_756 = arith.fptosi %parallel_loop3A_755 : vector<16xf32> to vector<16xi32>
          %parallel_loop3A_757 = arith.sitofp %parallel_loop3A_756 : vector<16xi32> to vector<16xf32>
          %parallel_loop3A_758 = arith.cmpf olt, %parallel_loop3A_755, %parallel_loop3A_757 : vector<16xf32>
          %parallel_loop3A_759 = arith.constant 1 : i32
          %parallel_loop3A_760 = vector.broadcast %parallel_loop3A_759 : i32 to vector<16xi32>
          %parallel_loop3A_761 = arith.subi %parallel_loop3A_756, %parallel_loop3A_760 : vector<16xi32>
          %parallel_loop3A_762 = arith.select %parallel_loop3A_758, %parallel_loop3A_761, %parallel_loop3A_756 : vector<16xi1>, vector<16xi32>
          %parallel_loop3A_763 = arith.sitofp %parallel_loop3A_762 : vector<16xi32> to vector<16xf32>
          %parallel_loop3A_764 = arith.subf %parallel_loop3A_755, %parallel_loop3A_763 : vector<16xf32>
          %parallel_loop3A_765 = arith.constant 1.000000e+00 : f32
          %parallel_loop3A_766 = vector.broadcast %parallel_loop3A_765 : f32 to vector<16xf32>
          %parallel_loop3A_767 = arith.subf %parallel_loop3A_766, %parallel_loop3A_749 : vector<16xf32>
          %parallel_loop3A_768 = arith.constant 1.000000e+00 : f32
          %parallel_loop3A_769 = vector.broadcast %parallel_loop3A_768 : f32 to vector<16xf32>
          %parallel_loop3A_770 = arith.subf %parallel_loop3A_769, %parallel_loop3A_764 : vector<16xf32>
          %parallel_loop3A_771 = arith.constant 16 : i32
          %parallel_loop3A_772 = arith.muli %parallel_loop3A_710, %parallel_loop3A_771 : i32
          %parallel_loop3A_773 = vector.broadcast %parallel_loop3A_772 : i32 to vector<16xi32>
          %parallel_loop3A_774 = arith.addi %parallel_loop3A_773, %iota3A : vector<16xi32>
          %parallel_loop3A_775 = arith.constant 0 : i32
          %parallel_loop3A_776 = vector.broadcast %parallel_loop3A_775 : i32 to vector<16xi32>
          %parallel_loop3A_777 = arith.constant 4 : i32
          %parallel_loop3A_778 = vector.broadcast %parallel_loop3A_777 : i32 to vector<16xi32>
          %parallel_loop3A_779 = arith.constant 0 : i32
          %parallel_loop3A_780 = arith.constant 0 : i32
          %parallel_loop3A_781 = tpu.memref_slice %arg9[%sub3A_596, %parallel_loop3A_779, %parallel_loop3A_780] : memref<2x2048x8xf32, #tpu.memory_space<vmem>> -> memref<1x2048x8xf32, #tpu.memory_space<vmem>>
          %parallel_loop3A_782 = tpu.memref_squeeze %parallel_loop3A_781 : memref<1x2048x8xf32, #tpu.memory_space<vmem>> -> memref<2048x8xf32, #tpu.memory_space<vmem>>
          %parallel_loop3A_783 = tpu.vector_load_idx %parallel_loop3A_782[%parallel_loop3A_774, %parallel_loop3A_776] : memref<2048x8xf32, #tpu.memory_space<vmem>>[vector<16xi32>, vector<16xi32>], vector<16xf32>,
          %parallel_loop3A_784 = arith.constant 0 : i32
          %parallel_loop3A_785 = arith.constant 0 : i32
          %parallel_loop3A_786 = tpu.memref_slice %arg9[%sub3A_596, %parallel_loop3A_784, %parallel_loop3A_785] : memref<2x2048x8xf32, #tpu.memory_space<vmem>> -> memref<1x2048x8xf32, #tpu.memory_space<vmem>>
          %parallel_loop3A_787 = tpu.memref_squeeze %parallel_loop3A_786 : memref<1x2048x8xf32, #tpu.memory_space<vmem>> -> memref<2048x8xf32, #tpu.memory_space<vmem>>
          %parallel_loop3A_788 = tpu.vector_load_idx %parallel_loop3A_787[%parallel_loop3A_774, %parallel_loop3A_778] : memref<2048x8xf32, #tpu.memory_space<vmem>>[vector<16xi32>, vector<16xi32>], vector<16xf32>,
          %parallel_loop3A_789 = arith.constant 0 : i32
          %parallel_loop3A_790 = arith.constant 0 : i32
          %parallel_loop3A_791 = tpu.memref_slice %arg10[%sub3A_596, %parallel_loop3A_789, %parallel_loop3A_790] : memref<2x2048x8xf32, #tpu.memory_space<vmem>> -> memref<1x2048x8xf32, #tpu.memory_space<vmem>>
          %parallel_loop3A_792 = tpu.memref_squeeze %parallel_loop3A_791 : memref<1x2048x8xf32, #tpu.memory_space<vmem>> -> memref<2048x8xf32, #tpu.memory_space<vmem>>
          %parallel_loop3A_793 = tpu.vector_load_idx %parallel_loop3A_792[%parallel_loop3A_774, %parallel_loop3A_776] : memref<2048x8xf32, #tpu.memory_space<vmem>>[vector<16xi32>, vector<16xi32>], vector<16xf32>,
          %parallel_loop3A_794 = arith.constant 0 : i32
          %parallel_loop3A_795 = arith.constant 0 : i32
          %parallel_loop3A_796 = tpu.memref_slice %arg10[%sub3A_596, %parallel_loop3A_794, %parallel_loop3A_795] : memref<2x2048x8xf32, #tpu.memory_space<vmem>> -> memref<1x2048x8xf32, #tpu.memory_space<vmem>>
          %parallel_loop3A_797 = tpu.memref_squeeze %parallel_loop3A_796 : memref<1x2048x8xf32, #tpu.memory_space<vmem>> -> memref<2048x8xf32, #tpu.memory_space<vmem>>
          %parallel_loop3A_798 = tpu.vector_load_idx %parallel_loop3A_797[%parallel_loop3A_774, %parallel_loop3A_778] : memref<2048x8xf32, #tpu.memory_space<vmem>>[vector<16xi32>, vector<16xi32>], vector<16xf32>,
          %parallel_loop3A_799 = arith.mulf %parallel_loop3A_783, %parallel_loop3A_767 : vector<16xf32>
          %parallel_loop3A_800 = arith.mulf %parallel_loop3A_788, %parallel_loop3A_749 : vector<16xf32>
          %parallel_loop3A_801 = arith.addf %parallel_loop3A_799, %parallel_loop3A_800 : vector<16xf32>
          %parallel_loop3A_802 = arith.mulf %parallel_loop3A_793, %parallel_loop3A_767 : vector<16xf32>
          %parallel_loop3A_803 = arith.mulf %parallel_loop3A_798, %parallel_loop3A_749 : vector<16xf32>
          %parallel_loop3A_804 = arith.addf %parallel_loop3A_802, %parallel_loop3A_803 : vector<16xf32>
          %parallel_loop3A_805 = arith.mulf %parallel_loop3A_801, %parallel_loop3A_770 : vector<16xf32>
          %parallel_loop3A_806 = arith.mulf %parallel_loop3A_804, %parallel_loop3A_764 : vector<16xf32>
          %parallel_loop3A_807 = arith.addf %parallel_loop3A_805, %parallel_loop3A_806 : vector<16xf32>
          %parallel_loop3A_808 = arith.constant 0 : i32
          %parallel_loop3A_809 = arith.index_cast %sub3A_596 : i32 to index
          %parallel_loop3A_810 = arith.index_cast %parallel_loop3A_712 : i32 to index
          %parallel_loop3A_811 = arith.index_cast %parallel_loop3A_716 : i32 to index
          %parallel_loop3A_812 = arith.index_cast %parallel_loop3A_808 : i32 to index
          %parallel_loop3A_813 = arith.index_cast %parallel_loop3A_720 : i32 to index
          %parallel_loop3A_814 = tpu.vector_load %arg11[%parallel_loop3A_809, %parallel_loop3A_810, %parallel_loop3A_811, %parallel_loop3A_812, %parallel_loop3A_813] {strides = array<i32>} : memref<2x4x4x4x128xf32, #tpu.memory_space<vmem>>, vector<16xf32>,
          tpu.vector_store %arg11[%parallel_loop3A_809, %parallel_loop3A_810, %parallel_loop3A_811, %parallel_loop3A_812, %parallel_loop3A_813], %parallel_loop3A_807 {strides = array<i32>} : memref<2x4x4x4x128xf32, #tpu.memory_space<vmem>>, vector<16xf32>,
          %parallel_loop3A_815 = arith.constant 1 : i32
          %parallel_loop3A_816 = vector.broadcast %parallel_loop3A_815 : i32 to vector<16xi32>
          %parallel_loop3A_817 = arith.constant 5 : i32
          %parallel_loop3A_818 = vector.broadcast %parallel_loop3A_817 : i32 to vector<16xi32>
          %parallel_loop3A_819 = arith.constant 0 : i32
          %parallel_loop3A_820 = arith.constant 0 : i32
          %parallel_loop3A_821 = tpu.memref_slice %arg9[%sub3A_596, %parallel_loop3A_819, %parallel_loop3A_820] : memref<2x2048x8xf32, #tpu.memory_space<vmem>> -> memref<1x2048x8xf32, #tpu.memory_space<vmem>>
          %parallel_loop3A_822 = tpu.memref_squeeze %parallel_loop3A_821 : memref<1x2048x8xf32, #tpu.memory_space<vmem>> -> memref<2048x8xf32, #tpu.memory_space<vmem>>
          %parallel_loop3A_823 = tpu.vector_load_idx %parallel_loop3A_822[%parallel_loop3A_774, %parallel_loop3A_816] : memref<2048x8xf32, #tpu.memory_space<vmem>>[vector<16xi32>, vector<16xi32>], vector<16xf32>,
          %parallel_loop3A_824 = arith.constant 0 : i32
          %parallel_loop3A_825 = arith.constant 0 : i32
          %parallel_loop3A_826 = tpu.memref_slice %arg9[%sub3A_596, %parallel_loop3A_824, %parallel_loop3A_825] : memref<2x2048x8xf32, #tpu.memory_space<vmem>> -> memref<1x2048x8xf32, #tpu.memory_space<vmem>>
          %parallel_loop3A_827 = tpu.memref_squeeze %parallel_loop3A_826 : memref<1x2048x8xf32, #tpu.memory_space<vmem>> -> memref<2048x8xf32, #tpu.memory_space<vmem>>
          %parallel_loop3A_828 = tpu.vector_load_idx %parallel_loop3A_827[%parallel_loop3A_774, %parallel_loop3A_818] : memref<2048x8xf32, #tpu.memory_space<vmem>>[vector<16xi32>, vector<16xi32>], vector<16xf32>,
          %parallel_loop3A_829 = arith.constant 0 : i32
          %parallel_loop3A_830 = arith.constant 0 : i32
          %parallel_loop3A_831 = tpu.memref_slice %arg10[%sub3A_596, %parallel_loop3A_829, %parallel_loop3A_830] : memref<2x2048x8xf32, #tpu.memory_space<vmem>> -> memref<1x2048x8xf32, #tpu.memory_space<vmem>>
          %parallel_loop3A_832 = tpu.memref_squeeze %parallel_loop3A_831 : memref<1x2048x8xf32, #tpu.memory_space<vmem>> -> memref<2048x8xf32, #tpu.memory_space<vmem>>
          %parallel_loop3A_833 = tpu.vector_load_idx %parallel_loop3A_832[%parallel_loop3A_774, %parallel_loop3A_816] : memref<2048x8xf32, #tpu.memory_space<vmem>>[vector<16xi32>, vector<16xi32>], vector<16xf32>,
          %parallel_loop3A_834 = arith.constant 0 : i32
          %parallel_loop3A_835 = arith.constant 0 : i32
          %parallel_loop3A_836 = tpu.memref_slice %arg10[%sub3A_596, %parallel_loop3A_834, %parallel_loop3A_835] : memref<2x2048x8xf32, #tpu.memory_space<vmem>> -> memref<1x2048x8xf32, #tpu.memory_space<vmem>>
          %parallel_loop3A_837 = tpu.memref_squeeze %parallel_loop3A_836 : memref<1x2048x8xf32, #tpu.memory_space<vmem>> -> memref<2048x8xf32, #tpu.memory_space<vmem>>
          %parallel_loop3A_838 = tpu.vector_load_idx %parallel_loop3A_837[%parallel_loop3A_774, %parallel_loop3A_818] : memref<2048x8xf32, #tpu.memory_space<vmem>>[vector<16xi32>, vector<16xi32>], vector<16xf32>,
          %parallel_loop3A_839 = arith.mulf %parallel_loop3A_823, %parallel_loop3A_767 : vector<16xf32>
          %parallel_loop3A_840 = arith.mulf %parallel_loop3A_828, %parallel_loop3A_749 : vector<16xf32>
          %parallel_loop3A_841 = arith.addf %parallel_loop3A_839, %parallel_loop3A_840 : vector<16xf32>
          %parallel_loop3A_842 = arith.mulf %parallel_loop3A_833, %parallel_loop3A_767 : vector<16xf32>
          %parallel_loop3A_843 = arith.mulf %parallel_loop3A_838, %parallel_loop3A_749 : vector<16xf32>
          %parallel_loop3A_844 = arith.addf %parallel_loop3A_842, %parallel_loop3A_843 : vector<16xf32>
          %parallel_loop3A_845 = arith.mulf %parallel_loop3A_841, %parallel_loop3A_770 : vector<16xf32>
          %parallel_loop3A_846 = arith.mulf %parallel_loop3A_844, %parallel_loop3A_764 : vector<16xf32>
          %parallel_loop3A_847 = arith.addf %parallel_loop3A_845, %parallel_loop3A_846 : vector<16xf32>
          %parallel_loop3A_848 = arith.constant 1 : i32
          %parallel_loop3A_849 = arith.index_cast %sub3A_596 : i32 to index
          %parallel_loop3A_850 = arith.index_cast %parallel_loop3A_712 : i32 to index
          %parallel_loop3A_851 = arith.index_cast %parallel_loop3A_716 : i32 to index
          %parallel_loop3A_852 = arith.index_cast %parallel_loop3A_848 : i32 to index
          %parallel_loop3A_853 = arith.index_cast %parallel_loop3A_720 : i32 to index
          %parallel_loop3A_854 = tpu.vector_load %arg11[%parallel_loop3A_849, %parallel_loop3A_850, %parallel_loop3A_851, %parallel_loop3A_852, %parallel_loop3A_853] {strides = array<i32>} : memref<2x4x4x4x128xf32, #tpu.memory_space<vmem>>, vector<16xf32>,
          tpu.vector_store %arg11[%parallel_loop3A_849, %parallel_loop3A_850, %parallel_loop3A_851, %parallel_loop3A_852, %parallel_loop3A_853], %parallel_loop3A_847 {strides = array<i32>} : memref<2x4x4x4x128xf32, #tpu.memory_space<vmem>>, vector<16xf32>,
          %parallel_loop3A_855 = arith.constant 2 : i32
          %parallel_loop3A_856 = vector.broadcast %parallel_loop3A_855 : i32 to vector<16xi32>
          %parallel_loop3A_857 = arith.constant 6 : i32
          %parallel_loop3A_858 = vector.broadcast %parallel_loop3A_857 : i32 to vector<16xi32>
          %parallel_loop3A_859 = arith.constant 0 : i32
          %parallel_loop3A_860 = arith.constant 0 : i32
          %parallel_loop3A_861 = tpu.memref_slice %arg9[%sub3A_596, %parallel_loop3A_859, %parallel_loop3A_860] : memref<2x2048x8xf32, #tpu.memory_space<vmem>> -> memref<1x2048x8xf32, #tpu.memory_space<vmem>>
          %parallel_loop3A_862 = tpu.memref_squeeze %parallel_loop3A_861 : memref<1x2048x8xf32, #tpu.memory_space<vmem>> -> memref<2048x8xf32, #tpu.memory_space<vmem>>
          %parallel_loop3A_863 = tpu.vector_load_idx %parallel_loop3A_862[%parallel_loop3A_774, %parallel_loop3A_856] : memref<2048x8xf32, #tpu.memory_space<vmem>>[vector<16xi32>, vector<16xi32>], vector<16xf32>,
          %parallel_loop3A_864 = arith.constant 0 : i32
          %parallel_loop3A_865 = arith.constant 0 : i32
          %parallel_loop3A_866 = tpu.memref_slice %arg9[%sub3A_596, %parallel_loop3A_864, %parallel_loop3A_865] : memref<2x2048x8xf32, #tpu.memory_space<vmem>> -> memref<1x2048x8xf32, #tpu.memory_space<vmem>>
          %parallel_loop3A_867 = tpu.memref_squeeze %parallel_loop3A_866 : memref<1x2048x8xf32, #tpu.memory_space<vmem>> -> memref<2048x8xf32, #tpu.memory_space<vmem>>
          %parallel_loop3A_868 = tpu.vector_load_idx %parallel_loop3A_867[%parallel_loop3A_774, %parallel_loop3A_858] : memref<2048x8xf32, #tpu.memory_space<vmem>>[vector<16xi32>, vector<16xi32>], vector<16xf32>,
          %parallel_loop3A_869 = arith.constant 0 : i32
          %parallel_loop3A_870 = arith.constant 0 : i32
          %parallel_loop3A_871 = tpu.memref_slice %arg10[%sub3A_596, %parallel_loop3A_869, %parallel_loop3A_870] : memref<2x2048x8xf32, #tpu.memory_space<vmem>> -> memref<1x2048x8xf32, #tpu.memory_space<vmem>>
          %parallel_loop3A_872 = tpu.memref_squeeze %parallel_loop3A_871 : memref<1x2048x8xf32, #tpu.memory_space<vmem>> -> memref<2048x8xf32, #tpu.memory_space<vmem>>
          %parallel_loop3A_873 = tpu.vector_load_idx %parallel_loop3A_872[%parallel_loop3A_774, %parallel_loop3A_856] : memref<2048x8xf32, #tpu.memory_space<vmem>>[vector<16xi32>, vector<16xi32>], vector<16xf32>,
          %parallel_loop3A_874 = arith.constant 0 : i32
          %parallel_loop3A_875 = arith.constant 0 : i32
          %parallel_loop3A_876 = tpu.memref_slice %arg10[%sub3A_596, %parallel_loop3A_874, %parallel_loop3A_875] : memref<2x2048x8xf32, #tpu.memory_space<vmem>> -> memref<1x2048x8xf32, #tpu.memory_space<vmem>>
          %parallel_loop3A_877 = tpu.memref_squeeze %parallel_loop3A_876 : memref<1x2048x8xf32, #tpu.memory_space<vmem>> -> memref<2048x8xf32, #tpu.memory_space<vmem>>
          %parallel_loop3A_878 = tpu.vector_load_idx %parallel_loop3A_877[%parallel_loop3A_774, %parallel_loop3A_858] : memref<2048x8xf32, #tpu.memory_space<vmem>>[vector<16xi32>, vector<16xi32>], vector<16xf32>,
          %parallel_loop3A_879 = arith.mulf %parallel_loop3A_863, %parallel_loop3A_767 : vector<16xf32>
          %parallel_loop3A_880 = arith.mulf %parallel_loop3A_868, %parallel_loop3A_749 : vector<16xf32>
          %parallel_loop3A_881 = arith.addf %parallel_loop3A_879, %parallel_loop3A_880 : vector<16xf32>
          %parallel_loop3A_882 = arith.mulf %parallel_loop3A_873, %parallel_loop3A_767 : vector<16xf32>
          %parallel_loop3A_883 = arith.mulf %parallel_loop3A_878, %parallel_loop3A_749 : vector<16xf32>
          %parallel_loop3A_884 = arith.addf %parallel_loop3A_882, %parallel_loop3A_883 : vector<16xf32>
          %parallel_loop3A_885 = arith.mulf %parallel_loop3A_881, %parallel_loop3A_770 : vector<16xf32>
          %parallel_loop3A_886 = arith.mulf %parallel_loop3A_884, %parallel_loop3A_764 : vector<16xf32>
          %parallel_loop3A_887 = arith.addf %parallel_loop3A_885, %parallel_loop3A_886 : vector<16xf32>
          %parallel_loop3A_888 = arith.constant 2 : i32
          %parallel_loop3A_889 = arith.index_cast %sub3A_596 : i32 to index
          %parallel_loop3A_890 = arith.index_cast %parallel_loop3A_712 : i32 to index
          %parallel_loop3A_891 = arith.index_cast %parallel_loop3A_716 : i32 to index
          %parallel_loop3A_892 = arith.index_cast %parallel_loop3A_888 : i32 to index
          %parallel_loop3A_893 = arith.index_cast %parallel_loop3A_720 : i32 to index
          %parallel_loop3A_894 = tpu.vector_load %arg11[%parallel_loop3A_889, %parallel_loop3A_890, %parallel_loop3A_891, %parallel_loop3A_892, %parallel_loop3A_893] {strides = array<i32>} : memref<2x4x4x4x128xf32, #tpu.memory_space<vmem>>, vector<16xf32>,
          tpu.vector_store %arg11[%parallel_loop3A_889, %parallel_loop3A_890, %parallel_loop3A_891, %parallel_loop3A_892, %parallel_loop3A_893], %parallel_loop3A_887 {strides = array<i32>} : memref<2x4x4x4x128xf32, #tpu.memory_space<vmem>>, vector<16xf32>,
          %parallel_loop3A_895 = arith.constant 3 : i32
          %parallel_loop3A_896 = vector.broadcast %parallel_loop3A_895 : i32 to vector<16xi32>
          %parallel_loop3A_897 = arith.constant 7 : i32
          %parallel_loop3A_898 = vector.broadcast %parallel_loop3A_897 : i32 to vector<16xi32>
          %parallel_loop3A_899 = arith.constant 0 : i32
          %parallel_loop3A_900 = arith.constant 0 : i32
          %parallel_loop3A_901 = tpu.memref_slice %arg9[%sub3A_596, %parallel_loop3A_899, %parallel_loop3A_900] : memref<2x2048x8xf32, #tpu.memory_space<vmem>> -> memref<1x2048x8xf32, #tpu.memory_space<vmem>>
          %parallel_loop3A_902 = tpu.memref_squeeze %parallel_loop3A_901 : memref<1x2048x8xf32, #tpu.memory_space<vmem>> -> memref<2048x8xf32, #tpu.memory_space<vmem>>
          %parallel_loop3A_903 = tpu.vector_load_idx %parallel_loop3A_902[%parallel_loop3A_774, %parallel_loop3A_896] : memref<2048x8xf32, #tpu.memory_space<vmem>>[vector<16xi32>, vector<16xi32>], vector<16xf32>,
          %parallel_loop3A_904 = arith.constant 0 : i32
          %parallel_loop3A_905 = arith.constant 0 : i32
          %parallel_loop3A_906 = tpu.memref_slice %arg9[%sub3A_596, %parallel_loop3A_904, %parallel_loop3A_905] : memref<2x2048x8xf32, #tpu.memory_space<vmem>> -> memref<1x2048x8xf32, #tpu.memory_space<vmem>>
          %parallel_loop3A_907 = tpu.memref_squeeze %parallel_loop3A_906 : memref<1x2048x8xf32, #tpu.memory_space<vmem>> -> memref<2048x8xf32, #tpu.memory_space<vmem>>
          %parallel_loop3A_908 = tpu.vector_load_idx %parallel_loop3A_907[%parallel_loop3A_774, %parallel_loop3A_898] : memref<2048x8xf32, #tpu.memory_space<vmem>>[vector<16xi32>, vector<16xi32>], vector<16xf32>,
          %parallel_loop3A_909 = arith.constant 0 : i32
          %parallel_loop3A_910 = arith.constant 0 : i32
          %parallel_loop3A_911 = tpu.memref_slice %arg10[%sub3A_596, %parallel_loop3A_909, %parallel_loop3A_910] : memref<2x2048x8xf32, #tpu.memory_space<vmem>> -> memref<1x2048x8xf32, #tpu.memory_space<vmem>>
          %parallel_loop3A_912 = tpu.memref_squeeze %parallel_loop3A_911 : memref<1x2048x8xf32, #tpu.memory_space<vmem>> -> memref<2048x8xf32, #tpu.memory_space<vmem>>
          %parallel_loop3A_913 = tpu.vector_load_idx %parallel_loop3A_912[%parallel_loop3A_774, %parallel_loop3A_896] : memref<2048x8xf32, #tpu.memory_space<vmem>>[vector<16xi32>, vector<16xi32>], vector<16xf32>,
          %parallel_loop3A_914 = arith.constant 0 : i32
          %parallel_loop3A_915 = arith.constant 0 : i32
          %parallel_loop3A_916 = tpu.memref_slice %arg10[%sub3A_596, %parallel_loop3A_914, %parallel_loop3A_915] : memref<2x2048x8xf32, #tpu.memory_space<vmem>> -> memref<1x2048x8xf32, #tpu.memory_space<vmem>>
          %parallel_loop3A_917 = tpu.memref_squeeze %parallel_loop3A_916 : memref<1x2048x8xf32, #tpu.memory_space<vmem>> -> memref<2048x8xf32, #tpu.memory_space<vmem>>
          %parallel_loop3A_918 = tpu.vector_load_idx %parallel_loop3A_917[%parallel_loop3A_774, %parallel_loop3A_898] : memref<2048x8xf32, #tpu.memory_space<vmem>>[vector<16xi32>, vector<16xi32>], vector<16xf32>,
          %parallel_loop3A_919 = arith.mulf %parallel_loop3A_903, %parallel_loop3A_767 : vector<16xf32>
          %parallel_loop3A_920 = arith.mulf %parallel_loop3A_908, %parallel_loop3A_749 : vector<16xf32>
          %parallel_loop3A_921 = arith.addf %parallel_loop3A_919, %parallel_loop3A_920 : vector<16xf32>
          %parallel_loop3A_922 = arith.mulf %parallel_loop3A_913, %parallel_loop3A_767 : vector<16xf32>
          %parallel_loop3A_923 = arith.mulf %parallel_loop3A_918, %parallel_loop3A_749 : vector<16xf32>
          %parallel_loop3A_924 = arith.addf %parallel_loop3A_922, %parallel_loop3A_923 : vector<16xf32>
          %parallel_loop3A_925 = arith.mulf %parallel_loop3A_921, %parallel_loop3A_770 : vector<16xf32>
          %parallel_loop3A_926 = arith.mulf %parallel_loop3A_924, %parallel_loop3A_764 : vector<16xf32>
          %parallel_loop3A_927 = arith.addf %parallel_loop3A_925, %parallel_loop3A_926 : vector<16xf32>
          %parallel_loop3A_928 = arith.constant 3 : i32
          %parallel_loop3A_929 = arith.index_cast %sub3A_596 : i32 to index
          %parallel_loop3A_930 = arith.index_cast %parallel_loop3A_712 : i32 to index
          %parallel_loop3A_931 = arith.index_cast %parallel_loop3A_716 : i32 to index
          %parallel_loop3A_932 = arith.index_cast %parallel_loop3A_928 : i32 to index
          %parallel_loop3A_933 = arith.index_cast %parallel_loop3A_720 : i32 to index
          %parallel_loop3A_934 = tpu.vector_load %arg11[%parallel_loop3A_929, %parallel_loop3A_930, %parallel_loop3A_931, %parallel_loop3A_932, %parallel_loop3A_933] {strides = array<i32>} : memref<2x4x4x4x128xf32, #tpu.memory_space<vmem>>, vector<16xf32>,
          tpu.vector_store %arg11[%parallel_loop3A_929, %parallel_loop3A_930, %parallel_loop3A_931, %parallel_loop3A_932, %parallel_loop3A_933], %parallel_loop3A_927 {strides = array<i32>} : memref<2x4x4x4x128xf32, #tpu.memory_space<vmem>>, vector<16xf32>,
        } {sc.loop_unroll_factor = 2 : i64, sc.parallel_access}
        %mul3A_643 = arith.constant 64 : i32
        %mul3A_644 = arith.muli %add3A, %mul3A_643 : i32
        %mul3A_645 = arith.constant 4 : i32
        %mul3A_646 = arith.muli %sub3A_594, %mul3A_645 : i32
        %add3A_647 = arith.addi %mul3A_644, %mul3A_646 : i32
        %jit3A_648 = arith.constant 512 : i32
        %div3A_649 = arith.divsi %add3A_647, %jit3A_648 : i32
        %sign3A_650 = arith.constant 0 : i32
        %sign3A_651 = arith.cmpi sgt, %add3A_647, %sign3A_650 : i32
        %sign3A_652 = arith.extui %sign3A_651 : i1 to i32
        %sign3A_653 = arith.constant 0 : i32
        %sign3A_654 = arith.cmpi slt, %add3A_647, %sign3A_653 : i32
        %sign3A_655 = arith.extui %sign3A_654 : i1 to i32
        %sign3A_656 = arith.subi %sign3A_652, %sign3A_655 : i32
        %sign3A_657 = arith.constant 0 : i32
        %sign3A_658 = arith.cmpi sgt, %jit3A_648, %sign3A_657 : i32
        %sign3A_659 = arith.extui %sign3A_658 : i1 to i32
        %sign3A_660 = arith.constant 0 : i32
        %sign3A_661 = arith.cmpi slt, %jit3A_648, %sign3A_660 : i32
        %sign3A_662 = arith.extui %sign3A_661 : i1 to i32
        %sign3A_663 = arith.subi %sign3A_659, %sign3A_662 : i32
        %ne3A_664 = arith.cmpi ne, %sign3A_656, %sign3A_663 : i32
        %rem3A_665 = arith.remsi %add3A_647, %jit3A_648 : i32
        %ne3A_666 = arith.constant 0 : i32
        %ne3A_667 = arith.cmpi ne, %rem3A_665, %ne3A_666 : i32
        %and3A_668 = arith.andi %ne3A_664, %ne3A_667 : i1
        %sub3A_669 = arith.constant 1 : i32
        %sub3A_670 = arith.subi %div3A_649, %sub3A_669 : i32
        %select_n3A_671 = arith.select %and3A_668, %sub3A_670, %div3A_649 : i32
        %jit3A_672 = arith.constant 512 : i32
        %eq3A_673 = arith.constant 0 : i32
        %eq3A_674 = arith.cmpi eq, %jit3A_672, %eq3A_673 : i32
        %jit3A_675 = arith.constant 1 : i32
        %select_n3A_676 = arith.select %eq3A_674, %jit3A_675, %jit3A_672 : i32
        %rem3A_677 = arith.remsi %add3A_647, %select_n3A_676 : i32
        %ne3A_678 = arith.constant 0 : i32
        %ne3A_679 = arith.cmpi ne, %rem3A_677, %ne3A_678 : i32
        %lt3A_680 = arith.constant 0 : i32
        %lt3A_681 = arith.cmpi slt, %rem3A_677, %lt3A_680 : i32
        %lt3A_682 = arith.constant 0 : i32
        %lt3A_683 = arith.cmpi slt, %select_n3A_676, %lt3A_682 : i32
        %ne3A_684 = arith.xori %lt3A_681, %lt3A_683 : i1
        %and3A_685 = arith.andi %ne3A_684, %ne3A_679 : i1
        %add3A_686 = arith.addi %rem3A_677, %select_n3A_676 : i32
        %select_n3A_687 = arith.select %and3A_685, %add3A_686, %rem3A_677 : i32
        %dma_start3A_688 = arith.constant 0 : i32
        %dma_start3A_689 = arith.constant 0 : i32
        %dma_start3A_690 = arith.constant 0 : i32
        %dma_start3A_691 = arith.constant 0 : i32
        %dma_start3A_692 = tpu.memref_slice %arg11[%sub3A_596, %dma_start3A_688, %dma_start3A_689, %dma_start3A_690, %dma_start3A_691] : memref<2x4x4x4x128xf32, #tpu.memory_space<vmem>> -> memref<1x4x4x4x128xf32, #tpu.memory_space<vmem>>
        %dma_start3A_693 = tpu.memref_squeeze %dma_start3A_692 : memref<1x4x4x4x128xf32, #tpu.memory_space<vmem>> -> memref<4x4x4x128xf32, #tpu.memory_space<vmem>>
        %dma_start3A_694 = arith.constant 0 : i32
        %dma_start3A_695 = arith.constant 0 : i32
        %dma_start3A_696 = arith.constant 0 : i32
        %dma_start3A_697 = tpu.memref_slice %arg5[%select_n3A_671, %select_n3A_687, %dma_start3A_694, %dma_start3A_695, %dma_start3A_696] : memref<4x512x4x4x128xf32, #tpu.memory_space<hbm>> -> memref<1x4x4x4x128xf32, #tpu.memory_space<hbm>>
        %dma_start3A_698 = tpu.memref_squeeze %dma_start3A_697 : memref<1x4x4x4x128xf32, #tpu.memory_space<hbm>> -> memref<4x4x4x128xf32, #tpu.memory_space<hbm>>
        %dma_start3A_699 = arith.constant 0 : i32
        %dma_start3A_700 = arith.constant 0 : i32
        %dma_start3A_701 = arith.constant 0 : i32
        %dma_start3A_702 = tpu.memref_slice %arg5[%select_n3A_671, %select_n3A_687, %dma_start3A_699, %dma_start3A_700, %dma_start3A_701] : memref<4x512x4x4x128xf32, #tpu.memory_space<hbm>> -> memref<1x4x4x4x128xf32, #tpu.memory_space<hbm>>
        %dma_start3A_703 = tpu.memref_squeeze %dma_start3A_702 : memref<1x4x4x4x128xf32, #tpu.memory_space<hbm>> -> memref<4x4x4x128xf32, #tpu.memory_space<hbm>>
        %dma_start3A_704 = arith.constant 0 : i32
        %dma_start3A_705 = arith.constant 0 : i32
        %dma_start3A_706 = arith.constant 0 : i32
        %dma_start3A_707 = arith.constant 0 : i32
        %dma_start3A_708 = tpu.memref_slice %arg11[%sub3A_596, %dma_start3A_704, %dma_start3A_705, %dma_start3A_706, %dma_start3A_707] : memref<2x4x4x4x128xf32, #tpu.memory_space<vmem>> -> memref<1x4x4x4x128xf32, #tpu.memory_space<vmem>>
        %dma_start3A_709 = tpu.memref_squeeze %dma_start3A_708 : memref<1x4x4x4x128xf32, #tpu.memory_space<vmem>> -> memref<4x4x4x128xf32, #tpu.memory_space<vmem>>
        tpu.enqueue_dma source(%dma_start3A_709 : memref<4x4x4x128xf32, #tpu.memory_space<vmem>>) target(%dma_start3A_703 : memref<4x4x4x128xf32, #tpu.memory_space<hbm>>) target_semaphore(%arg14 : memref<!tpu.dma_semaphore, #tpu.memory_space<semaphore_mem>>)
      } else {
      }
    }
    %scan3A_119 = arith.constant 16 : i32
    %dma_wait3A = arith.constant 1 : i32
    %dma_wait3A_120 = arith.constant 0 : i32
    %dma_wait3A_121 = arith.constant 1 : i32
    %dma_wait3A_122 = arith.constant 0 : i32
    %dma_wait3A_123 = arith.constant 0 : i32
    %dma_wait3A_124 = tpu.memref_slice %arg9[%dma_wait3A_121, %dma_wait3A_122, %dma_wait3A_123] : memref<2x2048x8xf32, #tpu.memory_space<vmem>> -> memref<1x2048x8xf32, #tpu.memory_space<vmem>>
    %dma_wait3A_125 = tpu.memref_squeeze %dma_wait3A_124 : memref<1x2048x8xf32, #tpu.memory_space<vmem>> -> memref<2048x8xf32, #tpu.memory_space<vmem>>
    %dma_wait3A_126 = arith.constant 0 : i32
    %dma_wait3A_127 = tpu.memref_slice %arg8[%dma_wait3A, %dma_wait3A_120, %dma_wait3A_126] : memref<2x2x2048xi32, #tpu.memory_space<vmem>> -> memref<1x1x2048xi32, #tpu.memory_space<vmem>>
    %dma_wait3A_128 = tpu.memref_squeeze %dma_wait3A_127 : memref<1x1x2048xi32, #tpu.memory_space<vmem>> -> memref<2048xi32, #tpu.memory_space<vmem>>
    %dma_wait3A_129 = arith.constant 0 : i32
    %dma_wait3A_130 = arith.constant 0 : i32
    %dma_wait3A_131 = tpu.memref_slice %arg4[%dma_wait3A_129, %dma_wait3A_130] : memref<4194304x8xf32, #tpu.memory_space<hbm>> -> memref<4194304x8xf32, #tpu.memory_space<hbm>>
    tpu.wait_indirect_dma semaphore(%arg13 : memref<!tpu.dma_semaphore, #tpu.memory_space<semaphore_mem>>) src(%dma_wait3A_131 : memref<4194304x8xf32, #tpu.memory_space<hbm>>) dst(%dma_wait3A_125 : memref<2048x8xf32, #tpu.memory_space<vmem>>)
    %dma_wait3A_132 = arith.constant 1 : i32
    %dma_wait3A_133 = arith.constant 1 : i32
    %dma_wait3A_134 = arith.constant 1 : i32
    %dma_wait3A_135 = arith.constant 0 : i32
    %dma_wait3A_136 = arith.constant 0 : i32
    %dma_wait3A_137 = tpu.memref_slice %arg10[%dma_wait3A_134, %dma_wait3A_135, %dma_wait3A_136] : memref<2x2048x8xf32, #tpu.memory_space<vmem>> -> memref<1x2048x8xf32, #tpu.memory_space<vmem>>
    %dma_wait3A_138 = tpu.memref_squeeze %dma_wait3A_137 : memref<1x2048x8xf32, #tpu.memory_space<vmem>> -> memref<2048x8xf32, #tpu.memory_space<vmem>>
    %dma_wait3A_139 = arith.constant 0 : i32
    %dma_wait3A_140 = tpu.memref_slice %arg8[%dma_wait3A_132, %dma_wait3A_133, %dma_wait3A_139] : memref<2x2x2048xi32, #tpu.memory_space<vmem>> -> memref<1x1x2048xi32, #tpu.memory_space<vmem>>
    %dma_wait3A_141 = tpu.memref_squeeze %dma_wait3A_140 : memref<1x1x2048xi32, #tpu.memory_space<vmem>> -> memref<2048xi32, #tpu.memory_space<vmem>>
    %dma_wait3A_142 = arith.constant 0 : i32
    %dma_wait3A_143 = arith.constant 0 : i32
    %dma_wait3A_144 = tpu.memref_slice %arg4[%dma_wait3A_142, %dma_wait3A_143] : memref<4194304x8xf32, #tpu.memory_space<hbm>> -> memref<4194304x8xf32, #tpu.memory_space<hbm>>
    tpu.wait_indirect_dma semaphore(%arg13 : memref<!tpu.dma_semaphore, #tpu.memory_space<semaphore_mem>>) src(%dma_wait3A_144 : memref<4194304x8xf32, #tpu.memory_space<hbm>>) dst(%dma_wait3A_138 : memref<2048x8xf32, #tpu.memory_space<vmem>>)
    %mul3A_145 = arith.constant 64 : i32
    %mul3A_146 = arith.muli %add3A, %mul3A_145 : i32
    %add3A_147 = arith.constant 52 : i32
    %add3A_148 = arith.addi %mul3A_146, %add3A_147 : i32
    %jit3A_149 = arith.constant 512 : i32
    %div3A_150 = arith.divsi %add3A_148, %jit3A_149 : i32
    %sign3A_151 = arith.constant 0 : i32
    %sign3A_152 = arith.cmpi sgt, %add3A_148, %sign3A_151 : i32
    %sign3A_153 = arith.extui %sign3A_152 : i1 to i32
    %sign3A_154 = arith.constant 0 : i32
    %sign3A_155 = arith.cmpi slt, %add3A_148, %sign3A_154 : i32
    %sign3A_156 = arith.extui %sign3A_155 : i1 to i32
    %sign3A_157 = arith.subi %sign3A_153, %sign3A_156 : i32
    %sign3A_158 = arith.constant 0 : i32
    %sign3A_159 = arith.cmpi sgt, %jit3A_149, %sign3A_158 : i32
    %sign3A_160 = arith.extui %sign3A_159 : i1 to i32
    %sign3A_161 = arith.constant 0 : i32
    %sign3A_162 = arith.cmpi slt, %jit3A_149, %sign3A_161 : i32
    %sign3A_163 = arith.extui %sign3A_162 : i1 to i32
    %sign3A_164 = arith.subi %sign3A_160, %sign3A_163 : i32
    %ne3A_165 = arith.cmpi ne, %sign3A_157, %sign3A_164 : i32
    %rem3A_166 = arith.remsi %add3A_148, %jit3A_149 : i32
    %ne3A_167 = arith.constant 0 : i32
    %ne3A_168 = arith.cmpi ne, %rem3A_166, %ne3A_167 : i32
    %and3A_169 = arith.andi %ne3A_165, %ne3A_168 : i1
    %sub3A_170 = arith.constant 1 : i32
    %sub3A_171 = arith.subi %div3A_150, %sub3A_170 : i32
    %select_n3A_172 = arith.select %and3A_169, %sub3A_171, %div3A_150 : i32
    %jit3A_173 = arith.constant 512 : i32
    %eq3A_174 = arith.constant 0 : i32
    %eq3A_175 = arith.cmpi eq, %jit3A_173, %eq3A_174 : i32
    %jit3A_176 = arith.constant 1 : i32
    %select_n3A_177 = arith.select %eq3A_175, %jit3A_176, %jit3A_173 : i32
    %rem3A_178 = arith.remsi %add3A_148, %select_n3A_177 : i32
    %ne3A_179 = arith.constant 0 : i32
    %ne3A_180 = arith.cmpi ne, %rem3A_178, %ne3A_179 : i32
    %lt3A_181 = arith.constant 0 : i32
    %lt3A_182 = arith.cmpi slt, %rem3A_178, %lt3A_181 : i32
    %lt3A_183 = arith.constant 0 : i32
    %lt3A_184 = arith.cmpi slt, %select_n3A_177, %lt3A_183 : i32
    %ne3A_185 = arith.xori %lt3A_182, %lt3A_184 : i1
    %and3A_186 = arith.andi %ne3A_185, %ne3A_180 : i1
    %add3A_187 = arith.addi %rem3A_178, %select_n3A_177 : i32
    %select_n3A_188 = arith.select %and3A_186, %add3A_187, %rem3A_178 : i32
    %dma_wait3A_189 = arith.constant 1 : i32
    %dma_wait3A_190 = arith.constant 0 : i32
    %dma_wait3A_191 = arith.constant 0 : i32
    %dma_wait3A_192 = arith.constant 0 : i32
    %dma_wait3A_193 = arith.constant 0 : i32
    %dma_wait3A_194 = tpu.memref_slice %arg11[%dma_wait3A_189, %dma_wait3A_190, %dma_wait3A_191, %dma_wait3A_192, %dma_wait3A_193] : memref<2x4x4x4x128xf32, #tpu.memory_space<vmem>> -> memref<1x4x4x4x128xf32, #tpu.memory_space<vmem>>
    %dma_wait3A_195 = tpu.memref_squeeze %dma_wait3A_194 : memref<1x4x4x4x128xf32, #tpu.memory_space<vmem>> -> memref<4x4x4x128xf32, #tpu.memory_space<vmem>>
    %dma_wait3A_196 = arith.constant 0 : i32
    %dma_wait3A_197 = arith.constant 0 : i32
    %dma_wait3A_198 = arith.constant 0 : i32
    %dma_wait3A_199 = tpu.memref_slice %arg5[%select_n3A_172, %select_n3A_188, %dma_wait3A_196, %dma_wait3A_197, %dma_wait3A_198] : memref<4x512x4x4x128xf32, #tpu.memory_space<hbm>> -> memref<1x4x4x4x128xf32, #tpu.memory_space<hbm>>
    %dma_wait3A_200 = tpu.memref_squeeze %dma_wait3A_199 : memref<1x4x4x4x128xf32, #tpu.memory_space<hbm>> -> memref<4x4x4x128xf32, #tpu.memory_space<hbm>>
    %dma_wait3A_201 = arith.constant 0 : i32
    %dma_wait3A_202 = arith.constant 0 : i32
    %dma_wait3A_203 = arith.constant 0 : i32
    %dma_wait3A_204 = tpu.memref_slice %arg5[%select_n3A_172, %select_n3A_188, %dma_wait3A_201, %dma_wait3A_202, %dma_wait3A_203] : memref<4x512x4x4x128xf32, #tpu.memory_space<hbm>> -> memref<1x4x4x4x128xf32, #tpu.memory_space<hbm>>
    %dma_wait3A_205 = tpu.memref_squeeze %dma_wait3A_204 : memref<1x4x4x4x128xf32, #tpu.memory_space<hbm>> -> memref<4x4x4x128xf32, #tpu.memory_space<hbm>>
    %dma_wait3A_206 = arith.constant 0 : i32
    %dma_wait3A_207 = arith.constant 0 : i32
    %dma_wait3A_208 = arith.constant 0 : i32
    %dma_wait3A_209 = arith.constant 0 : i32
    %dma_wait3A_210 = tpu.memref_slice %arg11[%dma_wait3A_189, %dma_wait3A_206, %dma_wait3A_207, %dma_wait3A_208, %dma_wait3A_209] : memref<2x4x4x4x128xf32, #tpu.memory_space<vmem>> -> memref<1x4x4x4x128xf32, #tpu.memory_space<vmem>>
    %dma_wait3A_211 = tpu.memref_squeeze %dma_wait3A_210 : memref<1x4x4x4x128xf32, #tpu.memory_space<vmem>> -> memref<4x4x4x128xf32, #tpu.memory_space<vmem>>
    tpu.wait_dma2 semaphore(%arg14 : memref<!tpu.dma_semaphore, #tpu.memory_space<semaphore_mem>>) src(%dma_wait3A_211 : memref<4x4x4x128xf32, #tpu.memory_space<vmem>>) dst(%dma_wait3A_205 : memref<4x4x4x128xf32, #tpu.memory_space<hbm>>)
    %parallel_loop3A = arith.constant 0 : i32
    %parallel_loop3A_212 = arith.constant 128 : i32
    %parallel_loop3A_213 = arith.constant 1 : i32
    scf.for %parallel_loop3A_415 = %parallel_loop3A to %parallel_loop3A_212 step %parallel_loop3A_213  : i32 {
      %parallel_loop3A_416 = arith.constant 5 : i32
      %parallel_loop3A_417 = arith.shrsi %parallel_loop3A_415, %parallel_loop3A_416 : i32
      %parallel_loop3A_418 = arith.constant 3 : i32
      %parallel_loop3A_419 = arith.shrsi %parallel_loop3A_415, %parallel_loop3A_418 : i32
      %parallel_loop3A_420 = arith.constant 3 : i32
      %parallel_loop3A_421 = arith.andi %parallel_loop3A_419, %parallel_loop3A_420 : i32
      %parallel_loop3A_422 = arith.constant 7 : i32
      %parallel_loop3A_423 = arith.andi %parallel_loop3A_415, %parallel_loop3A_422 : i32
      %parallel_loop3A_424 = arith.constant 4 : i32
      %parallel_loop3A_425 = arith.shli %parallel_loop3A_423, %parallel_loop3A_424 : i32
      %parallel_loop3A_426 = arith.constant 0 : i32
      %parallel_loop3A_427 = arith.constant 0 : i32
      %parallel_loop3A_428 = arith.index_cast %parallel_loop3A_426 : i32 to index
      %parallel_loop3A_429 = arith.index_cast %parallel_loop3A_417 : i32 to index
      %parallel_loop3A_430 = arith.index_cast %parallel_loop3A_421 : i32 to index
      %parallel_loop3A_431 = arith.index_cast %parallel_loop3A_427 : i32 to index
      %parallel_loop3A_432 = arith.index_cast %parallel_loop3A_425 : i32 to index
      %parallel_loop3A_433 = tpu.vector_load %arg6[%parallel_loop3A_428, %parallel_loop3A_429, %parallel_loop3A_430, %parallel_loop3A_431, %parallel_loop3A_432] {strides = array<i32>} : memref<3x4x4x2x128xf32, #tpu.memory_space<vmem>>, vector<16xf32>,
      %parallel_loop3A_434 = arith.constant 0 : i32
      %parallel_loop3A_435 = arith.constant 1 : i32
      %parallel_loop3A_436 = arith.index_cast %parallel_loop3A_434 : i32 to index
      %parallel_loop3A_437 = arith.index_cast %parallel_loop3A_417 : i32 to index
      %parallel_loop3A_438 = arith.index_cast %parallel_loop3A_421 : i32 to index
      %parallel_loop3A_439 = arith.index_cast %parallel_loop3A_435 : i32 to index
      %parallel_loop3A_440 = arith.index_cast %parallel_loop3A_425 : i32 to index
      %parallel_loop3A_441 = tpu.vector_load %arg6[%parallel_loop3A_436, %parallel_loop3A_437, %parallel_loop3A_438, %parallel_loop3A_439, %parallel_loop3A_440] {strides = array<i32>} : memref<3x4x4x2x128xf32, #tpu.memory_space<vmem>>, vector<16xf32>,
      %parallel_loop3A_442 = arith.constant 1.024000e+03 : f32
      %parallel_loop3A_443 = vector.broadcast %parallel_loop3A_442 : f32 to vector<16xf32>
      %parallel_loop3A_444 = arith.mulf %parallel_loop3A_433, %parallel_loop3A_443 : vector<16xf32>
      %parallel_loop3A_445 = arith.constant 5.000000e-01 : f32
      %parallel_loop3A_446 = vector.broadcast %parallel_loop3A_445 : f32 to vector<16xf32>
      %parallel_loop3A_447 = arith.subf %parallel_loop3A_444, %parallel_loop3A_446 : vector<16xf32>
      %parallel_loop3A_448 = arith.fptosi %parallel_loop3A_447 : vector<16xf32> to vector<16xi32>
      %parallel_loop3A_449 = arith.sitofp %parallel_loop3A_448 : vector<16xi32> to vector<16xf32>
      %parallel_loop3A_450 = arith.cmpf olt, %parallel_loop3A_447, %parallel_loop3A_449 : vector<16xf32>
      %parallel_loop3A_451 = arith.constant 1 : i32
      %parallel_loop3A_452 = vector.broadcast %parallel_loop3A_451 : i32 to vector<16xi32>
      %parallel_loop3A_453 = arith.subi %parallel_loop3A_448, %parallel_loop3A_452 : vector<16xi32>
      %parallel_loop3A_454 = arith.select %parallel_loop3A_450, %parallel_loop3A_453, %parallel_loop3A_448 : vector<16xi1>, vector<16xi32>
      %parallel_loop3A_455 = arith.sitofp %parallel_loop3A_454 : vector<16xi32> to vector<16xf32>
      %parallel_loop3A_456 = arith.subf %parallel_loop3A_447, %parallel_loop3A_455 : vector<16xf32>
      %parallel_loop3A_457 = arith.constant 1.024000e+03 : f32
      %parallel_loop3A_458 = vector.broadcast %parallel_loop3A_457 : f32 to vector<16xf32>
      %parallel_loop3A_459 = arith.mulf %parallel_loop3A_441, %parallel_loop3A_458 : vector<16xf32>
      %parallel_loop3A_460 = arith.constant 5.000000e-01 : f32
      %parallel_loop3A_461 = vector.broadcast %parallel_loop3A_460 : f32 to vector<16xf32>
      %parallel_loop3A_462 = arith.subf %parallel_loop3A_459, %parallel_loop3A_461 : vector<16xf32>
      %parallel_loop3A_463 = arith.fptosi %parallel_loop3A_462 : vector<16xf32> to vector<16xi32>
      %parallel_loop3A_464 = arith.sitofp %parallel_loop3A_463 : vector<16xi32> to vector<16xf32>
      %parallel_loop3A_465 = arith.cmpf olt, %parallel_loop3A_462, %parallel_loop3A_464 : vector<16xf32>
      %parallel_loop3A_466 = arith.constant 1 : i32
      %parallel_loop3A_467 = vector.broadcast %parallel_loop3A_466 : i32 to vector<16xi32>
      %parallel_loop3A_468 = arith.subi %parallel_loop3A_463, %parallel_loop3A_467 : vector<16xi32>
      %parallel_loop3A_469 = arith.select %parallel_loop3A_465, %parallel_loop3A_468, %parallel_loop3A_463 : vector<16xi1>, vector<16xi32>
      %parallel_loop3A_470 = arith.sitofp %parallel_loop3A_469 : vector<16xi32> to vector<16xf32>
      %parallel_loop3A_471 = arith.subf %parallel_loop3A_462, %parallel_loop3A_470 : vector<16xf32>
      %parallel_loop3A_472 = arith.constant 1.000000e+00 : f32
      %parallel_loop3A_473 = vector.broadcast %parallel_loop3A_472 : f32 to vector<16xf32>
      %parallel_loop3A_474 = arith.subf %parallel_loop3A_473, %parallel_loop3A_456 : vector<16xf32>
      %parallel_loop3A_475 = arith.constant 1.000000e+00 : f32
      %parallel_loop3A_476 = vector.broadcast %parallel_loop3A_475 : f32 to vector<16xf32>
      %parallel_loop3A_477 = arith.subf %parallel_loop3A_476, %parallel_loop3A_471 : vector<16xf32>
      %parallel_loop3A_478 = arith.constant 16 : i32
      %parallel_loop3A_479 = arith.muli %parallel_loop3A_415, %parallel_loop3A_478 : i32
      %parallel_loop3A_480 = vector.broadcast %parallel_loop3A_479 : i32 to vector<16xi32>
      %parallel_loop3A_481 = arith.addi %parallel_loop3A_480, %iota3A : vector<16xi32>
      %parallel_loop3A_482 = arith.constant 0 : i32
      %parallel_loop3A_483 = vector.broadcast %parallel_loop3A_482 : i32 to vector<16xi32>
      %parallel_loop3A_484 = arith.constant 4 : i32
      %parallel_loop3A_485 = vector.broadcast %parallel_loop3A_484 : i32 to vector<16xi32>
      %parallel_loop3A_486 = arith.constant 1 : i32
      %parallel_loop3A_487 = arith.constant 0 : i32
      %parallel_loop3A_488 = arith.constant 0 : i32
      %parallel_loop3A_489 = tpu.memref_slice %arg9[%parallel_loop3A_486, %parallel_loop3A_487, %parallel_loop3A_488] : memref<2x2048x8xf32, #tpu.memory_space<vmem>> -> memref<1x2048x8xf32, #tpu.memory_space<vmem>>
      %parallel_loop3A_490 = tpu.memref_squeeze %parallel_loop3A_489 : memref<1x2048x8xf32, #tpu.memory_space<vmem>> -> memref<2048x8xf32, #tpu.memory_space<vmem>>
      %parallel_loop3A_491 = tpu.vector_load_idx %parallel_loop3A_490[%parallel_loop3A_481, %parallel_loop3A_483] : memref<2048x8xf32, #tpu.memory_space<vmem>>[vector<16xi32>, vector<16xi32>], vector<16xf32>,
      %parallel_loop3A_492 = arith.constant 1 : i32
      %parallel_loop3A_493 = arith.constant 0 : i32
      %parallel_loop3A_494 = arith.constant 0 : i32
      %parallel_loop3A_495 = tpu.memref_slice %arg9[%parallel_loop3A_492, %parallel_loop3A_493, %parallel_loop3A_494] : memref<2x2048x8xf32, #tpu.memory_space<vmem>> -> memref<1x2048x8xf32, #tpu.memory_space<vmem>>
      %parallel_loop3A_496 = tpu.memref_squeeze %parallel_loop3A_495 : memref<1x2048x8xf32, #tpu.memory_space<vmem>> -> memref<2048x8xf32, #tpu.memory_space<vmem>>
      %parallel_loop3A_497 = tpu.vector_load_idx %parallel_loop3A_496[%parallel_loop3A_481, %parallel_loop3A_485] : memref<2048x8xf32, #tpu.memory_space<vmem>>[vector<16xi32>, vector<16xi32>], vector<16xf32>,
      %parallel_loop3A_498 = arith.constant 1 : i32
      %parallel_loop3A_499 = arith.constant 0 : i32
      %parallel_loop3A_500 = arith.constant 0 : i32
      %parallel_loop3A_501 = tpu.memref_slice %arg10[%parallel_loop3A_498, %parallel_loop3A_499, %parallel_loop3A_500] : memref<2x2048x8xf32, #tpu.memory_space<vmem>> -> memref<1x2048x8xf32, #tpu.memory_space<vmem>>
      %parallel_loop3A_502 = tpu.memref_squeeze %parallel_loop3A_501 : memref<1x2048x8xf32, #tpu.memory_space<vmem>> -> memref<2048x8xf32, #tpu.memory_space<vmem>>
      %parallel_loop3A_503 = tpu.vector_load_idx %parallel_loop3A_502[%parallel_loop3A_481, %parallel_loop3A_483] : memref<2048x8xf32, #tpu.memory_space<vmem>>[vector<16xi32>, vector<16xi32>], vector<16xf32>,
      %parallel_loop3A_504 = arith.constant 1 : i32
      %parallel_loop3A_505 = arith.constant 0 : i32
      %parallel_loop3A_506 = arith.constant 0 : i32
      %parallel_loop3A_507 = tpu.memref_slice %arg10[%parallel_loop3A_504, %parallel_loop3A_505, %parallel_loop3A_506] : memref<2x2048x8xf32, #tpu.memory_space<vmem>> -> memref<1x2048x8xf32, #tpu.memory_space<vmem>>
      %parallel_loop3A_508 = tpu.memref_squeeze %parallel_loop3A_507 : memref<1x2048x8xf32, #tpu.memory_space<vmem>> -> memref<2048x8xf32, #tpu.memory_space<vmem>>
      %parallel_loop3A_509 = tpu.vector_load_idx %parallel_loop3A_508[%parallel_loop3A_481, %parallel_loop3A_485] : memref<2048x8xf32, #tpu.memory_space<vmem>>[vector<16xi32>, vector<16xi32>], vector<16xf32>,
      %parallel_loop3A_510 = arith.mulf %parallel_loop3A_491, %parallel_loop3A_474 : vector<16xf32>
      %parallel_loop3A_511 = arith.mulf %parallel_loop3A_497, %parallel_loop3A_456 : vector<16xf32>
      %parallel_loop3A_512 = arith.addf %parallel_loop3A_510, %parallel_loop3A_511 : vector<16xf32>
      %parallel_loop3A_513 = arith.mulf %parallel_loop3A_503, %parallel_loop3A_474 : vector<16xf32>
      %parallel_loop3A_514 = arith.mulf %parallel_loop3A_509, %parallel_loop3A_456 : vector<16xf32>
      %parallel_loop3A_515 = arith.addf %parallel_loop3A_513, %parallel_loop3A_514 : vector<16xf32>
      %parallel_loop3A_516 = arith.mulf %parallel_loop3A_512, %parallel_loop3A_477 : vector<16xf32>
      %parallel_loop3A_517 = arith.mulf %parallel_loop3A_515, %parallel_loop3A_471 : vector<16xf32>
      %parallel_loop3A_518 = arith.addf %parallel_loop3A_516, %parallel_loop3A_517 : vector<16xf32>
      %parallel_loop3A_519 = arith.constant 1 : i32
      %parallel_loop3A_520 = arith.constant 0 : i32
      %parallel_loop3A_521 = arith.index_cast %parallel_loop3A_519 : i32 to index
      %parallel_loop3A_522 = arith.index_cast %parallel_loop3A_417 : i32 to index
      %parallel_loop3A_523 = arith.index_cast %parallel_loop3A_421 : i32 to index
      %parallel_loop3A_524 = arith.index_cast %parallel_loop3A_520 : i32 to index
      %parallel_loop3A_525 = arith.index_cast %parallel_loop3A_425 : i32 to index
      %parallel_loop3A_526 = tpu.vector_load %arg11[%parallel_loop3A_521, %parallel_loop3A_522, %parallel_loop3A_523, %parallel_loop3A_524, %parallel_loop3A_525] {strides = array<i32>} : memref<2x4x4x4x128xf32, #tpu.memory_space<vmem>>, vector<16xf32>,
      tpu.vector_store %arg11[%parallel_loop3A_521, %parallel_loop3A_522, %parallel_loop3A_523, %parallel_loop3A_524, %parallel_loop3A_525], %parallel_loop3A_518 {strides = array<i32>} : memref<2x4x4x4x128xf32, #tpu.memory_space<vmem>>, vector<16xf32>,
      %parallel_loop3A_527 = arith.constant 1 : i32
      %parallel_loop3A_528 = vector.broadcast %parallel_loop3A_527 : i32 to vector<16xi32>
      %parallel_loop3A_529 = arith.constant 5 : i32
      %parallel_loop3A_530 = vector.broadcast %parallel_loop3A_529 : i32 to vector<16xi32>
      %parallel_loop3A_531 = arith.constant 1 : i32
      %parallel_loop3A_532 = arith.constant 0 : i32
      %parallel_loop3A_533 = arith.constant 0 : i32
      %parallel_loop3A_534 = tpu.memref_slice %arg9[%parallel_loop3A_531, %parallel_loop3A_532, %parallel_loop3A_533] : memref<2x2048x8xf32, #tpu.memory_space<vmem>> -> memref<1x2048x8xf32, #tpu.memory_space<vmem>>
      %parallel_loop3A_535 = tpu.memref_squeeze %parallel_loop3A_534 : memref<1x2048x8xf32, #tpu.memory_space<vmem>> -> memref<2048x8xf32, #tpu.memory_space<vmem>>
      %parallel_loop3A_536 = tpu.vector_load_idx %parallel_loop3A_535[%parallel_loop3A_481, %parallel_loop3A_528] : memref<2048x8xf32, #tpu.memory_space<vmem>>[vector<16xi32>, vector<16xi32>], vector<16xf32>,
      %parallel_loop3A_537 = arith.constant 1 : i32
      %parallel_loop3A_538 = arith.constant 0 : i32
      %parallel_loop3A_539 = arith.constant 0 : i32
      %parallel_loop3A_540 = tpu.memref_slice %arg9[%parallel_loop3A_537, %parallel_loop3A_538, %parallel_loop3A_539] : memref<2x2048x8xf32, #tpu.memory_space<vmem>> -> memref<1x2048x8xf32, #tpu.memory_space<vmem>>
      %parallel_loop3A_541 = tpu.memref_squeeze %parallel_loop3A_540 : memref<1x2048x8xf32, #tpu.memory_space<vmem>> -> memref<2048x8xf32, #tpu.memory_space<vmem>>
      %parallel_loop3A_542 = tpu.vector_load_idx %parallel_loop3A_541[%parallel_loop3A_481, %parallel_loop3A_530] : memref<2048x8xf32, #tpu.memory_space<vmem>>[vector<16xi32>, vector<16xi32>], vector<16xf32>,
      %parallel_loop3A_543 = arith.constant 1 : i32
      %parallel_loop3A_544 = arith.constant 0 : i32
      %parallel_loop3A_545 = arith.constant 0 : i32
      %parallel_loop3A_546 = tpu.memref_slice %arg10[%parallel_loop3A_543, %parallel_loop3A_544, %parallel_loop3A_545] : memref<2x2048x8xf32, #tpu.memory_space<vmem>> -> memref<1x2048x8xf32, #tpu.memory_space<vmem>>
      %parallel_loop3A_547 = tpu.memref_squeeze %parallel_loop3A_546 : memref<1x2048x8xf32, #tpu.memory_space<vmem>> -> memref<2048x8xf32, #tpu.memory_space<vmem>>
      %parallel_loop3A_548 = tpu.vector_load_idx %parallel_loop3A_547[%parallel_loop3A_481, %parallel_loop3A_528] : memref<2048x8xf32, #tpu.memory_space<vmem>>[vector<16xi32>, vector<16xi32>], vector<16xf32>,
      %parallel_loop3A_549 = arith.constant 1 : i32
      %parallel_loop3A_550 = arith.constant 0 : i32
      %parallel_loop3A_551 = arith.constant 0 : i32
      %parallel_loop3A_552 = tpu.memref_slice %arg10[%parallel_loop3A_549, %parallel_loop3A_550, %parallel_loop3A_551] : memref<2x2048x8xf32, #tpu.memory_space<vmem>> -> memref<1x2048x8xf32, #tpu.memory_space<vmem>>
      %parallel_loop3A_553 = tpu.memref_squeeze %parallel_loop3A_552 : memref<1x2048x8xf32, #tpu.memory_space<vmem>> -> memref<2048x8xf32, #tpu.memory_space<vmem>>
      %parallel_loop3A_554 = tpu.vector_load_idx %parallel_loop3A_553[%parallel_loop3A_481, %parallel_loop3A_530] : memref<2048x8xf32, #tpu.memory_space<vmem>>[vector<16xi32>, vector<16xi32>], vector<16xf32>,
      %parallel_loop3A_555 = arith.mulf %parallel_loop3A_536, %parallel_loop3A_474 : vector<16xf32>
      %parallel_loop3A_556 = arith.mulf %parallel_loop3A_542, %parallel_loop3A_456 : vector<16xf32>
      %parallel_loop3A_557 = arith.addf %parallel_loop3A_555, %parallel_loop3A_556 : vector<16xf32>
      %parallel_loop3A_558 = arith.mulf %parallel_loop3A_548, %parallel_loop3A_474 : vector<16xf32>
      %parallel_loop3A_559 = arith.mulf %parallel_loop3A_554, %parallel_loop3A_456 : vector<16xf32>
      %parallel_loop3A_560 = arith.addf %parallel_loop3A_558, %parallel_loop3A_559 : vector<16xf32>
      %parallel_loop3A_561 = arith.mulf %parallel_loop3A_557, %parallel_loop3A_477 : vector<16xf32>
      %parallel_loop3A_562 = arith.mulf %parallel_loop3A_560, %parallel_loop3A_471 : vector<16xf32>
      %parallel_loop3A_563 = arith.addf %parallel_loop3A_561, %parallel_loop3A_562 : vector<16xf32>
      %parallel_loop3A_564 = arith.constant 1 : i32
      %parallel_loop3A_565 = arith.constant 1 : i32
      %parallel_loop3A_566 = arith.index_cast %parallel_loop3A_564 : i32 to index
      %parallel_loop3A_567 = arith.index_cast %parallel_loop3A_417 : i32 to index
      %parallel_loop3A_568 = arith.index_cast %parallel_loop3A_421 : i32 to index
      %parallel_loop3A_569 = arith.index_cast %parallel_loop3A_565 : i32 to index
      %parallel_loop3A_570 = arith.index_cast %parallel_loop3A_425 : i32 to index
      %parallel_loop3A_571 = tpu.vector_load %arg11[%parallel_loop3A_566, %parallel_loop3A_567, %parallel_loop3A_568, %parallel_loop3A_569, %parallel_loop3A_570] {strides = array<i32>} : memref<2x4x4x4x128xf32, #tpu.memory_space<vmem>>, vector<16xf32>,
      tpu.vector_store %arg11[%parallel_loop3A_566, %parallel_loop3A_567, %parallel_loop3A_568, %parallel_loop3A_569, %parallel_loop3A_570], %parallel_loop3A_563 {strides = array<i32>} : memref<2x4x4x4x128xf32, #tpu.memory_space<vmem>>, vector<16xf32>,
      %parallel_loop3A_572 = arith.constant 2 : i32
      %parallel_loop3A_573 = vector.broadcast %parallel_loop3A_572 : i32 to vector<16xi32>
      %parallel_loop3A_574 = arith.constant 6 : i32
      %parallel_loop3A_575 = vector.broadcast %parallel_loop3A_574 : i32 to vector<16xi32>
      %parallel_loop3A_576 = arith.constant 1 : i32
      %parallel_loop3A_577 = arith.constant 0 : i32
      %parallel_loop3A_578 = arith.constant 0 : i32
      %parallel_loop3A_579 = tpu.memref_slice %arg9[%parallel_loop3A_576, %parallel_loop3A_577, %parallel_loop3A_578] : memref<2x2048x8xf32, #tpu.memory_space<vmem>> -> memref<1x2048x8xf32, #tpu.memory_space<vmem>>
      %parallel_loop3A_580 = tpu.memref_squeeze %parallel_loop3A_579 : memref<1x2048x8xf32, #tpu.memory_space<vmem>> -> memref<2048x8xf32, #tpu.memory_space<vmem>>
      %parallel_loop3A_581 = tpu.vector_load_idx %parallel_loop3A_580[%parallel_loop3A_481, %parallel_loop3A_573] : memref<2048x8xf32, #tpu.memory_space<vmem>>[vector<16xi32>, vector<16xi32>], vector<16xf32>,
      %parallel_loop3A_582 = arith.constant 1 : i32
      %parallel_loop3A_583 = arith.constant 0 : i32
      %parallel_loop3A_584 = arith.constant 0 : i32
      %parallel_loop3A_585 = tpu.memref_slice %arg9[%parallel_loop3A_582, %parallel_loop3A_583, %parallel_loop3A_584] : memref<2x2048x8xf32, #tpu.memory_space<vmem>> -> memref<1x2048x8xf32, #tpu.memory_space<vmem>>
      %parallel_loop3A_586 = tpu.memref_squeeze %parallel_loop3A_585 : memref<1x2048x8xf32, #tpu.memory_space<vmem>> -> memref<2048x8xf32, #tpu.memory_space<vmem>>
      %parallel_loop3A_587 = tpu.vector_load_idx %parallel_loop3A_586[%parallel_loop3A_481, %parallel_loop3A_575] : memref<2048x8xf32, #tpu.memory_space<vmem>>[vector<16xi32>, vector<16xi32>], vector<16xf32>,
      %parallel_loop3A_588 = arith.constant 1 : i32
      %parallel_loop3A_589 = arith.constant 0 : i32
      %parallel_loop3A_590 = arith.constant 0 : i32
      %parallel_loop3A_591 = tpu.memref_slice %arg10[%parallel_loop3A_588, %parallel_loop3A_589, %parallel_loop3A_590] : memref<2x2048x8xf32, #tpu.memory_space<vmem>> -> memref<1x2048x8xf32, #tpu.memory_space<vmem>>
      %parallel_loop3A_592 = tpu.memref_squeeze %parallel_loop3A_591 : memref<1x2048x8xf32, #tpu.memory_space<vmem>> -> memref<2048x8xf32, #tpu.memory_space<vmem>>
      %parallel_loop3A_593 = tpu.vector_load_idx %parallel_loop3A_592[%parallel_loop3A_481, %parallel_loop3A_573] : memref<2048x8xf32, #tpu.memory_space<vmem>>[vector<16xi32>, vector<16xi32>], vector<16xf32>,
      %parallel_loop3A_594 = arith.constant 1 : i32
      %parallel_loop3A_595 = arith.constant 0 : i32
      %parallel_loop3A_596 = arith.constant 0 : i32
      %parallel_loop3A_597 = tpu.memref_slice %arg10[%parallel_loop3A_594, %parallel_loop3A_595, %parallel_loop3A_596] : memref<2x2048x8xf32, #tpu.memory_space<vmem>> -> memref<1x2048x8xf32, #tpu.memory_space<vmem>>
      %parallel_loop3A_598 = tpu.memref_squeeze %parallel_loop3A_597 : memref<1x2048x8xf32, #tpu.memory_space<vmem>> -> memref<2048x8xf32, #tpu.memory_space<vmem>>
      %parallel_loop3A_599 = tpu.vector_load_idx %parallel_loop3A_598[%parallel_loop3A_481, %parallel_loop3A_575] : memref<2048x8xf32, #tpu.memory_space<vmem>>[vector<16xi32>, vector<16xi32>], vector<16xf32>,
      %parallel_loop3A_600 = arith.mulf %parallel_loop3A_581, %parallel_loop3A_474 : vector<16xf32>
      %parallel_loop3A_601 = arith.mulf %parallel_loop3A_587, %parallel_loop3A_456 : vector<16xf32>
      %parallel_loop3A_602 = arith.addf %parallel_loop3A_600, %parallel_loop3A_601 : vector<16xf32>
      %parallel_loop3A_603 = arith.mulf %parallel_loop3A_593, %parallel_loop3A_474 : vector<16xf32>
      %parallel_loop3A_604 = arith.mulf %parallel_loop3A_599, %parallel_loop3A_456 : vector<16xf32>
      %parallel_loop3A_605 = arith.addf %parallel_loop3A_603, %parallel_loop3A_604 : vector<16xf32>
      %parallel_loop3A_606 = arith.mulf %parallel_loop3A_602, %parallel_loop3A_477 : vector<16xf32>
      %parallel_loop3A_607 = arith.mulf %parallel_loop3A_605, %parallel_loop3A_471 : vector<16xf32>
      %parallel_loop3A_608 = arith.addf %parallel_loop3A_606, %parallel_loop3A_607 : vector<16xf32>
      %parallel_loop3A_609 = arith.constant 1 : i32
      %parallel_loop3A_610 = arith.constant 2 : i32
      %parallel_loop3A_611 = arith.index_cast %parallel_loop3A_609 : i32 to index
      %parallel_loop3A_612 = arith.index_cast %parallel_loop3A_417 : i32 to index
      %parallel_loop3A_613 = arith.index_cast %parallel_loop3A_421 : i32 to index
      %parallel_loop3A_614 = arith.index_cast %parallel_loop3A_610 : i32 to index
      %parallel_loop3A_615 = arith.index_cast %parallel_loop3A_425 : i32 to index
      %parallel_loop3A_616 = tpu.vector_load %arg11[%parallel_loop3A_611, %parallel_loop3A_612, %parallel_loop3A_613, %parallel_loop3A_614, %parallel_loop3A_615] {strides = array<i32>} : memref<2x4x4x4x128xf32, #tpu.memory_space<vmem>>, vector<16xf32>,
      tpu.vector_store %arg11[%parallel_loop3A_611, %parallel_loop3A_612, %parallel_loop3A_613, %parallel_loop3A_614, %parallel_loop3A_615], %parallel_loop3A_608 {strides = array<i32>} : memref<2x4x4x4x128xf32, #tpu.memory_space<vmem>>, vector<16xf32>,
      %parallel_loop3A_617 = arith.constant 3 : i32
      %parallel_loop3A_618 = vector.broadcast %parallel_loop3A_617 : i32 to vector<16xi32>
      %parallel_loop3A_619 = arith.constant 7 : i32
      %parallel_loop3A_620 = vector.broadcast %parallel_loop3A_619 : i32 to vector<16xi32>
      %parallel_loop3A_621 = arith.constant 1 : i32
      %parallel_loop3A_622 = arith.constant 0 : i32
      %parallel_loop3A_623 = arith.constant 0 : i32
      %parallel_loop3A_624 = tpu.memref_slice %arg9[%parallel_loop3A_621, %parallel_loop3A_622, %parallel_loop3A_623] : memref<2x2048x8xf32, #tpu.memory_space<vmem>> -> memref<1x2048x8xf32, #tpu.memory_space<vmem>>
      %parallel_loop3A_625 = tpu.memref_squeeze %parallel_loop3A_624 : memref<1x2048x8xf32, #tpu.memory_space<vmem>> -> memref<2048x8xf32, #tpu.memory_space<vmem>>
      %parallel_loop3A_626 = tpu.vector_load_idx %parallel_loop3A_625[%parallel_loop3A_481, %parallel_loop3A_618] : memref<2048x8xf32, #tpu.memory_space<vmem>>[vector<16xi32>, vector<16xi32>], vector<16xf32>,
      %parallel_loop3A_627 = arith.constant 1 : i32
      %parallel_loop3A_628 = arith.constant 0 : i32
      %parallel_loop3A_629 = arith.constant 0 : i32
      %parallel_loop3A_630 = tpu.memref_slice %arg9[%parallel_loop3A_627, %parallel_loop3A_628, %parallel_loop3A_629] : memref<2x2048x8xf32, #tpu.memory_space<vmem>> -> memref<1x2048x8xf32, #tpu.memory_space<vmem>>
      %parallel_loop3A_631 = tpu.memref_squeeze %parallel_loop3A_630 : memref<1x2048x8xf32, #tpu.memory_space<vmem>> -> memref<2048x8xf32, #tpu.memory_space<vmem>>
      %parallel_loop3A_632 = tpu.vector_load_idx %parallel_loop3A_631[%parallel_loop3A_481, %parallel_loop3A_620] : memref<2048x8xf32, #tpu.memory_space<vmem>>[vector<16xi32>, vector<16xi32>], vector<16xf32>,
      %parallel_loop3A_633 = arith.constant 1 : i32
      %parallel_loop3A_634 = arith.constant 0 : i32
      %parallel_loop3A_635 = arith.constant 0 : i32
      %parallel_loop3A_636 = tpu.memref_slice %arg10[%parallel_loop3A_633, %parallel_loop3A_634, %parallel_loop3A_635] : memref<2x2048x8xf32, #tpu.memory_space<vmem>> -> memref<1x2048x8xf32, #tpu.memory_space<vmem>>
      %parallel_loop3A_637 = tpu.memref_squeeze %parallel_loop3A_636 : memref<1x2048x8xf32, #tpu.memory_space<vmem>> -> memref<2048x8xf32, #tpu.memory_space<vmem>>
      %parallel_loop3A_638 = tpu.vector_load_idx %parallel_loop3A_637[%parallel_loop3A_481, %parallel_loop3A_618] : memref<2048x8xf32, #tpu.memory_space<vmem>>[vector<16xi32>, vector<16xi32>], vector<16xf32>,
      %parallel_loop3A_639 = arith.constant 1 : i32
      %parallel_loop3A_640 = arith.constant 0 : i32
      %parallel_loop3A_641 = arith.constant 0 : i32
      %parallel_loop3A_642 = tpu.memref_slice %arg10[%parallel_loop3A_639, %parallel_loop3A_640, %parallel_loop3A_641] : memref<2x2048x8xf32, #tpu.memory_space<vmem>> -> memref<1x2048x8xf32, #tpu.memory_space<vmem>>
      %parallel_loop3A_643 = tpu.memref_squeeze %parallel_loop3A_642 : memref<1x2048x8xf32, #tpu.memory_space<vmem>> -> memref<2048x8xf32, #tpu.memory_space<vmem>>
      %parallel_loop3A_644 = tpu.vector_load_idx %parallel_loop3A_643[%parallel_loop3A_481, %parallel_loop3A_620] : memref<2048x8xf32, #tpu.memory_space<vmem>>[vector<16xi32>, vector<16xi32>], vector<16xf32>,
      %parallel_loop3A_645 = arith.mulf %parallel_loop3A_626, %parallel_loop3A_474 : vector<16xf32>
      %parallel_loop3A_646 = arith.mulf %parallel_loop3A_632, %parallel_loop3A_456 : vector<16xf32>
      %parallel_loop3A_647 = arith.addf %parallel_loop3A_645, %parallel_loop3A_646 : vector<16xf32>
      %parallel_loop3A_648 = arith.mulf %parallel_loop3A_638, %parallel_loop3A_474 : vector<16xf32>
      %parallel_loop3A_649 = arith.mulf %parallel_loop3A_644, %parallel_loop3A_456 : vector<16xf32>
      %parallel_loop3A_650 = arith.addf %parallel_loop3A_648, %parallel_loop3A_649 : vector<16xf32>
      %parallel_loop3A_651 = arith.mulf %parallel_loop3A_647, %parallel_loop3A_477 : vector<16xf32>
      %parallel_loop3A_652 = arith.mulf %parallel_loop3A_650, %parallel_loop3A_471 : vector<16xf32>
      %parallel_loop3A_653 = arith.addf %parallel_loop3A_651, %parallel_loop3A_652 : vector<16xf32>
      %parallel_loop3A_654 = arith.constant 1 : i32
      %parallel_loop3A_655 = arith.constant 3 : i32
      %parallel_loop3A_656 = arith.index_cast %parallel_loop3A_654 : i32 to index
      %parallel_loop3A_657 = arith.index_cast %parallel_loop3A_417 : i32 to index
      %parallel_loop3A_658 = arith.index_cast %parallel_loop3A_421 : i32 to index
      %parallel_loop3A_659 = arith.index_cast %parallel_loop3A_655 : i32 to index
      %parallel_loop3A_660 = arith.index_cast %parallel_loop3A_425 : i32 to index
      %parallel_loop3A_661 = tpu.vector_load %arg11[%parallel_loop3A_656, %parallel_loop3A_657, %parallel_loop3A_658, %parallel_loop3A_659, %parallel_loop3A_660] {strides = array<i32>} : memref<2x4x4x4x128xf32, #tpu.memory_space<vmem>>, vector<16xf32>,
      tpu.vector_store %arg11[%parallel_loop3A_656, %parallel_loop3A_657, %parallel_loop3A_658, %parallel_loop3A_659, %parallel_loop3A_660], %parallel_loop3A_653 {strides = array<i32>} : memref<2x4x4x4x128xf32, #tpu.memory_space<vmem>>, vector<16xf32>,
    } {sc.loop_unroll_factor = 2 : i64, sc.parallel_access}
    %mul3A_214 = arith.constant 64 : i32
    %mul3A_215 = arith.muli %add3A, %mul3A_214 : i32
    %add3A_216 = arith.constant 60 : i32
    %add3A_217 = arith.addi %mul3A_215, %add3A_216 : i32
    %jit3A_218 = arith.constant 512 : i32
    %div3A_219 = arith.divsi %add3A_217, %jit3A_218 : i32
    %sign3A_220 = arith.constant 0 : i32
    %sign3A_221 = arith.cmpi sgt, %add3A_217, %sign3A_220 : i32
    %sign3A_222 = arith.extui %sign3A_221 : i1 to i32
    %sign3A_223 = arith.constant 0 : i32
    %sign3A_224 = arith.cmpi slt, %add3A_217, %sign3A_223 : i32
    %sign3A_225 = arith.extui %sign3A_224 : i1 to i32
    %sign3A_226 = arith.subi %sign3A_222, %sign3A_225 : i32
    %sign3A_227 = arith.constant 0 : i32
    %sign3A_228 = arith.cmpi sgt, %jit3A_218, %sign3A_227 : i32
    %sign3A_229 = arith.extui %sign3A_228 : i1 to i32
    %sign3A_230 = arith.constant 0 : i32
    %sign3A_231 = arith.cmpi slt, %jit3A_218, %sign3A_230 : i32
    %sign3A_232 = arith.extui %sign3A_231 : i1 to i32
    %sign3A_233 = arith.subi %sign3A_229, %sign3A_232 : i32
    %ne3A_234 = arith.cmpi ne, %sign3A_226, %sign3A_233 : i32
    %rem3A_235 = arith.remsi %add3A_217, %jit3A_218 : i32
    %ne3A_236 = arith.constant 0 : i32
    %ne3A_237 = arith.cmpi ne, %rem3A_235, %ne3A_236 : i32
    %and3A_238 = arith.andi %ne3A_234, %ne3A_237 : i1
    %sub3A_239 = arith.constant 1 : i32
    %sub3A_240 = arith.subi %div3A_219, %sub3A_239 : i32
    %select_n3A_241 = arith.select %and3A_238, %sub3A_240, %div3A_219 : i32
    %jit3A_242 = arith.constant 512 : i32
    %eq3A_243 = arith.constant 0 : i32
    %eq3A_244 = arith.cmpi eq, %jit3A_242, %eq3A_243 : i32
    %jit3A_245 = arith.constant 1 : i32
    %select_n3A_246 = arith.select %eq3A_244, %jit3A_245, %jit3A_242 : i32
    %rem3A_247 = arith.remsi %add3A_217, %select_n3A_246 : i32
    %ne3A_248 = arith.constant 0 : i32
    %ne3A_249 = arith.cmpi ne, %rem3A_247, %ne3A_248 : i32
    %lt3A_250 = arith.constant 0 : i32
    %lt3A_251 = arith.cmpi slt, %rem3A_247, %lt3A_250 : i32
    %lt3A_252 = arith.constant 0 : i32
    %lt3A_253 = arith.cmpi slt, %select_n3A_246, %lt3A_252 : i32
    %ne3A_254 = arith.xori %lt3A_251, %lt3A_253 : i1
    %and3A_255 = arith.andi %ne3A_254, %ne3A_249 : i1
    %add3A_256 = arith.addi %rem3A_247, %select_n3A_246 : i32
    %select_n3A_257 = arith.select %and3A_255, %add3A_256, %rem3A_247 : i32
    %dma_start3A_258 = arith.constant 1 : i32
    %dma_start3A_259 = arith.constant 0 : i32
    %dma_start3A_260 = arith.constant 0 : i32
    %dma_start3A_261 = arith.constant 0 : i32
    %dma_start3A_262 = arith.constant 0 : i32
    %dma_start3A_263 = tpu.memref_slice %arg11[%dma_start3A_258, %dma_start3A_259, %dma_start3A_260, %dma_start3A_261, %dma_start3A_262] : memref<2x4x4x4x128xf32, #tpu.memory_space<vmem>> -> memref<1x4x4x4x128xf32, #tpu.memory_space<vmem>>
    %dma_start3A_264 = tpu.memref_squeeze %dma_start3A_263 : memref<1x4x4x4x128xf32, #tpu.memory_space<vmem>> -> memref<4x4x4x128xf32, #tpu.memory_space<vmem>>
    %dma_start3A_265 = arith.constant 0 : i32
    %dma_start3A_266 = arith.constant 0 : i32
    %dma_start3A_267 = arith.constant 0 : i32
    %dma_start3A_268 = tpu.memref_slice %arg5[%select_n3A_241, %select_n3A_257, %dma_start3A_265, %dma_start3A_266, %dma_start3A_267] : memref<4x512x4x4x128xf32, #tpu.memory_space<hbm>> -> memref<1x4x4x4x128xf32, #tpu.memory_space<hbm>>
    %dma_start3A_269 = tpu.memref_squeeze %dma_start3A_268 : memref<1x4x4x4x128xf32, #tpu.memory_space<hbm>> -> memref<4x4x4x128xf32, #tpu.memory_space<hbm>>
    %dma_start3A_270 = arith.constant 0 : i32
    %dma_start3A_271 = arith.constant 0 : i32
    %dma_start3A_272 = arith.constant 0 : i32
    %dma_start3A_273 = tpu.memref_slice %arg5[%select_n3A_241, %select_n3A_257, %dma_start3A_270, %dma_start3A_271, %dma_start3A_272] : memref<4x512x4x4x128xf32, #tpu.memory_space<hbm>> -> memref<1x4x4x4x128xf32, #tpu.memory_space<hbm>>
    %dma_start3A_274 = tpu.memref_squeeze %dma_start3A_273 : memref<1x4x4x4x128xf32, #tpu.memory_space<hbm>> -> memref<4x4x4x128xf32, #tpu.memory_space<hbm>>
    %dma_start3A_275 = arith.constant 0 : i32
    %dma_start3A_276 = arith.constant 0 : i32
    %dma_start3A_277 = arith.constant 0 : i32
    %dma_start3A_278 = arith.constant 0 : i32
    %dma_start3A_279 = tpu.memref_slice %arg11[%dma_start3A_258, %dma_start3A_275, %dma_start3A_276, %dma_start3A_277, %dma_start3A_278] : memref<2x4x4x4x128xf32, #tpu.memory_space<vmem>> -> memref<1x4x4x4x128xf32, #tpu.memory_space<vmem>>
    %dma_start3A_280 = tpu.memref_squeeze %dma_start3A_279 : memref<1x4x4x4x128xf32, #tpu.memory_space<vmem>> -> memref<4x4x4x128xf32, #tpu.memory_space<vmem>>
    tpu.enqueue_dma source(%dma_start3A_280 : memref<4x4x4x128xf32, #tpu.memory_space<vmem>>) target(%dma_start3A_274 : memref<4x4x4x128xf32, #tpu.memory_space<hbm>>) target_semaphore(%arg14 : memref<!tpu.dma_semaphore, #tpu.memory_space<semaphore_mem>>)
    %mul3A_281 = arith.constant 64 : i32
    %mul3A_282 = arith.muli %add3A, %mul3A_281 : i32
    %add3A_283 = arith.constant 56 : i32
    %add3A_284 = arith.addi %mul3A_282, %add3A_283 : i32
    %jit3A_285 = arith.constant 512 : i32
    %div3A_286 = arith.divsi %add3A_284, %jit3A_285 : i32
    %sign3A_287 = arith.constant 0 : i32
    %sign3A_288 = arith.cmpi sgt, %add3A_284, %sign3A_287 : i32
    %sign3A_289 = arith.extui %sign3A_288 : i1 to i32
    %sign3A_290 = arith.constant 0 : i32
    %sign3A_291 = arith.cmpi slt, %add3A_284, %sign3A_290 : i32
    %sign3A_292 = arith.extui %sign3A_291 : i1 to i32
    %sign3A_293 = arith.subi %sign3A_289, %sign3A_292 : i32
    %sign3A_294 = arith.constant 0 : i32
    %sign3A_295 = arith.cmpi sgt, %jit3A_285, %sign3A_294 : i32
    %sign3A_296 = arith.extui %sign3A_295 : i1 to i32
    %sign3A_297 = arith.constant 0 : i32
    %sign3A_298 = arith.cmpi slt, %jit3A_285, %sign3A_297 : i32
    %sign3A_299 = arith.extui %sign3A_298 : i1 to i32
    %sign3A_300 = arith.subi %sign3A_296, %sign3A_299 : i32
    %ne3A_301 = arith.cmpi ne, %sign3A_293, %sign3A_300 : i32
    %rem3A_302 = arith.remsi %add3A_284, %jit3A_285 : i32
    %ne3A_303 = arith.constant 0 : i32
    %ne3A_304 = arith.cmpi ne, %rem3A_302, %ne3A_303 : i32
    %and3A_305 = arith.andi %ne3A_301, %ne3A_304 : i1
    %sub3A_306 = arith.constant 1 : i32
    %sub3A_307 = arith.subi %div3A_286, %sub3A_306 : i32
    %select_n3A_308 = arith.select %and3A_305, %sub3A_307, %div3A_286 : i32
    %jit3A_309 = arith.constant 512 : i32
    %eq3A_310 = arith.constant 0 : i32
    %eq3A_311 = arith.cmpi eq, %jit3A_309, %eq3A_310 : i32
    %jit3A_312 = arith.constant 1 : i32
    %select_n3A_313 = arith.select %eq3A_311, %jit3A_312, %jit3A_309 : i32
    %rem3A_314 = arith.remsi %add3A_284, %select_n3A_313 : i32
    %ne3A_315 = arith.constant 0 : i32
    %ne3A_316 = arith.cmpi ne, %rem3A_314, %ne3A_315 : i32
    %lt3A_317 = arith.constant 0 : i32
    %lt3A_318 = arith.cmpi slt, %rem3A_314, %lt3A_317 : i32
    %lt3A_319 = arith.constant 0 : i32
    %lt3A_320 = arith.cmpi slt, %select_n3A_313, %lt3A_319 : i32
    %ne3A_321 = arith.xori %lt3A_318, %lt3A_320 : i1
    %and3A_322 = arith.andi %ne3A_321, %ne3A_316 : i1
    %add3A_323 = arith.addi %rem3A_314, %select_n3A_313 : i32
    %select_n3A_324 = arith.select %and3A_322, %add3A_323, %rem3A_314 : i32
    %dma_wait3A_325 = arith.constant 0 : i32
    %dma_wait3A_326 = arith.constant 0 : i32
    %dma_wait3A_327 = arith.constant 0 : i32
    %dma_wait3A_328 = arith.constant 0 : i32
    %dma_wait3A_329 = arith.constant 0 : i32
    %dma_wait3A_330 = tpu.memref_slice %arg11[%dma_wait3A_325, %dma_wait3A_326, %dma_wait3A_327, %dma_wait3A_328, %dma_wait3A_329] : memref<2x4x4x4x128xf32, #tpu.memory_space<vmem>> -> memref<1x4x4x4x128xf32, #tpu.memory_space<vmem>>
    %dma_wait3A_331 = tpu.memref_squeeze %dma_wait3A_330 : memref<1x4x4x4x128xf32, #tpu.memory_space<vmem>> -> memref<4x4x4x128xf32, #tpu.memory_space<vmem>>
    %dma_wait3A_332 = arith.constant 0 : i32
    %dma_wait3A_333 = arith.constant 0 : i32
    %dma_wait3A_334 = arith.constant 0 : i32
    %dma_wait3A_335 = tpu.memref_slice %arg5[%select_n3A_308, %select_n3A_324, %dma_wait3A_332, %dma_wait3A_333, %dma_wait3A_334] : memref<4x512x4x4x128xf32, #tpu.memory_space<hbm>> -> memref<1x4x4x4x128xf32, #tpu.memory_space<hbm>>
    %dma_wait3A_336 = tpu.memref_squeeze %dma_wait3A_335 : memref<1x4x4x4x128xf32, #tpu.memory_space<hbm>> -> memref<4x4x4x128xf32, #tpu.memory_space<hbm>>
    %dma_wait3A_337 = arith.constant 0 : i32
    %dma_wait3A_338 = arith.constant 0 : i32
    %dma_wait3A_339 = arith.constant 0 : i32
    %dma_wait3A_340 = tpu.memref_slice %arg5[%select_n3A_308, %select_n3A_324, %dma_wait3A_337, %dma_wait3A_338, %dma_wait3A_339] : memref<4x512x4x4x128xf32, #tpu.memory_space<hbm>> -> memref<1x4x4x4x128xf32, #tpu.memory_space<hbm>>
    %dma_wait3A_341 = tpu.memref_squeeze %dma_wait3A_340 : memref<1x4x4x4x128xf32, #tpu.memory_space<hbm>> -> memref<4x4x4x128xf32, #tpu.memory_space<hbm>>
    %dma_wait3A_342 = arith.constant 0 : i32
    %dma_wait3A_343 = arith.constant 0 : i32
    %dma_wait3A_344 = arith.constant 0 : i32
    %dma_wait3A_345 = arith.constant 0 : i32
    %dma_wait3A_346 = tpu.memref_slice %arg11[%dma_wait3A_325, %dma_wait3A_342, %dma_wait3A_343, %dma_wait3A_344, %dma_wait3A_345] : memref<2x4x4x4x128xf32, #tpu.memory_space<vmem>> -> memref<1x4x4x4x128xf32, #tpu.memory_space<vmem>>
    %dma_wait3A_347 = tpu.memref_squeeze %dma_wait3A_346 : memref<1x4x4x4x128xf32, #tpu.memory_space<vmem>> -> memref<4x4x4x128xf32, #tpu.memory_space<vmem>>
    tpu.wait_dma2 semaphore(%arg14 : memref<!tpu.dma_semaphore, #tpu.memory_space<semaphore_mem>>) src(%dma_wait3A_347 : memref<4x4x4x128xf32, #tpu.memory_space<vmem>>) dst(%dma_wait3A_341 : memref<4x4x4x128xf32, #tpu.memory_space<hbm>>)
    %mul3A_348 = arith.constant 64 : i32
    %mul3A_349 = arith.muli %add3A, %mul3A_348 : i32
    %add3A_350 = arith.constant 60 : i32
    %add3A_351 = arith.addi %mul3A_349, %add3A_350 : i32
    %jit3A_352 = arith.constant 512 : i32
    %div3A_353 = arith.divsi %add3A_351, %jit3A_352 : i32
    %sign3A_354 = arith.constant 0 : i32
    %sign3A_355 = arith.cmpi sgt, %add3A_351, %sign3A_354 : i32
    %sign3A_356 = arith.extui %sign3A_355 : i1 to i32
    %sign3A_357 = arith.constant 0 : i32
    %sign3A_358 = arith.cmpi slt, %add3A_351, %sign3A_357 : i32
    %sign3A_359 = arith.extui %sign3A_358 : i1 to i32
    %sign3A_360 = arith.subi %sign3A_356, %sign3A_359 : i32
    %sign3A_361 = arith.constant 0 : i32
    %sign3A_362 = arith.cmpi sgt, %jit3A_352, %sign3A_361 : i32
    %sign3A_363 = arith.extui %sign3A_362 : i1 to i32
    %sign3A_364 = arith.constant 0 : i32
    %sign3A_365 = arith.cmpi slt, %jit3A_352, %sign3A_364 : i32
    %sign3A_366 = arith.extui %sign3A_365 : i1 to i32
    %sign3A_367 = arith.subi %sign3A_363, %sign3A_366 : i32
    %ne3A_368 = arith.cmpi ne, %sign3A_360, %sign3A_367 : i32
    %rem3A_369 = arith.remsi %add3A_351, %jit3A_352 : i32
    %ne3A_370 = arith.constant 0 : i32
    %ne3A_371 = arith.cmpi ne, %rem3A_369, %ne3A_370 : i32
    %and3A_372 = arith.andi %ne3A_368, %ne3A_371 : i1
    %sub3A_373 = arith.constant 1 : i32
    %sub3A_374 = arith.subi %div3A_353, %sub3A_373 : i32
    %select_n3A_375 = arith.select %and3A_372, %sub3A_374, %div3A_353 : i32
    %jit3A_376 = arith.constant 512 : i32
    %eq3A_377 = arith.constant 0 : i32
    %eq3A_378 = arith.cmpi eq, %jit3A_376, %eq3A_377 : i32
    %jit3A_379 = arith.constant 1 : i32
    %select_n3A_380 = arith.select %eq3A_378, %jit3A_379, %jit3A_376 : i32
    %rem3A_381 = arith.remsi %add3A_351, %select_n3A_380 : i32
    %ne3A_382 = arith.constant 0 : i32
    %ne3A_383 = arith.cmpi ne, %rem3A_381, %ne3A_382 : i32
    %lt3A_384 = arith.constant 0 : i32
    %lt3A_385 = arith.cmpi slt, %rem3A_381, %lt3A_384 : i32
    %lt3A_386 = arith.constant 0 : i32
    %lt3A_387 = arith.cmpi slt, %select_n3A_380, %lt3A_386 : i32
    %ne3A_388 = arith.xori %lt3A_385, %lt3A_387 : i1
    %and3A_389 = arith.andi %ne3A_388, %ne3A_383 : i1
    %add3A_390 = arith.addi %rem3A_381, %select_n3A_380 : i32
    %select_n3A_391 = arith.select %and3A_389, %add3A_390, %rem3A_381 : i32
    %dma_wait3A_392 = arith.constant 1 : i32
    %dma_wait3A_393 = arith.constant 0 : i32
    %dma_wait3A_394 = arith.constant 0 : i32
    %dma_wait3A_395 = arith.constant 0 : i32
    %dma_wait3A_396 = arith.constant 0 : i32
    %dma_wait3A_397 = tpu.memref_slice %arg11[%dma_wait3A_392, %dma_wait3A_393, %dma_wait3A_394, %dma_wait3A_395, %dma_wait3A_396] : memref<2x4x4x4x128xf32, #tpu.memory_space<vmem>> -> memref<1x4x4x4x128xf32, #tpu.memory_space<vmem>>
    %dma_wait3A_398 = tpu.memref_squeeze %dma_wait3A_397 : memref<1x4x4x4x128xf32, #tpu.memory_space<vmem>> -> memref<4x4x4x128xf32, #tpu.memory_space<vmem>>
    %dma_wait3A_399 = arith.constant 0 : i32
    %dma_wait3A_400 = arith.constant 0 : i32
    %dma_wait3A_401 = arith.constant 0 : i32
    %dma_wait3A_402 = tpu.memref_slice %arg5[%select_n3A_375, %select_n3A_391, %dma_wait3A_399, %dma_wait3A_400, %dma_wait3A_401] : memref<4x512x4x4x128xf32, #tpu.memory_space<hbm>> -> memref<1x4x4x4x128xf32, #tpu.memory_space<hbm>>
    %dma_wait3A_403 = tpu.memref_squeeze %dma_wait3A_402 : memref<1x4x4x4x128xf32, #tpu.memory_space<hbm>> -> memref<4x4x4x128xf32, #tpu.memory_space<hbm>>
    %dma_wait3A_404 = arith.constant 0 : i32
    %dma_wait3A_405 = arith.constant 0 : i32
    %dma_wait3A_406 = arith.constant 0 : i32
    %dma_wait3A_407 = tpu.memref_slice %arg5[%select_n3A_375, %select_n3A_391, %dma_wait3A_404, %dma_wait3A_405, %dma_wait3A_406] : memref<4x512x4x4x128xf32, #tpu.memory_space<hbm>> -> memref<1x4x4x4x128xf32, #tpu.memory_space<hbm>>
    %dma_wait3A_408 = tpu.memref_squeeze %dma_wait3A_407 : memref<1x4x4x4x128xf32, #tpu.memory_space<hbm>> -> memref<4x4x4x128xf32, #tpu.memory_space<hbm>>
    %dma_wait3A_409 = arith.constant 0 : i32
    %dma_wait3A_410 = arith.constant 0 : i32
    %dma_wait3A_411 = arith.constant 0 : i32
    %dma_wait3A_412 = arith.constant 0 : i32
    %dma_wait3A_413 = tpu.memref_slice %arg11[%dma_wait3A_392, %dma_wait3A_409, %dma_wait3A_410, %dma_wait3A_411, %dma_wait3A_412] : memref<2x4x4x4x128xf32, #tpu.memory_space<vmem>> -> memref<1x4x4x4x128xf32, #tpu.memory_space<vmem>>
    %dma_wait3A_414 = tpu.memref_squeeze %dma_wait3A_413 : memref<1x4x4x4x128xf32, #tpu.memory_space<vmem>> -> memref<4x4x4x128xf32, #tpu.memory_space<vmem>>
    tpu.wait_dma2 semaphore(%arg14 : memref<!tpu.dma_semaphore, #tpu.memory_space<semaphore_mem>>) src(%dma_wait3A_414 : memref<4x4x4x128xf32, #tpu.memory_space<vmem>>) dst(%dma_wait3A_408 : memref<4x4x4x128xf32, #tpu.memory_space<hbm>>)
    return
  }
}

</mosaic_0001>

<sc_bundles>
// kernel: kernel.4.cloned.1.call-start
scs
__scs_entry_jumppad:
0x0: {  	(pc) =	sbr.rel $0x88, $3  }
0x1: {  	(tag) =	ssettag $0x0;
	lr =	simm.s32 $0x1  }
0x2: {  	[smem:$0x3F9B] =	sst lr;
	_ =	strace $0xD0000000  }
0x3: {  	_ = 	snop  }
0x4: {  	_ = 	snop  }
0x5: {  	_ = 	snop  }
0x6: {  	_ = 	snop  }
0x7: {  	_ = 	snop  }
__scs_overlays_trampoline_lowered:
0x8: {  	[smem:$0x3FAA] =	sst s0  }
0x9: {  	[smem:$0x3FAB] =	sst s1  }
0xa: {  	[smem:$0x3FAC] =	sst s2  }
0xb: {  	[smem:$0x3FAD] =	sst s3  }
0xc: {  	[smem:$0x3FAE] =	sst s4  }
0xd: {  	[smem:$0x3FAF] =	sst s5  }
0xe: {  	[smem:$0x3FB0] =	sst s6  }
0xf: {  	[smem:$0x3FB1] =	sst s7  }
0x10: {  	[smem:$0x3FB2] =	sst s8  }
0x11: {  	[smem:$0x3FB3] =	sst s9;
	s0 =	simm.s32 @!p0 $0x0  }
0x12: {  	s1 =	sld [smem:$0x3F99];
	s0 =	simm.s32 @p0 $0x1  }
0x13: {  	[smem:$0x3FB4] =	sst s0;
	s0 =	simm.s32 @!p1 $0x0  }
0x14: {  	s2 =	sld [smem:$0x3F98];
	s0 =	simm.s32 @p1 $0x1  }
0x15: {  	[smem:$0x3FB5] =	sst s0;
	s0 =	simm.s32 @!p2 $0x0  }
0x16: {  	s3 =	sld [smem:$0x3FDB];
	s0 =	simm.s32 @p2 $0x1  }
0x17: {  	s4 =	simm.s32 $0x1BF5;
	[smem:$0x3FB7] =	sst s0  }
0x18: {  	s0 =	sld [smem:$0x3F9A];
	_ =	swait.ge [sflag:s4], $0x0  }
0x19: {  	s7 =	sld [smem:$0x3F9B]  }
0x1a: {  	s8 =	sadd.s32 $0xFFFFE003, lr  }
0x1b: {  	s9 =	sadd.s32 $0xFFFFFEF7, lr;
	s5 =	simm.s32 $0xFFFFFFFF;
	p2 =	slt.u32 s8, $0xFFFFF086  }
0x1c: {  	p1 =	slt.u32 s9, $0xF7A;
	s5 =	simm.s32 @!p2 $0x0  }
0x1d: {  	s5 =	simm.s32 @p1 $0x1;
	p0 =	seq.s32 s7, s2  }
0x1e: {  	s7 =	smul.u32 @!p0 $0xF7A, s2;
	p2 =	seq.s32 @!p0 s5, $0x0  }
0x1f: {  	s9 =	smul.u32 $0xF7A, s1;
	s8 =	simm.s32 @!p0 $0x1BF5;
	p2 =	por !p2, p0  }
0x20: {  	[sflag:s8] =	ssyncset.s32 @!p0 $0xFFFFF086;
	s6 =	sadd.s32 @!p0 s3, s7;
	s7 =	simm.s32 @!p0 $0x108  }
0x21: {  	s3 =	sadd.s32 s3, s9;
	s6 =	sadd.s32 @!p0 $0x88, s6;
	s7 =	simm.s32 @p2 $0x1082  }
0x22: {  	[simem:s7], [sflag:s8] =	dma.local @!p0 [hbm:s6], $0xF7A  }
0x23: {  	s9 =	sor.u32 $0xD0000000, s2;
	s6 =	simm.s32 $0x108;
	_ =	swait.ge @!p0 [sflag:s8], $0x0  }
0x24: {  	s3 =	sadd.s32 $0x88, s3;
	s6 =	simm.s32 @!p1 $0x1082;
	[sflag:s4] =	ssyncset.s32 $0xFFFFF086  }
0x25: {  	[simem:s6], [sflag:s4] =	dma.local [hbm:s3], $0xF7A  }
0x26: {  	[smem:$0x3F9B] =	sst s1;
	(tag) =	ssettag s2;
	_ =	strace s9  }
0x27: {  	s1 =	sld [smem:$0x3FAB]  }
0x28: {  	s2 =	sld [smem:$0x3FAC]  }
0x29: {  	s4 =	sld [smem:$0x3FAE]  }
0x2a: {  	p0 =	seq.s32 s5, $0x0;
	s5 =	sld [smem:$0x3FAF]  }
0x2b: {  	s6 =	sld [smem:$0x3FB0]  }
0x2c: {  	s7 =	sld [smem:$0x3FB1]  }
0x2d: {  	s3 =	simm.s32 $0x108;
	s8 =	sld [smem:$0x3FB2]  }
0x2e: {  	s3 =	simm.s32 @!p0 $0x1082;
	s9 =	sld [smem:$0x3FB3]  }
0x2f: {  	lr =	sadd.s32 s0, s3;
	s0 =	sld [smem:$0x3FAA]  }
0x30: {  	s3 =	sld [smem:$0x3FAD]  }
0x31: {  	[smem:$0x3FB6] =	sst s10  }
0x32: {  	s10 =	sld [smem:$0x3FB4];
	_ =	sdelay $0x3  }
0x33: {  	p0 =	seq.s32 s10, $0x1;
	s10 =	sld [smem:$0x3FB6];
	_ =	sdelay $0x3  }
0x34: {  	[smem:$0x3FB6] =	sst s10  }
0x35: {  	s10 =	sld [smem:$0x3FB5];
	_ =	sdelay $0x3  }
0x36: {  	p1 =	seq.s32 s10, $0x1;
	s10 =	sld [smem:$0x3FB6];
	_ =	sdelay $0x3  }
0x37: {  	[smem:$0x3FB6] =	sst s10  }
0x38: {  	s10 =	sld [smem:$0x3FB7]  }
0x39: {  	_ = 	snop;
	(pc) =	sbr.ind lr, $3  }
0x3a: {  	_ = 	snop  }
0x3b: {  	_ = 	snop  }
0x3c: {  	p2 =	seq.s32 s10, $0x1;
	s10 =	sld [smem:$0x3FB6]  }
0x3d: {  	_ =	shalt  }
0x3e: {  	_ =	shalt  }
0x3f: {  	_ =	shalt  }
0x40: {  	_ =	shalt  }
0x41: {  	_ =	shalt  }
0x42: {  	_ =	shalt  }
0x43: {  	_ =	shalt  }
0x44: {  	_ =	shalt  }
0x45: {  	_ =	shalt  }
0x46: {  	_ =	shalt  }
0x47: {  	_ =	shalt  }
0x48: {  	_ =	shalt  }
0x49: {  	_ =	shalt  }
0x4a: {  	_ =	shalt  }
0x4b: {  	_ =	shalt  }
0x4c: {  	_ =	shalt  }
0x4d: {  	_ =	shalt  }
0x4e: {  	_ =	shalt  }
0x4f: {  	_ =	shalt  }
0x50: {  	_ =	shalt  }
0x51: {  	_ =	shalt  }
0x52: {  	_ =	shalt  }
0x53: {  	_ =	shalt  }
0x54: {  	_ =	shalt  }
0x55: {  	_ =	shalt  }
0x56: {  	_ =	shalt  }
0x57: {  	_ =	shalt  }
0x58: {  	_ =	shalt  }
0x59: {  	_ =	shalt  }
0x5a: {  	_ =	shalt  }
0x5b: {  	_ =	shalt  }
0x5c: {  	_ =	shalt  }
0x5d: {  	_ =	shalt  }
0x5e: {  	_ =	shalt  }
0x5f: {  	_ =	shalt  }
0x60: {  	_ =	shalt  }
0x61: {  	_ =	shalt  }
0x62: {  	_ =	shalt  }
0x63: {  	_ =	shalt  }
0x64: {  	_ =	shalt  }
0x65: {  	_ =	shalt  }
0x66: {  	_ =	shalt  }
0x67: {  	_ =	shalt  }
0x68: {  	_ =	shalt  }
0x69: {  	_ =	shalt  }
0x6a: {  	_ =	shalt  }
0x6b: {  	_ =	shalt  }
0x6c: {  	_ =	shalt  }
0x6d: {  	_ =	shalt  }
0x6e: {  	_ =	shalt  }
0x6f: {  	_ =	shalt  }
0x70: {  	_ =	shalt  }
0x71: {  	_ =	shalt  }
0x72: {  	_ =	shalt  }
0x73: {  	_ =	shalt  }
0x74: {  	_ =	shalt  }
0x75: {  	_ =	shalt  }
0x76: {  	_ =	shalt  }
0x77: {  	_ =	shalt  }
0x78: {  	_ =	shalt  }
0x79: {  	_ =	shalt  }
0x7a: {  	_ =	shalt  }
0x7b: {  	_ =	shalt  }
0x7c: {  	_ =	shalt  }
0x7d: {  	_ =	shalt  }
0x7e: {  	_ =	shalt  }
0x7f: {  	_ =	shalt  }
0x80: {  	_ =	shalt  }
0x81: {  	_ =	shalt  }
0x82: {  	_ =	shalt  }
0x83: {  	_ =	shalt  }
0x84: {  	_ =	shalt  }
0x85: {  	_ =	shalt  }
0x86: {  	_ =	shalt  }
0x87: {  	_ =	shalt  }
.Lfunc_end0:
.L_simem_size_0:
called_computation_lowered:
.L_overlay_start_0:
0x88: {  	s2 =	sld [smem:$0x3FD9]  }
0x89: {  	s3 =	sld [smem:$0x3FFE];
	_ =	sdelay $0x1  }
0x8a: {  	s1 =	srdreg.scid  }
0x8b: {  	s0 =	sand.u32 $0x1, s1  }
0x8c: {  	s17 =	sshll.u32 s0, $0xA;
	s2 =	sadd.s32 s3, s2  }
0x8d: {  	s2 =	sadd.s32 s2, s17  }
0x8e: {  	[smem:$0x3FC2] =	sst s2  }
0x8f: {  	_ = 	snop  }
0x90: {  	s2 =	sld [smem:$0x3FC7]  }
0x91: {  	s18 =	sld [smem:$0x3FC6]  }
0x92: {  	s4 =	sld [smem:$0x3FC5]  }
0x93: {  	s5 =	sld [smem:$0x3FC4];
	(tm) =	ssettm $0x1  }
0x94: {  	s6 =	sld [smem:$0x3FFB];
	_ =	sdelay $0x3  }
0x95: {  	_ =	strace s6  }
0x96: {  	s6 =	sld [smem:$0x3FFC];
	_ =	sdelay $0x3  }
0x97: {  	_ =	strace s6  }
0x98: {  	s6 =	sld [smem:$0x3FFD];
	_ =	sdelay $0x3  }
0x99: {  	_ =	strace s6  }
0x9a: {  	_ =	strace $0x8FFFFFFF  }
0x9b: {  	s19 =	sld [smem:$0x3FDB];
	_ =	sdelay $0x1  }
0x9c: {  	s7 =	simm.s32 $_scs_section_size  }
0x9d: {  	s8 =	simm.s32 $_size__tile_overlayer_lowered;
	s9 =	simm.s32 $_tile_overlayer_lowered  }
0x9e: {  	s22 =	simm.s32 $0x1BFF;
	s21 =	sshll.u32 s9, $0x1;
	s6 =	sadd.s32 s7, s19  }
0x9f: {  	s10 =	simm.s32 $0x0;
	s20 =	sshll.u32 s8, $0x1;
	s8 =	sadd.s32 s21, s6  }
0xa0: {  	[timem:s10], [sflag:s22] =	dma.local [hbm:s8], s20  }
0xa1: {  	_ =	swait.ge [sflag:s22], s20  }
0xa2: {  	s7 =	ssub.s32 $0x0, s20;
	[sflag:s22] =	ssyncset.done $0x0  }
0xa3: {  	[sflag:s22] =	ssyncadd.s32 s7;
	_ =	sdelay $0x1  }
0xa4: {  	s23 =	simm.s32 $0x1B8B  }
0xa5: {  	_ =	swait.ge [sflag:s23], $0x1  }
0xa6: {  	[sflag:s23] =	ssyncset.done $0x0  }
0xa7: {  	s25 =	simm.s32 $0x1B8E;
	s24 =	sld [smem:$0x3FFE];
	[sflag:s23] =	ssyncadd.s32 $0xFFFFFFFF  }
0xa8: {  	s26 =	simm.s32 $execute0_lowered;
	[smem:$0x3FD2] =	sst s25  }
0xa9: {  	s8 =	sshll.u32 s26, $0x1;
	_ =	strace $0x80000046;
	[dreg:$0x1] =	wrdreg $0xFFFFFFFF  }
0xaa: {  	s28 =	simm.s32 $_size_execute0_lowered;
	s6 =	sadd.s32 s6, s8;
	[dreg:$0x0] =	wrdreg $0x0  }
0xab: {  	s8 =	sshll.u32 s28, $0x1;
	[dreg:$0x2] =	wrdreg s6  }
0xac: {  	[dreg:$0x3] =	wrdreg s8  }
0xad: {  	[dreg:$0x4] =	wrdreg $0xC0  }
0xae: {  	_ =	task [dreg:s10], $0x5FFFF  }
0xaf: {  	[dreg:$0x1] =	wrdreg $0xFFFFFFFF  }
0xb0: {  	[dreg:$0x0] =	wrdreg $0x60  }
0xb1: {  	[dreg:$0x2] =	wrdreg s2  }
0xb2: {  	[dreg:$0x3] =	wrdreg s18  }
0xb3: {  	[dreg:$0x4] =	wrdreg s4  }
0xb4: {  	[dreg:$0x5] =	wrdreg s5  }
0xb5: {  	[dreg:$0x6] =	wrdreg s24  }
0xb6: {  	[dreg:$0x7] =	wrdreg $0x9  }
0xb7: {  	_ =	task.clear_ibuf [dreg:s10], $0x8FFFF;
	_ =	strace $0x90000046  }
0xb8: {  	s29 =	simm.s32 $0x9;
	_ =	strace $0x80000048  }
0xb9: {  	_ =	swait.ge [sflag:s29], $0x1  }
0xba: {  	[sflag:s29] =	ssyncadd.s32 $0xFFFFFFFF  }
0xbb: {  	_ =	strace $0x90000048  }
0xbc: {  	_ =	sfence  }
0xbd: {  	s30 =	sld [smem:$0x0];
	_ =	sdelay $0x2  }
0xbe: {  	s31 =	sshll.u32 s1, $0xD;
	s1 =	sshrl.u32 s1, $0x2  }
0xbf: {  	s3 =	sand.u32 $0x4000, s31;
	s1 =	sadd.s32 s1, s30  }
0xc0: {  	s0 =	sor.u32 s3, s0;
	s1 =	sshll.u32 s1, $0x11  }
0xc1: {  	s0 =	sor.u32 s1, s0  }
0xc2: {  	s0 =	sadd.s32 $0x8F2B, s0  }
0xc3: {  	[sflag:s0] =	ssyncadd.remote.s32 $0x1  }
0xc4: {  	_ =	sfence.sel $0xFFFF  }
0xc5: {  	[dreg:$0x0] =	wrdreg $0xFFFFFFFF;
	(pc) =	sbr.abs _section_cstart, $3  }
0xc6: {  	[dreg:$0x1] =	wrdreg $0xFFFFFFFF  }
0xc7: {  	_ =	task.clear_ibuf [dreg:s10], $0x2FFFF;
	_ =	strace $0x9FFFFFFF  }
0xc8: {  	(tm) =	ssettm $0x7FFFFFFF  }
0xc9: {  	_ =	shalt  }
tec
execute0_lowered:
.L_overlay_start_1:
0x0: {  	(tag) =	ssettag $0x1  }
0x1: {  	s9 =	rddreg [dreg:$0x0]  }
0x2: {  	s3 =	rddreg [dreg:$0x1]  }
0x3: {  	s5 =	rddreg [dreg:$0x2]  }
0x4: {  	s7 =	rddreg [dreg:$0x3]  }
0x5: {  	s2 =	srdreg.scid;
	s0 =	stileid.u32  }
0x6: {  	s4 =	rddreg [dreg:$0x4];
	s6 =	sand.u32 $0x1, s2;
	s8 =	sshll.u32 s0, $0x8  }
0x7: {  	s2 =	simm.s32 $0x0;
	s14 =	sshrl.u32 s0, $0x2;
	s10 =	sshll.u32 s6, $0x7  }
0x8: {  	s8 =	sand.u32 $0x300, s8;
	[smem:$0x7FF] =	sst s2;
	s6 =	ssub.s32 $0x2, s6  }
0x9: {  	p0 =	sgt.s32 s14, $0x1;
	p1 =	seq.s32 s14, $0x0;
	p2 =	seq.s32 s14, $0x2  }
0xa: {  	p3 =	sne.s32 s14, $0x3;
	s14 =	simm.s32 $0x0;
	s8 =	sor.u32 s10, s8  }
0xb: {  	_ =	strace $0x80000047;
	s30 =	sshrl.u32 s6, $0x1;
	s10 =	sshll.u32 s8, $0xA  }
.Ltmp0:
0xc: {  	s11 =	sshll.u32 s8, $0x9;
	s12 =	ssub.s32 s6, s30;
	(pc) =	sbr.rel .LBB2_1-.Ltmp0, $4  }
0xd: {  	s10 =	sadd.s32 s10, s4;
	s3 =	sadd.s32 s3, s11;
	s5 =	sadd.s32 s5, s11  }
0xe: {  	s7 =	sadd.s32 s7, s11;
	s9 =	sadd.s32 s9, s11;
	s31 =	smax.u32 s12, $0x1  }
0xf: {  	v1 =	vlaneseq.u32;
	s12 =	simm.s32 $0x1;
	s4 =	sadd.s32 $0x100800, s10;
	s6 =	sadd.s32 $0x200800, s10  }
0x10: {  	v0 =	vadd.s32 $0xFFFFFFFF, v1;
	v1 =	vmul.u32 $0x8, v1;
	s8 =	sadd.s32 $0x300800, s10;
	s10 =	sadd.s32 $0x800, s10;
	[dreg:$0x6] =	wrdreg s31  }
.LBB2_21:
0x11: {  	s0 =	simm.s32 $0x2  }
0x12: {  	_ =	swait.ge [sflag:s0], $0x8000  }
0x13: {  	[sflag:s0] =	ssyncset.done $0x0  }
0x14: {  	[sflag:s0] =	ssyncadd.s32 $0xFFFF8000  }
0x15: {  	_ =	swait.ge [sflag:s0], $0x8000  }
0x16: {  	[sflag:s0] =	ssyncset.done $0x0  }
0x17: {  	[sflag:s0] =	ssyncadd.s32 $0xFFFF8000  }
.LBB2_22:
0x18: {  	s14 =	sadd.s32 $0x1, s14;
	s0 =	rddreg [dreg:$0x6]  }
0x19: {  	p4 =	sne.s32 s14, s0  }
.Ltmp1:
0x1a: {  	_ = 	snop;
	(pc) =	sbr.rel @!p4 .LBB2_23-.Ltmp1, $1  }
0x1b: {  	_ =	sdelay $0x3  }
.LBB2_1:
.Ltmp2:
0x1c: {  	(pc) =	sbr.rel @p0 .LBB2_11-.Ltmp2, $1  }
0x1d: {  	_ =	sdelay $0x3  }
.Ltmp3:
0x1e: {  	(pc) =	sbr.rel @!p1 .LBB2_7-.Ltmp3, $2  }
0x1f: {  	_ =	sdelay $0x2  }
0x20: {  	s15 =	simm.s32 $0x0  }
0x21: {  	[tilespmem:s15], [sflag:$0x1] =	stream.linear.gather [hbm4b:s9+s15], $0x4000, $0x38;
	[tilespmem:$0x18000] =	vst v63  }
0x22: {  	s16 =	simm.s32 $0x0  }
.LBB2_4:
0x23: {  	s18 =	sand.u32 $0x1, s16  }
0x24: {  	s17 =	sadd.s32 $0x1, s16;
	p4 =	seq.s32 s16, $0x1F;
	s22 =	simm.s32 $0x30  }
0x25: {  	s0 =	simm.s32 $0x0;
	s23 =	sand.u32 $0xE00, s15;
	s24 =	simm.s32 $0x0  }
0x26: {  	s19 =	sshll.u32 @!p4 s17, $0xB;
	s20 =	sshll.u32 @!p4 s18, $0xE;
	s21 =	simm.s32 @!p4 $0x0  }
0x27: {  	s31 =	sshll.u32 s18, $0x10;
	s20 =	sxor.u32 @!p4 $0x4000, s20;
	s19 =	sadd.s32 @!p4 s19, s9  }
0x28: {  	[tilespmem:s20], [sflag:$0x1] =	stream.linear.gather @!p4 [hbm4b:s19+s21], $0x4000, $0x38;
	[tilespmem:$0x18000] =	vst v63  }
0x29: {  	s24 =	sand.u32 $0x3FFFF000, s24;
	s25 =	sand.u32 $0x3F0, s22;
	_ =	swait.ge [sflag:s12], $0x4000  }
0x2a: {  	s23 =	sor.u32 s23, s24;
	p4 =	slt.u32 s16, $0x2;
	[sflag:s12] =	ssyncset.done $0x0  }
0x2b: {  	s21 =	sand.u32 $0xFFFFFC00, s0;
	s20 =	simm.s32 @!p4 $0x2;
	[sflag:s12] =	ssyncadd.s32 $0xFFFFC000  }
0x2c: {  	v2 =	vadd.s32 s25, v0;
	s19 =	sshrl.u32 s31, $0x2;
	s1 =	sor.u32 s21, s25;
	_ =	swait.ge @!p4 [sflag:s20], $0x8000  }
0x2d: {  	s22 =	sand.u32 $0x70, s22;
	v2 =	vand.u32 $0x3FF, v2;
	s11 =	sadd.s32 s19, s23;
	v3 =	vmov s1;
	[sflag:s20] =	ssyncset.done @!p4 $0x0  }
0x2e: {  	v2 =	vor.u32 s21, v2;
	s13 =	sadd.s32 s22, s11;
	v3 =	vshll.u32 v3, $0x3;
	[sflag:s20] =	ssyncadd.s32 @!p4 $0xFFFF8000  }
0x2f: {  	v5 =	vshll.u32 v2, $0x3;
	v3 =	vor.u32 v1, v3;
	v4 =	vld [tilespmem:s13+$0x0]  }
0x30: {  	v2 =	vor.u32 $0x4, v5;
	_ =	sdelay $0x1  }
0x31: {  	s28 =	simm.s32 $0x0;
	s18 =	sshll.u32 s18, $0xF  }
0x32: {  	s29 =	simm.s32 $0x10;
	s30 =	sand.u32 $0x3C0, s28;
	s18 =	sadd.s32 $0x8000, s18  }
0x33: {  	s26 =	sand.u32 $0x3D0, s29;
	v6 =	vadd.s32 s30, v0;
	[tilespmem:v3+s18+$0x0] =	vst.idx.msk $0xffff, v4  }
0x34: {  	v7 =	vadd.s32 s26, v0;
	v6 =	vand.u32 $0x3FF, v6;
	s24 =	sor.u32 s30, s21;
	[tilespmem:v2+s18+$0x0] =	vst.idx.msk $0xffff, v4  }
0x35: {  	s22 =	sand.u32 $0x40, s28;
	v8 =	vor.u32 $0x1, v3;
	v2 =	vmov s24;
	v4 =	vand.u32 $0x3FF, v7;
	v7 =	vld [tilespmem:s13+$0x80]  }
0x36: {  	s31 =	simm.s32 $0x20;
	s26 =	sor.u32 s21, s26;
	v6 =	vor.u32 s21, v6;
	s22 =	sadd.s32 s22, s11;
	v9 =	vor.u32 $0x5, v5;
	v2 =	vshll.u32 v2, $0x3  }
0x37: {  	s23 =	sand.u32 $0x50, s29;
	s28 =	sand.u32 $0x3E0, s31;
	v11 =	vmov s26;
	v6 =	vshll.u32 v6, $0x3;
	v10 =	vld [tilespmem:s22+$0x0];
	v12 =	vor.u32 v1, v2  }
0x38: {  	s23 =	sadd.s32 s23, s11;
	s0 =	sor.u32 s21, s28;
	v2 =	vor.u32 s21, v4;
	v4 =	vshll.u32 v11, $0x3;
	v11 =	vor.u32 $0x4, v6  }
0x39: {  	v14 =	vmov s0;
	v13 =	vld [tilespmem:s23+$0x0];
	s24 =	sand.u32 $0x60, s31;
	v15 =	vshll.u32 v2, $0x3;
	v16 =	vor.u32 v1, v4  }
0x3a: {  	s25 =	sadd.s32 s24, s11;
	v2 =	vadd.s32 s28, v0;
	v4 =	vshll.u32 v14, $0x3;
	v14 =	vor.u32 $0x4, v15;
	[tilespmem:v8+s18+$0x0] =	vst.idx.msk $0xffff, v7  }
0x3b: {  	v17 =	vld [tilespmem:s25+$0x0];
	v8 =	vand.u32 $0x3FF, v2;
	v2 =	vor.u32 v1, v4;
	[tilespmem:v9+s18+$0x0] =	vst.idx.msk $0xffff, v7  }
0x3c: {  	v4 =	vor.u32 s21, v8;
	[tilespmem:v12+s18+$0x0] =	vst.idx.msk $0xffff, v10;
	v8 =	vor.u32 $0x2, v3;
	v7 =	vld [tilespmem:s13+$0x100]  }
0x3d: {  	v9 =	vor.u32 $0x6, v5;
	v4 =	vshll.u32 v4, $0x3;
	[tilespmem:v11+s18+$0x0] =	vst.idx.msk $0xffff, v10  }
0x3e: {  	[tilespmem:v16+s18+$0x0] =	vst.idx.msk $0xffff, v13;
	v10 =	vor.u32 $0x4, v4  }
0x3f: {  	v11 =	vor.u32 $0x1, v12;
	v18 =	vld [tilespmem:s22+$0x80];
	[tilespmem:v14+s18+$0x0] =	vst.idx.msk $0xffff, v13  }
0x40: {  	v13 =	vor.u32 $0x5, v6;
	[tilespmem:v2+s18+$0x0] =	vst.idx.msk $0xffff, v17  }
0x41: {  	v14 =	vor.u32 $0x1, v16;
	v19 =	vld [tilespmem:s23+$0x80];
	[tilespmem:v8+s18+$0x0] =	vst.idx.msk $0xffff, v7  }
0x42: {  	v8 =	vor.u32 $0x5, v15;
	[tilespmem:v9+s18+$0x0] =	vst.idx.msk $0xffff, v7  }
0x43: {  	v3 =	vor.u32 $0x3, v3;
	[tilespmem:v10+s18+$0x0] =	vst.idx.msk $0xffff, v17;
	v7 =	vld [tilespmem:s13+$0x180]  }
0x44: {  	v9 =	vor.u32 $0x1, v2;
	[tilespmem:v11+s18+$0x0] =	vst.idx.msk $0xffff, v18;
	v10 =	vld [tilespmem:s25+$0x80]  }
0x45: {  	v11 =	vor.u32 $0x5, v4;
	[tilespmem:v13+s18+$0x0] =	vst.idx.msk $0xffff, v18  }
0x46: {  	s29 =	simm.s32 $0x100;
	s20 =	simm.s32 $0x100;
	v5 =	vor.u32 $0x7, v5;
	[tilespmem:v14+s18+$0x0] =	vst.idx.msk $0xffff, v19  }
0x47: {  	s1 =	simm.s32 $0x40;
	s11 =	sand.u32 $0xE00, s20;
	s21 =	simm.s32 $0x70;
	v13 =	vor.u32 $0x2, v12;
	v14 =	vld [tilespmem:s22+$0x100];
	[tilespmem:v8+s18+$0x0] =	vst.idx.msk $0xffff, v19  }
0x48: {  	s28 =	sand.u32 $0xFFFFFC00, s1;
	s30 =	sand.u32 $0x3F0, s21;
	s13 =	sand.u32 $0x3FFFF000, s29;
	v8 =	vor.u32 $0x6, v6;
	[tilespmem:v3+s18+$0x0] =	vst.idx.msk $0xffff, v7  }
0x49: {  	s31 =	sor.u32 s28, s30;
	s24 =	sor.u32 s11, s13;
	v17 =	vld [tilespmem:s23+$0x100];
	v3 =	vor.u32 $0x2, v16;
	[tilespmem:v9+s18+$0x0] =	vst.idx.msk $0xffff, v10;
	v9 =	vadd.s32 s30, v0  }
0x4a: {  	s0 =	sand.u32 $0x70, s21;
	v18 =	vor.u32 $0x6, v15;
	s24 =	sadd.s32 s19, s24;
	[tilespmem:v11+s18+$0x0] =	vst.idx.msk $0xffff, v10;
	v10 =	vmov s31;
	v9 =	vand.u32 $0x3FF, v9  }
0x4b: {  	s26 =	sadd.s32 s0, s24;
	v11 =	vor.u32 $0x2, v2;
	[tilespmem:v5+s18+$0x0] =	vst.idx.msk $0xffff, v7;
	v5 =	vld [tilespmem:s25+$0x100];
	v7 =	vshll.u32 v10, $0x3;
	v9 =	vor.u32 s28, v9  }
0x4c: {  	[tilespmem:v13+s18+$0x0] =	vst.idx.msk $0xffff, v14;
	v10 =	vld [tilespmem:s26+$0x0];
	v19 =	vor.u32 v1, v7;
	v22 =	vshll.u32 v9, $0x3  }
0x4d: {  	[tilespmem:v8+s18+$0x0] =	vst.idx.msk $0xffff, v14;
	v7 =	vor.u32 $0x4, v22  }
0x4e: {  	v8 =	vor.u32 $0x6, v4;
	[tilespmem:v3+s18+$0x0] =	vst.idx.msk $0xffff, v17  }
0x4f: {  	s1 =	simm.s32 $0x40;
	v9 =	vld [tilespmem:s22+$0x180];
	v3 =	vor.u32 $0x3, v12;
	[tilespmem:v18+s18+$0x0] =	vst.idx.msk $0xffff, v17  }
0x50: {  	s11 =	sand.u32 $0x3C0, s1;
	v6 =	vor.u32 $0x7, v6;
	s30 =	simm.s32 $0x50;
	[tilespmem:v11+s18+$0x0] =	vst.idx.msk $0xffff, v5  }
0x51: {  	s31 =	sand.u32 $0x3D0, s30;
	v12 =	vadd.s32 s11, v0;
	v11 =	vor.u32 $0x3, v16;
	v13 =	vld [tilespmem:s23+$0x180];
	[tilespmem:v19+s18+$0x0] =	vst.idx.msk $0xffff, v10  }
0x52: {  	v14 =	vor.u32 $0x7, v15;
	v15 =	vadd.s32 s31, v0;
	s22 =	sor.u32 s11, s28;
	v12 =	vand.u32 $0x3FF, v12;
	[tilespmem:v7+s18+$0x0] =	vst.idx.msk $0xffff, v10  }
0x53: {  	s13 =	sand.u32 $0x40, s1;
	s1 =	sor.u32 s28, s31;
	v12 =	vor.u32 s28, v12;
	[tilespmem:v8+s18+$0x0] =	vst.idx.msk $0xffff, v5;
	v8 =	vor.u32 $0x1, v19;
	v7 =	vmov s22;
	v5 =	vld [tilespmem:s26+$0x80]  }
0x54: {  	s0 =	simm.s32 $0x60;
	v16 =	vmov s1;
	s22 =	sadd.s32 s13, s24;
	v7 =	vshll.u32 v7, $0x3;
	[tilespmem:v3+s18+$0x0] =	vst.idx.msk $0xffff, v9;
	v3 =	vor.u32 $0x5, v22  }
0x55: {  	s30 =	sand.u32 $0x50, s30;
	s11 =	sand.u32 $0x3E0, s0;
	v20 =	vshll.u32 v12, $0x3;
	v10 =	vand.u32 $0x3FF, v15;
	v15 =	vld [tilespmem:s22+$0x0];
	v7 =	vor.u32 v1, v7;
	[tilespmem:v6+s18+$0x0] =	vst.idx.msk $0xffff, v9  }
0x56: {  	s23 =	sadd.s32 s30, s24;
	s13 =	sor.u32 s28, s11;
	v6 =	vor.u32 s28, v10;
	v9 =	vshll.u32 v16, $0x3;
	v10 =	vor.u32 $0x4, v20;
	[tilespmem:v11+s18+$0x0] =	vst.idx.msk $0xffff, v13  }
0x57: {  	s29 =	sand.u32 $0x60, s0;
	v12 =	vmov s13;
	v11 =	vld [tilespmem:s23+$0x0];
	v6 =	vshll.u32 v6, $0x3;
	v9 =	vor.u32 v1, v9;
	[tilespmem:v14+s18+$0x0] =	vst.idx.msk $0xffff, v13  }
0x58: {  	s24 =	sadd.s32 s29, s24;
	v12 =	vshll.u32 v12, $0x3;
	v13 =	vadd.s32 s11, v0;
	v14 =	vor.u32 $0x4, v6;
	[tilespmem:v8+s18+$0x0] =	vst.idx.msk $0xffff, v5  }
0x59: {  	v23 =	vor.u32 v1, v12;
	v8 =	vand.u32 $0x3FF, v13;
	v13 =	vld [tilespmem:s24+$0x0];
	[tilespmem:v3+s18+$0x0] =	vst.idx.msk $0xffff, v5  }
0x5a: {  	v3 =	vor.u32 s28, v8;
	[tilespmem:v7+s18+$0x0] =	vst.idx.msk $0xffff, v15;
	v8 =	vor.u32 $0x2, v19;
	v5 =	vld [tilespmem:s26+$0x100]  }
0x5b: {  	[tilespmem:v10+s18+$0x0] =	vst.idx.msk $0xffff, v15;
	v10 =	vor.u32 $0x6, v22  }
0x5c: {  	v21 =	vor.u32 $0x1, v7;
	[tilespmem:v9+s18+$0x0] =	vst.idx.msk $0xffff, v11;
	v25 =	vld [tilespmem:s22+$0x80]  }
0x5d: {  	v24 =	vshll.u32 v3, $0x3;
	[tilespmem:v14+s18+$0x0] =	vst.idx.msk $0xffff, v11;
	v14 =	vor.u32 $0x5, v20  }
0x5e: {  	v12 =	vor.u32 $0x4, v24;
	[tilespmem:v23+s18+$0x0] =	vst.idx.msk $0xffff, v13  }
0x5f: {  	[tilespmem:v8+s18+$0x0] =	vst.idx.msk $0xffff, v5  }
0x60: {  	v16 =	vor.u32 $0x2, v7;
	v26 =	vor.u32 $0x1, v9;
	v27 =	vld [tilespmem:s23+$0x80];
	[tilespmem:v10+s18+$0x0] =	vst.idx.msk $0xffff, v5  }
0x61: {  	v17 =	vor.u32 $0x1, v23;
	v28 =	vor.u32 $0x5, v6;
	v7 =	vor.u32 $0x3, v7;
	[tilespmem:v21+s18+$0x0] =	vst.idx.msk $0xffff, v25  }
0x62: {  	v10 =	vor.u32 $0x2, v23;
	v21 =	vld [tilespmem:s26+$0x180];
	[tilespmem:v14+s18+$0x0] =	vst.idx.msk $0xffff, v25;
	v14 =	vor.u32 $0x3, v23;
	v23 =	vor.u32 $0x3, v19  }
0x63: {  	v3 =	vor.u32 $0x3, v2;
	v2 =	vor.u32 $0x7, v4;
	v22 =	vor.u32 $0x7, v22;
	[tilespmem:v12+s18+$0x0] =	vst.idx.msk $0xffff, v13  }
0x64: {  	v15 =	vor.u32 $0x6, v20;
	v18 =	vor.u32 $0x5, v24;
	v8 =	vor.u32 $0x7, v20;
	v20 =	vld [tilespmem:s24+$0x80]  }
0x65: {  	v4 =	vld [tilespmem:s25+$0x180];
	v11 =	vor.u32 $0x6, v24;
	v13 =	vor.u32 $0x2, v9;
	v12 =	vor.u32 $0x6, v6;
	[tilespmem:v26+s18+$0x0] =	vst.idx.msk $0xffff, v27  }
0x66: {  	s25 =	simm.s32 $0x4;
	v5 =	vor.u32 $0x3, v9;
	v6 =	vor.u32 $0x7, v6;
	v9 =	vor.u32 $0x7, v24;
	v19 =	vld [tilespmem:s22+$0x100];
	[tilespmem:v28+s18+$0x0] =	vst.idx.msk $0xffff, v27  }
.LBB2_5:
0x67: {  	s25 =	sadd.s32 $0x4, s25;
	v24 =	vld [tilespmem:s23+$0x100];
	[tilespmem:v23+s18+$0x0] =	vst.idx.msk $0xffff, v21;
	s20 =	sadd.s32 $0x100, s20;
	s21 =	sadd.s32 $0x40, s21  }
0x68: {  	s26 =	sshll.u32 s25, $0x4;
	s29 =	sand.u32 $0xE00, s20;
	s30 =	sshll.u32 s25, $0x6;
	[tilespmem:v22+s18+$0x0] =	vst.idx.msk $0xffff, v21  }
0x69: {  	s28 =	sand.u32 $0xFFFFFC00, s26;
	s26 =	sand.u32 $0x3FFFF000, s30;
	s30 =	sand.u32 $0x3F0, s21;
	[tilespmem:v17+s18+$0x0] =	vst.idx.msk $0xffff, v20  }
0x6a: {  	s31 =	sadd.s32 $0xFFFFFFD0, s21;
	s26 =	sor.u32 s29, s26;
	s29 =	sor.u32 s28, s30;
	v17 =	vadd.s32 s30, v0;
	[tilespmem:v18+s18+$0x0] =	vst.idx.msk $0xffff, v20  }
0x6b: {  	s0 =	sadd.s32 $0xFFFFFFE0, s21;
	s30 =	sadd.s32 s19, s26;
	v18 =	vmov s29;
	v17 =	vand.u32 $0x3FF, v17;
	s26 =	sand.u32 $0x70, s21;
	[tilespmem:v16+s18+$0x0] =	vst.idx.msk $0xffff, v19;
	v16 =	vld [tilespmem:s24+$0x100]  }
0x6c: {  	s1 =	sadd.s32 $0xFFFFFFF0, s21;
	s29 =	sand.u32 $0x40, s31;
	v18 =	vshll.u32 v18, $0x3;
	v17 =	vor.u32 s28, v17;
	s26 =	sadd.s32 s26, s30;
	[tilespmem:v15+s18+$0x0] =	vst.idx.msk $0xffff, v19  }
0x6d: {  	s11 =	sand.u32 $0x50, s0;
	s13 =	sand.u32 $0x60, s1;
	s31 =	sand.u32 $0x3C0, s31;
	v15 =	vld [tilespmem:s26+$0x0];
	v19 =	vor.u32 v1, v18;
	v22 =	vshll.u32 v17, $0x3;
	[tilespmem:v13+s18+$0x0] =	vst.idx.msk $0xffff, v24  }
0x6e: {  	s0 =	sand.u32 $0x3D0, s0;
	s11 =	sadd.s32 s11, s30;
	v13 =	vadd.s32 s31, v0;
	v17 =	vor.u32 $0x4, v22;
	v18 =	vld [tilespmem:s22+$0x180];
	s22 =	sadd.s32 s29, s30;
	[tilespmem:v12+s18+$0x0] =	vst.idx.msk $0xffff, v24  }
0x6f: {  	s1 =	sand.u32 $0x3E0, s1;
	s13 =	sadd.s32 s13, s30;
	s29 =	sor.u32 s31, s28;
	v12 =	vand.u32 $0x3FF, v13;
	v13 =	vadd.s32 s0, v0;
	v20 =	vld [tilespmem:s22+$0x0];
	[tilespmem:v3+s18+$0x0] =	vst.idx.msk $0xffff, v4;
	v3 =	vmov v14  }
0x70: {  	p4 =	slt.u32 s25, $0xFC;
	v23 =	vadd.s32 s1, v0;
	s0 =	sor.u32 s28, s0;
	v14 =	vmov s29;
	v13 =	vand.u32 $0x3FF, v13;
	s29 =	sor.u32 s28, s1;
	v21 =	vld [tilespmem:s11+$0x0];
	[tilespmem:v10+s18+$0x0] =	vst.idx.msk $0xffff, v16  }
0x71: {  	v23 =	vand.u32 $0x3FF, v23;
	v10 =	vor.u32 s28, v12;
	v12 =	vmov s0;
	v24 =	vld [tilespmem:s13+$0x0];
	[tilespmem:v11+s18+$0x0] =	vst.idx.msk $0xffff, v16  }
0x72: {  	v11 =	vor.u32 s28, v13;
	v13 =	vmov s29;
	v16 =	vor.u32 s28, v23;
	[tilespmem:v19+s18+$0x0] =	vst.idx.msk $0xffff, v15;
	v23 =	vld [tilespmem:s23+$0x180];
	s23 =	smov.u32 s11  }
0x73: {  	v14 =	vshll.u32 v14, $0x3;
	v25 =	vshll.u32 v10, $0x3;
	v10 =	vshll.u32 v12, $0x3;
	[tilespmem:v17+s18+$0x0] =	vst.idx.msk $0xffff, v15;
	v12 =	vld [tilespmem:s24+$0x180];
	s24 =	smov.u32 s13  }
0x74: {  	v26 =	vshll.u32 v11, $0x3;
	v11 =	vshll.u32 v13, $0x3;
	v13 =	vor.u32 $0x1, v19;
	v27 =	vld [tilespmem:s26+$0x80];
	[tilespmem:v7+s18+$0x0] =	vst.idx.msk $0xffff, v18  }
0x75: {  	v28 =	vshll.u32 v16, $0x3;
	v7 =	vor.u32 v1, v14;
	v14 =	vor.u32 $0x5, v22;
	[tilespmem:v8+s18+$0x0] =	vst.idx.msk $0xffff, v18  }
0x76: {  	v29 =	vor.u32 v1, v10;
	v30 =	vor.u32 $0x4, v26;
	v8 =	vor.u32 $0x4, v25;
	[tilespmem:v2+s18+$0x0] =	vst.idx.msk $0xffff, v4;
	v2 =	vmovc v9  }
0x77: {  	v32 =	vor.u32 v1, v11;
	v33 =	vor.u32 $0x4, v28;
	v31 =	vor.u32 $0x1, v7;
	[tilespmem:v5+s18+$0x0] =	vst.idx.msk $0xffff, v23  }
0x78: {  	v34 =	vor.u32 $0x5, v25;
	v35 =	vor.u32 $0x1, v29;
	v17 =	vor.u32 $0x1, v32;
	[tilespmem:v6+s18+$0x0] =	vst.idx.msk $0xffff, v23;
	v4 =	vmovc v12  }
0x79: {  	v36 =	vor.u32 $0x5, v26;
	v16 =	vor.u32 $0x2, v7;
	v18 =	vor.u32 $0x5, v28;
	[tilespmem:v13+s18+$0x0] =	vst.idx.msk $0xffff, v27  }
0x7a: {  	v15 =	vor.u32 $0x6, v25;
	v10 =	vor.u32 $0x2, v32;
	v13 =	vor.u32 $0x2, v29;
	[tilespmem:v14+s18+$0x0] =	vst.idx.msk $0xffff, v27  }
0x7b: {  	v11 =	vor.u32 $0x6, v28;
	v12 =	vor.u32 $0x6, v26;
	v27 =	vor.u32 $0x2, v19;
	[tilespmem:v7+s18+$0x0] =	vst.idx.msk $0xffff, v20;
	v23 =	vld [tilespmem:s26+$0x100]  }
0x7c: {  	v5 =	vor.u32 $0x3, v29;
	v7 =	vor.u32 $0x3, v7;
	[tilespmem:v8+s18+$0x0] =	vst.idx.msk $0xffff, v20;
	v20 =	vor.u32 $0x6, v22  }
0x7d: {  	v6 =	vor.u32 $0x7, v26;
	v14 =	vor.u32 $0x3, v32;
	v8 =	vor.u32 $0x7, v25;
	v37 =	vld [tilespmem:s22+$0x80];
	[tilespmem:v29+s18+$0x0] =	vst.idx.msk $0xffff, v21  }
0x7e: {  	v9 =	vor.u32 $0x7, v28;
	[tilespmem:v30+s18+$0x0] =	vst.idx.msk $0xffff, v21  }
0x7f: {  	v25 =	vld [tilespmem:s23+$0x80];
	[tilespmem:v32+s18+$0x0] =	vst.idx.msk $0xffff, v24  }
0x80: {  	[tilespmem:v27+s18+$0x0] =	vst.idx.msk $0xffff, v23  }
0x81: {  	[tilespmem:v20+s18+$0x0] =	vst.idx.msk $0xffff, v23  }
.Ltmp4:
0x82: {  	v23 =	vor.u32 $0x3, v19;
	[tilespmem:v33+s18+$0x0] =	vst.idx.msk $0xffff, v24;
	v21 =	vld [tilespmem:s26+$0x180];
	(pc) =	sbr.rel @p4 .LBB2_5-.Ltmp4, $4  }
0x83: {  	v22 =	vor.u32 $0x7, v22;
	[tilespmem:v31+s18+$0x0] =	vst.idx.msk $0xffff, v37;
	v20 =	vld [tilespmem:s24+$0x80]  }
0x84: {  	[tilespmem:v34+s18+$0x0] =	vst.idx.msk $0xffff, v37  }
0x85: {  	v19 =	vld [tilespmem:s22+$0x100];
	[tilespmem:v35+s18+$0x0] =	vst.idx.msk $0xffff, v25  }
0x86: {  	[tilespmem:v36+s18+$0x0] =	vst.idx.msk $0xffff, v25  }
0x87: {  	_ =	sdelay $0x3  }
0x88: {  	[tilespmem:v23+s18+$0x0] =	vst.idx.msk $0xffff, v21  }
0x89: {  	[tilespmem:v3+s18+$0x0] =	vst.idx.msk $0xffff, v4  }
0x8a: {  	v61 =	vld [tilespmem:s23+$0x100];
	[tilespmem:v17+s18+$0x0] =	vst.idx.msk $0xffff, v20  }
0x8b: {  	[tilespmem:v18+s18+$0x0] =	vst.idx.msk $0xffff, v20  }
0x8c: {  	[tilespmem:v22+s18+$0x0] =	vst.idx.msk $0xffff, v21;
	v62 =	vld [tilespmem:s24+$0x100]  }
0x8d: {  	[tilespmem:v16+s18+$0x0] =	vst.idx.msk $0xffff, v19  }
0x8e: {  	[tilespmem:v15+s18+$0x0] =	vst.idx.msk $0xffff, v19  }
0x8f: {  	[tilespmem:v13+s18+$0x0] =	vst.idx.msk $0xffff, v61;
	v63 =	vld [tilespmem:s22+$0x180]  }
0x90: {  	[tilespmem:v12+s18+$0x0] =	vst.idx.msk $0xffff, v61  }
0x91: {  	v3 =	vld [tilespmem:s23+$0x180];
	[tilespmem:v10+s18+$0x0] =	vst.idx.msk $0xffff, v62  }
0x92: {  	[tilespmem:v11+s18+$0x0] =	vst.idx.msk $0xffff, v62  }
0x93: {  	[tilespmem:v2+s18+$0x0] =	vst.idx.msk $0xffff, v4;
	v10 =	vld [tilespmem:s24+$0x180]  }
0x94: {  	[tilespmem:v7+s18+$0x0] =	vst.idx.msk $0xffff, v63  }
0x95: {  	p4 =	seq.s32 s17, $0x20;
	[tilespmem:v8+s18+$0x0] =	vst.idx.msk $0xffff, v63  }
.Ltmp5:
0x96: {  	[tilespmem:v5+s18+$0x0] =	vst.idx.msk $0xffff, v3;
	(pc) =	sbr.rel @!p4 .LBB2_4-.Ltmp5, $4  }
.Ltmp6:
0x97: {  	[tilespmem:v6+s18+$0x0] =	vst.idx.msk $0xffff, v3;
	(pc) =	sbr.rel @p4 .LBB2_21-.Ltmp6, $4  }
0x98: {  	s0 =	sshll.u32 s16, $0xC;
	[tilespmem:v14+s18+$0x0] =	vst.idx.msk $0xffff, v10  }
0x99: {  	s16 =	smov.u32 s17;
	s0 =	sadd.s32 s0, s10;
	[tilespmem:v9+s18+$0x0] =	vst.idx.msk $0xffff, v10  }
0x9a: {  	[hbm4b:s0+s2] =	stream.linear.scatter [tilespmem:s18], [sflag:$0x2], $0x8000, $0x38;
	[tilespmem:$0x18000] =	vst v63  }
0x9b: {  	_ = 	snop  }
.LBB2_11:
.Ltmp7:
0x9c: {  	(pc) =	sbr.rel @!p2 .LBB2_17-.Ltmp7, $1  }
0x9d: {  	_ =	sdelay $0x3  }
0x9e: {  	s15 =	simm.s32 $0x0;
	s16 =	simm.s32 $0x0  }
0x9f: {  	[tilespmem:s15], [sflag:$0x1] =	stream.linear.gather [hbm4b:s5+s15], $0x4000, $0x38;
	[tilespmem:$0x18000] =	vst v63  }
.LBB2_13:
0xa0: {  	s0 =	sand.u32 $0x1, s16  }
0xa1: {  	s17 =	sadd.s32 $0x1, s16;
	p4 =	seq.s32 s16, $0x1F;
	s30 =	simm.s32 $0x30  }
0xa2: {  	s18 =	simm.s32 $0x0;
	s20 =	sand.u32 $0xE00, s15;
	s19 =	simm.s32 $0x0  }
0xa3: {  	s1 =	sshll.u32 @!p4 s17, $0xB;
	s11 =	sshll.u32 @!p4 s0, $0xE;
	s13 =	simm.s32 @!p4 $0x0  }
0xa4: {  	s29 =	sshll.u32 s0, $0x10;
	s11 =	sxor.u32 @!p4 $0x4000, s11;
	s1 =	sadd.s32 @!p4 s1, s5  }
0xa5: {  	[tilespmem:s11], [sflag:$0x1] =	stream.linear.gather @!p4 [hbm4b:s1+s13], $0x4000, $0x38;
	[tilespmem:$0x18000] =	vst v63  }
0xa6: {  	s21 =	sand.u32 $0xFFFFFC00, s18;
	s31 =	sand.u32 $0x3FFFF000, s19;
	_ =	swait.ge [sflag:s12], $0x4000  }
0xa7: {  	s22 =	sand.u32 $0x3F0, s30;
	p4 =	slt.u32 s16, $0x2;
	[sflag:s12] =	ssyncset.done $0x0  }
0xa8: {  	s19 =	sshrl.u32 s29, $0x2;
	s1 =	simm.s32 @!p4 $0x2;
	[sflag:s12] =	ssyncadd.s32 $0xFFFFC000  }
0xa9: {  	s20 =	sor.u32 s20, s31;
	s23 =	sor.u32 s21, s22;
	v2 =	vadd.s32 s22, v0;
	_ =	swait.ge @!p4 [sflag:s1], $0x8000  }
0xaa: {  	s11 =	sadd.s32 s19, s20;
	v3 =	vmov s23;
	v2 =	vand.u32 $0x3FF, v2;
	s13 =	sand.u32 $0x70, s30;
	[sflag:s1] =	ssyncset.done @!p4 $0x0  }
0xab: {  	v3 =	vshll.u32 v3, $0x3;
	v2 =	vor.u32 s21, v2;
	s20 =	sadd.s32 s13, s11;
	[sflag:s1] =	ssyncadd.s32 @!p4 $0xFFFF8000  }
0xac: {  	v3 =	vor.u32 v1, v3;
	v5 =	vshll.u32 v2, $0x3;
	v4 =	vld [tilespmem:s20+$0x0]  }
0xad: {  	v2 =	vor.u32 $0x4, v5;
	_ =	sdelay $0x1  }
0xae: {  	s24 =	simm.s32 $0x0;
	s0 =	sshll.u32 s0, $0xF  }
0xaf: {  	s25 =	simm.s32 $0x10;
	s26 =	sand.u32 $0x3C0, s24;
	s18 =	sadd.s32 $0x8000, s0  }
0xb0: {  	v6 =	vadd.s32 s26, v0;
	s23 =	sand.u32 $0x3D0, s25;
	[tilespmem:v3+s18+$0x0] =	vst.idx.msk $0xffff, v4  }
0xb1: {  	v6 =	vand.u32 $0x3FF, v6;
	s13 =	sor.u32 s26, s21;
	v7 =	vadd.s32 s23, v0;
	[tilespmem:v2+s18+$0x0] =	vst.idx.msk $0xffff, v4  }
0xb2: {  	v8 =	vor.u32 $0x1, v3;
	s1 =	sand.u32 $0x40, s24;
	v2 =	vmov s13;
	v4 =	vand.u32 $0x3FF, v7;
	v7 =	vld [tilespmem:s20+$0x80]  }
0xb3: {  	s28 =	simm.s32 $0x20;
	s29 =	sor.u32 s21, s23;
	v6 =	vor.u32 s21, v6;
	v9 =	vor.u32 $0x5, v5;
	s22 =	sadd.s32 s1, s11;
	v2 =	vshll.u32 v2, $0x3  }
0xb4: {  	s0 =	sand.u32 $0x50, s25;
	v11 =	vmov s29;
	v6 =	vshll.u32 v6, $0x3;
	s24 =	sand.u32 $0x3E0, s28;
	v10 =	vld [tilespmem:s22+$0x0];
	v12 =	vor.u32 v1, v2  }
0xb5: {  	s23 =	sadd.s32 s0, s11;
	s30 =	sor.u32 s21, s24;
	v2 =	vor.u32 s21, v4;
	v4 =	vshll.u32 v11, $0x3;
	v11 =	vor.u32 $0x4, v6  }
0xb6: {  	s31 =	sand.u32 $0x60, s28;
	v13 =	vld [tilespmem:s23+$0x0];
	v14 =	vmov s30;
	v15 =	vshll.u32 v2, $0x3;
	v16 =	vor.u32 v1, v4  }
0xb7: {  	s25 =	sadd.s32 s31, s11;
	v2 =	vadd.s32 s24, v0;
	v4 =	vshll.u32 v14, $0x3;
	v14 =	vor.u32 $0x4, v15;
	[tilespmem:v8+s18+$0x0] =	vst.idx.msk $0xffff, v7  }
0xb8: {  	v17 =	vld [tilespmem:s25+$0x0];
	v8 =	vand.u32 $0x3FF, v2;
	v2 =	vor.u32 v1, v4;
	[tilespmem:v9+s18+$0x0] =	vst.idx.msk $0xffff, v7  }
0xb9: {  	v4 =	vor.u32 s21, v8;
	[tilespmem:v12+s18+$0x0] =	vst.idx.msk $0xffff, v10;
	v8 =	vor.u32 $0x2, v3;
	v7 =	vld [tilespmem:s20+$0x100]  }
0xba: {  	v9 =	vor.u32 $0x6, v5;
	v4 =	vshll.u32 v4, $0x3;
	[tilespmem:v11+s18+$0x0] =	vst.idx.msk $0xffff, v10  }
0xbb: {  	[tilespmem:v16+s18+$0x0] =	vst.idx.msk $0xffff, v13;
	v10 =	vor.u32 $0x4, v4  }
0xbc: {  	v11 =	vor.u32 $0x1, v12;
	v18 =	vld [tilespmem:s22+$0x80];
	[tilespmem:v14+s18+$0x0] =	vst.idx.msk $0xffff, v13  }
0xbd: {  	v13 =	vor.u32 $0x5, v6;
	[tilespmem:v2+s18+$0x0] =	vst.idx.msk $0xffff, v17  }
0xbe: {  	v14 =	vor.u32 $0x1, v16;
	v19 =	vld [tilespmem:s23+$0x80];
	[tilespmem:v8+s18+$0x0] =	vst.idx.msk $0xffff, v7  }
0xbf: {  	v8 =	vor.u32 $0x5, v15;
	[tilespmem:v9+s18+$0x0] =	vst.idx.msk $0xffff, v7  }
0xc0: {  	v3 =	vor.u32 $0x3, v3;
	[tilespmem:v10+s18+$0x0] =	vst.idx.msk $0xffff, v17;
	v7 =	vld [tilespmem:s20+$0x180]  }
0xc1: {  	v9 =	vor.u32 $0x1, v2;
	[tilespmem:v11+s18+$0x0] =	vst.idx.msk $0xffff, v18;
	v10 =	vld [tilespmem:s25+$0x80]  }
0xc2: {  	s26 =	simm.s32 $0x100;
	v11 =	vor.u32 $0x5, v4;
	[tilespmem:v13+s18+$0x0] =	vst.idx.msk $0xffff, v18  }
0xc3: {  	s29 =	sand.u32 $0x3FFFF000, s26;
	v5 =	vor.u32 $0x7, v5;
	[tilespmem:v14+s18+$0x0] =	vst.idx.msk $0xffff, v19  }
0xc4: {  	s13 =	simm.s32 $0x40;
	s21 =	simm.s32 $0x70;
	s20 =	simm.s32 $0x100;
	v13 =	vor.u32 $0x2, v12;
	v14 =	vld [tilespmem:s22+$0x100];
	[tilespmem:v8+s18+$0x0] =	vst.idx.msk $0xffff, v19  }
0xc5: {  	s28 =	sand.u32 $0xFFFFFC00, s13;
	s30 =	sand.u32 $0x3F0, s21;
	s24 =	sand.u32 $0xE00, s20;
	v8 =	vor.u32 $0x6, v6;
	[tilespmem:v3+s18+$0x0] =	vst.idx.msk $0xffff, v7  }
0xc6: {  	s31 =	sor.u32 s28, s30;
	s0 =	sor.u32 s24, s29;
	v17 =	vld [tilespmem:s23+$0x100];
	v3 =	vor.u32 $0x2, v16;
	[tilespmem:v9+s18+$0x0] =	vst.idx.msk $0xffff, v10;
	v9 =	vadd.s32 s30, v0  }
0xc7: {  	s11 =	sand.u32 $0x70, s21;
	v18 =	vor.u32 $0x6, v15;
	s24 =	sadd.s32 s19, s0;
	[tilespmem:v11+s18+$0x0] =	vst.idx.msk $0xffff, v10;
	v10 =	vmov s31;
	v9 =	vand.u32 $0x3FF, v9  }
0xc8: {  	s26 =	sadd.s32 s11, s24;
	v11 =	vor.u32 $0x2, v2;
	[tilespmem:v5+s18+$0x0] =	vst.idx.msk $0xffff, v7;
	v5 =	vld [tilespmem:s25+$0x100];
	v7 =	vshll.u32 v10, $0x3;
	v9 =	vor.u32 s28, v9  }
0xc9: {  	[tilespmem:v13+s18+$0x0] =	vst.idx.msk $0xffff, v14;
	v10 =	vld [tilespmem:s26+$0x0];
	v19 =	vor.u32 v1, v7;
	v22 =	vshll.u32 v9, $0x3  }
0xca: {  	[tilespmem:v8+s18+$0x0] =	vst.idx.msk $0xffff, v14;
	v7 =	vor.u32 $0x4, v22  }
0xcb: {  	v8 =	vor.u32 $0x6, v4;
	[tilespmem:v3+s18+$0x0] =	vst.idx.msk $0xffff, v17  }
0xcc: {  	s13 =	simm.s32 $0x40;
	v9 =	vld [tilespmem:s22+$0x180];
	v3 =	vor.u32 $0x3, v12;
	[tilespmem:v18+s18+$0x0] =	vst.idx.msk $0xffff, v17  }
0xcd: {  	s1 =	simm.s32 $0x50;
	s29 =	sand.u32 $0x3C0, s13;
	v6 =	vor.u32 $0x7, v6;
	[tilespmem:v11+s18+$0x0] =	vst.idx.msk $0xffff, v5  }
0xce: {  	s30 =	sand.u32 $0x3D0, s1;
	v12 =	vadd.s32 s29, v0;
	v11 =	vor.u32 $0x3, v16;
	v13 =	vld [tilespmem:s23+$0x180];
	[tilespmem:v19+s18+$0x0] =	vst.idx.msk $0xffff, v10  }
0xcf: {  	s11 =	sor.u32 s29, s28;
	v14 =	vor.u32 $0x7, v15;
	v15 =	vadd.s32 s30, v0;
	v12 =	vand.u32 $0x3FF, v12;
	[tilespmem:v7+s18+$0x0] =	vst.idx.msk $0xffff, v10  }
0xd0: {  	s0 =	sand.u32 $0x40, s13;
	s23 =	sor.u32 s28, s30;
	v12 =	vor.u32 s28, v12;
	[tilespmem:v8+s18+$0x0] =	vst.idx.msk $0xffff, v5;
	v8 =	vor.u32 $0x1, v19;
	v7 =	vmov s11;
	v5 =	vld [tilespmem:s26+$0x80]  }
0xd1: {  	s31 =	simm.s32 $0x60;
	s22 =	sadd.s32 s0, s24;
	v16 =	vmov s23;
	v7 =	vshll.u32 v7, $0x3;
	[tilespmem:v3+s18+$0x0] =	vst.idx.msk $0xffff, v9;
	v3 =	vor.u32 $0x5, v22  }
0xd2: {  	s1 =	sand.u32 $0x50, s1;
	s29 =	sand.u32 $0x3E0, s31;
	v20 =	vshll.u32 v12, $0x3;
	v10 =	vand.u32 $0x3FF, v15;
	v15 =	vld [tilespmem:s22+$0x0];
	v7 =	vor.u32 v1, v7;
	[tilespmem:v6+s18+$0x0] =	vst.idx.msk $0xffff, v9  }
0xd3: {  	s30 =	sor.u32 s28, s29;
	s23 =	sadd.s32 s1, s24;
	v6 =	vor.u32 s28, v10;
	v9 =	vshll.u32 v16, $0x3;
	v10 =	vor.u32 $0x4, v20;
	[tilespmem:v11+s18+$0x0] =	vst.idx.msk $0xffff, v13  }
0xd4: {  	s31 =	sand.u32 $0x60, s31;
	v12 =	vmov s30;
	v11 =	vld [tilespmem:s23+$0x0];
	v6 =	vshll.u32 v6, $0x3;
	v9 =	vor.u32 v1, v9;
	[tilespmem:v14+s18+$0x0] =	vst.idx.msk $0xffff, v13  }
0xd5: {  	s24 =	sadd.s32 s31, s24;
	v12 =	vshll.u32 v12, $0x3;
	v13 =	vadd.s32 s29, v0;
	v14 =	vor.u32 $0x4, v6;
	[tilespmem:v8+s18+$0x0] =	vst.idx.msk $0xffff, v5  }
0xd6: {  	v23 =	vor.u32 v1, v12;
	v8 =	vand.u32 $0x3FF, v13;
	v13 =	vld [tilespmem:s24+$0x0];
	[tilespmem:v3+s18+$0x0] =	vst.idx.msk $0xffff, v5  }
0xd7: {  	v3 =	vor.u32 s28, v8;
	[tilespmem:v7+s18+$0x0] =	vst.idx.msk $0xffff, v15;
	v8 =	vor.u32 $0x2, v19;
	v5 =	vld [tilespmem:s26+$0x100]  }
0xd8: {  	[tilespmem:v10+s18+$0x0] =	vst.idx.msk $0xffff, v15;
	v10 =	vor.u32 $0x6, v22  }
0xd9: {  	v21 =	vor.u32 $0x1, v7;
	[tilespmem:v9+s18+$0x0] =	vst.idx.msk $0xffff, v11;
	v25 =	vld [tilespmem:s22+$0x80]  }
0xda: {  	v24 =	vshll.u32 v3, $0x3;
	[tilespmem:v14+s18+$0x0] =	vst.idx.msk $0xffff, v11;
	v14 =	vor.u32 $0x5, v20  }
0xdb: {  	v12 =	vor.u32 $0x4, v24;
	[tilespmem:v23+s18+$0x0] =	vst.idx.msk $0xffff, v13  }
0xdc: {  	[tilespmem:v8+s18+$0x0] =	vst.idx.msk $0xffff, v5  }
0xdd: {  	v17 =	vor.u32 $0x1, v23;
	v26 =	vor.u32 $0x1, v9;
	v27 =	vld [tilespmem:s23+$0x80];
	[tilespmem:v10+s18+$0x0] =	vst.idx.msk $0xffff, v5  }
0xde: {  	v16 =	vor.u32 $0x2, v7;
	v28 =	vor.u32 $0x5, v6;
	v7 =	vor.u32 $0x3, v7;
	[tilespmem:v21+s18+$0x0] =	vst.idx.msk $0xffff, v25  }
0xdf: {  	v10 =	vor.u32 $0x2, v23;
	v21 =	vld [tilespmem:s26+$0x180];
	[tilespmem:v14+s18+$0x0] =	vst.idx.msk $0xffff, v25;
	v14 =	vor.u32 $0x3, v23;
	v23 =	vor.u32 $0x3, v19  }
0xe0: {  	v3 =	vor.u32 $0x3, v2;
	v2 =	vor.u32 $0x7, v4;
	v22 =	vor.u32 $0x7, v22;
	[tilespmem:v12+s18+$0x0] =	vst.idx.msk $0xffff, v13  }
0xe1: {  	v15 =	vor.u32 $0x6, v20;
	v18 =	vor.u32 $0x5, v24;
	v8 =	vor.u32 $0x7, v20;
	v20 =	vld [tilespmem:s24+$0x80]  }
0xe2: {  	v4 =	vld [tilespmem:s25+$0x180];
	v11 =	vor.u32 $0x6, v24;
	v13 =	vor.u32 $0x2, v9;
	v12 =	vor.u32 $0x6, v6;
	[tilespmem:v26+s18+$0x0] =	vst.idx.msk $0xffff, v27  }
0xe3: {  	s25 =	simm.s32 $0x4;
	v5 =	vor.u32 $0x3, v9;
	v6 =	vor.u32 $0x7, v6;
	v9 =	vor.u32 $0x7, v24;
	v19 =	vld [tilespmem:s22+$0x100];
	[tilespmem:v28+s18+$0x0] =	vst.idx.msk $0xffff, v27  }
.LBB2_14:
0xe4: {  	s25 =	sadd.s32 $0x4, s25;
	v24 =	vld [tilespmem:s23+$0x100];
	[tilespmem:v23+s18+$0x0] =	vst.idx.msk $0xffff, v21;
	s20 =	sadd.s32 $0x100, s20;
	s21 =	sadd.s32 $0x40, s21  }
0xe5: {  	s0 =	sshll.u32 s25, $0x4;
	s1 =	sand.u32 $0xE00, s20;
	s11 =	sshll.u32 s25, $0x6;
	[tilespmem:v22+s18+$0x0] =	vst.idx.msk $0xffff, v21  }
0xe6: {  	s28 =	sand.u32 $0xFFFFFC00, s0;
	s0 =	sand.u32 $0x3FFFF000, s11;
	s11 =	sand.u32 $0x3F0, s21;
	[tilespmem:v17+s18+$0x0] =	vst.idx.msk $0xffff, v20  }
0xe7: {  	s13 =	sadd.s32 $0xFFFFFFD0, s21;
	s0 =	sor.u32 s1, s0;
	s1 =	sor.u32 s28, s11;
	v17 =	vadd.s32 s11, v0;
	[tilespmem:v18+s18+$0x0] =	vst.idx.msk $0xffff, v20  }
0xe8: {  	s11 =	sadd.s32 $0xFFFFFFE0, s21;
	s0 =	sadd.s32 s19, s0;
	v18 =	vmov s1;
	v17 =	vand.u32 $0x3FF, v17;
	s1 =	sand.u32 $0x70, s21;
	[tilespmem:v16+s18+$0x0] =	vst.idx.msk $0xffff, v19;
	v16 =	vld [tilespmem:s24+$0x100]  }
0xe9: {  	s30 =	sadd.s32 $0xFFFFFFF0, s21;
	s29 =	sand.u32 $0x40, s13;
	v18 =	vshll.u32 v18, $0x3;
	v17 =	vor.u32 s28, v17;
	s26 =	sadd.s32 s1, s0;
	[tilespmem:v15+s18+$0x0] =	vst.idx.msk $0xffff, v19  }
0xea: {  	s31 =	sand.u32 $0x60, s30;
	s1 =	sand.u32 $0x3C0, s13;
	s13 =	sand.u32 $0x50, s11;
	v15 =	vld [tilespmem:s26+$0x0];
	v19 =	vor.u32 v1, v18;
	v22 =	vshll.u32 v17, $0x3;
	[tilespmem:v13+s18+$0x0] =	vst.idx.msk $0xffff, v24  }
0xeb: {  	s11 =	sand.u32 $0x3D0, s11;
	v13 =	vadd.s32 s1, v0;
	s13 =	sadd.s32 s13, s0;
	v17 =	vor.u32 $0x4, v22;
	v18 =	vld [tilespmem:s22+$0x180];
	s22 =	sadd.s32 s29, s0;
	[tilespmem:v12+s18+$0x0] =	vst.idx.msk $0xffff, v24  }
0xec: {  	s1 =	sor.u32 s1, s28;
	v12 =	vand.u32 $0x3FF, v13;
	v13 =	vadd.s32 s11, v0;
	s29 =	sand.u32 $0x3E0, s30;
	s0 =	sadd.s32 s31, s0;
	v20 =	vld [tilespmem:s22+$0x0];
	[tilespmem:v3+s18+$0x0] =	vst.idx.msk $0xffff, v4;
	v3 =	vmov v14  }
0xed: {  	p4 =	slt.u32 s25, $0xFC;
	v14 =	vmov s1;
	s1 =	sor.u32 s28, s11;
	v13 =	vand.u32 $0x3FF, v13;
	s11 =	sor.u32 s28, s29;
	v23 =	vadd.s32 s29, v0;
	v21 =	vld [tilespmem:s13+$0x0];
	[tilespmem:v10+s18+$0x0] =	vst.idx.msk $0xffff, v16  }
0xee: {  	v10 =	vor.u32 s28, v12;
	v12 =	vmov s1;
	v23 =	vand.u32 $0x3FF, v23;
	v24 =	vld [tilespmem:s0+$0x0];
	[tilespmem:v11+s18+$0x0] =	vst.idx.msk $0xffff, v16  }
0xef: {  	v11 =	vor.u32 s28, v13;
	v13 =	vmov s11;
	v16 =	vor.u32 s28, v23;
	[tilespmem:v19+s18+$0x0] =	vst.idx.msk $0xffff, v15;
	v23 =	vld [tilespmem:s23+$0x180];
	s23 =	smov.u32 s13  }
0xf0: {  	v14 =	vshll.u32 v14, $0x3;
	v25 =	vshll.u32 v10, $0x3;
	v10 =	vshll.u32 v12, $0x3;
	[tilespmem:v17+s18+$0x0] =	vst.idx.msk $0xffff, v15;
	v12 =	vld [tilespmem:s24+$0x180];
	s24 =	smov.u32 s0  }
0xf1: {  	v26 =	vshll.u32 v11, $0x3;
	v11 =	vshll.u32 v13, $0x3;
	v13 =	vor.u32 $0x1, v19;
	v27 =	vld [tilespmem:s26+$0x80];
	[tilespmem:v7+s18+$0x0] =	vst.idx.msk $0xffff, v18  }
0xf2: {  	v28 =	vshll.u32 v16, $0x3;
	v7 =	vor.u32 v1, v14;
	v14 =	vor.u32 $0x5, v22;
	[tilespmem:v8+s18+$0x0] =	vst.idx.msk $0xffff, v18  }
0xf3: {  	v29 =	vor.u32 v1, v10;
	v30 =	vor.u32 $0x4, v26;
	v8 =	vor.u32 $0x4, v25;
	[tilespmem:v2+s18+$0x0] =	vst.idx.msk $0xffff, v4;
	v2 =	vmovc v9  }
0xf4: {  	v32 =	vor.u32 v1, v11;
	v33 =	vor.u32 $0x4, v28;
	v31 =	vor.u32 $0x1, v7;
	[tilespmem:v5+s18+$0x0] =	vst.idx.msk $0xffff, v23  }
0xf5: {  	v34 =	vor.u32 $0x5, v25;
	v35 =	vor.u32 $0x1, v29;
	v17 =	vor.u32 $0x1, v32;
	[tilespmem:v6+s18+$0x0] =	vst.idx.msk $0xffff, v23;
	v4 =	vmovc v12  }
0xf6: {  	v36 =	vor.u32 $0x5, v26;
	v16 =	vor.u32 $0x2, v7;
	v18 =	vor.u32 $0x5, v28;
	[tilespmem:v13+s18+$0x0] =	vst.idx.msk $0xffff, v27  }
0xf7: {  	v15 =	vor.u32 $0x6, v25;
	v10 =	vor.u32 $0x2, v32;
	v13 =	vor.u32 $0x2, v29;
	[tilespmem:v14+s18+$0x0] =	vst.idx.msk $0xffff, v27  }
0xf8: {  	v11 =	vor.u32 $0x6, v28;
	v12 =	vor.u32 $0x6, v26;
	v27 =	vor.u32 $0x2, v19;
	[tilespmem:v7+s18+$0x0] =	vst.idx.msk $0xffff, v20;
	v23 =	vld [tilespmem:s26+$0x100]  }
0xf9: {  	v5 =	vor.u32 $0x3, v29;
	v7 =	vor.u32 $0x3, v7;
	[tilespmem:v8+s18+$0x0] =	vst.idx.msk $0xffff, v20;
	v20 =	vor.u32 $0x6, v22  }
0xfa: {  	v6 =	vor.u32 $0x7, v26;
	v14 =	vor.u32 $0x3, v32;
	v8 =	vor.u32 $0x7, v25;
	v37 =	vld [tilespmem:s22+$0x80];
	[tilespmem:v29+s18+$0x0] =	vst.idx.msk $0xffff, v21  }
0xfb: {  	v9 =	vor.u32 $0x7, v28;
	[tilespmem:v30+s18+$0x0] =	vst.idx.msk $0xffff, v21  }
0xfc: {  	v25 =	vld [tilespmem:s23+$0x80];
	[tilespmem:v32+s18+$0x0] =	vst.idx.msk $0xffff, v24  }
0xfd: {  	[tilespmem:v27+s18+$0x0] =	vst.idx.msk $0xffff, v23  }
0xfe: {  	[tilespmem:v20+s18+$0x0] =	vst.idx.msk $0xffff, v23  }
.Ltmp8:
0xff: {  	v23 =	vor.u32 $0x3, v19;
	[tilespmem:v33+s18+$0x0] =	vst.idx.msk $0xffff, v24;
	v21 =	vld [tilespmem:s26+$0x180];
	(pc) =	sbr.rel @p4 .LBB2_14-.Ltmp8, $4  }
0x100: {  	v22 =	vor.u32 $0x7, v22;
	[tilespmem:v31+s18+$0x0] =	vst.idx.msk $0xffff, v37;
	v20 =	vld [tilespmem:s24+$0x80]  }
0x101: {  	[tilespmem:v34+s18+$0x0] =	vst.idx.msk $0xffff, v37  }
0x102: {  	v19 =	vld [tilespmem:s22+$0x100];
	[tilespmem:v35+s18+$0x0] =	vst.idx.msk $0xffff, v25  }
0x103: {  	[tilespmem:v36+s18+$0x0] =	vst.idx.msk $0xffff, v25  }
0x104: {  	_ =	sdelay $0x3  }
0x105: {  	[tilespmem:v23+s18+$0x0] =	vst.idx.msk $0xffff, v21  }
0x106: {  	[tilespmem:v3+s18+$0x0] =	vst.idx.msk $0xffff, v4  }
0x107: {  	v61 =	vld [tilespmem:s23+$0x100];
	[tilespmem:v17+s18+$0x0] =	vst.idx.msk $0xffff, v20  }
0x108: {  	[tilespmem:v18+s18+$0x0] =	vst.idx.msk $0xffff, v20  }
0x109: {  	[tilespmem:v22+s18+$0x0] =	vst.idx.msk $0xffff, v21;
	v62 =	vld [tilespmem:s24+$0x100]  }
0x10a: {  	[tilespmem:v16+s18+$0x0] =	vst.idx.msk $0xffff, v19  }
0x10b: {  	[tilespmem:v15+s18+$0x0] =	vst.idx.msk $0xffff, v19  }
0x10c: {  	[tilespmem:v13+s18+$0x0] =	vst.idx.msk $0xffff, v61;
	v63 =	vld [tilespmem:s22+$0x180]  }
0x10d: {  	[tilespmem:v12+s18+$0x0] =	vst.idx.msk $0xffff, v61  }
0x10e: {  	v3 =	vld [tilespmem:s23+$0x180];
	[tilespmem:v10+s18+$0x0] =	vst.idx.msk $0xffff, v62  }
0x10f: {  	[tilespmem:v11+s18+$0x0] =	vst.idx.msk $0xffff, v62  }
0x110: {  	[tilespmem:v2+s18+$0x0] =	vst.idx.msk $0xffff, v4;
	v10 =	vld [tilespmem:s24+$0x180]  }
0x111: {  	[tilespmem:v7+s18+$0x0] =	vst.idx.msk $0xffff, v63  }
0x112: {  	p4 =	sne.s32 s17, $0x20;
	[tilespmem:v8+s18+$0x0] =	vst.idx.msk $0xffff, v63  }
.Ltmp9:
0x113: {  	[tilespmem:v5+s18+$0x0] =	vst.idx.msk $0xffff, v3;
	(pc) =	sbr.rel @p4 .LBB2_13-.Ltmp9, $4  }
0x114: {  	[tilespmem:v6+s18+$0x0] =	vst.idx.msk $0xffff, v3  }
0x115: {  	s0 =	sshll.u32 s16, $0xC;
	[tilespmem:v14+s18+$0x0] =	vst.idx.msk $0xffff, v10  }
0x116: {  	s16 =	smov.u32 s17;
	s0 =	sadd.s32 s0, s6;
	[tilespmem:v9+s18+$0x0] =	vst.idx.msk $0xffff, v10  }
0x117: {  	[hbm4b:s0+s2] =	stream.linear.scatter [tilespmem:s18], [sflag:$0x2], $0x8000, $0x38;
	[tilespmem:$0x18000] =	vst v63  }
0x118: {  	s0 =	simm.s32 $0x2  }
0x119: {  	_ =	swait.ge [sflag:s0], $0x8000  }
.Ltmp10:
0x11a: {  	[sflag:s0] =	ssyncset.done $0x0;
	(pc) =	sbr.rel @p3 .LBB2_22-.Ltmp10, $4  }
0x11b: {  	[sflag:s0] =	ssyncadd.s32 $0xFFFF8000  }
0x11c: {  	_ =	swait.ge [sflag:s0], $0x8000  }
0x11d: {  	[sflag:s0] =	ssyncset.done $0x0  }
0x11e: {  	[sflag:s0] =	ssyncadd.s32 $0xFFFF8000  }
.LBB2_17:
0x11f: {  	s15 =	simm.s32 $0x0;
	s16 =	simm.s32 $0x0  }
0x120: {  	[tilespmem:s15], [sflag:$0x1] =	stream.linear.gather [hbm4b:s7+s15], $0x4000, $0x38;
	[tilespmem:$0x18000] =	vst v63  }
.LBB2_18:
0x121: {  	s0 =	sand.u32 $0x1, s16  }
0x122: {  	s17 =	sadd.s32 $0x1, s16;
	p4 =	seq.s32 s16, $0x1F;
	s30 =	simm.s32 $0x30  }
0x123: {  	s18 =	simm.s32 $0x0;
	s20 =	sand.u32 $0xE00, s15;
	s19 =	simm.s32 $0x0  }
0x124: {  	s1 =	sshll.u32 @!p4 s17, $0xB;
	s11 =	sshll.u32 @!p4 s0, $0xE;
	s13 =	simm.s32 @!p4 $0x0  }
0x125: {  	s29 =	sshll.u32 s0, $0x10;
	s11 =	sxor.u32 @!p4 $0x4000, s11;
	s1 =	sadd.s32 @!p4 s1, s7  }
0x126: {  	[tilespmem:s11], [sflag:$0x1] =	stream.linear.gather @!p4 [hbm4b:s1+s13], $0x4000, $0x38;
	[tilespmem:$0x18000] =	vst v63  }
0x127: {  	s21 =	sand.u32 $0xFFFFFC00, s18;
	s31 =	sand.u32 $0x3FFFF000, s19;
	_ =	swait.ge [sflag:s12], $0x4000  }
0x128: {  	s22 =	sand.u32 $0x3F0, s30;
	p4 =	slt.u32 s16, $0x2;
	[sflag:s12] =	ssyncset.done $0x0  }
0x129: {  	s19 =	sshrl.u32 s29, $0x2;
	s1 =	simm.s32 @!p4 $0x2;
	[sflag:s12] =	ssyncadd.s32 $0xFFFFC000  }
0x12a: {  	s20 =	sor.u32 s20, s31;
	s23 =	sor.u32 s21, s22;
	v2 =	vadd.s32 s22, v0;
	_ =	swait.ge @!p4 [sflag:s1], $0x8000  }
0x12b: {  	s11 =	sadd.s32 s19, s20;
	v3 =	vmov s23;
	v2 =	vand.u32 $0x3FF, v2;
	s13 =	sand.u32 $0x70, s30;
	[sflag:s1] =	ssyncset.done @!p4 $0x0  }
0x12c: {  	v3 =	vshll.u32 v3, $0x3;
	v2 =	vor.u32 s21, v2;
	s20 =	sadd.s32 s13, s11;
	[sflag:s1] =	ssyncadd.s32 @!p4 $0xFFFF8000  }
0x12d: {  	v3 =	vor.u32 v1, v3;
	v5 =	vshll.u32 v2, $0x3;
	v4 =	vld [tilespmem:s20+$0x0]  }
0x12e: {  	v2 =	vor.u32 $0x4, v5;
	_ =	sdelay $0x1  }
0x12f: {  	s24 =	simm.s32 $0x0;
	s0 =	sshll.u32 s0, $0xF  }
0x130: {  	s25 =	simm.s32 $0x10;
	s26 =	sand.u32 $0x3C0, s24;
	s18 =	sadd.s32 $0x8000, s0  }
0x131: {  	v6 =	vadd.s32 s26, v0;
	s23 =	sand.u32 $0x3D0, s25;
	[tilespmem:v3+s18+$0x0] =	vst.idx.msk $0xffff, v4  }
0x132: {  	v6 =	vand.u32 $0x3FF, v6;
	s13 =	sor.u32 s26, s21;
	v7 =	vadd.s32 s23, v0;
	[tilespmem:v2+s18+$0x0] =	vst.idx.msk $0xffff, v4  }
0x133: {  	v8 =	vor.u32 $0x1, v3;
	s1 =	sand.u32 $0x40, s24;
	v2 =	vmov s13;
	v4 =	vand.u32 $0x3FF, v7;
	v7 =	vld [tilespmem:s20+$0x80]  }
0x134: {  	s28 =	simm.s32 $0x20;
	s29 =	sor.u32 s21, s23;
	v6 =	vor.u32 s21, v6;
	v9 =	vor.u32 $0x5, v5;
	s22 =	sadd.s32 s1, s11;
	v2 =	vshll.u32 v2, $0x3  }
0x135: {  	s0 =	sand.u32 $0x50, s25;
	v11 =	vmov s29;
	v6 =	vshll.u32 v6, $0x3;
	s24 =	sand.u32 $0x3E0, s28;
	v10 =	vld [tilespmem:s22+$0x0];
	v12 =	vor.u32 v1, v2  }
0x136: {  	s23 =	sadd.s32 s0, s11;
	s30 =	sor.u32 s21, s24;
	v2 =	vor.u32 s21, v4;
	v4 =	vshll.u32 v11, $0x3;
	v11 =	vor.u32 $0x4, v6  }
0x137: {  	s31 =	sand.u32 $0x60, s28;
	v13 =	vld [tilespmem:s23+$0x0];
	v14 =	vmov s30;
	v15 =	vshll.u32 v2, $0x3;
	v16 =	vor.u32 v1, v4  }
0x138: {  	s25 =	sadd.s32 s31, s11;
	v2 =	vadd.s32 s24, v0;
	v4 =	vshll.u32 v14, $0x3;
	v14 =	vor.u32 $0x4, v15;
	[tilespmem:v8+s18+$0x0] =	vst.idx.msk $0xffff, v7  }
0x139: {  	v17 =	vld [tilespmem:s25+$0x0];
	v8 =	vand.u32 $0x3FF, v2;
	v2 =	vor.u32 v1, v4;
	[tilespmem:v9+s18+$0x0] =	vst.idx.msk $0xffff, v7  }
0x13a: {  	v4 =	vor.u32 s21, v8;
	[tilespmem:v12+s18+$0x0] =	vst.idx.msk $0xffff, v10;
	v8 =	vor.u32 $0x2, v3;
	v7 =	vld [tilespmem:s20+$0x100]  }
0x13b: {  	v9 =	vor.u32 $0x6, v5;
	v4 =	vshll.u32 v4, $0x3;
	[tilespmem:v11+s18+$0x0] =	vst.idx.msk $0xffff, v10  }
0x13c: {  	[tilespmem:v16+s18+$0x0] =	vst.idx.msk $0xffff, v13;
	v10 =	vor.u32 $0x4, v4  }
0x13d: {  	v11 =	vor.u32 $0x1, v12;
	v18 =	vld [tilespmem:s22+$0x80];
	[tilespmem:v14+s18+$0x0] =	vst.idx.msk $0xffff, v13  }
0x13e: {  	v13 =	vor.u32 $0x5, v6;
	[tilespmem:v2+s18+$0x0] =	vst.idx.msk $0xffff, v17  }
0x13f: {  	v14 =	vor.u32 $0x1, v16;
	v19 =	vld [tilespmem:s23+$0x80];
	[tilespmem:v8+s18+$0x0] =	vst.idx.msk $0xffff, v7  }
0x140: {  	v8 =	vor.u32 $0x5, v15;
	[tilespmem:v9+s18+$0x0] =	vst.idx.msk $0xffff, v7  }
0x141: {  	v3 =	vor.u32 $0x3, v3;
	[tilespmem:v10+s18+$0x0] =	vst.idx.msk $0xffff, v17;
	v7 =	vld [tilespmem:s20+$0x180]  }
0x142: {  	v9 =	vor.u32 $0x1, v2;
	[tilespmem:v11+s18+$0x0] =	vst.idx.msk $0xffff, v18;
	v10 =	vld [tilespmem:s25+$0x80]  }
0x143: {  	s26 =	simm.s32 $0x100;
	v11 =	vor.u32 $0x5, v4;
	[tilespmem:v13+s18+$0x0] =	vst.idx.msk $0xffff, v18  }
0x144: {  	s29 =	sand.u32 $0x3FFFF000, s26;
	v5 =	vor.u32 $0x7, v5;
	[tilespmem:v14+s18+$0x0] =	vst.idx.msk $0xffff, v19  }
0x145: {  	s13 =	simm.s32 $0x40;
	s21 =	simm.s32 $0x70;
	s20 =	simm.s32 $0x100;
	v13 =	vor.u32 $0x2, v12;
	v14 =	vld [tilespmem:s22+$0x100];
	[tilespmem:v8+s18+$0x0] =	vst.idx.msk $0xffff, v19  }
0x146: {  	s28 =	sand.u32 $0xFFFFFC00, s13;
	s30 =	sand.u32 $0x3F0, s21;
	s24 =	sand.u32 $0xE00, s20;
	v8 =	vor.u32 $0x6, v6;
	[tilespmem:v3+s18+$0x0] =	vst.idx.msk $0xffff, v7  }
0x147: {  	s31 =	sor.u32 s28, s30;
	s0 =	sor.u32 s24, s29;
	v17 =	vld [tilespmem:s23+$0x100];
	v3 =	vor.u32 $0x2, v16;
	[tilespmem:v9+s18+$0x0] =	vst.idx.msk $0xffff, v10;
	v9 =	vadd.s32 s30, v0  }
0x148: {  	s11 =	sand.u32 $0x70, s21;
	v18 =	vor.u32 $0x6, v15;
	s24 =	sadd.s32 s19, s0;
	[tilespmem:v11+s18+$0x0] =	vst.idx.msk $0xffff, v10;
	v10 =	vmov s31;
	v9 =	vand.u32 $0x3FF, v9  }
0x149: {  	s26 =	sadd.s32 s11, s24;
	v11 =	vor.u32 $0x2, v2;
	[tilespmem:v5+s18+$0x0] =	vst.idx.msk $0xffff, v7;
	v5 =	vld [tilespmem:s25+$0x100];
	v7 =	vshll.u32 v10, $0x3;
	v9 =	vor.u32 s28, v9  }
0x14a: {  	[tilespmem:v13+s18+$0x0] =	vst.idx.msk $0xffff, v14;
	v10 =	vld [tilespmem:s26+$0x0];
	v19 =	vor.u32 v1, v7;
	v22 =	vshll.u32 v9, $0x3  }
0x14b: {  	[tilespmem:v8+s18+$0x0] =	vst.idx.msk $0xffff, v14;
	v7 =	vor.u32 $0x4, v22  }
0x14c: {  	v8 =	vor.u32 $0x6, v4;
	[tilespmem:v3+s18+$0x0] =	vst.idx.msk $0xffff, v17  }
0x14d: {  	s13 =	simm.s32 $0x40;
	v9 =	vld [tilespmem:s22+$0x180];
	v3 =	vor.u32 $0x3, v12;
	[tilespmem:v18+s18+$0x0] =	vst.idx.msk $0xffff, v17  }
0x14e: {  	s1 =	simm.s32 $0x50;
	s29 =	sand.u32 $0x3C0, s13;
	v6 =	vor.u32 $0x7, v6;
	[tilespmem:v11+s18+$0x0] =	vst.idx.msk $0xffff, v5  }
0x14f: {  	s30 =	sand.u32 $0x3D0, s1;
	v12 =	vadd.s32 s29, v0;
	v11 =	vor.u32 $0x3, v16;
	v13 =	vld [tilespmem:s23+$0x180];
	[tilespmem:v19+s18+$0x0] =	vst.idx.msk $0xffff, v10  }
0x150: {  	s11 =	sor.u32 s29, s28;
	v14 =	vor.u32 $0x7, v15;
	v15 =	vadd.s32 s30, v0;
	v12 =	vand.u32 $0x3FF, v12;
	[tilespmem:v7+s18+$0x0] =	vst.idx.msk $0xffff, v10  }
0x151: {  	s0 =	sand.u32 $0x40, s13;
	s23 =	sor.u32 s28, s30;
	v12 =	vor.u32 s28, v12;
	[tilespmem:v8+s18+$0x0] =	vst.idx.msk $0xffff, v5;
	v8 =	vor.u32 $0x1, v19;
	v7 =	vmov s11;
	v5 =	vld [tilespmem:s26+$0x80]  }
0x152: {  	s31 =	simm.s32 $0x60;
	s22 =	sadd.s32 s0, s24;
	v16 =	vmov s23;
	v7 =	vshll.u32 v7, $0x3;
	[tilespmem:v3+s18+$0x0] =	vst.idx.msk $0xffff, v9;
	v3 =	vor.u32 $0x5, v22  }
0x153: {  	s1 =	sand.u32 $0x50, s1;
	s29 =	sand.u32 $0x3E0, s31;
	v20 =	vshll.u32 v12, $0x3;
	v10 =	vand.u32 $0x3FF, v15;
	v15 =	vld [tilespmem:s22+$0x0];
	v7 =	vor.u32 v1, v7;
	[tilespmem:v6+s18+$0x0] =	vst.idx.msk $0xffff, v9  }
0x154: {  	s30 =	sor.u32 s28, s29;
	s23 =	sadd.s32 s1, s24;
	v6 =	vor.u32 s28, v10;
	v9 =	vshll.u32 v16, $0x3;
	v10 =	vor.u32 $0x4, v20;
	[tilespmem:v11+s18+$0x0] =	vst.idx.msk $0xffff, v13  }
0x155: {  	s31 =	sand.u32 $0x60, s31;
	v12 =	vmov s30;
	v11 =	vld [tilespmem:s23+$0x0];
	v6 =	vshll.u32 v6, $0x3;
	v9 =	vor.u32 v1, v9;
	[tilespmem:v14+s18+$0x0] =	vst.idx.msk $0xffff, v13  }
0x156: {  	s24 =	sadd.s32 s31, s24;
	v12 =	vshll.u32 v12, $0x3;
	v13 =	vadd.s32 s29, v0;
	v14 =	vor.u32 $0x4, v6;
	[tilespmem:v8+s18+$0x0] =	vst.idx.msk $0xffff, v5  }
0x157: {  	v23 =	vor.u32 v1, v12;
	v8 =	vand.u32 $0x3FF, v13;
	v13 =	vld [tilespmem:s24+$0x0];
	[tilespmem:v3+s18+$0x0] =	vst.idx.msk $0xffff, v5  }
0x158: {  	v3 =	vor.u32 s28, v8;
	[tilespmem:v7+s18+$0x0] =	vst.idx.msk $0xffff, v15;
	v8 =	vor.u32 $0x2, v19;
	v5 =	vld [tilespmem:s26+$0x100]  }
0x159: {  	[tilespmem:v10+s18+$0x0] =	vst.idx.msk $0xffff, v15;
	v10 =	vor.u32 $0x6, v22  }
0x15a: {  	v21 =	vor.u32 $0x1, v7;
	[tilespmem:v9+s18+$0x0] =	vst.idx.msk $0xffff, v11;
	v25 =	vld [tilespmem:s22+$0x80]  }
0x15b: {  	v24 =	vshll.u32 v3, $0x3;
	[tilespmem:v14+s18+$0x0] =	vst.idx.msk $0xffff, v11;
	v14 =	vor.u32 $0x5, v20  }
0x15c: {  	v12 =	vor.u32 $0x4, v24;
	[tilespmem:v23+s18+$0x0] =	vst.idx.msk $0xffff, v13  }
0x15d: {  	[tilespmem:v8+s18+$0x0] =	vst.idx.msk $0xffff, v5  }
0x15e: {  	v17 =	vor.u32 $0x1, v23;
	v26 =	vor.u32 $0x1, v9;
	v27 =	vld [tilespmem:s23+$0x80];
	[tilespmem:v10+s18+$0x0] =	vst.idx.msk $0xffff, v5  }
0x15f: {  	v16 =	vor.u32 $0x2, v7;
	v28 =	vor.u32 $0x5, v6;
	v7 =	vor.u32 $0x3, v7;
	[tilespmem:v21+s18+$0x0] =	vst.idx.msk $0xffff, v25  }
0x160: {  	v10 =	vor.u32 $0x2, v23;
	v21 =	vld [tilespmem:s26+$0x180];
	[tilespmem:v14+s18+$0x0] =	vst.idx.msk $0xffff, v25;
	v14 =	vor.u32 $0x3, v23;
	v23 =	vor.u32 $0x3, v19  }
0x161: {  	v3 =	vor.u32 $0x3, v2;
	v2 =	vor.u32 $0x7, v4;
	v22 =	vor.u32 $0x7, v22;
	[tilespmem:v12+s18+$0x0] =	vst.idx.msk $0xffff, v13  }
0x162: {  	v15 =	vor.u32 $0x6, v20;
	v18 =	vor.u32 $0x5, v24;
	v8 =	vor.u32 $0x7, v20;
	v20 =	vld [tilespmem:s24+$0x80]  }
0x163: {  	v4 =	vld [tilespmem:s25+$0x180];
	v11 =	vor.u32 $0x6, v24;
	v13 =	vor.u32 $0x2, v9;
	v12 =	vor.u32 $0x6, v6;
	[tilespmem:v26+s18+$0x0] =	vst.idx.msk $0xffff, v27  }
0x164: {  	s25 =	simm.s32 $0x4;
	v5 =	vor.u32 $0x3, v9;
	v6 =	vor.u32 $0x7, v6;
	v9 =	vor.u32 $0x7, v24;
	v19 =	vld [tilespmem:s22+$0x100];
	[tilespmem:v28+s18+$0x0] =	vst.idx.msk $0xffff, v27  }
.LBB2_19:
0x165: {  	s25 =	sadd.s32 $0x4, s25;
	v24 =	vld [tilespmem:s23+$0x100];
	[tilespmem:v23+s18+$0x0] =	vst.idx.msk $0xffff, v21;
	s20 =	sadd.s32 $0x100, s20;
	s21 =	sadd.s32 $0x40, s21  }
0x166: {  	s0 =	sshll.u32 s25, $0x4;
	s1 =	sand.u32 $0xE00, s20;
	s11 =	sshll.u32 s25, $0x6;
	[tilespmem:v22+s18+$0x0] =	vst.idx.msk $0xffff, v21  }
0x167: {  	s28 =	sand.u32 $0xFFFFFC00, s0;
	s0 =	sand.u32 $0x3FFFF000, s11;
	s11 =	sand.u32 $0x3F0, s21;
	[tilespmem:v17+s18+$0x0] =	vst.idx.msk $0xffff, v20  }
0x168: {  	s13 =	sadd.s32 $0xFFFFFFD0, s21;
	s0 =	sor.u32 s1, s0;
	s1 =	sor.u32 s28, s11;
	v17 =	vadd.s32 s11, v0;
	[tilespmem:v18+s18+$0x0] =	vst.idx.msk $0xffff, v20  }
0x169: {  	s11 =	sadd.s32 $0xFFFFFFE0, s21;
	s0 =	sadd.s32 s19, s0;
	v18 =	vmov s1;
	v17 =	vand.u32 $0x3FF, v17;
	s1 =	sand.u32 $0x70, s21;
	[tilespmem:v16+s18+$0x0] =	vst.idx.msk $0xffff, v19;
	v16 =	vld [tilespmem:s24+$0x100]  }
0x16a: {  	s30 =	sadd.s32 $0xFFFFFFF0, s21;
	s29 =	sand.u32 $0x40, s13;
	v18 =	vshll.u32 v18, $0x3;
	v17 =	vor.u32 s28, v17;
	s26 =	sadd.s32 s1, s0;
	[tilespmem:v15+s18+$0x0] =	vst.idx.msk $0xffff, v19  }
0x16b: {  	s31 =	sand.u32 $0x60, s30;
	s1 =	sand.u32 $0x3C0, s13;
	s13 =	sand.u32 $0x50, s11;
	v15 =	vld [tilespmem:s26+$0x0];
	v19 =	vor.u32 v1, v18;
	v22 =	vshll.u32 v17, $0x3;
	[tilespmem:v13+s18+$0x0] =	vst.idx.msk $0xffff, v24  }
0x16c: {  	s11 =	sand.u32 $0x3D0, s11;
	v13 =	vadd.s32 s1, v0;
	s13 =	sadd.s32 s13, s0;
	v17 =	vor.u32 $0x4, v22;
	v18 =	vld [tilespmem:s22+$0x180];
	s22 =	sadd.s32 s29, s0;
	[tilespmem:v12+s18+$0x0] =	vst.idx.msk $0xffff, v24  }
0x16d: {  	s1 =	sor.u32 s1, s28;
	v12 =	vand.u32 $0x3FF, v13;
	v13 =	vadd.s32 s11, v0;
	s29 =	sand.u32 $0x3E0, s30;
	s0 =	sadd.s32 s31, s0;
	v20 =	vld [tilespmem:s22+$0x0];
	[tilespmem:v3+s18+$0x0] =	vst.idx.msk $0xffff, v4;
	v3 =	vmov v14  }
0x16e: {  	p4 =	slt.u32 s25, $0xFC;
	v14 =	vmov s1;
	s1 =	sor.u32 s28, s11;
	v13 =	vand.u32 $0x3FF, v13;
	s11 =	sor.u32 s28, s29;
	v23 =	vadd.s32 s29, v0;
	v21 =	vld [tilespmem:s13+$0x0];
	[tilespmem:v10+s18+$0x0] =	vst.idx.msk $0xffff, v16  }
0x16f: {  	v10 =	vor.u32 s28, v12;
	v12 =	vmov s1;
	v23 =	vand.u32 $0x3FF, v23;
	v24 =	vld [tilespmem:s0+$0x0];
	[tilespmem:v11+s18+$0x0] =	vst.idx.msk $0xffff, v16  }
0x170: {  	v11 =	vor.u32 s28, v13;
	v13 =	vmov s11;
	v16 =	vor.u32 s28, v23;
	[tilespmem:v19+s18+$0x0] =	vst.idx.msk $0xffff, v15;
	v23 =	vld [tilespmem:s23+$0x180];
	s23 =	smov.u32 s13  }
0x171: {  	v14 =	vshll.u32 v14, $0x3;
	v25 =	vshll.u32 v10, $0x3;
	v10 =	vshll.u32 v12, $0x3;
	[tilespmem:v17+s18+$0x0] =	vst.idx.msk $0xffff, v15;
	v12 =	vld [tilespmem:s24+$0x180];
	s24 =	smov.u32 s0  }
0x172: {  	v26 =	vshll.u32 v11, $0x3;
	v11 =	vshll.u32 v13, $0x3;
	v13 =	vor.u32 $0x1, v19;
	v27 =	vld [tilespmem:s26+$0x80];
	[tilespmem:v7+s18+$0x0] =	vst.idx.msk $0xffff, v18  }
0x173: {  	v28 =	vshll.u32 v16, $0x3;
	v7 =	vor.u32 v1, v14;
	v14 =	vor.u32 $0x5, v22;
	[tilespmem:v8+s18+$0x0] =	vst.idx.msk $0xffff, v18  }
0x174: {  	v29 =	vor.u32 v1, v10;
	v30 =	vor.u32 $0x4, v26;
	v8 =	vor.u32 $0x4, v25;
	[tilespmem:v2+s18+$0x0] =	vst.idx.msk $0xffff, v4;
	v2 =	vmovc v9  }
0x175: {  	v32 =	vor.u32 v1, v11;
	v33 =	vor.u32 $0x4, v28;
	v31 =	vor.u32 $0x1, v7;
	[tilespmem:v5+s18+$0x0] =	vst.idx.msk $0xffff, v23  }
0x176: {  	v34 =	vor.u32 $0x5, v25;
	v35 =	vor.u32 $0x1, v29;
	v17 =	vor.u32 $0x1, v32;
	[tilespmem:v6+s18+$0x0] =	vst.idx.msk $0xffff, v23;
	v4 =	vmovc v12  }
0x177: {  	v36 =	vor.u32 $0x5, v26;
	v16 =	vor.u32 $0x2, v7;
	v18 =	vor.u32 $0x5, v28;
	[tilespmem:v13+s18+$0x0] =	vst.idx.msk $0xffff, v27  }
0x178: {  	v15 =	vor.u32 $0x6, v25;
	v10 =	vor.u32 $0x2, v32;
	v13 =	vor.u32 $0x2, v29;
	[tilespmem:v14+s18+$0x0] =	vst.idx.msk $0xffff, v27  }
0x179: {  	v11 =	vor.u32 $0x6, v28;
	v12 =	vor.u32 $0x6, v26;
	v27 =	vor.u32 $0x2, v19;
	[tilespmem:v7+s18+$0x0] =	vst.idx.msk $0xffff, v20;
	v23 =	vld [tilespmem:s26+$0x100]  }
0x17a: {  	v5 =	vor.u32 $0x3, v29;
	v7 =	vor.u32 $0x3, v7;
	[tilespmem:v8+s18+$0x0] =	vst.idx.msk $0xffff, v20;
	v20 =	vor.u32 $0x6, v22  }
0x17b: {  	v6 =	vor.u32 $0x7, v26;
	v14 =	vor.u32 $0x3, v32;
	v8 =	vor.u32 $0x7, v25;
	v37 =	vld [tilespmem:s22+$0x80];
	[tilespmem:v29+s18+$0x0] =	vst.idx.msk $0xffff, v21  }
0x17c: {  	v9 =	vor.u32 $0x7, v28;
	[tilespmem:v30+s18+$0x0] =	vst.idx.msk $0xffff, v21  }
0x17d: {  	v25 =	vld [tilespmem:s23+$0x80];
	[tilespmem:v32+s18+$0x0] =	vst.idx.msk $0xffff, v24  }
0x17e: {  	[tilespmem:v27+s18+$0x0] =	vst.idx.msk $0xffff, v23  }
0x17f: {  	[tilespmem:v20+s18+$0x0] =	vst.idx.msk $0xffff, v23  }
.Ltmp11:
0x180: {  	v23 =	vor.u32 $0x3, v19;
	[tilespmem:v33+s18+$0x0] =	vst.idx.msk $0xffff, v24;
	v21 =	vld [tilespmem:s26+$0x180];
	(pc) =	sbr.rel @p4 .LBB2_19-.Ltmp11, $4  }
0x181: {  	v22 =	vor.u32 $0x7, v22;
	[tilespmem:v31+s18+$0x0] =	vst.idx.msk $0xffff, v37;
	v20 =	vld [tilespmem:s24+$0x80]  }
0x182: {  	[tilespmem:v34+s18+$0x0] =	vst.idx.msk $0xffff, v37  }
0x183: {  	v19 =	vld [tilespmem:s22+$0x100];
	[tilespmem:v35+s18+$0x0] =	vst.idx.msk $0xffff, v25  }
0x184: {  	[tilespmem:v36+s18+$0x0] =	vst.idx.msk $0xffff, v25  }
0x185: {  	_ =	sdelay $0x3  }
0x186: {  	[tilespmem:v23+s18+$0x0] =	vst.idx.msk $0xffff, v21  }
0x187: {  	[tilespmem:v3+s18+$0x0] =	vst.idx.msk $0xffff, v4  }
0x188: {  	v61 =	vld [tilespmem:s23+$0x100];
	[tilespmem:v17+s18+$0x0] =	vst.idx.msk $0xffff, v20  }
0x189: {  	[tilespmem:v18+s18+$0x0] =	vst.idx.msk $0xffff, v20  }
0x18a: {  	[tilespmem:v22+s18+$0x0] =	vst.idx.msk $0xffff, v21;
	v62 =	vld [tilespmem:s24+$0x100]  }
0x18b: {  	[tilespmem:v16+s18+$0x0] =	vst.idx.msk $0xffff, v19  }
0x18c: {  	[tilespmem:v15+s18+$0x0] =	vst.idx.msk $0xffff, v19  }
0x18d: {  	[tilespmem:v13+s18+$0x0] =	vst.idx.msk $0xffff, v61;
	v63 =	vld [tilespmem:s22+$0x180]  }
0x18e: {  	[tilespmem:v12+s18+$0x0] =	vst.idx.msk $0xffff, v61  }
0x18f: {  	v3 =	vld [tilespmem:s23+$0x180];
	[tilespmem:v10+s18+$0x0] =	vst.idx.msk $0xffff, v62  }
0x190: {  	[tilespmem:v11+s18+$0x0] =	vst.idx.msk $0xffff, v62  }
0x191: {  	[tilespmem:v2+s18+$0x0] =	vst.idx.msk $0xffff, v4;
	v10 =	vld [tilespmem:s24+$0x180]  }
0x192: {  	[tilespmem:v7+s18+$0x0] =	vst.idx.msk $0xffff, v63  }
0x193: {  	p4 =	seq.s32 s17, $0x20;
	[tilespmem:v8+s18+$0x0] =	vst.idx.msk $0xffff, v63  }
.Ltmp12:
0x194: {  	[tilespmem:v5+s18+$0x0] =	vst.idx.msk $0xffff, v3;
	(pc) =	sbr.rel @!p4 .LBB2_18-.Ltmp12, $4  }
.Ltmp13:
0x195: {  	[tilespmem:v6+s18+$0x0] =	vst.idx.msk $0xffff, v3;
	(pc) =	sbr.rel @p4 .LBB2_21-.Ltmp13, $4  }
0x196: {  	s0 =	sshll.u32 s16, $0xC;
	[tilespmem:v14+s18+$0x0] =	vst.idx.msk $0xffff, v10  }
0x197: {  	s16 =	smov.u32 s17;
	s0 =	sadd.s32 s0, s8;
	[tilespmem:v9+s18+$0x0] =	vst.idx.msk $0xffff, v10  }
0x198: {  	[hbm4b:s0+s2] =	stream.linear.scatter [tilespmem:s18], [sflag:$0x2], $0x8000, $0x38;
	[tilespmem:$0x18000] =	vst v63  }
0x199: {  	_ = 	snop  }
.LBB2_7:
0x19a: {  	[tilespmem:s15], [sflag:$0x1] =	stream.linear.gather [hbm4b:s3+s15], $0x4000, $0x38;
	[tilespmem:$0x18000] =	vst v63  }
0x19b: {  	s16 =	simm.s32 $0x0  }
.LBB2_8:
0x19c: {  	s0 =	sand.u32 $0x1, s16  }
0x19d: {  	s17 =	sadd.s32 $0x1, s16;
	p4 =	seq.s32 s16, $0x1F;
	s30 =	simm.s32 $0x30  }
0x19e: {  	s18 =	simm.s32 $0x0;
	s20 =	sand.u32 $0xE00, s15;
	s19 =	simm.s32 $0x0  }
0x19f: {  	s1 =	sshll.u32 @!p4 s17, $0xB;
	s11 =	sshll.u32 @!p4 s0, $0xE;
	s13 =	simm.s32 @!p4 $0x0  }
0x1a0: {  	s29 =	sshll.u32 s0, $0x10;
	s11 =	sxor.u32 @!p4 $0x4000, s11;
	s1 =	sadd.s32 @!p4 s1, s3  }
0x1a1: {  	[tilespmem:s11], [sflag:$0x1] =	stream.linear.gather @!p4 [hbm4b:s1+s13], $0x4000, $0x38;
	[tilespmem:$0x18000] =	vst v63  }
0x1a2: {  	s21 =	sand.u32 $0xFFFFFC00, s18;
	s31 =	sand.u32 $0x3FFFF000, s19;
	_ =	swait.ge [sflag:s12], $0x4000  }
0x1a3: {  	s22 =	sand.u32 $0x3F0, s30;
	p4 =	slt.u32 s16, $0x2;
	[sflag:s12] =	ssyncset.done $0x0  }
0x1a4: {  	s19 =	sshrl.u32 s29, $0x2;
	s1 =	simm.s32 @!p4 $0x2;
	[sflag:s12] =	ssyncadd.s32 $0xFFFFC000  }
0x1a5: {  	s20 =	sor.u32 s20, s31;
	s23 =	sor.u32 s21, s22;
	v2 =	vadd.s32 s22, v0;
	_ =	swait.ge @!p4 [sflag:s1], $0x8000  }
0x1a6: {  	s11 =	sadd.s32 s19, s20;
	v3 =	vmov s23;
	v2 =	vand.u32 $0x3FF, v2;
	s13 =	sand.u32 $0x70, s30;
	[sflag:s1] =	ssyncset.done @!p4 $0x0  }
0x1a7: {  	v3 =	vshll.u32 v3, $0x3;
	v2 =	vor.u32 s21, v2;
	s20 =	sadd.s32 s13, s11;
	[sflag:s1] =	ssyncadd.s32 @!p4 $0xFFFF8000  }
0x1a8: {  	v3 =	vor.u32 v1, v3;
	v5 =	vshll.u32 v2, $0x3;
	v4 =	vld [tilespmem:s20+$0x0]  }
0x1a9: {  	v2 =	vor.u32 $0x4, v5;
	_ =	sdelay $0x1  }
0x1aa: {  	s24 =	simm.s32 $0x0;
	s0 =	sshll.u32 s0, $0xF  }
0x1ab: {  	s25 =	simm.s32 $0x10;
	s26 =	sand.u32 $0x3C0, s24;
	s18 =	sadd.s32 $0x8000, s0  }
0x1ac: {  	v6 =	vadd.s32 s26, v0;
	s23 =	sand.u32 $0x3D0, s25;
	[tilespmem:v3+s18+$0x0] =	vst.idx.msk $0xffff, v4  }
0x1ad: {  	v6 =	vand.u32 $0x3FF, v6;
	s13 =	sor.u32 s26, s21;
	v7 =	vadd.s32 s23, v0;
	[tilespmem:v2+s18+$0x0] =	vst.idx.msk $0xffff, v4  }
0x1ae: {  	v8 =	vor.u32 $0x1, v3;
	s1 =	sand.u32 $0x40, s24;
	v2 =	vmov s13;
	v4 =	vand.u32 $0x3FF, v7;
	v7 =	vld [tilespmem:s20+$0x80]  }
0x1af: {  	s28 =	simm.s32 $0x20;
	s29 =	sor.u32 s21, s23;
	v6 =	vor.u32 s21, v6;
	v9 =	vor.u32 $0x5, v5;
	s22 =	sadd.s32 s1, s11;
	v2 =	vshll.u32 v2, $0x3  }
0x1b0: {  	s0 =	sand.u32 $0x50, s25;
	v11 =	vmov s29;
	v6 =	vshll.u32 v6, $0x3;
	s24 =	sand.u32 $0x3E0, s28;
	v10 =	vld [tilespmem:s22+$0x0];
	v12 =	vor.u32 v1, v2  }
0x1b1: {  	s23 =	sadd.s32 s0, s11;
	s30 =	sor.u32 s21, s24;
	v2 =	vor.u32 s21, v4;
	v4 =	vshll.u32 v11, $0x3;
	v11 =	vor.u32 $0x4, v6  }
0x1b2: {  	s31 =	sand.u32 $0x60, s28;
	v13 =	vld [tilespmem:s23+$0x0];
	v14 =	vmov s30;
	v15 =	vshll.u32 v2, $0x3;
	v16 =	vor.u32 v1, v4  }
0x1b3: {  	s25 =	sadd.s32 s31, s11;
	v2 =	vadd.s32 s24, v0;
	v4 =	vshll.u32 v14, $0x3;
	v14 =	vor.u32 $0x4, v15;
	[tilespmem:v8+s18+$0x0] =	vst.idx.msk $0xffff, v7  }
0x1b4: {  	v17 =	vld [tilespmem:s25+$0x0];
	v8 =	vand.u32 $0x3FF, v2;
	v2 =	vor.u32 v1, v4;
	[tilespmem:v9+s18+$0x0] =	vst.idx.msk $0xffff, v7  }
0x1b5: {  	v4 =	vor.u32 s21, v8;
	[tilespmem:v12+s18+$0x0] =	vst.idx.msk $0xffff, v10;
	v8 =	vor.u32 $0x2, v3;
	v7 =	vld [tilespmem:s20+$0x100]  }
0x1b6: {  	v9 =	vor.u32 $0x6, v5;
	v4 =	vshll.u32 v4, $0x3;
	[tilespmem:v11+s18+$0x0] =	vst.idx.msk $0xffff, v10  }
0x1b7: {  	[tilespmem:v16+s18+$0x0] =	vst.idx.msk $0xffff, v13;
	v10 =	vor.u32 $0x4, v4  }
0x1b8: {  	v11 =	vor.u32 $0x1, v12;
	v18 =	vld [tilespmem:s22+$0x80];
	[tilespmem:v14+s18+$0x0] =	vst.idx.msk $0xffff, v13  }
0x1b9: {  	v13 =	vor.u32 $0x5, v6;
	[tilespmem:v2+s18+$0x0] =	vst.idx.msk $0xffff, v17  }
0x1ba: {  	v14 =	vor.u32 $0x1, v16;
	v19 =	vld [tilespmem:s23+$0x80];
	[tilespmem:v8+s18+$0x0] =	vst.idx.msk $0xffff, v7  }
0x1bb: {  	v8 =	vor.u32 $0x5, v15;
	[tilespmem:v9+s18+$0x0] =	vst.idx.msk $0xffff, v7  }
0x1bc: {  	v3 =	vor.u32 $0x3, v3;
	[tilespmem:v10+s18+$0x0] =	vst.idx.msk $0xffff, v17;
	v7 =	vld [tilespmem:s20+$0x180]  }
0x1bd: {  	v9 =	vor.u32 $0x1, v2;
	[tilespmem:v11+s18+$0x0] =	vst.idx.msk $0xffff, v18;
	v10 =	vld [tilespmem:s25+$0x80]  }
0x1be: {  	s26 =	simm.s32 $0x100;
	v11 =	vor.u32 $0x5, v4;
	[tilespmem:v13+s18+$0x0] =	vst.idx.msk $0xffff, v18  }
0x1bf: {  	s29 =	sand.u32 $0x3FFFF000, s26;
	v5 =	vor.u32 $0x7, v5;
	[tilespmem:v14+s18+$0x0] =	vst.idx.msk $0xffff, v19  }
0x1c0: {  	s13 =	simm.s32 $0x40;
	s21 =	simm.s32 $0x70;
	s20 =	simm.s32 $0x100;
	v13 =	vor.u32 $0x2, v12;
	v14 =	vld [tilespmem:s22+$0x100];
	[tilespmem:v8+s18+$0x0] =	vst.idx.msk $0xffff, v19  }
0x1c1: {  	s28 =	sand.u32 $0xFFFFFC00, s13;
	s30 =	sand.u32 $0x3F0, s21;
	s24 =	sand.u32 $0xE00, s20;
	v8 =	vor.u32 $0x6, v6;
	[tilespmem:v3+s18+$0x0] =	vst.idx.msk $0xffff, v7  }
0x1c2: {  	s31 =	sor.u32 s28, s30;
	s0 =	sor.u32 s24, s29;
	v17 =	vld [tilespmem:s23+$0x100];
	v3 =	vor.u32 $0x2, v16;
	[tilespmem:v9+s18+$0x0] =	vst.idx.msk $0xffff, v10;
	v9 =	vadd.s32 s30, v0  }
0x1c3: {  	s11 =	sand.u32 $0x70, s21;
	v18 =	vor.u32 $0x6, v15;
	s24 =	sadd.s32 s19, s0;
	[tilespmem:v11+s18+$0x0] =	vst.idx.msk $0xffff, v10;
	v10 =	vmov s31;
	v9 =	vand.u32 $0x3FF, v9  }
0x1c4: {  	s26 =	sadd.s32 s11, s24;
	v11 =	vor.u32 $0x2, v2;
	[tilespmem:v5+s18+$0x0] =	vst.idx.msk $0xffff, v7;
	v5 =	vld [tilespmem:s25+$0x100];
	v7 =	vshll.u32 v10, $0x3;
	v9 =	vor.u32 s28, v9  }
0x1c5: {  	[tilespmem:v13+s18+$0x0] =	vst.idx.msk $0xffff, v14;
	v10 =	vld [tilespmem:s26+$0x0];
	v19 =	vor.u32 v1, v7;
	v22 =	vshll.u32 v9, $0x3  }
0x1c6: {  	[tilespmem:v8+s18+$0x0] =	vst.idx.msk $0xffff, v14;
	v7 =	vor.u32 $0x4, v22  }
0x1c7: {  	v8 =	vor.u32 $0x6, v4;
	[tilespmem:v3+s18+$0x0] =	vst.idx.msk $0xffff, v17  }
0x1c8: {  	s13 =	simm.s32 $0x40;
	v9 =	vld [tilespmem:s22+$0x180];
	v3 =	vor.u32 $0x3, v12;
	[tilespmem:v18+s18+$0x0] =	vst.idx.msk $0xffff, v17  }
0x1c9: {  	s1 =	simm.s32 $0x50;
	s29 =	sand.u32 $0x3C0, s13;
	v6 =	vor.u32 $0x7, v6;
	[tilespmem:v11+s18+$0x0] =	vst.idx.msk $0xffff, v5  }
0x1ca: {  	s30 =	sand.u32 $0x3D0, s1;
	v12 =	vadd.s32 s29, v0;
	v11 =	vor.u32 $0x3, v16;
	v13 =	vld [tilespmem:s23+$0x180];
	[tilespmem:v19+s18+$0x0] =	vst.idx.msk $0xffff, v10  }
0x1cb: {  	s11 =	sor.u32 s29, s28;
	v14 =	vor.u32 $0x7, v15;
	v15 =	vadd.s32 s30, v0;
	v12 =	vand.u32 $0x3FF, v12;
	[tilespmem:v7+s18+$0x0] =	vst.idx.msk $0xffff, v10  }
0x1cc: {  	s0 =	sand.u32 $0x40, s13;
	s23 =	sor.u32 s28, s30;
	v12 =	vor.u32 s28, v12;
	[tilespmem:v8+s18+$0x0] =	vst.idx.msk $0xffff, v5;
	v8 =	vor.u32 $0x1, v19;
	v7 =	vmov s11;
	v5 =	vld [tilespmem:s26+$0x80]  }
0x1cd: {  	s31 =	simm.s32 $0x60;
	s22 =	sadd.s32 s0, s24;
	v16 =	vmov s23;
	v7 =	vshll.u32 v7, $0x3;
	[tilespmem:v3+s18+$0x0] =	vst.idx.msk $0xffff, v9;
	v3 =	vor.u32 $0x5, v22  }
0x1ce: {  	s1 =	sand.u32 $0x50, s1;
	s29 =	sand.u32 $0x3E0, s31;
	v20 =	vshll.u32 v12, $0x3;
	v10 =	vand.u32 $0x3FF, v15;
	v15 =	vld [tilespmem:s22+$0x0];
	v7 =	vor.u32 v1, v7;
	[tilespmem:v6+s18+$0x0] =	vst.idx.msk $0xffff, v9  }
0x1cf: {  	s30 =	sor.u32 s28, s29;
	s23 =	sadd.s32 s1, s24;
	v6 =	vor.u32 s28, v10;
	v9 =	vshll.u32 v16, $0x3;
	v10 =	vor.u32 $0x4, v20;
	[tilespmem:v11+s18+$0x0] =	vst.idx.msk $0xffff, v13  }
0x1d0: {  	s31 =	sand.u32 $0x60, s31;
	v12 =	vmov s30;
	v11 =	vld [tilespmem:s23+$0x0];
	v6 =	vshll.u32 v6, $0x3;
	v9 =	vor.u32 v1, v9;
	[tilespmem:v14+s18+$0x0] =	vst.idx.msk $0xffff, v13  }
0x1d1: {  	s24 =	sadd.s32 s31, s24;
	v12 =	vshll.u32 v12, $0x3;
	v13 =	vadd.s32 s29, v0;
	v14 =	vor.u32 $0x4, v6;
	[tilespmem:v8+s18+$0x0] =	vst.idx.msk $0xffff, v5  }
0x1d2: {  	v23 =	vor.u32 v1, v12;
	v8 =	vand.u32 $0x3FF, v13;
	v13 =	vld [tilespmem:s24+$0x0];
	[tilespmem:v3+s18+$0x0] =	vst.idx.msk $0xffff, v5  }
0x1d3: {  	v3 =	vor.u32 s28, v8;
	[tilespmem:v7+s18+$0x0] =	vst.idx.msk $0xffff, v15;
	v8 =	vor.u32 $0x2, v19;
	v5 =	vld [tilespmem:s26+$0x100]  }
0x1d4: {  	[tilespmem:v10+s18+$0x0] =	vst.idx.msk $0xffff, v15;
	v10 =	vor.u32 $0x6, v22  }
0x1d5: {  	v21 =	vor.u32 $0x1, v7;
	[tilespmem:v9+s18+$0x0] =	vst.idx.msk $0xffff, v11;
	v25 =	vld [tilespmem:s22+$0x80]  }
0x1d6: {  	v24 =	vshll.u32 v3, $0x3;
	[tilespmem:v14+s18+$0x0] =	vst.idx.msk $0xffff, v11;
	v14 =	vor.u32 $0x5, v20  }
0x1d7: {  	v12 =	vor.u32 $0x4, v24;
	[tilespmem:v23+s18+$0x0] =	vst.idx.msk $0xffff, v13  }
0x1d8: {  	[tilespmem:v8+s18+$0x0] =	vst.idx.msk $0xffff, v5  }
0x1d9: {  	v17 =	vor.u32 $0x1, v23;
	v26 =	vor.u32 $0x1, v9;
	v27 =	vld [tilespmem:s23+$0x80];
	[tilespmem:v10+s18+$0x0] =	vst.idx.msk $0xffff, v5  }
0x1da: {  	v16 =	vor.u32 $0x2, v7;
	v28 =	vor.u32 $0x5, v6;
	v7 =	vor.u32 $0x3, v7;
	[tilespmem:v21+s18+$0x0] =	vst.idx.msk $0xffff, v25  }
0x1db: {  	v10 =	vor.u32 $0x2, v23;
	v21 =	vld [tilespmem:s26+$0x180];
	[tilespmem:v14+s18+$0x0] =	vst.idx.msk $0xffff, v25;
	v14 =	vor.u32 $0x3, v23;
	v23 =	vor.u32 $0x3, v19  }
0x1dc: {  	v3 =	vor.u32 $0x3, v2;
	v2 =	vor.u32 $0x7, v4;
	v22 =	vor.u32 $0x7, v22;
	[tilespmem:v12+s18+$0x0] =	vst.idx.msk $0xffff, v13  }
0x1dd: {  	v15 =	vor.u32 $0x6, v20;
	v18 =	vor.u32 $0x5, v24;
	v8 =	vor.u32 $0x7, v20;
	v20 =	vld [tilespmem:s24+$0x80]  }
0x1de: {  	v4 =	vld [tilespmem:s25+$0x180];
	v11 =	vor.u32 $0x6, v24;
	v13 =	vor.u32 $0x2, v9;
	v12 =	vor.u32 $0x6, v6;
	[tilespmem:v26+s18+$0x0] =	vst.idx.msk $0xffff, v27  }
0x1df: {  	s25 =	simm.s32 $0x4;
	v5 =	vor.u32 $0x3, v9;
	v6 =	vor.u32 $0x7, v6;
	v9 =	vor.u32 $0x7, v24;
	v19 =	vld [tilespmem:s22+$0x100];
	[tilespmem:v28+s18+$0x0] =	vst.idx.msk $0xffff, v27  }
.LBB2_9:
0x1e0: {  	s25 =	sadd.s32 $0x4, s25;
	v24 =	vld [tilespmem:s23+$0x100];
	[tilespmem:v23+s18+$0x0] =	vst.idx.msk $0xffff, v21;
	s20 =	sadd.s32 $0x100, s20;
	s21 =	sadd.s32 $0x40, s21  }
0x1e1: {  	s0 =	sshll.u32 s25, $0x4;
	s1 =	sand.u32 $0xE00, s20;
	s11 =	sshll.u32 s25, $0x6;
	[tilespmem:v22+s18+$0x0] =	vst.idx.msk $0xffff, v21  }
0x1e2: {  	s28 =	sand.u32 $0xFFFFFC00, s0;
	s0 =	sand.u32 $0x3FFFF000, s11;
	s11 =	sand.u32 $0x3F0, s21;
	[tilespmem:v17+s18+$0x0] =	vst.idx.msk $0xffff, v20  }
0x1e3: {  	s13 =	sadd.s32 $0xFFFFFFD0, s21;
	s0 =	sor.u32 s1, s0;
	s1 =	sor.u32 s28, s11;
	v17 =	vadd.s32 s11, v0;
	[tilespmem:v18+s18+$0x0] =	vst.idx.msk $0xffff, v20  }
0x1e4: {  	s11 =	sadd.s32 $0xFFFFFFE0, s21;
	s0 =	sadd.s32 s19, s0;
	v18 =	vmov s1;
	v17 =	vand.u32 $0x3FF, v17;
	s1 =	sand.u32 $0x70, s21;
	[tilespmem:v16+s18+$0x0] =	vst.idx.msk $0xffff, v19;
	v16 =	vld [tilespmem:s24+$0x100]  }
0x1e5: {  	s30 =	sadd.s32 $0xFFFFFFF0, s21;
	s29 =	sand.u32 $0x40, s13;
	v18 =	vshll.u32 v18, $0x3;
	v17 =	vor.u32 s28, v17;
	s26 =	sadd.s32 s1, s0;
	[tilespmem:v15+s18+$0x0] =	vst.idx.msk $0xffff, v19  }
0x1e6: {  	s31 =	sand.u32 $0x60, s30;
	s1 =	sand.u32 $0x3C0, s13;
	s13 =	sand.u32 $0x50, s11;
	v15 =	vld [tilespmem:s26+$0x0];
	v19 =	vor.u32 v1, v18;
	v22 =	vshll.u32 v17, $0x3;
	[tilespmem:v13+s18+$0x0] =	vst.idx.msk $0xffff, v24  }
0x1e7: {  	s11 =	sand.u32 $0x3D0, s11;
	v13 =	vadd.s32 s1, v0;
	s13 =	sadd.s32 s13, s0;
	v17 =	vor.u32 $0x4, v22;
	v18 =	vld [tilespmem:s22+$0x180];
	s22 =	sadd.s32 s29, s0;
	[tilespmem:v12+s18+$0x0] =	vst.idx.msk $0xffff, v24  }
0x1e8: {  	s1 =	sor.u32 s1, s28;
	v12 =	vand.u32 $0x3FF, v13;
	v13 =	vadd.s32 s11, v0;
	s29 =	sand.u32 $0x3E0, s30;
	s0 =	sadd.s32 s31, s0;
	v20 =	vld [tilespmem:s22+$0x0];
	[tilespmem:v3+s18+$0x0] =	vst.idx.msk $0xffff, v4;
	v3 =	vmov v14  }
0x1e9: {  	p4 =	slt.u32 s25, $0xFC;
	v14 =	vmov s1;
	s1 =	sor.u32 s28, s11;
	v13 =	vand.u32 $0x3FF, v13;
	s11 =	sor.u32 s28, s29;
	v23 =	vadd.s32 s29, v0;
	v21 =	vld [tilespmem:s13+$0x0];
	[tilespmem:v10+s18+$0x0] =	vst.idx.msk $0xffff, v16  }
0x1ea: {  	v10 =	vor.u32 s28, v12;
	v12 =	vmov s1;
	v23 =	vand.u32 $0x3FF, v23;
	v24 =	vld [tilespmem:s0+$0x0];
	[tilespmem:v11+s18+$0x0] =	vst.idx.msk $0xffff, v16  }
0x1eb: {  	v11 =	vor.u32 s28, v13;
	v13 =	vmov s11;
	v16 =	vor.u32 s28, v23;
	[tilespmem:v19+s18+$0x0] =	vst.idx.msk $0xffff, v15;
	v23 =	vld [tilespmem:s23+$0x180];
	s23 =	smov.u32 s13  }
0x1ec: {  	v14 =	vshll.u32 v14, $0x3;
	v25 =	vshll.u32 v10, $0x3;
	v10 =	vshll.u32 v12, $0x3;
	[tilespmem:v17+s18+$0x0] =	vst.idx.msk $0xffff, v15;
	v12 =	vld [tilespmem:s24+$0x180];
	s24 =	smov.u32 s0  }
0x1ed: {  	v26 =	vshll.u32 v11, $0x3;
	v11 =	vshll.u32 v13, $0x3;
	v13 =	vor.u32 $0x1, v19;
	v27 =	vld [tilespmem:s26+$0x80];
	[tilespmem:v7+s18+$0x0] =	vst.idx.msk $0xffff, v18  }
0x1ee: {  	v28 =	vshll.u32 v16, $0x3;
	v7 =	vor.u32 v1, v14;
	v14 =	vor.u32 $0x5, v22;
	[tilespmem:v8+s18+$0x0] =	vst.idx.msk $0xffff, v18  }
0x1ef: {  	v29 =	vor.u32 v1, v10;
	v30 =	vor.u32 $0x4, v26;
	v8 =	vor.u32 $0x4, v25;
	[tilespmem:v2+s18+$0x0] =	vst.idx.msk $0xffff, v4;
	v2 =	vmovc v9  }
0x1f0: {  	v32 =	vor.u32 v1, v11;
	v33 =	vor.u32 $0x4, v28;
	v31 =	vor.u32 $0x1, v7;
	[tilespmem:v5+s18+$0x0] =	vst.idx.msk $0xffff, v23  }
0x1f1: {  	v34 =	vor.u32 $0x5, v25;
	v35 =	vor.u32 $0x1, v29;
	v17 =	vor.u32 $0x1, v32;
	[tilespmem:v6+s18+$0x0] =	vst.idx.msk $0xffff, v23;
	v4 =	vmovc v12  }
0x1f2: {  	v36 =	vor.u32 $0x5, v26;
	v16 =	vor.u32 $0x2, v7;
	v18 =	vor.u32 $0x5, v28;
	[tilespmem:v13+s18+$0x0] =	vst.idx.msk $0xffff, v27  }
0x1f3: {  	v15 =	vor.u32 $0x6, v25;
	v10 =	vor.u32 $0x2, v32;
	v13 =	vor.u32 $0x2, v29;
	[tilespmem:v14+s18+$0x0] =	vst.idx.msk $0xffff, v27  }
0x1f4: {  	v11 =	vor.u32 $0x6, v28;
	v12 =	vor.u32 $0x6, v26;
	v27 =	vor.u32 $0x2, v19;
	[tilespmem:v7+s18+$0x0] =	vst.idx.msk $0xffff, v20;
	v23 =	vld [tilespmem:s26+$0x100]  }
0x1f5: {  	v5 =	vor.u32 $0x3, v29;
	v7 =	vor.u32 $0x3, v7;
	[tilespmem:v8+s18+$0x0] =	vst.idx.msk $0xffff, v20;
	v20 =	vor.u32 $0x6, v22  }
0x1f6: {  	v6 =	vor.u32 $0x7, v26;
	v14 =	vor.u32 $0x3, v32;
	v8 =	vor.u32 $0x7, v25;
	v37 =	vld [tilespmem:s22+$0x80];
	[tilespmem:v29+s18+$0x0] =	vst.idx.msk $0xffff, v21  }
0x1f7: {  	v9 =	vor.u32 $0x7, v28;
	[tilespmem:v30+s18+$0x0] =	vst.idx.msk $0xffff, v21  }
0x1f8: {  	v25 =	vld [tilespmem:s23+$0x80];
	[tilespmem:v32+s18+$0x0] =	vst.idx.msk $0xffff, v24  }
0x1f9: {  	[tilespmem:v27+s18+$0x0] =	vst.idx.msk $0xffff, v23  }
0x1fa: {  	[tilespmem:v20+s18+$0x0] =	vst.idx.msk $0xffff, v23  }
.Ltmp14:
0x1fb: {  	v23 =	vor.u32 $0x3, v19;
	[tilespmem:v33+s18+$0x0] =	vst.idx.msk $0xffff, v24;
	v21 =	vld [tilespmem:s26+$0x180];
	(pc) =	sbr.rel @p4 .LBB2_9-.Ltmp14, $4  }
0x1fc: {  	v22 =	vor.u32 $0x7, v22;
	[tilespmem:v31+s18+$0x0] =	vst.idx.msk $0xffff, v37;
	v20 =	vld [tilespmem:s24+$0x80]  }
0x1fd: {  	[tilespmem:v34+s18+$0x0] =	vst.idx.msk $0xffff, v37  }
0x1fe: {  	v19 =	vld [tilespmem:s22+$0x100];
	[tilespmem:v35+s18+$0x0] =	vst.idx.msk $0xffff, v25  }
0x1ff: {  	[tilespmem:v36+s18+$0x0] =	vst.idx.msk $0xffff, v25  }
0x200: {  	_ =	sdelay $0x3  }
0x201: {  	[tilespmem:v23+s18+$0x0] =	vst.idx.msk $0xffff, v21  }
0x202: {  	[tilespmem:v3+s18+$0x0] =	vst.idx.msk $0xffff, v4  }
0x203: {  	v61 =	vld [tilespmem:s23+$0x100];
	[tilespmem:v17+s18+$0x0] =	vst.idx.msk $0xffff, v20  }
0x204: {  	[tilespmem:v18+s18+$0x0] =	vst.idx.msk $0xffff, v20  }
0x205: {  	[tilespmem:v22+s18+$0x0] =	vst.idx.msk $0xffff, v21;
	v62 =	vld [tilespmem:s24+$0x100]  }
0x206: {  	[tilespmem:v16+s18+$0x0] =	vst.idx.msk $0xffff, v19  }
0x207: {  	[tilespmem:v15+s18+$0x0] =	vst.idx.msk $0xffff, v19  }
0x208: {  	[tilespmem:v13+s18+$0x0] =	vst.idx.msk $0xffff, v61;
	v63 =	vld [tilespmem:s22+$0x180]  }
0x209: {  	[tilespmem:v12+s18+$0x0] =	vst.idx.msk $0xffff, v61  }
0x20a: {  	v3 =	vld [tilespmem:s23+$0x180];
	[tilespmem:v10+s18+$0x0] =	vst.idx.msk $0xffff, v62  }
0x20b: {  	[tilespmem:v11+s18+$0x0] =	vst.idx.msk $0xffff, v62  }
0x20c: {  	[tilespmem:v2+s18+$0x0] =	vst.idx.msk $0xffff, v4;
	v10 =	vld [tilespmem:s24+$0x180]  }
0x20d: {  	[tilespmem:v7+s18+$0x0] =	vst.idx.msk $0xffff, v63  }
0x20e: {  	p4 =	seq.s32 s17, $0x20;
	[tilespmem:v8+s18+$0x0] =	vst.idx.msk $0xffff, v63  }
.Ltmp15:
0x20f: {  	[tilespmem:v5+s18+$0x0] =	vst.idx.msk $0xffff, v3;
	(pc) =	sbr.rel @!p4 .LBB2_8-.Ltmp15, $4  }
.Ltmp16:
0x210: {  	[tilespmem:v6+s18+$0x0] =	vst.idx.msk $0xffff, v3;
	(pc) =	sbr.rel @p4 .LBB2_21-.Ltmp16, $4  }
0x211: {  	s0 =	sshll.u32 s16, $0xC;
	[tilespmem:v14+s18+$0x0] =	vst.idx.msk $0xffff, v10  }
0x212: {  	s16 =	smov.u32 s17;
	s0 =	sadd.s32 s0, s4;
	[tilespmem:v9+s18+$0x0] =	vst.idx.msk $0xffff, v10  }
0x213: {  	[hbm4b:s0+s2] =	stream.linear.scatter [tilespmem:s18], [sflag:$0x2], $0x8000, $0x38;
	[tilespmem:$0x18000] =	vst v63  }
0x214: {  	_ = 	snop  }
.LBB2_23:
0x215: {  	_ =	sfence.sel $0x180000  }
0x216: {  	[bflag:$0x0] =	sbarrier.arrive $0xFFFF  }
0x217: {  	_ =	strace $0x90000047  }
0x218: {  	s0 =	stileid.u32;
	[bflag:$0x2] =	sbarrier.arrive $0xFFFF  }
0x219: {  	p0 =	sne.s32 s0, $0x0;
	s0 =	rddreg [dreg:$0x5]  }
0x21a: {  	s0 =	sadd.s32 @!p0 $0x100000, s0  }
0x21b: {  	[sflag:s0] =	ssyncadd.tile.s32 @!p0 $0x1;
	_ =	shalt  }
.Lfunc_end2:
_tile_overlayer_lowered:
.L_overlay_start_2:
0x21c: {  	(tag) =	ssettag $0x2  }
0x21d: {  	s0 =	rddreg [dreg:$0x0];
	s2 =	stileid.u32  }
0x21e: {  	s1 =	rddreg [dreg:$0x1];
	p0 =	sne.s32 s2, $0x0  }
0x21f: {  	s3 =	rddreg [dreg:$0x2];
	[bflag:$0x3] =	sbarrier.arrive $0xFFFF;
	s2 =	simm.s32 @!p0 $0x1C03  }
0x220: {  	[timem:s3], [sflag:s2] =	dma.local @!p0 [hbm:s0], s1  }
0x221: {  	s0 =	simm.s32 @!p0 $0x3  }
0x222: {  	_ =	swait.ge @!p0 [sflag:s0], s1  }
0x223: {  	s1 =	ssub.s32 @!p0 $0x0, s1;
	[sflag:s0] =	ssyncset.done @!p0 $0x0  }
0x224: {  	[sflag:s0] =	ssyncadd.s32 @!p0 s1  }
0x225: {  	[bflag:$0x3] =	sbarrier.arrive $0xFFFF  }
0x226: {  	_ =	shalt  }

// kernel: kernel.7.cloned.1.call-start
scs
__scs_entry_jumppad:
0x0: {  	(pc) =	sbr.rel $0x88, $3  }
0x1: {  	(tag) =	ssettag $0x0;
	lr =	simm.s32 $0x1  }
0x2: {  	[smem:$0x3F9B] =	sst lr;
	_ =	strace $0xD0000000  }
0x3: {  	_ = 	snop  }
0x4: {  	_ = 	snop  }
0x5: {  	_ = 	snop  }
0x6: {  	_ = 	snop  }
0x7: {  	_ = 	snop  }
__scs_overlays_trampoline_lowered:
0x8: {  	[smem:$0x3FAA] =	sst s0  }
0x9: {  	[smem:$0x3FAB] =	sst s1  }
0xa: {  	[smem:$0x3FAC] =	sst s2  }
0xb: {  	[smem:$0x3FAD] =	sst s3  }
0xc: {  	[smem:$0x3FAE] =	sst s4  }
0xd: {  	[smem:$0x3FAF] =	sst s5  }
0xe: {  	[smem:$0x3FB0] =	sst s6  }
0xf: {  	[smem:$0x3FB1] =	sst s7  }
0x10: {  	[smem:$0x3FB2] =	sst s8  }
0x11: {  	[smem:$0x3FB3] =	sst s9;
	s0 =	simm.s32 @!p0 $0x0  }
0x12: {  	s1 =	sld [smem:$0x3F99];
	s0 =	simm.s32 @p0 $0x1  }
0x13: {  	[smem:$0x3FB4] =	sst s0;
	s0 =	simm.s32 @!p1 $0x0  }
0x14: {  	s2 =	sld [smem:$0x3F98];
	s0 =	simm.s32 @p1 $0x1  }
0x15: {  	[smem:$0x3FB5] =	sst s0;
	s0 =	simm.s32 @!p2 $0x0  }
0x16: {  	s3 =	sld [smem:$0x3FDB];
	s0 =	simm.s32 @p2 $0x1  }
0x17: {  	s4 =	simm.s32 $0x1BF5;
	[smem:$0x3FB7] =	sst s0  }
0x18: {  	s0 =	sld [smem:$0x3F9A];
	_ =	swait.ge [sflag:s4], $0x0  }
0x19: {  	s7 =	sld [smem:$0x3F9B]  }
0x1a: {  	s8 =	sadd.s32 $0xFFFFE003, lr  }
0x1b: {  	s9 =	sadd.s32 $0xFFFFFEF7, lr;
	s5 =	simm.s32 $0xFFFFFFFF;
	p2 =	slt.u32 s8, $0xFFFFF086  }
0x1c: {  	p1 =	slt.u32 s9, $0xF7A;
	s5 =	simm.s32 @!p2 $0x0  }
0x1d: {  	s5 =	simm.s32 @p1 $0x1;
	p0 =	seq.s32 s7, s2  }
0x1e: {  	s7 =	smul.u32 @!p0 $0xF7A, s2;
	p2 =	seq.s32 @!p0 s5, $0x0  }
0x1f: {  	s9 =	smul.u32 $0xF7A, s1;
	s8 =	simm.s32 @!p0 $0x1BF5;
	p2 =	por !p2, p0  }
0x20: {  	[sflag:s8] =	ssyncset.s32 @!p0 $0xFFFFF086;
	s6 =	sadd.s32 @!p0 s3, s7;
	s7 =	simm.s32 @!p0 $0x108  }
0x21: {  	s3 =	sadd.s32 s3, s9;
	s6 =	sadd.s32 @!p0 $0x88, s6;
	s7 =	simm.s32 @p2 $0x1082  }
0x22: {  	[simem:s7], [sflag:s8] =	dma.local @!p0 [hbm:s6], $0xF7A  }
0x23: {  	s9 =	sor.u32 $0xD0000000, s2;
	s6 =	simm.s32 $0x108;
	_ =	swait.ge @!p0 [sflag:s8], $0x0  }
0x24: {  	s3 =	sadd.s32 $0x88, s3;
	s6 =	simm.s32 @!p1 $0x1082;
	[sflag:s4] =	ssyncset.s32 $0xFFFFF086  }
0x25: {  	[simem:s6], [sflag:s4] =	dma.local [hbm:s3], $0xF7A  }
0x26: {  	[smem:$0x3F9B] =	sst s1;
	(tag) =	ssettag s2;
	_ =	strace s9  }
0x27: {  	s1 =	sld [smem:$0x3FAB]  }
0x28: {  	s2 =	sld [smem:$0x3FAC]  }
0x29: {  	s4 =	sld [smem:$0x3FAE]  }
0x2a: {  	p0 =	seq.s32 s5, $0x0;
	s5 =	sld [smem:$0x3FAF]  }
0x2b: {  	s6 =	sld [smem:$0x3FB0]  }
0x2c: {  	s7 =	sld [smem:$0x3FB1]  }
0x2d: {  	s3 =	simm.s32 $0x108;
	s8 =	sld [smem:$0x3FB2]  }
0x2e: {  	s3 =	simm.s32 @!p0 $0x1082;
	s9 =	sld [smem:$0x3FB3]  }
0x2f: {  	lr =	sadd.s32 s0, s3;
	s0 =	sld [smem:$0x3FAA]  }
0x30: {  	s3 =	sld [smem:$0x3FAD]  }
0x31: {  	[smem:$0x3FB6] =	sst s10  }
0x32: {  	s10 =	sld [smem:$0x3FB4];
	_ =	sdelay $0x3  }
0x33: {  	p0 =	seq.s32 s10, $0x1;
	s10 =	sld [smem:$0x3FB6];
	_ =	sdelay $0x3  }
0x34: {  	[smem:$0x3FB6] =	sst s10  }
0x35: {  	s10 =	sld [smem:$0x3FB5];
	_ =	sdelay $0x3  }
0x36: {  	p1 =	seq.s32 s10, $0x1;
	s10 =	sld [smem:$0x3FB6];
	_ =	sdelay $0x3  }
0x37: {  	[smem:$0x3FB6] =	sst s10  }
0x38: {  	s10 =	sld [smem:$0x3FB7]  }
0x39: {  	_ = 	snop;
	(pc) =	sbr.ind lr, $3  }
0x3a: {  	_ = 	snop  }
0x3b: {  	_ = 	snop  }
0x3c: {  	p2 =	seq.s32 s10, $0x1;
	s10 =	sld [smem:$0x3FB6]  }
0x3d: {  	_ =	shalt  }
0x3e: {  	_ =	shalt  }
0x3f: {  	_ =	shalt  }
0x40: {  	_ =	shalt  }
0x41: {  	_ =	shalt  }
0x42: {  	_ =	shalt  }
0x43: {  	_ =	shalt  }
0x44: {  	_ =	shalt  }
0x45: {  	_ =	shalt  }
0x46: {  	_ =	shalt  }
0x47: {  	_ =	shalt  }
0x48: {  	_ =	shalt  }
0x49: {  	_ =	shalt  }
0x4a: {  	_ =	shalt  }
0x4b: {  	_ =	shalt  }
0x4c: {  	_ =	shalt  }
0x4d: {  	_ =	shalt  }
0x4e: {  	_ =	shalt  }
0x4f: {  	_ =	shalt  }
0x50: {  	_ =	shalt  }
0x51: {  	_ =	shalt  }
0x52: {  	_ =	shalt  }
0x53: {  	_ =	shalt  }
0x54: {  	_ =	shalt  }
0x55: {  	_ =	shalt  }
0x56: {  	_ =	shalt  }
0x57: {  	_ =	shalt  }
0x58: {  	_ =	shalt  }
0x59: {  	_ =	shalt  }
0x5a: {  	_ =	shalt  }
0x5b: {  	_ =	shalt  }
0x5c: {  	_ =	shalt  }
0x5d: {  	_ =	shalt  }
0x5e: {  	_ =	shalt  }
0x5f: {  	_ =	shalt  }
0x60: {  	_ =	shalt  }
0x61: {  	_ =	shalt  }
0x62: {  	_ =	shalt  }
0x63: {  	_ =	shalt  }
0x64: {  	_ =	shalt  }
0x65: {  	_ =	shalt  }
0x66: {  	_ =	shalt  }
0x67: {  	_ =	shalt  }
0x68: {  	_ =	shalt  }
0x69: {  	_ =	shalt  }
0x6a: {  	_ =	shalt  }
0x6b: {  	_ =	shalt  }
0x6c: {  	_ =	shalt  }
0x6d: {  	_ =	shalt  }
0x6e: {  	_ =	shalt  }
0x6f: {  	_ =	shalt  }
0x70: {  	_ =	shalt  }
0x71: {  	_ =	shalt  }
0x72: {  	_ =	shalt  }
0x73: {  	_ =	shalt  }
0x74: {  	_ =	shalt  }
0x75: {  	_ =	shalt  }
0x76: {  	_ =	shalt  }
0x77: {  	_ =	shalt  }
0x78: {  	_ =	shalt  }
0x79: {  	_ =	shalt  }
0x7a: {  	_ =	shalt  }
0x7b: {  	_ =	shalt  }
0x7c: {  	_ =	shalt  }
0x7d: {  	_ =	shalt  }
0x7e: {  	_ =	shalt  }
0x7f: {  	_ =	shalt  }
0x80: {  	_ =	shalt  }
0x81: {  	_ =	shalt  }
0x82: {  	_ =	shalt  }
0x83: {  	_ =	shalt  }
0x84: {  	_ =	shalt  }
0x85: {  	_ =	shalt  }
0x86: {  	_ =	shalt  }
0x87: {  	_ =	shalt  }
.Lfunc_end0:
.L_simem_size_0:
called_computation.1_lowered:
.L_overlay_start_0:
0x88: {  	s2 =	sld [smem:$0x3FD9]  }
0x89: {  	s3 =	sld [smem:$0x3FFE];
	_ =	sdelay $0x1  }
0x8a: {  	s1 =	srdreg.scid  }
0x8b: {  	s0 =	sand.u32 $0x1, s1  }
0x8c: {  	s17 =	sshll.u32 s0, $0xA;
	s2 =	sadd.s32 s3, s2  }
0x8d: {  	s2 =	sadd.s32 s2, s17  }
0x8e: {  	[smem:$0x3FC2] =	sst s2  }
0x8f: {  	_ = 	snop  }
0x90: {  	s2 =	sld [smem:$0x3FC9]  }
0x91: {  	s18 =	sld [smem:$0x3FC8]  }
0x92: {  	s4 =	sld [smem:$0x3FD0];
	(tm) =	ssettm $0x1  }
0x93: {  	s5 =	sld [smem:$0x3FFB];
	_ =	sdelay $0x3  }
0x94: {  	_ =	strace s5  }
0x95: {  	s5 =	sld [smem:$0x3FFC];
	_ =	sdelay $0x3  }
0x96: {  	_ =	strace s5  }
0x97: {  	s5 =	sld [smem:$0x3FFD];
	_ =	sdelay $0x3  }
0x98: {  	_ =	strace s5  }
0x99: {  	_ =	strace $0x8FFFFFFF  }
0x9a: {  	s19 =	sld [smem:$0x3FDB];
	_ =	sdelay $0x1  }
0x9b: {  	s6 =	simm.s32 $_scs_section_size  }
0x9c: {  	s7 =	simm.s32 $_size__tile_overlayer_lowered;
	s8 =	simm.s32 $_tile_overlayer_lowered  }
0x9d: {  	s22 =	simm.s32 $0x1BFF;
	s21 =	sshll.u32 s8, $0x1;
	s5 =	sadd.s32 s6, s19  }
0x9e: {  	s9 =	simm.s32 $0x0;
	s20 =	sshll.u32 s7, $0x1;
	s7 =	sadd.s32 s21, s5  }
0x9f: {  	[timem:s9], [sflag:s22] =	dma.local [hbm:s7], s20  }
0xa0: {  	_ =	swait.ge [sflag:s22], s20  }
0xa1: {  	s6 =	ssub.s32 $0x0, s20;
	[sflag:s22] =	ssyncset.done $0x0  }
0xa2: {  	[sflag:s22] =	ssyncadd.s32 s6;
	_ =	sdelay $0x1  }
0xa3: {  	s23 =	simm.s32 $0x1B8B  }
0xa4: {  	_ =	swait.ge [sflag:s23], $0x1  }
0xa5: {  	[sflag:s23] =	ssyncset.done $0x0  }
0xa6: {  	s25 =	simm.s32 $0x1B8E;
	s24 =	sld [smem:$0x3FFE];
	[sflag:s23] =	ssyncadd.s32 $0xFFFFFFFF  }
0xa7: {  	s26 =	simm.s32 $execute0_lowered;
	[smem:$0x3FD2] =	sst s25  }
0xa8: {  	s7 =	sshll.u32 s26, $0x1;
	_ =	strace $0x80000049;
	[dreg:$0x1] =	wrdreg $0xFFFFFFFF  }
0xa9: {  	s28 =	simm.s32 $_size_execute0_lowered;
	s5 =	sadd.s32 s5, s7;
	[dreg:$0x0] =	wrdreg $0x0  }
0xaa: {  	s7 =	sshll.u32 s28, $0x1;
	[dreg:$0x2] =	wrdreg s5  }
0xab: {  	[dreg:$0x3] =	wrdreg s7  }
0xac: {  	[dreg:$0x4] =	wrdreg $0xC0  }
0xad: {  	_ =	task [dreg:s9], $0x5FFFF  }
0xae: {  	[dreg:$0x1] =	wrdreg $0xFFFFFFFF  }
0xaf: {  	[dreg:$0x0] =	wrdreg $0x60  }
0xb0: {  	[dreg:$0x2] =	wrdreg s2  }
0xb1: {  	[dreg:$0x3] =	wrdreg s18  }
0xb2: {  	[dreg:$0x4] =	wrdreg s24  }
0xb3: {  	[dreg:$0x5] =	wrdreg s4  }
0xb4: {  	[dreg:$0x6] =	wrdreg $0x9  }
0xb5: {  	_ =	task.clear_ibuf [dreg:s9], $0x7FFFF;
	_ =	strace $0x90000049  }
0xb6: {  	s29 =	simm.s32 $0x9;
	_ =	strace $0x8000004B  }
0xb7: {  	_ =	swait.ge [sflag:s29], $0x1  }
0xb8: {  	[sflag:s29] =	ssyncadd.s32 $0xFFFFFFFF  }
0xb9: {  	_ =	strace $0x9000004B  }
0xba: {  	_ =	sfence  }
0xbb: {  	s30 =	sld [smem:$0x0];
	_ =	sdelay $0x2  }
0xbc: {  	s31 =	sshll.u32 s1, $0xD;
	s1 =	sshrl.u32 s1, $0x2  }
0xbd: {  	s3 =	sand.u32 $0x4000, s31;
	s1 =	sadd.s32 s1, s30  }
0xbe: {  	s0 =	sor.u32 s3, s0;
	s1 =	sshll.u32 s1, $0x11  }
0xbf: {  	s0 =	sor.u32 s1, s0  }
0xc0: {  	s0 =	sadd.s32 $0x8F2B, s0  }
0xc1: {  	[sflag:s0] =	ssyncadd.remote.s32 $0x1  }
0xc2: {  	_ =	sfence.sel $0xFFFF  }
0xc3: {  	[dreg:$0x0] =	wrdreg $0xFFFFFFFF;
	(pc) =	sbr.abs _section_cstart, $3  }
0xc4: {  	[dreg:$0x1] =	wrdreg $0xFFFFFFFF  }
0xc5: {  	_ =	task.clear_ibuf [dreg:s9], $0x2FFFF;
	_ =	strace $0x9FFFFFFF  }
0xc6: {  	(tm) =	ssettm $0x7FFFFFFF  }
0xc7: {  	_ =	shalt  }
tec
execute0_lowered:
.L_overlay_start_1:
0x0: {  	(tag) =	ssettag $0x1  }
0x1: {  	s1 =	rddreg [dreg:$0x0]  }
0x2: {  	s2 =	rddreg [dreg:$0x1]  }
0x3: {  	s0 =	rddreg [dreg:$0x2]  }
0x4: {  	s3 =	rddreg [dreg:$0x3];
	s5 =	simm.s32 $0x0;
	s4 =	srdreg.scid  }
0x5: {  	s8 =	stileid.u32;
	s16 =	simm.s32 $0x1;
	s17 =	simm.s32 $0x800  }
0x6: {  	s18 =	simm.s32 $0x2;
	s20 =	simm.s32 $0xA800;
	[smem:$0x7FF] =	sst s5  }
0x7: {  	s4 =	sand.u32 $0x1, s4;
	s6 =	sadd.s32 $0x800, s0;
	s23 =	sshll.u32 s8, $0x7  }
0x8: {  	s24 =	sshrl.u32 s8, $0x2;
	_ =	strace $0x8000004A;
	s7 =	sshll.u32 s4, $0x6  }
0x9: {  	s4 =	ssub.s32 $0x2, s4;
	s9 =	sshll.u32 s24, $0x10;
	s0 =	sshll.u32 s24, $0xF  }
0xa: {  	s7 =	sor.u32 s7, s23;
	s25 =	sshrl.u32 s4, $0x1;
	s9 =	sadd.s32 s1, s9  }
0xb: {  	s0 =	sadd.s32 s2, s0;
	s10 =	sand.u32 $0x1C0, s7;
	s4 =	ssub.s32 s4, s25  }
0xc: {  	s28 =	sshll.u32 s7, $0x8;
	s26 =	sshll.u32 s10, $0x7;
	s31 =	smax.u32 s4, $0x1  }
0xd: {  	s29 =	sshll.u32 s10, $0x6;
	s8 =	sadd.s32 s26, s9;
	[dreg:$0x8] =	wrdreg s31  }
0xe: {  	s0 =	sadd.s32 s29, s0;
	[dreg:$0x5] =	wrdreg s8;
	s8 =	sadd.s32 s28, s3  }
0xf: {  	v1 =	vlaneseq.u32;
	s21 =	simm.s32 $0x12800;
	[dreg:$0x6] =	wrdreg s0;
	s30 =	sadd.s32 $0x3C00, s8  }
0x10: {  	v0 =	vimm.s32 $0x0;
	v1 =	vmul.u32 $0x8, v1;
	s10 =	sshll.u32 s7, $0xB;
	s3 =	simm.s32 $0x0;
	[dreg:$0x7] =	wrdreg s30  }
.LBB2_1:
0x11: {  	[dreg:$0x9] =	wrdreg s3  }
.Ltmp0:
0x12: {  	s0 =	rddreg [dreg:$0x5];
	(pc) =	sbr.rel .LBB2_2-.Ltmp0, $4  }
0x13: {  	s30 =	rddreg [dreg:$0x6];
	s31 =	simm.s32 $0x200;
	s4 =	simm.s32 $0x400  }
0x14: {  	[tilespmem:s5], [sflag:$0x1] =	stream.linear.gather [hbm4b:s0+s5], $0x1000, $0x38;
	[tilespmem:$0x1A800] =	vst v63  }
0x15: {  	s8 =	simm.s32 $0x3000;
	p0 =	por $0x0, $0x0;
	s24 =	simm.s32 $0x0  }
0x16: {  	[tilespmem:s8], [sflag:$0x1] =	stream.strided.gather [hbm4b:s30+s31], $0x800, s4, s31, $0x38;
	[tilespmem:$0x1A800] =	vst v63  }
.LBB2_8:
0x17: {  	p1 =	sne.s32 s24, $0x10  }
.Ltmp1:
0x18: {  	_ = 	snop;
	(pc) =	sbr.rel @!p1 .LBB2_9-.Ltmp1, $2  }
0x19: {  	_ =	sdelay $0x2  }
0x1a: {  	p0 =	por !p0, !p0  }
.LBB2_2:
0x1b: {  	s0 =	smov.u32 s24  }
0x1c: {  	s24 =	sadd.s32 $0x1, s24;
	_ =	swait.ge [sflag:s16], $0x1000;
	p1 =	seq.s32 s0, $0xF  }
0x1d: {  	s22 =	simm.s32 $0x0;
	[sflag:s16] =	ssyncset.done $0x0;
	s4 =	smul.u32 @!p1 $0xAB, s24  }
0x1e: {  	s8 =	smul.u32 $0xAB, s0;
	[sflag:s16] =	ssyncadd.s32 $0xFFFFF000;
	s9 =	sshll.u32 @!p1 s24, $0x2  }
0x1f: {  	_ =	swait.ge [sflag:s16], $0x800;
	s9 =	sadd.s32 @!p1 s7, s9;
	s4 =	sshrl.u32 @!p1 s4, $0x9  }
0x20: {  	s8 =	sshrl.u32 s8, $0x9;
	[sflag:s16] =	ssyncset.done $0x0;
	s4 =	sand.u32 @!p1 $0x7F, s4  }
0x21: {  	s11 =	sand.u32 @!p1 $0x1FC, s9;
	s13 =	sshrl.u32 @!p1 s9, $0x9;
	s4 =	smul.u32 @!p1 $0x3, s4  }
0x22: {  	s8 =	sand.u32 $0x7F, s8;
	[sflag:s16] =	ssyncadd.s32 $0xFFFFF800;
	s11 =	sshll.u32 @!p1 s11, $0x7  }
0x23: {  	s14 =	sshll.u32 @!p1 s13, $0x10;
	s8 =	smul.u32 $0x3, s8;
	s4 =	ssub.s32 @!p1 s24, s4  }
0x24: {  	s13 =	sshll.u32 @!p1 s13, $0xF;
	s11 =	sadd.s32 @!p1 s1, s11;
	s4 =	sand.u32 @!p1 $0xFF, s4  }
0x25: {  	s11 =	sadd.s32 @!p1 s14, s11;
	s14 =	simm.s32 @!p1 $0x0;
	s15 =	sshll.u32 @!p1 s4, $0xC  }
0x26: {  	[tilespmem:s15], [sflag:$0x1] =	stream.linear.gather @!p1 [hbm4b:s11+s14], $0x1000, $0x38;
	[tilespmem:$0x1A800] =	vst v63  }
0x27: {  	s13 =	sadd.s32 @!p1 s2, s13;
	s19 =	ssub.s32 s0, s8;
	s11 =	sshll.u32 @!p1 s9, $0x6  }
0x28: {  	s4 =	sshll.u32 @!p1 s4, $0xB;
	s9 =	sshll.u32 @!p1 s9, $0x4;
	s11 =	sand.u32 @!p1 $0x7E00, s11  }
0x29: {  	s4 =	sadd.s32 @!p1 $0x3000, s4;
	s9 =	sand.u32 @!p1 $0x40, s9;
	s11 =	sadd.s32 @!p1 s11, s13  }
0x2a: {  	s13 =	simm.s32 @!p1 $0x400;
	s9 =	sadd.s32 @!p1 s9, s11;
	s11 =	simm.s32 @!p1 $0x200  }
0x2b: {  	[tilespmem:s4], [sflag:$0x1] =	stream.strided.gather @!p1 [hbm4b:s9+s11], $0x800, s13, s11, $0x38;
	[tilespmem:$0x1A800] =	vst v63  }
0x2c: {  	s23 =	simm.s32 $0x0;
	s22 =	sand.u32 $0x3, s22;
	s4 =	sand.u32 $0xFF, s19  }
0x2d: {  	s26 =	sshll.u32 s22, $0x8;
	s8 =	sand.u32 $0x3FFFFC00, s23;
	s25 =	sshll.u32 s4, $0xE  }
0x2e: {  	s8 =	sor.u32 s26, s8;
	s13 =	simm.s32 $0x30;
	s14 =	sshrl.u32 s25, $0x2  }
0x2f: {  	s25 =	sand.u32 $0x70, s13;
	s29 =	sadd.s32 s14, s8  }
0x30: {  	s30 =	simm.s32 $0x0;
	s26 =	sadd.s32 s25, s29  }
0x31: {  	s31 =	simm.s32 $0x10;
	s3 =	sand.u32 $0x40, s30;
	v2 =	vld [tilespmem:s26+$0x80]  }
0x32: {  	s12 =	simm.s32 $0x20;
	s9 =	sand.u32 $0x50, s31;
	s28 =	sadd.s32 s3, s29;
	v3 =	vld [tilespmem:s26+$0x0]  }
0x33: {  	s8 =	sand.u32 $0x60, s12;
	s19 =	sadd.s32 s9, s29;
	v4 =	vld [tilespmem:s28+$0x80]  }
0x34: {  	s29 =	sadd.s32 s8, s29;
	v5 =	vld [tilespmem:s19+$0x80]  }
0x35: {  	s4 =	sshll.u32 s4, $0xB;
	v6 =	vld [tilespmem:s29+$0x80]  }
0x36: {  	s22 =	sshll.u32 s22, $0x9;
	s23 =	simm.s32 $0x0;
	s15 =	sadd.s32 $0x3000, s4;
	v7 =	vld [tilespmem:s28+$0x0]  }
0x37: {  	s4 =	sadd.s32 s22, s15;
	s22 =	sand.u32 $0x3FFFFF80, s23;
	v8 =	vld [tilespmem:s19+$0x0]  }
0x38: {  	s28 =	sadd.s32 s22, s4;
	v11 =	vld [tilespmem:s29+$0x0]  }
0x39: {  	s4 =	sadd.s32 s25, s28;
	v2 =	vmul.f32 $1.024000000e+03, v2;
	v3 =	vmul.f32 $1.024000000e+03, v3  }
0x3a: {  	v9 =	vld [tilespmem:s4+$0x0];
	v4 =	vmul.f32 $1.024000000e+03, v4;
	v5 =	vmul.f32 $1.024000000e+03, v5  }
0x3b: {  	v6 =	vmul.f32 $1.024000000e+03, v6;
	v7 =	vmul.f32 $1.024000000e+03, v7  }
0x3c: {  	v8 =	vmul.f32 $1.024000000e+03, v8;
	v2 =	vadd.f32 $-5.000000000e-01, v2;
	v3 =	vadd.f32 $-5.000000000e-01, v3  }
0x3d: {  	v11 =	vmul.f32 $1.024000000e+03, v11;
	v5 =	vadd.f32 $-5.000000000e-01, v5;
	v6 =	vadd.f32 $-5.000000000e-01, v6  }
0x3e: {  	v4 =	vadd.f32 $-5.000000000e-01, v4;
	v10 =	vtrunc.f32 v2;
	v12 =	vtrunc.f32 v3  }
0x3f: {  	v9 =	vshll.u32 v9, $0x14;
	v14 =	vtrunc.f32 v5;
	v15 =	vtrunc.f32 v6  }
0x40: {  	v13 =	vcvt.f32.s32 v10;
	vm0 =	vlt.f32 v2, v10;
	v2 =	vcvt.f32.s32 v12  }
0x41: {  	vm1 =	vlt.f32 v3, v12;
	vm2 =	vlt.f32 v6, v15;
	v3 =	vsel vm0, $0xFFFFFFFF, v0  }
0x42: {  	v10 =	vsel vm1, $0xFFFFFFFF, v0;
	vm1 =	vlt.f32 v5, v14;
	v16 =	vsel vm2, $0xFFFFFFFF, v0  }
0x43: {  	v3 =	vadd.s32 v13, v3;
	v2 =	vadd.s32 v2, v10;
	v13 =	vadd.f32 $-5.000000000e-01, v7  }
0x44: {  	v7 =	vadd.f32 $-5.000000000e-01, v8;
	v8 =	vadd.f32 $-5.000000000e-01, v11;
	v11 =	vcvt.f32.s32 v15  }
0x45: {  	v15 =	vsel vm1, $0xFFFFFFFF, v0;
	v3 =	vshll.u32 v3, $0xA;
	v2 =	vand.u32 $0x3FF, v2  }
0x46: {  	s22 =	simm.s32 $0x1;
	v10 =	vadd.s32 $0x400, v3;
	v2 =	vor.u32 v9, v2;
	v19 =	vtrunc.f32 v13  }
0x47: {  	s22 =	simm.s32 @!p0 $0x0;
	s31 =	sadd.s32 s8, s28;
	s4 =	sand.u32 $0x1, s0;
	v17 =	vtrunc.f32 v7;
	v9 =	vand.u32 $0xFFC00, v10;
	v10 =	vtrunc.f32 v4  }
0x48: {  	s9 =	sadd.s32 s9, s28;
	s29 =	sshll.u32 s22, $0xC;
	s22 =	sshll.u32 s4, $0xE;
	v6 =	vld [tilespmem:s31+$0x0];
	v18 =	vtrunc.f32 v8;
	v12 =	vor.u32 v2, v9;
	vm0 =	vlt.f32 v4, v10  }
0x49: {  	s11 =	sadd.s32 s3, s28;
	s25 =	sadd.s32 $0x5000, s29;
	s30 =	sshrl.u32 s22, $0x2;
	v5 =	vld [tilespmem:s9+$0x0];
	v9 =	vcvt.f32.s32 v10;
	v10 =	vcvt.f32.s32 v14;
	v14 =	vsel vm0, $0xFFFFFFFF, v0  }
0x4a: {  	s8 =	simm.s32 $0x0;
	s28 =	sor.u32 $0x4800, s30;
	s26 =	sadd.s32 $0x5000, s30;
	v4 =	vld [tilespmem:s11+$0x0];
	[tilespmem:s25+$0x30] =	vst v12;
	v12 =	vcvt.f32.s32 v19;
	vm0 =	vlt.f32 v13, v19;
	v13 =	vcvt.f32.s32 v17  }
.LBB2_3:
0x4b: {  	s8 =	sadd.s32 $0x4, s8;
	vm1 =	vlt.f32 v7, v17;
	v7 =	vcvt.f32.s32 v18;
	vm2 =	vlt.f32 v8, v18  }
0x4c: {  	v8 =	vadd.s32 v9, v14;
	v9 =	vadd.s32 v10, v15;
	v10 =	vadd.s32 v11, v16;
	s9 =	sshrl.u32 s8, $0x3;
	p1 =	slt.u32 s8, $0x7C  }
0x4d: {  	v11 =	vsel vm0, $0xFFFFFFFF, v0;
	v14 =	vsel vm1, $0xFFFFFFFF, v0;
	v15 =	vsel vm2, $0xFFFFFFFF, v0;
	s11 =	sand.u32 $0x3, s9;
	s9 =	sshll.u32 s8, $0x5  }
0x4e: {  	v8 =	vshll.u32 v8, $0xA;
	v9 =	vshll.u32 v9, $0xA;
	v10 =	vshll.u32 v10, $0xA;
	s9 =	sand.u32 $0x3FFFFC00, s9;
	s29 =	sshll.u32 s11, $0x8  }
0x4f: {  	s13 =	sadd.s32 $0x40, s13;
	v11 =	vadd.s32 v12, v11;
	v12 =	vadd.s32 v13, v14;
	v7 =	vadd.s32 v7, v15;
	s9 =	sor.u32 s29, s9  }
0x50: {  	v13 =	vadd.s32 $0x400, v8;
	v14 =	vadd.s32 $0x400, v9;
	v15 =	vadd.s32 $0x400, v10;
	s29 =	sadd.s32 $0xFFFFFFD0, s13;
	s30 =	sadd.s32 s14, s9;
	s9 =	sand.u32 $0x70, s13  }
0x51: {  	s31 =	sadd.s32 $0xFFFFFFE0, s13;
	s12 =	sadd.s32 $0xFFFFFFF0, s13;
	v11 =	vand.u32 $0x3FF, v11;
	v12 =	vand.u32 $0x3FF, v12;
	v7 =	vand.u32 $0x3FF, v7;
	s19 =	sadd.s32 s9, s30  }
0x52: {  	v4 =	vshll.u32 v4, $0x14;
	v5 =	vshll.u32 v5, $0x14;
	v6 =	vshll.u32 v6, $0x14;
	s31 =	sand.u32 $0x50, s31;
	s12 =	sand.u32 $0x60, s12;
	s29 =	sand.u32 $0x40, s29;
	v16 =	vld [tilespmem:s19+$0x80]  }
0x53: {  	v13 =	vand.u32 $0xFFC00, v13;
	v14 =	vand.u32 $0xFFC00, v14;
	v15 =	vand.u32 $0xFFC00, v15;
	s23 =	sadd.s32 s29, s30;
	s3 =	sadd.s32 s31, s30;
	s30 =	sadd.s32 s12, s30;
	v17 =	vld [tilespmem:s19+$0x0]  }
0x54: {  	v8 =	vand.u32 $0xFFC00, v8;
	v4 =	vor.u32 v4, v11;
	v5 =	vor.u32 v5, v12;
	v18 =	vld [tilespmem:s23+$0x80]  }
0x55: {  	v9 =	vand.u32 $0xFFC00, v9;
	v6 =	vor.u32 v6, v7;
	v7 =	vand.u32 $0xFFC00, v10;
	v11 =	vld [tilespmem:s3+$0x80]  }
0x56: {  	v3 =	vand.u32 $0xFFC00, v3;
	v12 =	vor.u32 v4, v13;
	v13 =	vor.u32 v5, v14;
	v10 =	vld [tilespmem:s30+$0x80]  }
0x57: {  	s11 =	sshll.u32 s11, $0x9;
	v4 =	vor.u32 v4, v8;
	v8 =	vor.u32 v6, v15;
	s19 =	sshll.u32 s8, $0x2;
	v14 =	vld [tilespmem:s23+$0x0];
	v16 =	vmul.f32 $1.024000000e+03, v16;
	[tilespmem:s25+$0x0] =	vst v12  }
0x58: {  	s11 =	sadd.s32 s11, s15;
	v5 =	vor.u32 v5, v9;
	v6 =	vor.u32 v6, v7;
	s19 =	sand.u32 $0x3FFFFF80, s19;
	v12 =	vld [tilespmem:s3+$0x0];
	v15 =	vmul.f32 $1.024000000e+03, v17;
	[tilespmem:s25+$0x10] =	vst v13  }
0x59: {  	v2 =	vor.u32 v2, v3;
	s3 =	sadd.s32 s19, s11;
	v7 =	vmul.f32 $1.024000000e+03, v18;
	v9 =	vld [tilespmem:s30+$0x0];
	v13 =	vadd.f32 $-5.000000000e-01, v16;
	[tilespmem:s25+$0x20] =	vst v8  }
0x5a: {  	s11 =	sadd.s32 s29, s3;
	s19 =	sadd.s32 s31, s3;
	s9 =	sadd.s32 s9, s3;
	v8 =	vmul.f32 $1.024000000e+03, v11;
	v3 =	vadd.f32 $-5.000000000e-01, v15;
	[tilespmem:s25+$0xFFFFF800] =	vst v4  }
0x5b: {  	s3 =	sadd.s32 s12, s3;
	v11 =	vadd.f32 $-5.000000000e-01, v7;
	v7 =	vmul.f32 $1.024000000e+03, v10;
	v10 =	vld [tilespmem:s9+$0x0];
	v15 =	vtrunc.f32 v13;
	[tilespmem:s25+$0xFFFFF810] =	vst v5  }
0x5c: {  	v4 =	vld [tilespmem:s11+$0x0];
	v16 =	vtrunc.f32 v3;
	v17 =	vcvt.f32.s32 v15;
	vm0 =	vlt.f32 v13, v15;
	[tilespmem:s25+$0xFFFFF820] =	vst v6  }
0x5d: {  	v5 =	vld [tilespmem:s19+$0x0];
	v13 =	vcvt.f32.s32 v16;
	vm1 =	vlt.f32 v3, v16;
	v3 =	vsel vm0, $0xFFFFFFFF, v0;
	[tilespmem:s25+$0xFFFFF830] =	vst v2  }
0x5e: {  	v14 =	vmul.f32 $1.024000000e+03, v14;
	v6 =	vld [tilespmem:s3+$0x0];
	v2 =	vsel vm1, $0xFFFFFFFF, v0;
	v3 =	vadd.s32 v17, v3  }
0x5f: {  	v12 =	vmul.f32 $1.024000000e+03, v12;
	v2 =	vadd.s32 v13, v2;
	v3 =	vshll.u32 v3, $0xA  }
0x60: {  	v10 =	vshll.u32 v10, $0x14;
	v2 =	vand.u32 $0x3FF, v2;
	v13 =	vadd.s32 $0x400, v3  }
0x61: {  	v9 =	vmul.f32 $1.024000000e+03, v9;
	v2 =	vor.u32 v10, v2;
	v10 =	vand.u32 $0xFFC00, v13  }
0x62: {  	v15 =	vadd.f32 $-5.000000000e-01, v7;
	s25 =	sadd.s32 $0x40, s25;
	v13 =	vadd.f32 $-5.000000000e-01, v8;
	v8 =	vor.u32 v2, v10  }
0x63: {  	v19 =	vadd.f32 $-5.000000000e-01, v14;
	v7 =	vadd.f32 $-5.000000000e-01, v12;
	v10 =	vtrunc.f32 v11;
	[tilespmem:s25+$0x30] =	vst v8  }
0x64: {  	v14 =	vtrunc.f32 v15;
	v12 =	vtrunc.f32 v13;
	v8 =	vadd.f32 $-5.000000000e-01, v9  }
.Ltmp2:
0x65: {  	v9 =	vcvt.f32.s32 v10;
	vm0 =	vlt.f32 v11, v10;
	v10 =	vcvt.f32.s32 v12;
	(pc) =	sbr.rel @p1 .LBB2_3-.Ltmp2, $4  }
0x66: {  	vm2 =	vlt.f32 v15, v14;
	v11 =	vcvt.f32.s32 v14;
	vm1 =	vlt.f32 v13, v12  }
0x67: {  	v17 =	vtrunc.f32 v7;
	v13 =	vtrunc.f32 v19;
	v14 =	vsel vm0, $0xFFFFFFFF, v0  }
0x68: {  	v16 =	vsel vm2, $0xFFFFFFFF, v0;
	v15 =	vsel vm1, $0xFFFFFFFF, v0;
	v18 =	vtrunc.f32 v8  }
0x69: {  	v12 =	vcvt.f32.s32 v13;
	vm0 =	vlt.f32 v19, v13;
	v13 =	vcvt.f32.s32 v17  }
0x6a: {  	vm1 =	vlt.f32 v7, v17;
	v45 =	vcvt.f32.s32 v18;
	vm2 =	vlt.f32 v8, v18  }
0x6b: {  	v46 =	vadd.s32 v9, v14;
	v47 =	vadd.s32 v10, v15;
	v48 =	vadd.s32 v11, v16  }
0x6c: {  	v49 =	vsel vm0, $0xFFFFFFFF, v0;
	v4 =	vshll.u32 v4, $0x14;
	v5 =	vshll.u32 v5, $0x14  }
0x6d: {  	v6 =	vshll.u32 v6, $0x14;
	v3 =	vand.u32 $0xFFC00, v3;
	v50 =	vsel vm1, $0xFFFFFFFF, v0  }
0x6e: {  	v51 =	vsel vm2, $0xFFFFFFFF, v0;
	v8 =	vshll.u32 v46, $0xA;
	v9 =	vshll.u32 v47, $0xA  }
0x6f: {  	v10 =	vshll.u32 v48, $0xA;
	v11 =	vadd.s32 v12, v49;
	v2 =	vor.u32 v2, v3  }
0x70: {  	v52 =	vadd.s32 v13, v50;
	v7 =	vadd.s32 v45, v51;
	v53 =	vadd.s32 $0x400, v8  }
0x71: {  	v54 =	vadd.s32 $0x400, v9;
	v55 =	vadd.s32 $0x400, v10;
	v11 =	vand.u32 $0x3FF, v11  }
0x72: {  	v8 =	vand.u32 $0xFFC00, v8;
	v13 =	vand.u32 $0xFFC00, v53;
	v4 =	vor.u32 v4, v11  }
0x73: {  	[tilespmem:s25+$0xFFFFF830] =	vst v2;
	v12 =	vand.u32 $0x3FF, v52;
	v7 =	vand.u32 $0x3FF, v7;
	v57 =	vor.u32 v4, v13  }
0x74: {  	v56 =	vand.u32 $0xFFC00, v54;
	v5 =	vor.u32 v5, v12;
	v4 =	vor.u32 v4, v8;
	[tilespmem:s25+$0x0] =	vst v57  }
0x75: {  	v58 =	vand.u32 $0xFFC00, v55;
	v6 =	vor.u32 v6, v7;
	v59 =	vor.u32 v5, v56;
	[tilespmem:s25+$0xFFFFF800] =	vst v4  }
0x76: {  	v61 =	vand.u32 $0xFFC00, v9;
	v60 =	vor.u32 v6, v58;
	[tilespmem:s25+$0x10] =	vst v59  }
0x77: {  	p1 =	seq.s32 s0, $0x0;
	v62 =	vand.u32 $0xFFC00, v10;
	v5 =	vor.u32 v5, v61;
	[tilespmem:s25+$0x20] =	vst v60  }
.Ltmp3:
0x78: {  	v63 =	vor.u32 v6, v62;
	[tilespmem:s25+$0xFFFFF810] =	vst v5;
	(pc) =	sbr.rel @p1 .LBB2_8-.Ltmp3, $4  }
0x79: {  	s3 =	sadd.s32 $0x6800, s22;
	[tilespmem:s25+$0xFFFFF820] =	vst v63  }
0x7a: {  	[tilespmem:s3], [sflag:$0x2] =	stream.indirect.gather [hbm4b:s6+s17], $0x8, s28, s17, $0xb8;
	[tilespmem:$0x1A800] =	vst v63  }
0x7b: {  	s31 =	sadd.s32 $0xE800, s22  }
0x7c: {  	[tilespmem:s31], [sflag:$0x2] =	stream.indirect.gather [hbm4b:s6+s17], $0x8, s26, s17, $0xb8;
	[tilespmem:$0x1A800] =	vst v63  }
0x7d: {  	s25 =	sadd.s32 $0xFFFFFFFF, s0  }
0x7e: {  	s3 =	smulhi.u32 $0xAAAAAAAB, s25  }
0x7f: {  	_ =	swait.ge [sflag:s18], $0x4000;
	p1 =	slt.u32 s0, $0x3;
	s8 =	simm.s32 $0x0  }
0x80: {  	s14 =	simm.s32 $0x0;
	[sflag:s18] =	ssyncset.done $0x0;
	s3 =	sshrl.u32 s3, $0x1  }
0x81: {  	s12 =	simm.s32 $0x10;
	[sflag:s18] =	ssyncadd.s32 $0xFFFFC000;
	s3 =	smul.u32 $0x3, s3  }
0x82: {  	s0 =	simm.s32 @!p1 $0x3;
	s9 =	sand.u32 $0x3, s8;
	_ =	swait.ge [sflag:s18], $0x4000  }
0x83: {  	s8 =	sand.u32 $0x3FFFFC00, s14;
	[sflag:s18] =	ssyncset.done $0x0;
	s3 =	ssub.s32 s25, s3  }
0x84: {  	s11 =	sshll.u32 s9, $0x8;
	[sflag:s18] =	ssyncadd.s32 $0xFFFFC000;
	s3 =	sshll.u32 s3, $0xE  }
0x85: {  	s15 =	sor.u32 s11, s8;
	_ =	swait.ge @!p1 [sflag:s0], $0x2000;
	s30 =	sshrl.u32 s3, $0x2  }
0x86: {  	s19 =	sand.u32 $0x70, s12;
	[sflag:s0] =	ssyncset.done @!p1 $0x0;
	s3 =	sadd.s32 s30, s15  }
0x87: {  	[sflag:s0] =	ssyncadd.s32 @!p1 $0xFFFFE000;
	s22 =	sadd.s32 s19, s3  }
0x88: {  	v2 =	vld [tilespmem:s22+$0x0]  }
0x89: {  	s13 =	simm.s32 $0x0  }
0x8a: {  	s23 =	sand.u32 $0x60, s13  }
0x8b: {  	v3 =	vmov s12;
	s3 =	sadd.s32 s23, s3;
	v4 =	vld [tilespmem:s22+$0x80]  }
0x8c: {  	v3 =	vshll.u32 v3, $0x3;
	v5 =	vld [tilespmem:s3+$0x0]  }
0x8d: {  	v3 =	vor.u32 v1, v3;
	v2 =	vmul.f32 $1.024000000e+03, v2  }
0x8e: {  	v6 =	vor.u32 $0x4, v3  }
0x8f: {  	v2 =	vadd.f32 $-5.000000000e-01, v2  }
0x90: {  	s4 =	sxor.u32 $0x1, s4;
	v7 =	vmov s13;
	v4 =	vmul.f32 $1.024000000e+03, v4  }
0x91: {  	s14 =	sshll.u32 s4, $0xE;
	v7 =	vshll.u32 v7, $0x3;
	v9 =	vld [tilespmem:s3+$0x80];
	v5 =	vmul.f32 $1.024000000e+03, v5;
	v8 =	vtrunc.f32 v2  }
0x92: {  	s26 =	sadd.s32 $0x6800, s14;
	v4 =	vadd.f32 $-5.000000000e-01, v4;
	v10 =	vcvt.f32.s32 v8;
	vm0 =	vlt.f32 v2, v8  }
0x93: {  	s28 =	sadd.s32 $0xE800, s14;
	v16 =	vor.u32 v1, v7;
	v12 =	vld.idx.msk [tilespmem:v6+s26+$0x0], $0xffff;
	v7 =	vsel vm0, $0xFFFFFFFF, v0  }
0x94: {  	v6 =	vld.idx.msk [tilespmem:v6+s28+$0x0], $0xffff;
	v5 =	vadd.f32 $-5.000000000e-01, v5;
	v11 =	vtrunc.f32 v4;
	v7 =	vadd.s32 v10, v7  }
0x95: {  	v15 =	vld.idx.msk [tilespmem:v3+s28+$0x0], $0xffff;
	v13 =	vcvt.f32.s32 v11;
	vm13 =	vlt.f32 v4, v11;
	v7 =	vcvt.s32.f32 v7  }
0x96: {  	v9 =	vmul.f32 $1.024000000e+03, v9;
	v8 =	vld.idx.msk [tilespmem:v3+s26+$0x0], $0xffff;
	v17 =	vsel vm13, $0xFFFFFFFF, v0  }
0x97: {  	v14 =	vtrunc.f32 v5;
	v10 =	vsub.f32 v2, v7;
	v2 =	vadd.s32 v13, v17  }
0x98: {  	v11 =	vor.u32 $0x4, v16;
	vm14 =	vlt.f32 v5, v14;
	v2 =	vcvt.s32.f32 v2  }
0x99: {  	v13 =	vcvt.f32.s32 v14;
	v14 =	vsel vm14, $0xFFFFFFFF, v0;
	v18 =	vsub.f32 $1.000000000e+00, v10  }
0x9a: {  	v7 =	vsub.f32 v4, v2;
	v2 =	vmul.f32 v10, v12;
	v4 =	vmul.f32 v10, v6  }
0x9b: {  	v6 =	vadd.s32 v13, v14;
	v12 =	vmul.f32 v18, v8;
	v13 =	vmul.f32 v18, v15  }
0x9c: {  	v9 =	vadd.f32 $-5.000000000e-01, v9;
	v6 =	vcvt.s32.f32 v6;
	v8 =	vsub.f32 $1.000000000e+00, v7  }
0x9d: {  	s15 =	simm.s32 $0x0;
	v14 =	vld.idx.msk [tilespmem:v11+s26+$0x0], $0xffff;
	v2 =	vadd.f32 v12, v2;
	v4 =	vadd.f32 v13, v4  }
0x9e: {  	s4 =	sshll.u32 s4, $0xF;
	s9 =	sshll.u32 s9, $0x9;
	s3 =	sand.u32 $0x3FFFF800, s15;
	v11 =	vld.idx.msk [tilespmem:v11+s28+$0x0], $0xffff;
	v15 =	vtrunc.f32 v9;
	v13 =	vsub.f32 v5, v6  }
0x9f: {  	s29 =	sshrl.u32 s4, $0x2;
	s3 =	sor.u32 s9, s3;
	v12 =	vld.idx.msk [tilespmem:v16+s26+$0x0], $0xffff;
	v6 =	vor.u32 $0x1, v3;
	v2 =	vmul.f32 v2, v8;
	v4 =	vmul.f32 v4, v7  }
0xa0: {  	v20 =	vor.u32 $0x5, v3;
	s3 =	sadd.s32 s29, s3;
	v17 =	vcvt.f32.s32 v15;
	vm15 =	vlt.f32 v9, v15;
	v5 =	vld.idx.msk [tilespmem:v16+s28+$0x0], $0xffff  }
0xa1: {  	s3 =	sadd.s32 $0x16800, s3;
	v19 =	vsel vm15, $0xFFFFFFFF, v0;
	v2 =	vadd.f32 v4, v2  }
0xa2: {  	s13 =	sadd.s32 s19, s3;
	v17 =	vadd.s32 v17, v19;
	v15 =	vsub.f32 $1.000000000e+00, v13  }
0xa3: {  	v4 =	vcvt.s32.f32 v17;
	[tilespmem:s13+$0x0] =	vst v2  }
0xa4: {  	v14 =	vmul.f32 v13, v14;
	v12 =	vmul.f32 v15, v12;
	v17 =	vld.idx.msk [tilespmem:v6+s26+$0x0], $0xffff  }
0xa5: {  	v5 =	vmul.f32 v15, v5;
	v2 =	vsub.f32 v9, v4;
	v4 =	vmul.f32 v13, v11;
	v9 =	vld.idx.msk [tilespmem:v20+s26+$0x0], $0xffff  }
0xa6: {  	v11 =	vadd.f32 v12, v14;
	v6 =	vld.idx.msk [tilespmem:v6+s28+$0x0], $0xffff  }
0xa7: {  	s19 =	simm.s32 $0x0;
	v14 =	vsub.f32 $1.000000000e+00, v2;
	v4 =	vadd.f32 v5, v4;
	v5 =	vld.idx.msk [tilespmem:v20+s28+$0x0], $0xffff  }
0xa8: {  	s22 =	simm.s32 $0x40;
	s8 =	sand.u32 $0x3, s19  }
0xa9: {  	s0 =	sand.u32 $0x3FFFFC00, s22;
	s31 =	sadd.s32 s23, s3;
	s23 =	sshll.u32 s8, $0x8;
	v12 =	vor.u32 $0x1, v16;
	v11 =	vmul.f32 v11, v14;
	v4 =	vmul.f32 v4, v2  }
0xaa: {  	s4 =	simm.s32 $0x30;
	s0 =	sor.u32 s23, s0;
	v19 =	vor.u32 $0x5, v16  }
0xab: {  	s15 =	sand.u32 $0x70, s4;
	s14 =	sadd.s32 s30, s0;
	v4 =	vadd.f32 v4, v11;
	v11 =	vmul.f32 v18, v17;
	v9 =	vmul.f32 v10, v9  }
0xac: {  	s23 =	sadd.s32 s15, s14;
	v6 =	vmul.f32 v18, v6;
	v5 =	vmul.f32 v5, v10  }
0xad: {  	v20 =	vld [tilespmem:s23+$0x0];
	[tilespmem:s31+$0x0] =	vst v4  }
0xae: {  	v9 =	vadd.f32 v11, v9;
	v4 =	vld.idx.msk [tilespmem:v12+s26+$0x0], $0xffff;
	v5 =	vadd.f32 v5, v6  }
0xaf: {  	v6 =	vld.idx.msk [tilespmem:v19+s26+$0x0], $0xffff  }
0xb0: {  	s12 =	simm.s32 $0x20;
	v11 =	vld.idx.msk [tilespmem:v12+s28+$0x0], $0xffff;
	v12 =	vor.u32 $0x2, v3;
	v9 =	vmul.f32 v9, v8;
	v5 =	vmul.f32 v5, v7  }
0xb1: {  	s19 =	sand.u32 $0x60, s12;
	v17 =	vld.idx.msk [tilespmem:v19+s28+$0x0], $0xffff;
	v19 =	vor.u32 $0x6, v3  }
0xb2: {  	s11 =	sadd.s32 s19, s14;
	v5 =	vadd.f32 v5, v9  }
0xb3: {  	v21 =	vmov s12;
	v24 =	vor.u32 $0x2, v16;
	v9 =	vld [tilespmem:s11+$0x0]  }
0xb4: {  	v32 =	vor.u32 $0x3, v3;
	v35 =	vor.u32 $0x7, v3;
	v53 =	vor.u32 $0x6, v16;
	v22 =	vld [tilespmem:s23+$0x80];
	[tilespmem:s13+$0x80] =	vst v5  }
0xb5: {  	v4 =	vmul.f32 v15, v4;
	v6 =	vmul.f32 v13, v6;
	v5 =	vshll.u32 v21, $0x3;
	v21 =	vld.idx.msk [tilespmem:v12+s26+$0x0], $0xffff  }
0xb6: {  	v20 =	vmul.f32 $1.024000000e+03, v20;
	v23 =	vor.u32 v1, v5;
	v5 =	vmul.f32 v15, v11;
	v11 =	vld.idx.msk [tilespmem:v19+s26+$0x0], $0xffff  }
0xb7: {  	v17 =	vmul.f32 v17, v13;
	v12 =	vld.idx.msk [tilespmem:v12+s28+$0x0], $0xffff;
	v4 =	vadd.f32 v4, v6;
	v6 =	vmov s4  }
0xb8: {  	v20 =	vadd.f32 $-5.000000000e-01, v20;
	v26 =	vld.idx.msk [tilespmem:v19+s28+$0x0], $0xffff;
	v6 =	vshll.u32 v6, $0x3;
	v9 =	vmul.f32 $1.024000000e+03, v9  }
0xb9: {  	v27 =	vld [tilespmem:s11+$0x80];
	v5 =	vadd.f32 v17, v5;
	v19 =	vor.u32 v1, v6;
	v4 =	vmul.f32 v4, v14  }
0xba: {  	v6 =	vmul.f32 $1.024000000e+03, v22;
	v28 =	vadd.f32 $-5.000000000e-01, v9;
	v9 =	vtrunc.f32 v20  }
0xbb: {  	v17 =	vor.u32 $0x4, v19;
	v5 =	vmul.f32 v5, v2;
	v29 =	vcvt.f32.s32 v9  }
0xbc: {  	v6 =	vadd.f32 $-5.000000000e-01, v6;
	v21 =	vmul.f32 v21, v18;
	v11 =	vmul.f32 v11, v10  }
0xbd: {  	vm4 =	vlt.f32 v20, v9;
	v9 =	vmul.f32 v12, v18;
	v12 =	vmul.f32 v26, v10  }
0xbe: {  	v25 =	vor.u32 $0x4, v23;
	v26 =	vmul.f32 $1.024000000e+03, v27;
	v22 =	vtrunc.f32 v28  }
0xbf: {  	v27 =	vsel vm4, $0xFFFFFFFF, v0;
	v30 =	vtrunc.f32 v6;
	v4 =	vadd.f32 v5, v4;
	v31 =	vld.idx.msk [tilespmem:v19+s26+$0x0], $0xffff  }
0xc0: {  	v27 =	vadd.s32 v29, v27;
	v11 =	vadd.f32 v11, v21;
	v9 =	vadd.f32 v12, v9;
	v21 =	vld.idx.msk [tilespmem:v17+s26+$0x0], $0xffff  }
0xc1: {  	vm5 =	vlt.f32 v6, v30;
	v12 =	vcvt.s32.f32 v27;
	v27 =	vcvt.f32.s32 v30;
	v29 =	vld.idx.msk [tilespmem:v17+s28+$0x0], $0xffff  }
0xc2: {  	v33 =	vcvt.f32.s32 v22;
	v30 =	vld.idx.msk [tilespmem:v19+s28+$0x0], $0xffff;
	v34 =	vsel vm5, $0xFFFFFFFF, v0;
	v11 =	vmul.f32 v11, v8  }
0xc3: {  	v17 =	vmul.f32 v9, v7;
	v9 =	vsub.f32 v20, v12;
	v3 =	vadd.s32 v27, v34  }
0xc4: {  	vm6 =	vlt.f32 v28, v22;
	v22 =	vadd.f32 $-5.000000000e-01, v26;
	v3 =	vcvt.s32.f32 v3  }
0xc5: {  	[tilespmem:s31+$0x80] =	vst v4;
	v12 =	vsel vm6, $0xFFFFFFFF, v0;
	v20 =	vadd.f32 v17, v11;
	v17 =	vsub.f32 $1.000000000e+00, v9  }
0xc6: {  	v39 =	vld.idx.msk [tilespmem:v24+s28+$0x0], $0xffff;
	v11 =	vsub.f32 v6, v3;
	v3 =	vmul.f32 v9, v21;
	v6 =	vmul.f32 v9, v29  }
0xc7: {  	v12 =	vadd.s32 v33, v12;
	v33 =	vld.idx.msk [tilespmem:v53+s28+$0x0], $0xffff;
	v26 =	vmul.f32 v17, v31;
	v27 =	vmul.f32 v17, v30  }
0xc8: {  	v21 =	vld.idx.msk [tilespmem:v25+s26+$0x0], $0xffff;
	v29 =	vcvt.s32.f32 v12;
	v31 =	vtrunc.f32 v22;
	v12 =	vsub.f32 $1.000000000e+00, v11  }
0xc9: {  	s14 =	simm.s32 $0x80;
	v25 =	vld.idx.msk [tilespmem:v25+s28+$0x0], $0xffff;
	[tilespmem:s13+$0x100] =	vst v20;
	v20 =	vcvt.f32.s32 v31;
	v26 =	vadd.f32 v26, v3;
	v6 =	vadd.f32 v27, v6  }
0xca: {  	s8 =	sshll.u32 s8, $0x9;
	s3 =	sand.u32 $0x3FFFF800, s14;
	v30 =	vld.idx.msk [tilespmem:v23+s26+$0x0], $0xffff;
	vm7 =	vlt.f32 v22, v31;
	v3 =	vsub.f32 v28, v29;
	v29 =	vor.u32 $0x1, v19  }
0xcb: {  	s3 =	sor.u32 s8, s3;
	v27 =	vld.idx.msk [tilespmem:v23+s28+$0x0], $0xffff;
	v51 =	vsel vm7, $0xFFFFFFFF, v0;
	v26 =	vmul.f32 v26, v12;
	v6 =	vmul.f32 v6, v11  }
0xcc: {  	s3 =	sadd.s32 s29, s3;
	v52 =	vor.u32 $0x5, v19;
	v31 =	vld.idx.msk [tilespmem:v35+s26+$0x0], $0xffff;
	v20 =	vadd.s32 v20, v51  }
0xcd: {  	s3 =	sadd.s32 $0x16800, s3;
	v28 =	vld.idx.msk [tilespmem:v32+s26+$0x0], $0xffff;
	v4 =	vcvt.s32.f32 v20;
	v6 =	vadd.f32 v6, v26  }
0xce: {  	s22 =	sadd.s32 s15, s3;
	s15 =	simm.s32 $0x0;
	v32 =	vld.idx.msk [tilespmem:v32+s28+$0x0], $0xffff;
	v5 =	vsub.f32 $1.000000000e+00, v3;
	v20 =	vmul.f32 v3, v21  }
0xcf: {  	s0 =	sadd.s32 s19, s3;
	s19 =	simm.s32 $0x80;
	s8 =	sand.u32 $0x3, s15;
	v26 =	vld.idx.msk [tilespmem:v35+s28+$0x0], $0xffff;
	v4 =	vsub.f32 v22, v4;
	v22 =	vmul.f32 v3, v25;
	[tilespmem:s22+$0x0] =	vst v6  }
0xd0: {  	s3 =	sand.u32 $0x3FFFFC00, s19;
	s23 =	sshll.u32 s8, $0x8;
	s4 =	simm.s32 $0x50;
	v55 =	vor.u32 $0x1, v23;
	v21 =	vmul.f32 v5, v27;
	v6 =	vmul.f32 v5, v30;
	v30 =	vld.idx.msk [tilespmem:v29+s26+$0x0], $0xffff  }
0xd1: {  	s3 =	sor.u32 s23, s3;
	v38 =	vor.u32 $0x5, v23;
	v62 =	vmov s4;
	v57 =	vor.u32 $0x2, v19;
	v25 =	vld.idx.msk [tilespmem:v52+s26+$0x0], $0xffff  }
0xd2: {  	s3 =	sadd.s32 s30, s3;
	s15 =	sand.u32 $0x70, s4;
	v31 =	vmul.f32 v31, v10;
	v28 =	vmul.f32 v28, v18;
	v29 =	vld.idx.msk [tilespmem:v29+s28+$0x0], $0xffff;
	v22 =	vadd.f32 v21, v22  }
0xd3: {  	s14 =	sadd.s32 s15, s3;
	v21 =	vor.u32 $0x3, v16;
	v27 =	vadd.f32 v6, v20;
	v20 =	vor.u32 $0x7, v16;
	v16 =	vld.idx.msk [tilespmem:v52+s28+$0x0], $0xffff  }
0xd4: {  	v60 =	vld [tilespmem:s14+$0x80];
	v33 =	vmul.f32 v33, v13;
	v32 =	vmul.f32 v32, v18;
	v6 =	vsub.f32 $1.000000000e+00, v4  }
0xd5: {  	v54 =	vld.idx.msk [tilespmem:v24+s26+$0x0], $0xffff;
	v28 =	vadd.f32 v31, v28;
	v31 =	vmul.f32 v39, v15;
	v37 =	vmul.f32 v22, v4  }
0xd6: {  	s9 =	simm.s32 $0x40;
	v36 =	vld.idx.msk [tilespmem:v53+s26+$0x0], $0xffff;
	v24 =	vor.u32 $0x3, v23;
	v10 =	vmul.f32 v26, v10;
	v27 =	vmul.f32 v27, v6  }
0xd7: {  	s19 =	sand.u32 $0x60, s9;
	v18 =	vor.u32 $0x6, v23;
	v30 =	vmul.f32 v17, v30;
	v56 =	vmul.f32 v9, v25  }
0xd8: {  	s3 =	sadd.s32 s19, s3;
	v27 =	vadd.f32 v37, v27;
	v29 =	vmul.f32 v17, v29;
	v16 =	vmul.f32 v16, v9  }
0xd9: {  	v46 =	vld [tilespmem:s3+$0x80];
	v22 =	vor.u32 $0x2, v23;
	v28 =	vmul.f32 v28, v8;
	v10 =	vadd.f32 v10, v32  }
0xda: {  	v59 =	vld [tilespmem:s14+$0x0];
	v32 =	vmul.f32 $1.024000000e+03, v60;
	[tilespmem:s0+$0x0] =	vst v27;
	v30 =	vadd.f32 v30, v56;
	v16 =	vadd.f32 v16, v29  }
0xdb: {  	v25 =	vor.u32 $0x7, v23;
	v23 =	vmul.f32 v54, v15;
	v27 =	vmul.f32 v36, v13;
	v26 =	vld.idx.msk [tilespmem:v55+s26+$0x0], $0xffff  }
0xdc: {  	v35 =	vshll.u32 v62, $0x3;
	v29 =	vld.idx.msk [tilespmem:v38+s26+$0x0], $0xffff;
	v30 =	vmul.f32 v30, v12;
	v16 =	vmul.f32 v16, v11  }
0xdd: {  	v34 =	vld.idx.msk [tilespmem:v55+s28+$0x0], $0xffff;
	v23 =	vadd.f32 v27, v23;
	v27 =	vadd.f32 v33, v31;
	v31 =	vor.u32 $0x6, v19  }
0xde: {  	v37 =	vmul.f32 $1.024000000e+03, v46;
	v32 =	vadd.f32 $-5.000000000e-01, v32;
	v58 =	vld.idx.msk [tilespmem:v38+s28+$0x0], $0xffff;
	v8 =	vadd.f32 v16, v30  }
0xdf: {  	v52 =	vor.u32 $0x3, v19;
	v27 =	vmul.f32 v27, v2;
	v16 =	vld [tilespmem:s3+$0x0];
	v30 =	vmul.f32 v23, v14  }
0xe0: {  	v10 =	vmul.f32 v10, v7;
	v42 =	vtrunc.f32 v32;
	v23 =	vmov s9;
	[tilespmem:s22+$0x80] =	vst v8  }
0xe1: {  	v33 =	vmul.f32 $1.024000000e+03, v59;
	v23 =	vshll.u32 v23, $0x3;
	v7 =	vadd.f32 v27, v30;
	v27 =	vld.idx.msk [tilespmem:v57+s26+$0x0], $0xffff  }
0xe2: {  	v8 =	vmul.f32 v5, v26;
	v26 =	vmul.f32 v3, v29;
	v23 =	vor.u32 v1, v23;
	v30 =	vld.idx.msk [tilespmem:v31+s26+$0x0], $0xffff  }
0xe3: {  	v33 =	vadd.f32 $-5.000000000e-01, v33;
	v29 =	vmul.f32 v5, v34;
	v61 =	vld.idx.msk [tilespmem:v57+s28+$0x0], $0xffff;
	v63 =	vor.u32 $0x4, v23  }
0xe4: {  	v31 =	vld.idx.msk [tilespmem:v31+s28+$0x0], $0xffff;
	v8 =	vadd.f32 v8, v26;
	v26 =	vmul.f32 v58, v3;
	v16 =	vmul.f32 $1.024000000e+03, v16  }
0xe5: {  	v37 =	vadd.f32 $-5.000000000e-01, v37;
	v51 =	vcvt.f32.s32 v42;
	v47 =	vtrunc.f32 v33  }
0xe6: {  	v26 =	vadd.f32 v26, v29;
	v29 =	vadd.f32 $-5.000000000e-01, v16;
	v16 =	vor.u32 v1, v35  }
0xe7: {  	vm9 =	vlt.f32 v32, v42;
	v40 =	vcvt.f32.s32 v47;
	vm8 =	vlt.f32 v33, v47;
	v55 =	vld.idx.msk [tilespmem:v23+s26+$0x0], $0xffff  }
0xe8: {  	v56 =	vld.idx.msk [tilespmem:v23+s28+$0x0], $0xffff;
	v48 =	vor.u32 $0x4, v16;
	v27 =	vmul.f32 v27, v17;
	v30 =	vmul.f32 v30, v9  }
0xe9: {  	v41 =	vsel vm8, $0xFFFFFFFF, v0;
	v34 =	vmul.f32 v61, v17;
	v31 =	vmul.f32 v31, v9;
	v35 =	vld.idx.msk [tilespmem:v63+s26+$0x0], $0xffff  }
0xea: {  	v19 =	vor.u32 $0x7, v19;
	v46 =	vtrunc.f32 v37;
	v40 =	vadd.s32 v40, v41;
	v36 =	vld.idx.msk [tilespmem:v63+s28+$0x0], $0xffff  }
0xeb: {  	v49 =	vtrunc.f32 v29;
	v27 =	vadd.f32 v30, v27;
	v30 =	vadd.f32 v31, v34;
	v43 =	vld.idx.msk [tilespmem:v16+s26+$0x0], $0xffff  }
0xec: {  	v31 =	vcvt.s32.f32 v40;
	v44 =	vcvt.f32.s32 v49;
	vm10 =	vlt.f32 v29, v49;
	v53 =	vld.idx.msk [tilespmem:v16+s28+$0x0], $0xffff  }
0xed: {  	v45 =	vsel vm9, $0xFFFFFFFF, v0;
	[tilespmem:s31+$0x100] =	vst v7;
	v57 =	vsel vm10, $0xFFFFFFFF, v0;
	v27 =	vmul.f32 v27, v12;
	v50 =	vld.idx.msk [tilespmem:v48+s26+$0x0], $0xffff  }
0xee: {  	v30 =	vmul.f32 v30, v11;
	v31 =	vsub.f32 v33, v31;
	v60 =	vadd.s32 v44, v57;
	v38 =	vld.idx.msk [tilespmem:v48+s28+$0x0], $0xffff  }
0xef: {  	v54 =	vadd.s32 v51, v45;
	v47 =	vcvt.f32.s32 v46;
	v63 =	vld.idx.msk [tilespmem:v20+s26+$0x0], $0xffff;
	v45 =	vcvt.s32.f32 v60  }
0xf0: {  	v20 =	vld.idx.msk [tilespmem:v20+s28+$0x0], $0xffff;
	v27 =	vadd.f32 v30, v27;
	v30 =	vcvt.s32.f32 v54;
	v33 =	vsub.f32 $1.000000000e+00, v31  }
0xf1: {  	v8 =	vmul.f32 v8, v6;
	v26 =	vmul.f32 v26, v4;
	v7 =	vsub.f32 v29, v45;
	v29 =	vld.idx.msk [tilespmem:v21+s26+$0x0], $0xffff  }
0xf2: {  	[tilespmem:s22+$0x100] =	vst v27;
	v30 =	vsub.f32 v32, v30;
	v43 =	vmul.f32 v33, v43;
	v42 =	vmul.f32 v33, v53  }
0xf3: {  	vm11 =	vlt.f32 v37, v46;
	v59 =	vld.idx.msk [tilespmem:v52+s26+$0x0], $0xffff;
	v27 =	vmul.f32 v31, v50;
	v58 =	vmul.f32 v31, v38  }
0xf4: {  	v62 =	vor.u32 $0x1, v16;
	v26 =	vadd.f32 v26, v8;
	v61 =	vld.idx.msk [tilespmem:v19+s26+$0x0], $0xffff;
	v32 =	vsub.f32 $1.000000000e+00, v30  }
0xf5: {  	s23 =	simm.s32 $0x100;
	v49 =	vor.u32 $0x5, v16;
	v19 =	vld.idx.msk [tilespmem:v19+s28+$0x0], $0xffff;
	v27 =	vadd.f32 v43, v27;
	v34 =	vadd.f32 v42, v58  }
0xf6: {  	s8 =	sshll.u32 s8, $0x9;
	s3 =	sand.u32 $0x3FFFF800, s23;
	v48 =	vsel vm11, $0xFFFFFFFF, v0;
	v20 =	vmul.f32 v20, v13;
	v41 =	vld.idx.msk [tilespmem:v52+s28+$0x0], $0xffff;
	v35 =	vmul.f32 v7, v35  }
0xf7: {  	s3 =	sor.u32 s8, s3;
	[tilespmem:s0+$0x80] =	vst v26;
	v26 =	vadd.s32 v47, v48;
	v27 =	vmul.f32 v27, v32;
	v34 =	vmul.f32 v34, v30  }
0xf8: {  	s3 =	sadd.s32 s29, s3;
	v8 =	vsub.f32 $1.000000000e+00, v7;
	v36 =	vmul.f32 v7, v36;
	v29 =	vmul.f32 v29, v15  }
0xf9: {  	s3 =	sadd.s32 $0x16800, s3;
	v50 =	vld.idx.msk [tilespmem:v22+s26+$0x0], $0xffff;
	v38 =	vmul.f32 v59, v17;
	v44 =	vmul.f32 v61, v9;
	v27 =	vadd.f32 v34, v27  }
0xfa: {  	s8 =	sadd.s32 s15, s3;
	v22 =	vld.idx.msk [tilespmem:v22+s28+$0x0], $0xffff;
	v34 =	vadd.f32 v10, v28;
	v10 =	vmul.f32 v19, v9;
	v9 =	vcvt.s32.f32 v26  }
0xfb: {  	v17 =	vmul.f32 v41, v17;
	v28 =	vld.idx.msk [tilespmem:v18+s26+$0x0], $0xffff;
	v26 =	vmul.f32 v8, v55;
	[tilespmem:s8+$0x0] =	vst v27  }
0xfc: {  	v38 =	vadd.f32 v44, v38;
	v27 =	vmul.f32 v8, v56;
	v9 =	vsub.f32 v37, v9;
	v51 =	vld.idx.msk [tilespmem:v62+s26+$0x0], $0xffff  }
0xfd: {  	v43 =	vmul.f32 v63, v13;
	v17 =	vadd.f32 v10, v17;
	v26 =	vadd.f32 v26, v35;
	v53 =	vld.idx.msk [tilespmem:v49+s26+$0x0], $0xffff  }
0xfe: {  	v38 =	vmul.f32 v38, v12;
	v54 =	vld.idx.msk [tilespmem:v62+s28+$0x0], $0xffff;
	v10 =	vsub.f32 $1.000000000e+00, v9;
	v12 =	vadd.f32 v27, v36  }
0xff: {  	s11 =	simm.s32 $0x0;
	v52 =	vor.u32 $0x5, v23;
	v22 =	vmul.f32 v22, v5;
	v55 =	vmul.f32 v50, v5;
	v27 =	vld.idx.msk [tilespmem:v49+s28+$0x0], $0xffff  }
0x100: {  	s12 =	simm.s32 $0xC0;
	s15 =	sand.u32 $0x3, s11;
	v19 =	vor.u32 $0x1, v23;
	v18 =	vld.idx.msk [tilespmem:v18+s28+$0x0], $0xffff;
	v26 =	vmul.f32 v26, v10;
	v12 =	vmul.f32 v12, v9  }
0x101: {  	s4 =	sadd.s32 s19, s3;
	s3 =	sand.u32 $0x3FFFFC00, s12;
	s14 =	sshll.u32 s15, $0x8;
	v21 =	vld.idx.msk [tilespmem:v21+s28+$0x0], $0xffff;
	v35 =	vor.u32 $0x6, v23;
	v36 =	vor.u32 $0x2, v23;
	v17 =	vmul.f32 v17, v11  }
0x102: {  	s3 =	sor.u32 s14, s3;
	s14 =	simm.s32 $0x70;
	v11 =	vor.u32 $0x3, v23;
	v28 =	vmul.f32 v28, v3;
	v26 =	vadd.f32 v12, v26  }
0x103: {  	s19 =	simm.s32 $0x60;
	s3 =	sadd.s32 s30, s3;
	s11 =	sand.u32 $0x70, s14;
	v12 =	vor.u32 $0x7, v23;
	v23 =	vmul.f32 v33, v51;
	v56 =	vmul.f32 v31, v53  }
0x104: {  	s9 =	sand.u32 $0x60, s19;
	s23 =	sadd.s32 s11, s3;
	v41 =	vmul.f32 v33, v54;
	v27 =	vmul.f32 v27, v31  }
0x105: {  	s3 =	sadd.s32 s9, s3;
	v59 =	vld [tilespmem:s23+$0x0];
	v37 =	vadd.f32 v17, v38;
	v17 =	vmul.f32 v18, v3;
	v28 =	vadd.f32 v28, v55  }
0x106: {  	v15 =	vmul.f32 v21, v15;
	v62 =	vld [tilespmem:s3+$0x80];
	[tilespmem:s4+$0x0] =	vst v26;
	v23 =	vadd.f32 v23, v56;
	v27 =	vadd.f32 v27, v41  }
0x107: {  	v58 =	vor.u32 $0x6, v16;
	v17 =	vadd.f32 v17, v22;
	v26 =	vadd.f32 v43, v29;
	v18 =	vld.idx.msk [tilespmem:v19+s26+$0x0], $0xffff  }
0x108: {  	v29 =	vld.idx.msk [tilespmem:v52+s26+$0x0], $0xffff;
	v21 =	vmul.f32 v23, v32;
	v22 =	vmul.f32 v27, v30;
	v27 =	vor.u32 $0x2, v16  }
0x109: {  	v61 =	vmov s14;
	v54 =	vor.u32 $0x7, v16;
	v28 =	vmul.f32 v28, v6;
	v19 =	vld.idx.msk [tilespmem:v19+s28+$0x0], $0xffff  }
0x10a: {  	v17 =	vmul.f32 v17, v4;
	v57 =	vld.idx.msk [tilespmem:v52+s28+$0x0], $0xffff;
	v23 =	vmov s19;
	v21 =	vadd.f32 v22, v21  }
0x10b: {  	v41 =	vmul.f32 $1.024000000e+03, v59;
	v13 =	vmul.f32 v26, v14;
	v26 =	vld [tilespmem:s3+$0x0];
	v23 =	vshll.u32 v23, $0x3  }
0x10c: {  	v14 =	vadd.f32 v20, v15;
	v20 =	vadd.f32 v17, v28;
	v28 =	vld [tilespmem:s23+$0x80];
	v38 =	vor.u32 v1, v23;
	[tilespmem:s8+$0x80] =	vst v21  }
0x10d: {  	v43 =	vshll.u32 v61, $0x3;
	v41 =	vadd.f32 $-5.000000000e-01, v41;
	v60 =	vor.u32 $0x4, v38;
	v21 =	vld.idx.msk [tilespmem:v27+s26+$0x0], $0xffff  }
0x10e: {  	v23 =	vor.u32 $0x1, v38;
	v17 =	vmul.f32 v8, v18;
	v18 =	vmul.f32 v7, v29;
	v29 =	vld.idx.msk [tilespmem:v58+s26+$0x0], $0xffff  }
0x10f: {  	v22 =	vor.u32 $0x5, v38;
	v19 =	vmul.f32 v8, v19;
	v39 =	vmul.f32 v57, v7;
	v27 =	vld.idx.msk [tilespmem:v27+s28+$0x0], $0xffff  }
0x110: {  	v15 =	vor.u32 $0x2, v38;
	v57 =	vmul.f32 $1.024000000e+03, v62;
	v18 =	vadd.f32 v17, v18;
	v40 =	vld.idx.msk [tilespmem:v58+s28+$0x0], $0xffff  }
0x111: {  	v26 =	vmul.f32 $1.024000000e+03, v26;
	v28 =	vmul.f32 $1.024000000e+03, v28;
	v39 =	vadd.f32 v39, v19  }
0x112: {  	v19 =	vtrunc.f32 v41;
	v45 =	vmul.f32 v18, v10;
	v18 =	vor.u32 v1, v43  }
0x113: {  	v42 =	vadd.f32 $-5.000000000e-01, v57;
	v56 =	vcvt.f32.s32 v19;
	v43 =	vor.u32 $0x4, v18  }
0x114: {  	v28 =	vadd.f32 $-5.000000000e-01, v28;
	v21 =	vmul.f32 v21, v33;
	v29 =	vmul.f32 v29, v31  }
0x115: {  	vm12 =	vlt.f32 v41, v19;
	v48 =	vld.idx.msk [tilespmem:v60+s26+$0x0], $0xffff;
	v19 =	vmul.f32 v27, v33;
	v27 =	vmul.f32 v40, v31  }
0x116: {  	v26 =	vadd.f32 $-5.000000000e-01, v26;
	v58 =	vsel vm12, $0xFFFFFFFF, v0;
	v49 =	vtrunc.f32 v28;
	v40 =	vld.idx.msk [tilespmem:v60+s28+$0x0], $0xffff  }
0x117: {  	v44 =	vadd.s32 v56, v58;
	v50 =	vld.idx.msk [tilespmem:v18+s26+$0x0], $0xffff;
	v21 =	vadd.f32 v29, v21;
	v19 =	vadd.f32 v27, v19  }
0x118: {  	v59 =	vcvt.f32.s32 v49;
	vm13 =	vlt.f32 v28, v49;
	v29 =	vcvt.s32.f32 v44;
	v27 =	vld.idx.msk [tilespmem:v43+s26+$0x0], $0xffff  }
0x119: {  	v60 =	vor.u32 $0x3, v16;
	v43 =	vld.idx.msk [tilespmem:v43+s28+$0x0], $0xffff;
	v21 =	vmul.f32 v21, v32;
	v61 =	vmul.f32 v19, v30  }
0x11a: {  	[tilespmem:s0+$0x100] =	vst v20;
	v39 =	vmul.f32 v39, v9;
	v63 =	vtrunc.f32 v26;
	v53 =	vsel vm13, $0xFFFFFFFF, v0;
	v51 =	vld.idx.msk [tilespmem:v18+s28+$0x0], $0xffff  }
0x11b: {  	v55 =	vld.idx.msk [tilespmem:v38+s26+$0x0], $0xffff;
	v16 =	vadd.s32 v59, v53;
	v19 =	vsub.f32 v41, v29;
	v21 =	vadd.f32 v61, v21  }
0x11c: {  	v57 =	vtrunc.f32 v42;
	vm14 =	vlt.f32 v26, v63;
	v53 =	vld.idx.msk [tilespmem:v25+s26+$0x0], $0xffff;
	v16 =	vcvt.s32.f32 v16  }
0x11d: {  	v52 =	vcvt.f32.s32 v63;
	v44 =	vld.idx.msk [tilespmem:v24+s26+$0x0], $0xffff;
	v29 =	vsel vm14, $0xFFFFFFFF, v0;
	v20 =	vsub.f32 $1.000000000e+00, v19;
	[tilespmem:s8+$0x100] =	vst v21  }
0x11e: {  	v16 =	vsub.f32 v28, v16;
	v27 =	vmul.f32 v19, v27;
	v28 =	vmul.f32 v19, v43;
	v43 =	vld.idx.msk [tilespmem:v60+s26+$0x0], $0xffff  }
0x11f: {  	v21 =	vadd.s32 v52, v29;
	v29 =	vmul.f32 v20, v50;
	v62 =	vmul.f32 v20, v51;
	v63 =	vld.idx.msk [tilespmem:v54+s26+$0x0], $0xffff  }
0x120: {  	[tilespmem:s13+$0x180] =	vst v34;
	v58 =	vcvt.f32.s32 v57;
	v56 =	vcvt.s32.f32 v21;
	v21 =	vsub.f32 $1.000000000e+00, v16;
	v47 =	vld.idx.msk [tilespmem:v60+s28+$0x0], $0xffff  }
0x121: {  	s19 =	simm.s32 $0x180;
	vm15 =	vlt.f32 v42, v57;
	v59 =	vld.idx.msk [tilespmem:v54+s28+$0x0], $0xffff;
	v29 =	vadd.f32 v29, v27;
	v28 =	vadd.f32 v62, v28  }
0x122: {  	s23 =	sshll.u32 s15, $0x9;
	s3 =	sand.u32 $0x3FFFF800, s19;
	v39 =	vadd.f32 v39, v45;
	v41 =	vld.idx.msk [tilespmem:v38+s28+$0x0], $0xffff;
	v34 =	vmul.f32 v53, v3;
	v26 =	vsub.f32 v26, v56  }
0x123: {  	s3 =	sor.u32 s23, s3;
	v61 =	vor.u32 $0x1, v18;
	v27 =	vld.idx.msk [tilespmem:v24+s28+$0x0], $0xffff;
	v24 =	vmul.f32 v29, v21;
	v60 =	vmul.f32 v28, v16  }
0x124: {  	s3 =	sadd.s32 s29, s3;
	[tilespmem:s4+$0x80] =	vst v39;
	v51 =	vor.u32 $0x5, v18;
	v28 =	vld.idx.msk [tilespmem:v25+s28+$0x0], $0xffff;
	v25 =	vsel vm15, $0xFFFFFFFF, v0;
	v29 =	vsub.f32 $1.000000000e+00, v26  }
0x125: {  	s3 =	sadd.s32 $0x16800, s3;
	v57 =	vld.idx.msk [tilespmem:v36+s28+$0x0], $0xffff;
	v62 =	vmul.f32 v43, v33;
	v63 =	vmul.f32 v63, v31;
	v45 =	vadd.f32 v60, v24  }
0x126: {  	s15 =	sadd.s32 s11, s3;
	v52 =	vld.idx.msk [tilespmem:v36+s26+$0x0], $0xffff;
	v25 =	vadd.s32 v58, v25;
	v33 =	vmul.f32 v47, v33;
	v31 =	vmul.f32 v59, v31  }
0x127: {  	v17 =	vor.u32 $0x6, v38;
	v54 =	vld.idx.msk [tilespmem:v35+s26+$0x0], $0xffff;
	v56 =	vmul.f32 v26, v48;
	v25 =	vcvt.s32.f32 v25;
	[tilespmem:s15+$0x0] =	vst v45  }
0x128: {  	v58 =	vmul.f32 v29, v55;
	v43 =	vadd.f32 v63, v62;
	v33 =	vadd.f32 v31, v33;
	v36 =	vld.idx.msk [tilespmem:v61+s26+$0x0], $0xffff  }
0x129: {  	v41 =	vmul.f32 v29, v41;
	v31 =	vsub.f32 v42, v25;
	v25 =	vmul.f32 v26, v40;
	v39 =	vld.idx.msk [tilespmem:v51+s26+$0x0], $0xffff  }
0x12a: {  	v59 =	vadd.f32 v58, v56;
	v40 =	vld.idx.msk [tilespmem:v61+s28+$0x0], $0xffff;
	v32 =	vmul.f32 v43, v32;
	v60 =	vmul.f32 v33, v30  }
0x12b: {  	v24 =	vor.u32 $0x3, v38;
	v30 =	vsub.f32 $1.000000000e+00, v31;
	v61 =	vadd.f32 v41, v25;
	v41 =	vld.idx.msk [tilespmem:v51+s28+$0x0], $0xffff  }
0x12c: {  	v35 =	vld.idx.msk [tilespmem:v35+s28+$0x0], $0xffff;
	v62 =	vmul.f32 v52, v8;
	v63 =	vmul.f32 v54, v7;
	v32 =	vadd.f32 v60, v32  }
0x12d: {  	[tilespmem:s22+$0x180] =	vst v37;
	v25 =	vor.u32 $0x7, v38;
	v38 =	vmul.f32 v59, v30;
	v42 =	vmul.f32 v61, v31  }
0x12e: {  	s22 =	simm.s32 $0x6;
	s13 =	sadd.s32 s9, s3;
	v33 =	vmul.f32 v57, v8;
	v37 =	vadd.f32 v63, v62;
	[tilespmem:s8+$0x180] =	vst v32;
	v32 =	vmul.f32 v44, v5  }
.LBB2_6:
0x12f: {  	s22 =	sadd.s32 $0x2, s22;
	v38 =	vadd.f32 v42, v38;
	v36 =	vmul.f32 v20, v36;
	v39 =	vmul.f32 v19, v39  }
0x130: {  	v40 =	vmul.f32 v20, v40;
	v41 =	vmul.f32 v41, v19;
	s3 =	sshrl.u32 s22, $0x3;
	p1 =	slt.u32 s22, $0x7E;
	v32 =	vadd.f32 v34, v32  }
0x131: {  	v34 =	vmul.f32 v35, v7;
	v35 =	vmul.f32 v37, v10;
	s8 =	sand.u32 $0x3, s3;
	s3 =	sshll.u32 s22, $0x5;
	[tilespmem:s13+$0x0] =	vst v38  }
0x132: {  	v27 =	vmul.f32 v27, v5;
	v36 =	vadd.f32 v36, v39;
	v38 =	vadd.f32 v41, v40;
	s3 =	sand.u32 $0x3FFFFC00, s3;
	s9 =	sshll.u32 s8, $0x8;
	v37 =	vld.idx.msk [tilespmem:v23+s26+$0x0], $0xffff  }
0x133: {  	s14 =	sadd.s32 $0x20, s14;
	v28 =	vmul.f32 v28, v3;
	v33 =	vadd.f32 v34, v33;
	v34 =	vmul.f32 v32, v6;
	s3 =	sor.u32 s9, s3;
	v39 =	vld.idx.msk [tilespmem:v22+s26+$0x0], $0xffff  }
0x134: {  	v3 =	vmovc v7;
	s12 =	sadd.s32 $0xFFFFFFF0, s14;
	s9 =	sand.u32 $0x70, s14;
	v43 =	vmul.f32 v36, v21;
	v36 =	vor.u32 $0x2, v18;
	s3 =	sadd.s32 s30, s3;
	v40 =	vld.idx.msk [tilespmem:v23+s28+$0x0], $0xffff;
	v23 =	vmul.f32 v38, v16  }
0x135: {  	v5 =	vmovc v8;
	v7 =	vmovc v26;
	s11 =	sand.u32 $0x60, s12;
	v41 =	vor.u32 $0x6, v18;
	v32 =	vmov s12;
	s12 =	sadd.s32 s9, s3;
	v38 =	vld.idx.msk [tilespmem:v22+s28+$0x0], $0xffff;
	v22 =	vmul.f32 v33, v9  }
0x136: {  	v8 =	vmovc v29;
	v27 =	vadd.f32 v28, v27;
	v6 =	vmovc v10;
	v26 =	vshll.u32 v32, $0x3;
	s3 =	sadd.s32 s11, s3;
	v42 =	vld [tilespmem:s12+$0x0];
	v32 =	vadd.f32 v23, v43  }
0x137: {  	v29 =	vmul.f32 v14, v2;
	v2 =	vmovc v4;
	v26 =	vor.u32 v1, v26;
	v28 =	vld [tilespmem:s3+$0x0];
	v46 =	vadd.f32 v22, v35  }
0x138: {  	v4 =	vmovc v9;
	v14 =	vmovc v27;
	v23 =	vor.u32 $0x1, v26;
	v35 =	vor.u32 $0x4, v26;
	v22 =	vor.u32 $0x5, v26;
	v43 =	vld [tilespmem:s12+$0x80];
	[tilespmem:s15+$0x80] =	vst v32  }
0x139: {  	v33 =	vor.u32 $0x2, v26;
	v27 =	vmul.f32 v8, v37;
	v37 =	vmul.f32 v7, v39;
	v39 =	vld.idx.msk [tilespmem:v36+s26+$0x0], $0xffff;
	[tilespmem:s4+$0x100] =	vst v46  }
0x13a: {  	v10 =	vmovc v30;
	v44 =	vor.u32 $0x3, v26;
	v9 =	vmovc v31;
	v32 =	vor.u32 $0x6, v26;
	v40 =	vmul.f32 v8, v40;
	v45 =	vld.idx.msk [tilespmem:v41+s26+$0x0], $0xffff  }
0x13b: {  	v27 =	vadd.f32 v27, v37;
	v31 =	vmul.f32 v38, v7;
	v30 =	vmul.f32 $1.024000000e+03, v42;
	v36 =	vld.idx.msk [tilespmem:v36+s28+$0x0], $0xffff  }
0x13c: {  	v37 =	vor.u32 $0x7, v26;
	v38 =	vmov s14;
	v28 =	vmul.f32 $1.024000000e+03, v28;
	v41 =	vld.idx.msk [tilespmem:v41+s28+$0x0], $0xffff  }
0x13d: {  	v31 =	vadd.f32 v31, v40;
	v42 =	vld [tilespmem:s3+$0x80];
	v46 =	vadd.f32 $-5.000000000e-01, v30;
	v30 =	vshll.u32 v38, $0x3  }
0x13e: {  	v47 =	vmul.f32 v27, v10;
	v38 =	vadd.f32 $-5.000000000e-01, v28;
	v40 =	vld.idx.msk [tilespmem:v35+s26+$0x0], $0xffff;
	v28 =	vor.u32 v1, v30  }
0x13f: {  	v30 =	vld.idx.msk [tilespmem:v35+s28+$0x0], $0xffff;
	v27 =	vtrunc.f32 v46;
	v35 =	vmul.f32 $1.024000000e+03, v43;
	v43 =	vor.u32 $0x4, v28  }
0x140: {  	v29 =	vadd.f32 v29, v13;
	v13 =	vmovc v34;
	v48 =	vtrunc.f32 v38;
	v49 =	vld.idx.msk [tilespmem:v26+s26+$0x0], $0xffff;
	v50 =	vcvt.f32.s32 v27  }
0x141: {  	v51 =	vld.idx.msk [tilespmem:v26+s28+$0x0], $0xffff;
	v26 =	vadd.f32 $-5.000000000e-01, v35;
	v35 =	vmul.f32 v39, v20;
	v39 =	vmul.f32 v45, v19  }
0x142: {  	vm0 =	vlt.f32 v46, v27;
	v27 =	vmul.f32 v36, v20;
	v36 =	vmul.f32 v41, v19;
	v34 =	vld.idx.msk [tilespmem:v11+s26+$0x0], $0xffff  }
0x143: {  	v41 =	vmul.f32 $1.024000000e+03, v42;
	v42 =	vsel vm0, $0xFFFFFFFF, v0;
	v45 =	vtrunc.f32 v26;
	v52 =	vld.idx.msk [tilespmem:v28+s26+$0x0], $0xffff;
	[tilespmem:s31+$0x180] =	vst v29;
	s31 =	smov.u32 s0;
	s0 =	smov.u32 s4;
	s4 =	smov.u32 s13  }
0x144: {  	v29 =	vadd.s32 v50, v42;
	v35 =	vadd.f32 v39, v35;
	v27 =	vadd.f32 v36, v27;
	v42 =	vld.idx.msk [tilespmem:v43+s26+$0x0], $0xffff  }
0x145: {  	v29 =	vcvt.s32.f32 v29;
	v36 =	vcvt.f32.s32 v45;
	v39 =	vld.idx.msk [tilespmem:v43+s28+$0x0], $0xffff;
	v43 =	vor.u32 $0x3, v18  }
0x146: {  	vm0 =	vlt.f32 v26, v45;
	v35 =	vmul.f32 v35, v21;
	v27 =	vmul.f32 v27, v16;
	v45 =	vld.idx.msk [tilespmem:v28+s28+$0x0], $0xffff  }
0x147: {  	v54 =	vor.u32 $0x7, v18;
	v50 =	vcvt.f32.s32 v48;
	v53 =	vsel vm0, $0xFFFFFFFF, v0;
	v18 =	vmovc v28;
	v55 =	vld.idx.msk [tilespmem:v12+s26+$0x0], $0xffff  }
0x148: {  	v46 =	vsub.f32 v46, v29;
	v28 =	vadd.s32 v36, v53;
	v29 =	vadd.f32 v27, v35;
	v27 =	vld.idx.msk [tilespmem:v11+s28+$0x0], $0xffff  }
0x149: {  	vm0 =	vlt.f32 v38, v48;
	v35 =	vadd.f32 $-5.000000000e-01, v41;
	v36 =	vcvt.s32.f32 v28;
	v11 =	vmovc v24;
	v24 =	vmovc v44;
	v28 =	vld.idx.msk [tilespmem:v12+s28+$0x0], $0xffff  }
0x14a: {  	v31 =	vmul.f32 v31, v9;
	v41 =	vsel vm0, $0xFFFFFFFF, v0;
	v44 =	vsub.f32 $1.000000000e+00, v46;
	v12 =	vmovc v25;
	v25 =	vmovc v37;
	[tilespmem:s15+$0x100] =	vst v29  }
0x14b: {  	v37 =	vsub.f32 v26, v36;
	v26 =	vmul.f32 v46, v42;
	v29 =	vmul.f32 v46, v39;
	v36 =	vld.idx.msk [tilespmem:v43+s26+$0x0], $0xffff  }
0x14c: {  	v39 =	vadd.s32 v50, v41;
	v41 =	vmul.f32 v44, v52;
	v42 =	vmul.f32 v44, v45;
	v45 =	vld.idx.msk [tilespmem:v54+s26+$0x0], $0xffff  }
0x14d: {  	v48 =	vtrunc.f32 v35;
	v39 =	vcvt.s32.f32 v39;
	v50 =	vsub.f32 $1.000000000e+00, v37;
	v43 =	vld.idx.msk [tilespmem:v43+s28+$0x0], $0xffff  }
0x14e: {  	s3 =	sshll.u32 s22, $0x6;
	v52 =	vcvt.f32.s32 v48;
	v41 =	vadd.f32 v41, v26;
	v29 =	vadd.f32 v42, v29;
	v42 =	vld.idx.msk [tilespmem:v54+s28+$0x0], $0xffff  }
0x14f: {  	s8 =	sshll.u32 s8, $0x9;
	s3 =	sand.u32 $0x3FFFF800, s3;
	v31 =	vadd.f32 v31, v47;
	vm0 =	vlt.f32 v35, v48;
	v26 =	vsub.f32 v38, v39  }
0x150: {  	s3 =	sor.u32 s8, s3;
	v38 =	vmul.f32 v41, v50;
	v41 =	vor.u32 $0x1, v18;
	v39 =	vmul.f32 v29, v37  }
0x151: {  	s3 =	sadd.s32 s29, s3;
	v48 =	vor.u32 $0x5, v18;
	v47 =	vsel vm0, $0xFFFFFFFF, v0;
	v29 =	vsub.f32 $1.000000000e+00, v26;
	[tilespmem:s4+$0x80] =	vst v31  }
0x152: {  	s3 =	sadd.s32 $0x16800, s3;
	v40 =	vmul.f32 v26, v40;
	v31 =	vadd.s32 v52, v47;
	v38 =	vadd.f32 v39, v38;
	v47 =	vld.idx.msk [tilespmem:v15+s26+$0x0], $0xffff  }
0x153: {  	s13 =	sadd.s32 s11, s3;
	s3 =	sadd.s32 s9, s3;
	v53 =	vmul.f32 v36, v20;
	v45 =	vmul.f32 v45, v19;
	v52 =	vld.idx.msk [tilespmem:v17+s26+$0x0], $0xffff  }
0x154: {  	v43 =	vmul.f32 v43, v20;
	v42 =	vmul.f32 v42, v19;
	[tilespmem:s3+$0x0] =	vst v38;
	v38 =	vld.idx.msk [tilespmem:v15+s28+$0x0], $0xffff;
	v15 =	vmov v33  }
0x155: {  	v31 =	vcvt.s32.f32 v31;
	v20 =	vmovc v44;
	v19 =	vmov v46;
	v33 =	vmul.f32 v29, v49;
	v36 =	vld.idx.msk [tilespmem:v41+s26+$0x0], $0xffff  }
0x156: {  	v44 =	vmul.f32 v29, v51;
	v45 =	vadd.f32 v45, v53;
	v42 =	vadd.f32 v42, v43;
	v39 =	vld.idx.msk [tilespmem:v48+s26+$0x0], $0xffff  }
0x157: {  	v31 =	vsub.f32 v35, v31;
	v43 =	vadd.f32 v33, v40;
	v33 =	vmul.f32 v26, v30;
	v40 =	vld.idx.msk [tilespmem:v41+s28+$0x0], $0xffff  }
.Ltmp4:
0x158: {  	v45 =	vmul.f32 v45, v21;
	v21 =	vmovc v50;
	v42 =	vmul.f32 v42, v16;
	v16 =	vmov v37;
	v41 =	vld.idx.msk [tilespmem:v48+s28+$0x0], $0xffff;
	(pc) =	sbr.rel @p1 .LBB2_6-.Ltmp4, $4  }
0x159: {  	v30 =	vsub.f32 $1.000000000e+00, v31;
	v37 =	vadd.f32 v44, v33;
	v44 =	vmul.f32 v47, v8;
	v35 =	vld.idx.msk [tilespmem:v17+s28+$0x0], $0xffff;
	v17 =	vmovc v32  }
0x15a: {  	v32 =	vmul.f32 v52, v7;
	v33 =	vmul.f32 v38, v8;
	v45 =	vadd.f32 v42, v45  }
0x15b: {  	v38 =	vmul.f32 v43, v30;
	v42 =	vmul.f32 v37, v31  }
0x15c: {  	v37 =	vadd.f32 v32, v44;
	v32 =	vmul.f32 v34, v5;
	v34 =	vmul.f32 v55, v3;
	[tilespmem:s15+$0x180] =	vst v45;
	s15 =	smov.u32 s3  }
0x15d: {  	_ = 	snop  }
0x15e: {  	v38 =	vadd.f32 v42, v38;
	_ =	sdelay $0x1  }
0x15f: {  	[tilespmem:s13+$0x0] =	vst v38  }
0x160: {  	v38 =	vld.idx.msk [tilespmem:v23+s26+$0x0], $0xffff  }
0x161: {  	v36 =	vmul.f32 v20, v36;
	v39 =	vmul.f32 v19, v39;
	v63 =	vld.idx.msk [tilespmem:v22+s26+$0x0], $0xffff  }
0x162: {  	v40 =	vmul.f32 v20, v40;
	v41 =	vmul.f32 v41, v19;
	v45 =	vld.idx.msk [tilespmem:v23+s28+$0x0], $0xffff  }
0x163: {  	v46 =	vld.idx.msk [tilespmem:v22+s28+$0x0], $0xffff  }
0x164: {  	v36 =	vadd.f32 v36, v39;
	v47 =	vadd.f32 v41, v40;
	_ =	sdelay $0x1  }
0x165: {  	v48 =	vor.u32 $0x2, v18;
	v36 =	vmul.f32 v36, v21;
	v39 =	vmul.f32 v47, v16  }
0x166: {  	v49 =	vor.u32 $0x6, v18;
	v38 =	vmul.f32 v29, v38;
	v42 =	vmul.f32 v26, v63  }
0x167: {  	v36 =	vadd.f32 v39, v36;
	v23 =	vmul.f32 v29, v45;
	v22 =	vmul.f32 v46, v26;
	_ =	sdelay $0x1  }
0x168: {  	[tilespmem:s15+$0x80] =	vst v36;
	v50 =	vadd.f32 v38, v42;
	v22 =	vadd.f32 v22, v23  }
0x169: {  	v51 =	vld.idx.msk [tilespmem:v48+s26+$0x0], $0xffff  }
0x16a: {  	v52 =	vld.idx.msk [tilespmem:v49+s26+$0x0], $0xffff;
	v36 =	vmul.f32 v50, v30;
	v22 =	vmul.f32 v22, v31  }
0x16b: {  	v53 =	vld.idx.msk [tilespmem:v48+s28+$0x0], $0xffff  }
0x16c: {  	v54 =	vld.idx.msk [tilespmem:v49+s28+$0x0], $0xffff;
	v22 =	vadd.f32 v22, v36;
	_ =	sdelay $0x1  }
0x16d: {  	[tilespmem:s13+$0x80] =	vst v22  }
0x16e: {  	v35 =	vmul.f32 v35, v7;
	v22 =	vld.idx.msk [tilespmem:v15+s26+$0x0], $0xffff  }
0x16f: {  	v23 =	vmul.f32 v51, v20;
	v55 =	vmul.f32 v52, v19;
	v56 =	vld.idx.msk [tilespmem:v17+s26+$0x0], $0xffff  }
0x170: {  	v33 =	vadd.f32 v35, v33;
	v57 =	vmul.f32 v53, v20;
	v58 =	vmul.f32 v54, v19;
	v59 =	vld.idx.msk [tilespmem:v15+s28+$0x0], $0xffff  }
0x171: {  	v37 =	vmul.f32 v37, v10;
	v60 =	vld.idx.msk [tilespmem:v17+s28+$0x0], $0xffff  }
0x172: {  	v33 =	vmul.f32 v33, v9;
	v23 =	vadd.f32 v55, v23;
	v61 =	vadd.f32 v58, v57;
	_ =	sdelay $0x1  }
0x173: {  	v33 =	vadd.f32 v33, v37;
	v23 =	vmul.f32 v23, v21;
	v35 =	vmul.f32 v61, v16  }
0x174: {  	v22 =	vmul.f32 v22, v29;
	v36 =	vmul.f32 v56, v26  }
0x175: {  	v62 =	vor.u32 $0x3, v18;
	[tilespmem:s4+$0x100] =	vst v33;
	v15 =	vmul.f32 v59, v29;
	v17 =	vmul.f32 v60, v26  }
0x176: {  	v63 =	vor.u32 $0x7, v18;
	v33 =	vld.idx.msk [tilespmem:v11+s26+$0x0], $0xffff;
	v23 =	vadd.f32 v35, v23  }
0x177: {  	v38 =	vld.idx.msk [tilespmem:v12+s26+$0x0], $0xffff;
	v22 =	vadd.f32 v36, v22;
	v15 =	vadd.f32 v17, v15  }
0x178: {  	v40 =	vld.idx.msk [tilespmem:v11+s28+$0x0], $0xffff  }
0x179: {  	v41 =	vld.idx.msk [tilespmem:v12+s28+$0x0], $0xffff;
	[tilespmem:s15+$0x100] =	vst v23;
	v22 =	vmul.f32 v22, v30;
	v15 =	vmul.f32 v15, v31  }
0x17a: {  	v39 =	vld.idx.msk [tilespmem:v62+s26+$0x0], $0xffff  }
0x17b: {  	v23 =	vld.idx.msk [tilespmem:v63+s26+$0x0], $0xffff;
	v15 =	vadd.f32 v15, v22  }
0x17c: {  	v5 =	vmul.f32 v27, v5;
	v3 =	vmul.f32 v28, v3;
	v42 =	vld.idx.msk [tilespmem:v62+s28+$0x0], $0xffff  }
0x17d: {  	v18 =	vld.idx.msk [tilespmem:v63+s28+$0x0], $0xffff;
	[tilespmem:s13+$0x100] =	vst v15  }
0x17e: {  	v43 =	vadd.f32 v34, v32;
	v3 =	vadd.f32 v3, v5;
	v44 =	vld.idx.msk [tilespmem:v24+s26+$0x0], $0xffff  }
0x17f: {  	v2 =	vmul.f32 v14, v2;
	v45 =	vld.idx.msk [tilespmem:v25+s26+$0x0], $0xffff  }
0x180: {  	v6 =	vmul.f32 v43, v6;
	v3 =	vmul.f32 v3, v4;
	v47 =	vld.idx.msk [tilespmem:v24+s28+$0x0], $0xffff  }
0x181: {  	v50 =	vmul.f32 v33, v8;
	v51 =	vmul.f32 v38, v7;
	v49 =	vld.idx.msk [tilespmem:v25+s28+$0x0], $0xffff  }
0x182: {  	v52 =	vmul.f32 v40, v8;
	v53 =	vmul.f32 v41, v7  }
0x183: {  	v17 =	vmul.f32 v39, v20;
	v23 =	vmul.f32 v23, v19  }
0x184: {  	v2 =	vadd.f32 v2, v13;
	v48 =	vmul.f32 v42, v20;
	v18 =	vmul.f32 v18, v19  }
0x185: {  	v5 =	vadd.f32 v53, v52;
	v55 =	vmul.f32 v44, v29;
	v56 =	vmul.f32 v45, v26  }
0x186: {  	v59 =	vadd.f32 v51, v50;
	v57 =	vmul.f32 v47, v29;
	v58 =	vmul.f32 v49, v26  }
0x187: {  	v5 =	vmul.f32 v5, v9;
	v46 =	vadd.f32 v23, v17;
	v54 =	vadd.f32 v18, v48  }
0x188: {  	v62 =	vmul.f32 v59, v10;
	v60 =	vadd.f32 v56, v55;
	v61 =	vadd.f32 v58, v57  }
0x189: {  	[tilespmem:s31+$0x180] =	vst v2;
	v2 =	vadd.f32 v3, v6;
	v15 =	vmul.f32 v46, v21;
	v8 =	vmul.f32 v54, v16  }
0x18a: {  	s3 =	sshll.u32 s25, $0xD;
	v5 =	vadd.f32 v5, v62;
	v3 =	vmul.f32 v60, v30;
	v63 =	vmul.f32 v61, v31  }
.Ltmp5:
0x18b: {  	s3 =	sadd.s32 s10, s3;
	[tilespmem:s0+$0x180] =	vst v2;
	v8 =	vadd.f32 v8, v15;
	(pc) =	sbr.rel .LBB2_8-.Ltmp5, $4  }
0x18c: {  	[tilespmem:s4+$0x180] =	vst v5;
	s28 =	sshrl.u32 s3, $0x3;
	v2 =	vadd.f32 v63, v3  }
0x18d: {  	s30 =	rddreg [dreg:$0x3];
	s0 =	sand.u32 $0xFFFFC00, s28;
	[tilespmem:s15+$0x180] =	vst v8  }
0x18e: {  	s31 =	sadd.s32 $0x16800, s29;
	s0 =	sadd.s32 s30, s0;
	[tilespmem:s13+$0x180] =	vst v2  }
0x18f: {  	[hbm4b:s0+s5] =	stream.linear.scatter [tilespmem:s31], [sflag:$0x3], $0x2000, $0x38;
	[tilespmem:$0x1A800] =	vst v63  }
.LBB2_9:
0x190: {  	_ =	swait.ge [sflag:s18], $0x4000  }
0x191: {  	[sflag:s18] =	ssyncset.done $0x0  }
0x192: {  	[sflag:s18] =	ssyncadd.s32 $0xFFFFC000  }
0x193: {  	s0 =	simm.s32 $0x0;
	_ =	swait.ge [sflag:s18], $0x4000  }
0x194: {  	s19 =	simm.s32 $0x3;
	s29 =	simm.s32 $0x0;
	[sflag:s18] =	ssyncset.done $0x0  }
0x195: {  	s3 =	simm.s32 $0x10;
	s8 =	sand.u32 $0x3, s0;
	[sflag:s18] =	ssyncadd.s32 $0xFFFFC000  }
0x196: {  	s0 =	sand.u32 $0x3FFFFC00, s29;
	s4 =	sshll.u32 s8, $0x8;
	_ =	swait.ge [sflag:s19], $0x2000  }
0x197: {  	s30 =	sand.u32 $0x70, s3;
	s9 =	sor.u32 s4, s0;
	[sflag:s19] =	ssyncset.done $0x0  }
0x198: {  	s11 =	sor.u32 s30, s9;
	[sflag:s19] =	ssyncadd.s32 $0xFFFFE000  }
0x199: {  	v2 =	vld [tilespmem:s11+$0x0]  }
0x19a: {  	s12 =	simm.s32 $0x0  }
0x19b: {  	s31 =	sand.u32 $0x60, s12  }
0x19c: {  	s9 =	sor.u32 s31, s9;
	v4 =	vld [tilespmem:s11+$0x80]  }
0x19d: {  	v3 =	vmov s3;
	v5 =	vld [tilespmem:s9+$0x0]  }
0x19e: {  	v3 =	vshll.u32 v3, $0x3;
	v2 =	vmul.f32 $1.024000000e+03, v2  }
0x19f: {  	v3 =	vor.u32 v1, v3  }
0x1a0: {  	v6 =	vor.u32 $0x4, v3;
	v2 =	vadd.f32 $-5.000000000e-01, v2  }
0x1a1: {  	v7 =	vmov s12;
	v4 =	vmul.f32 $1.024000000e+03, v4  }
0x1a2: {  	v7 =	vshll.u32 v7, $0x3;
	v9 =	vld [tilespmem:s9+$0x80];
	v5 =	vmul.f32 $1.024000000e+03, v5;
	v8 =	vtrunc.f32 v2  }
0x1a3: {  	v4 =	vadd.f32 $-5.000000000e-01, v4;
	v10 =	vcvt.f32.s32 v8;
	vm0 =	vlt.f32 v2, v8  }
0x1a4: {  	v17 =	vor.u32 v1, v7;
	v15 =	vld.idx.msk [tilespmem:v3+s21+$0x0], $0xffff;
	v7 =	vsel vm0, $0xFFFFFFFF, v0  }
0x1a5: {  	v5 =	vadd.f32 $-5.000000000e-01, v5;
	v11 =	vtrunc.f32 v4;
	v7 =	vadd.s32 v10, v7;
	v10 =	vld.idx.msk [tilespmem:v6+s20+$0x0], $0xffff  }
0x1a6: {  	v13 =	vcvt.f32.s32 v11;
	vm13 =	vlt.f32 v4, v11;
	v6 =	vld.idx.msk [tilespmem:v6+s21+$0x0], $0xffff;
	v7 =	vcvt.s32.f32 v7  }
0x1a7: {  	v9 =	vmul.f32 $1.024000000e+03, v9;
	v8 =	vld.idx.msk [tilespmem:v3+s20+$0x0], $0xffff;
	v16 =	vsel vm13, $0xFFFFFFFF, v0  }
0x1a8: {  	v14 =	vtrunc.f32 v5;
	v12 =	vsub.f32 v2, v7;
	v2 =	vadd.s32 v13, v16  }
0x1a9: {  	v11 =	vor.u32 $0x4, v17;
	vm14 =	vlt.f32 v5, v14;
	v2 =	vcvt.s32.f32 v2  }
0x1aa: {  	v13 =	vcvt.f32.s32 v14;
	v14 =	vsel vm14, $0xFFFFFFFF, v0;
	v18 =	vsub.f32 $1.000000000e+00, v12  }
0x1ab: {  	v7 =	vsub.f32 v4, v2;
	v2 =	vmul.f32 v12, v10;
	v4 =	vmul.f32 v12, v6  }
0x1ac: {  	v6 =	vadd.s32 v13, v14;
	v10 =	vmul.f32 v18, v8;
	v13 =	vmul.f32 v18, v15  }
0x1ad: {  	v9 =	vadd.f32 $-5.000000000e-01, v9;
	v6 =	vcvt.s32.f32 v6;
	v8 =	vsub.f32 $1.000000000e+00, v7  }
0x1ae: {  	v14 =	vld.idx.msk [tilespmem:v11+s20+$0x0], $0xffff;
	v2 =	vadd.f32 v10, v2;
	v4 =	vadd.f32 v13, v4  }
0x1af: {  	s14 =	simm.s32 $0x0;
	v11 =	vld.idx.msk [tilespmem:v11+s21+$0x0], $0xffff;
	v15 =	vtrunc.f32 v9;
	v13 =	vsub.f32 v5, v6  }
0x1b0: {  	s3 =	sand.u32 $0x3FFFF800, s14;
	s8 =	sshll.u32 s8, $0x9;
	v10 =	vld.idx.msk [tilespmem:v17+s20+$0x0], $0xffff;
	v6 =	vor.u32 $0x1, v3;
	v2 =	vmul.f32 v2, v8;
	v4 =	vmul.f32 v4, v7  }
0x1b1: {  	s3 =	sor.u32 s8, s3;
	v20 =	vor.u32 $0x5, v3;
	v16 =	vcvt.f32.s32 v15;
	vm15 =	vlt.f32 v9, v15;
	v5 =	vld.idx.msk [tilespmem:v17+s21+$0x0], $0xffff  }
0x1b2: {  	s3 =	sadd.s32 $0x18800, s3;
	v19 =	vsel vm15, $0xFFFFFFFF, v0;
	v2 =	vadd.f32 v4, v2  }
0x1b3: {  	s13 =	sor.u32 s30, s3;
	v16 =	vadd.s32 v16, v19;
	v15 =	vsub.f32 $1.000000000e+00, v13  }
0x1b4: {  	v4 =	vcvt.s32.f32 v16;
	[tilespmem:s13+$0x0] =	vst v2  }
0x1b5: {  	v14 =	vmul.f32 v13, v14;
	v10 =	vmul.f32 v15, v10;
	v16 =	vld.idx.msk [tilespmem:v6+s20+$0x0], $0xffff  }
0x1b6: {  	v5 =	vmul.f32 v15, v5;
	v2 =	vsub.f32 v9, v4;
	v4 =	vmul.f32 v13, v11;
	v9 =	vld.idx.msk [tilespmem:v20+s20+$0x0], $0xffff  }
0x1b7: {  	v10 =	vadd.f32 v10, v14;
	v6 =	vld.idx.msk [tilespmem:v6+s21+$0x0], $0xffff  }
0x1b8: {  	v14 =	vsub.f32 $1.000000000e+00, v2;
	v4 =	vadd.f32 v5, v4;
	v5 =	vld.idx.msk [tilespmem:v20+s21+$0x0], $0xffff;
	_ =	sdelay $0x1  }
0x1b9: {  	v11 =	vor.u32 $0x1, v17;
	v10 =	vmul.f32 v10, v14;
	v4 =	vmul.f32 v4, v2  }
0x1ba: {  	v19 =	vor.u32 $0x5, v17  }
0x1bb: {  	v4 =	vadd.f32 v4, v10;
	v10 =	vmul.f32 v18, v16;
	v9 =	vmul.f32 v12, v9  }
0x1bc: {  	s15 =	simm.s32 $0x0;
	s24 =	sor.u32 s31, s3;
	v6 =	vmul.f32 v18, v6;
	v5 =	vmul.f32 v5, v12  }
0x1bd: {  	s23 =	simm.s32 $0x40;
	s22 =	sand.u32 $0x3, s15;
	[tilespmem:s24+$0x0] =	vst v4  }
0x1be: {  	s26 =	simm.s32 $0x30;
	s25 =	sshll.u32 s22, $0x8;
	s0 =	sand.u32 $0x3FFFFC00, s23;
	v9 =	vadd.f32 v10, v9;
	v4 =	vld.idx.msk [tilespmem:v11+s20+$0x0], $0xffff;
	v5 =	vadd.f32 v5, v6  }
0x1bf: {  	s29 =	sand.u32 $0x70, s26;
	s3 =	sor.u32 s25, s0;
	v6 =	vld.idx.msk [tilespmem:v19+s20+$0x0], $0xffff  }
0x1c0: {  	s28 =	simm.s32 $0x20;
	s31 =	sor.u32 s29, s3;
	v10 =	vld.idx.msk [tilespmem:v11+s21+$0x0], $0xffff;
	v11 =	vor.u32 $0x2, v3;
	v9 =	vmul.f32 v9, v8;
	v5 =	vmul.f32 v5, v7  }
0x1c1: {  	s30 =	sand.u32 $0x60, s28;
	v21 =	vld [tilespmem:s31+$0x0];
	v20 =	vor.u32 $0x6, v3  }
0x1c2: {  	s3 =	sor.u32 s30, s3;
	v16 =	vld.idx.msk [tilespmem:v19+s21+$0x0], $0xffff;
	v5 =	vadd.f32 v5, v9  }
0x1c3: {  	v23 =	vor.u32 $0x2, v17;
	v32 =	vor.u32 $0x3, v3;
	v9 =	vld [tilespmem:s3+$0x0]  }
0x1c4: {  	v35 =	vor.u32 $0x7, v3;
	v45 =	vor.u32 $0x6, v17;
	v22 =	vld [tilespmem:s31+$0x80];
	v19 =	vmov s28;
	[tilespmem:s13+$0x80] =	vst v5  }
0x1c5: {  	v4 =	vmul.f32 v15, v4;
	v6 =	vmul.f32 v13, v6;
	v5 =	vshll.u32 v19, $0x3;
	v24 =	vld.idx.msk [tilespmem:v11+s20+$0x0], $0xffff  }
0x1c6: {  	v21 =	vmul.f32 $1.024000000e+03, v21;
	v19 =	vor.u32 v1, v5;
	v5 =	vmul.f32 v15, v10;
	v10 =	vld.idx.msk [tilespmem:v20+s20+$0x0], $0xffff  }
0x1c7: {  	v16 =	vmul.f32 v16, v13;
	v11 =	vld.idx.msk [tilespmem:v11+s21+$0x0], $0xffff;
	v4 =	vadd.f32 v4, v6;
	v6 =	vmov s26  }
0x1c8: {  	v21 =	vadd.f32 $-5.000000000e-01, v21;
	v26 =	vld.idx.msk [tilespmem:v20+s21+$0x0], $0xffff;
	v6 =	vshll.u32 v6, $0x3;
	v9 =	vmul.f32 $1.024000000e+03, v9  }
0x1c9: {  	v27 =	vld [tilespmem:s3+$0x80];
	v5 =	vadd.f32 v16, v5;
	v20 =	vor.u32 v1, v6;
	v4 =	vmul.f32 v4, v14  }
0x1ca: {  	v6 =	vmul.f32 $1.024000000e+03, v22;
	v28 =	vadd.f32 $-5.000000000e-01, v9;
	v9 =	vtrunc.f32 v21  }
0x1cb: {  	v16 =	vor.u32 $0x4, v20;
	v5 =	vmul.f32 v5, v2;
	v29 =	vcvt.f32.s32 v9  }
0x1cc: {  	s14 =	simm.s32 $0x80;
	v6 =	vadd.f32 $-5.000000000e-01, v6;
	v24 =	vmul.f32 v24, v18;
	v10 =	vmul.f32 v10, v12  }
0x1cd: {  	s8 =	sshll.u32 s22, $0x9;
	s3 =	sand.u32 $0x3FFFF800, s14;
	vm4 =	vlt.f32 v21, v9;
	v9 =	vmul.f32 v11, v18;
	v11 =	vmul.f32 v26, v12  }
0x1ce: {  	s15 =	simm.s32 $0x0;
	s3 =	sor.u32 s8, s3;
	v25 =	vor.u32 $0x4, v19;
	v26 =	vmul.f32 $1.024000000e+03, v27;
	v22 =	vtrunc.f32 v28  }
0x1cf: {  	s23 =	sand.u32 $0x3, s15;
	s3 =	sadd.s32 $0x18800, s3;
	v27 =	vsel vm4, $0xFFFFFFFF, v0;
	v30 =	vtrunc.f32 v6;
	v4 =	vadd.f32 v5, v4;
	v31 =	vld.idx.msk [tilespmem:v20+s20+$0x0], $0xffff  }
0x1d0: {  	s25 =	simm.s32 $0x80;
	s28 =	simm.s32 $0x50;
	s22 =	sor.u32 s29, s3;
	v27 =	vadd.s32 v29, v27;
	v10 =	vadd.f32 v10, v24;
	v9 =	vadd.f32 v11, v9;
	v24 =	vld.idx.msk [tilespmem:v16+s20+$0x0], $0xffff  }
0x1d1: {  	s0 =	sor.u32 s30, s3;
	s3 =	sand.u32 $0x3FFFFC00, s25;
	s26 =	sshll.u32 s23, $0x8;
	vm5 =	vlt.f32 v6, v30;
	v11 =	vcvt.s32.f32 v27;
	v27 =	vcvt.f32.s32 v30;
	v29 =	vld.idx.msk [tilespmem:v16+s21+$0x0], $0xffff  }
0x1d2: {  	s30 =	sand.u32 $0x70, s28;
	s3 =	sor.u32 s26, s3;
	v33 =	vcvt.f32.s32 v22;
	v30 =	vld.idx.msk [tilespmem:v20+s21+$0x0], $0xffff;
	v34 =	vsel vm5, $0xFFFFFFFF, v0;
	v10 =	vmul.f32 v10, v8  }
0x1d3: {  	s14 =	sor.u32 s30, s3;
	v16 =	vmul.f32 v9, v7;
	v9 =	vsub.f32 v21, v11;
	v3 =	vadd.s32 v27, v34  }
0x1d4: {  	v55 =	vld [tilespmem:s14+$0x80];
	vm6 =	vlt.f32 v28, v22;
	v22 =	vadd.f32 $-5.000000000e-01, v26;
	[tilespmem:s24+$0x80] =	vst v4;
	v3 =	vcvt.s32.f32 v3  }
0x1d5: {  	v46 =	vld.idx.msk [tilespmem:v23+s20+$0x0], $0xffff;
	v21 =	vadd.f32 v16, v10;
	v10 =	vsel vm6, $0xFFFFFFFF, v0;
	v16 =	vsub.f32 $1.000000000e+00, v9  }
0x1d6: {  	v36 =	vld.idx.msk [tilespmem:v45+s20+$0x0], $0xffff;
	v11 =	vsub.f32 v6, v3;
	v3 =	vmul.f32 v9, v24;
	v6 =	vmul.f32 v9, v29  }
0x1d7: {  	v23 =	vld.idx.msk [tilespmem:v23+s21+$0x0], $0xffff;
	v10 =	vadd.s32 v33, v10;
	v26 =	vmul.f32 v16, v31;
	v27 =	vmul.f32 v16, v30  }
0x1d8: {  	v57 =	vmov s28;
	v33 =	vld.idx.msk [tilespmem:v45+s21+$0x0], $0xffff;
	v29 =	vcvt.s32.f32 v10;
	v10 =	vsub.f32 $1.000000000e+00, v11  }
0x1d9: {  	v47 =	vor.u32 $0x1, v19;
	v24 =	vld.idx.msk [tilespmem:v25+s20+$0x0], $0xffff;
	v26 =	vadd.f32 v26, v3;
	v6 =	vadd.f32 v27, v6  }
0x1da: {  	v34 =	vmul.f32 $1.024000000e+03, v55;
	v25 =	vld.idx.msk [tilespmem:v25+s21+$0x0], $0xffff;
	v31 =	vtrunc.f32 v22;
	v3 =	vsub.f32 v28, v29  }
0x1db: {  	v30 =	vld.idx.msk [tilespmem:v19+s20+$0x0], $0xffff;
	v29 =	vor.u32 $0x1, v20;
	v26 =	vmul.f32 v26, v10;
	v6 =	vmul.f32 v6, v11  }
0x1dc: {  	v44 =	vor.u32 $0x5, v20;
	[tilespmem:s13+$0x100] =	vst v21;
	v21 =	vcvt.f32.s32 v31;
	vm7 =	vlt.f32 v22, v31;
	v27 =	vld.idx.msk [tilespmem:v19+s21+$0x0], $0xffff  }
0x1dd: {  	s29 =	simm.s32 $0x40;
	v34 =	vadd.f32 $-5.000000000e-01, v34;
	v31 =	vld.idx.msk [tilespmem:v35+s20+$0x0], $0xffff;
	v43 =	vsel vm7, $0xFFFFFFFF, v0;
	v6 =	vadd.f32 v6, v26  }
0x1de: {  	v38 =	vor.u32 $0x5, v19;
	v54 =	vmov s29;
	v28 =	vld.idx.msk [tilespmem:v32+s20+$0x0], $0xffff;
	v21 =	vadd.s32 v21, v43  }
0x1df: {  	v42 =	vtrunc.f32 v34;
	v32 =	vld.idx.msk [tilespmem:v32+s21+$0x0], $0xffff;
	v5 =	vsub.f32 $1.000000000e+00, v3;
	v4 =	vcvt.s32.f32 v21;
	[tilespmem:s22+$0x0] =	vst v6  }
0x1e0: {  	v52 =	vor.u32 $0x2, v20;
	vm9 =	vlt.f32 v34, v42;
	v21 =	vmul.f32 v3, v24;
	v24 =	vld.idx.msk [tilespmem:v29+s20+$0x0], $0xffff  }
0x1e1: {  	v4 =	vsub.f32 v22, v4;
	v22 =	vmul.f32 v3, v25;
	v27 =	vmul.f32 v5, v27;
	v25 =	vld.idx.msk [tilespmem:v44+s20+$0x0], $0xffff  }
0x1e2: {  	v23 =	vmul.f32 v23, v15;
	v45 =	vsel vm9, $0xFFFFFFFF, v0;
	v6 =	vmul.f32 v5, v30;
	v29 =	vld.idx.msk [tilespmem:v29+s21+$0x0], $0xffff  }
0x1e3: {  	v31 =	vmul.f32 v31, v12;
	v28 =	vmul.f32 v28, v18;
	v22 =	vadd.f32 v27, v22;
	v27 =	vld.idx.msk [tilespmem:v44+s21+$0x0], $0xffff  }
0x1e4: {  	v26 =	vld.idx.msk [tilespmem:v35+s21+$0x0], $0xffff;
	v32 =	vmul.f32 v32, v18;
	v30 =	vadd.f32 v6, v21;
	v6 =	vsub.f32 $1.000000000e+00, v4  }
0x1e5: {  	v18 =	vor.u32 $0x6, v19;
	v28 =	vadd.f32 v31, v28;
	v31 =	vmul.f32 v33, v13  }
0x1e6: {  	v33 =	vshll.u32 v57, $0x3;
	v37 =	vmul.f32 v22, v4;
	v30 =	vmul.f32 v30, v6  }
0x1e7: {  	s31 =	sand.u32 $0x60, s29;
	v22 =	vor.u32 $0x2, v19;
	v48 =	vmul.f32 v16, v24;
	v39 =	vmul.f32 v9, v25  }
0x1e8: {  	s3 =	sor.u32 s31, s3;
	v30 =	vadd.f32 v37, v30;
	v29 =	vmul.f32 v16, v29;
	v27 =	vmul.f32 v27, v9  }
0x1e9: {  	v59 =	vld [tilespmem:s3+$0x80];
	v12 =	vmul.f32 v26, v12;
	v23 =	vadd.f32 v31, v23;
	v28 =	vmul.f32 v28, v8  }
0x1ea: {  	v31 =	vld [tilespmem:s14+$0x0];
	v24 =	vor.u32 $0x3, v19;
	[tilespmem:s0+$0x0] =	vst v30;
	v49 =	vadd.f32 v48, v39;
	v27 =	vadd.f32 v27, v29  }
0x1eb: {  	v25 =	vor.u32 $0x7, v19;
	v19 =	vmul.f32 v46, v15;
	v30 =	vmul.f32 v36, v13;
	v26 =	vld.idx.msk [tilespmem:v47+s20+$0x0], $0xffff  }
0x1ec: {  	v21 =	vor.u32 $0x3, v17;
	v29 =	vld.idx.msk [tilespmem:v38+s20+$0x0], $0xffff;
	v51 =	vmul.f32 v49, v10;
	v27 =	vmul.f32 v27, v11  }
0x1ed: {  	v12 =	vadd.f32 v12, v32;
	v50 =	vld.idx.msk [tilespmem:v47+s21+$0x0], $0xffff;
	v19 =	vadd.f32 v30, v19;
	v30 =	vor.u32 $0x6, v20  }
0x1ee: {  	v23 =	vmul.f32 v23, v2;
	v32 =	vshll.u32 v54, $0x3;
	v53 =	vld.idx.msk [tilespmem:v38+s21+$0x0], $0xffff;
	v8 =	vadd.f32 v27, v51  }
0x1ef: {  	v37 =	vmul.f32 v12, v7;
	v12 =	vor.u32 v1, v32;
	v19 =	vmul.f32 v19, v14  }
0x1f0: {  	v31 =	vmul.f32 $1.024000000e+03, v31;
	v58 =	vor.u32 $0x4, v12;
	v36 =	vmul.f32 $1.024000000e+03, v59;
	v27 =	vld [tilespmem:s3+$0x0];
	[tilespmem:s22+$0x80] =	vst v8  }
0x1f1: {  	v8 =	vmul.f32 v5, v26;
	v26 =	vmul.f32 v3, v29;
	v7 =	vadd.f32 v23, v19;
	v23 =	vld.idx.msk [tilespmem:v52+s20+$0x0], $0xffff  }
0x1f2: {  	v31 =	vadd.f32 $-5.000000000e-01, v31;
	v49 =	vcvt.f32.s32 v42;
	v36 =	vadd.f32 $-5.000000000e-01, v36;
	v29 =	vld.idx.msk [tilespmem:v30+s20+$0x0], $0xffff  }
0x1f3: {  	v19 =	vmul.f32 v5, v50;
	v56 =	vld.idx.msk [tilespmem:v52+s21+$0x0], $0xffff;
	v8 =	vadd.f32 v8, v26;
	v26 =	vmul.f32 v53, v3  }
0x1f4: {  	v17 =	vor.u32 $0x7, v17;
	v60 =	vtrunc.f32 v31;
	v46 =	vtrunc.f32 v36;
	v30 =	vld.idx.msk [tilespmem:v30+s21+$0x0], $0xffff  }
0x1f5: {  	v40 =	vcvt.f32.s32 v60;
	v26 =	vadd.f32 v26, v19;
	v19 =	vor.u32 v1, v33  }
0x1f6: {  	vm8 =	vlt.f32 v31, v60;
	v47 =	vcvt.f32.s32 v46;
	vm11 =	vlt.f32 v36, v46  }
0x1f7: {  	v63 =	vld.idx.msk [tilespmem:v58+s20+$0x0], $0xffff;
	v41 =	vsel vm8, $0xFFFFFFFF, v0;
	v27 =	vmul.f32 $1.024000000e+03, v27;
	v61 =	vor.u32 $0x4, v19  }
0x1f8: {  	v35 =	vld.idx.msk [tilespmem:v58+s21+$0x0], $0xffff;
	v50 =	vor.u32 $0x3, v20;
	v23 =	vmul.f32 v23, v16;
	v29 =	vmul.f32 v29, v9  }
0x1f9: {  	v40 =	vadd.s32 v40, v41;
	v53 =	vld.idx.msk [tilespmem:v12+s21+$0x0], $0xffff;
	v32 =	vmul.f32 v56, v16;
	v30 =	vmul.f32 v30, v9  }
0x1fa: {  	v8 =	vmul.f32 v8, v6;
	v27 =	vadd.f32 $-5.000000000e-01, v27;
	v26 =	vmul.f32 v26, v4;
	v43 =	vld.idx.msk [tilespmem:v19+s20+$0x0], $0xffff  }
0x1fb: {  	v23 =	vadd.f32 v29, v23;
	v29 =	vadd.f32 v30, v32;
	v30 =	vcvt.s32.f32 v40;
	v51 =	vld.idx.msk [tilespmem:v19+s21+$0x0], $0xffff  }
0x1fc: {  	v20 =	vor.u32 $0x7, v20;
	[tilespmem:s24+$0x100] =	vst v7;
	v62 =	vtrunc.f32 v27;
	v26 =	vadd.f32 v26, v8;
	v48 =	vld.idx.msk [tilespmem:v61+s20+$0x0], $0xffff  }
0x1fd: {  	v38 =	vld.idx.msk [tilespmem:v61+s21+$0x0], $0xffff;
	v23 =	vmul.f32 v23, v10;
	v29 =	vmul.f32 v29, v11;
	v30 =	vsub.f32 v31, v30  }
0x1fe: {  	v60 =	vsel vm11, $0xFFFFFFFF, v0;
	v59 =	vld.idx.msk [tilespmem:v17+s20+$0x0], $0xffff;
	vm10 =	vlt.f32 v27, v62;
	v31 =	vadd.s32 v49, v45  }
0x1ff: {  	v17 =	vld.idx.msk [tilespmem:v17+s21+$0x0], $0xffff;
	[tilespmem:s0+$0x80] =	vst v26;
	v23 =	vadd.f32 v29, v23;
	v29 =	vcvt.s32.f32 v31;
	v32 =	vsub.f32 $1.000000000e+00, v30  }
0x200: {  	v33 =	vadd.f32 v37, v28;
	v44 =	vcvt.f32.s32 v62;
	v28 =	vld.idx.msk [tilespmem:v18+s20+$0x0], $0xffff;
	v31 =	vsel vm10, $0xFFFFFFFF, v0  }
0x201: {  	[tilespmem:s22+$0x100] =	vst v23;
	v29 =	vsub.f32 v34, v29;
	v56 =	vmul.f32 v32, v43;
	v42 =	vmul.f32 v32, v51  }
0x202: {  	v31 =	vadd.s32 v44, v31;
	v23 =	vmul.f32 v30, v48;
	v54 =	vmul.f32 v30, v38;
	v55 =	vld.idx.msk [tilespmem:v50+s20+$0x0], $0xffff  }
0x203: {  	v58 =	vor.u32 $0x1, v19;
	v44 =	vcvt.s32.f32 v31;
	v57 =	vld.idx.msk [tilespmem:v20+s20+$0x0], $0xffff;
	v31 =	vsub.f32 $1.000000000e+00, v29  }
0x204: {  	v17 =	vmul.f32 v17, v13;
	v40 =	vld.idx.msk [tilespmem:v50+s21+$0x0], $0xffff;
	v23 =	vadd.f32 v56, v23;
	v34 =	vadd.f32 v42, v54  }
0x205: {  	s11 =	simm.s32 $0x100;
	v61 =	vor.u32 $0x5, v19;
	v20 =	vld.idx.msk [tilespmem:v20+s21+$0x0], $0xffff;
	v7 =	vsub.f32 v27, v44;
	v28 =	vmul.f32 v28, v3  }
0x206: {  	s8 =	sshll.u32 s23, $0x9;
	s3 =	sand.u32 $0x3FFFF800, s11;
	v26 =	vadd.s32 v47, v60;
	v27 =	vld.idx.msk [tilespmem:v21+s20+$0x0], $0xffff;
	v23 =	vmul.f32 v23, v31;
	v34 =	vmul.f32 v34, v29  }
0x207: {  	s3 =	sor.u32 s8, s3;
	v52 =	vld.idx.msk [tilespmem:v12+s20+$0x0], $0xffff;
	v49 =	vor.u32 $0x5, v12;
	v42 =	vmul.f32 v59, v13;
	v62 =	vmul.f32 v7, v63  }
0x208: {  	s3 =	sadd.s32 $0x18800, s3;
	v21 =	vld.idx.msk [tilespmem:v21+s21+$0x0], $0xffff;
	v35 =	vmul.f32 v7, v35;
	v38 =	vmul.f32 v55, v16;
	v23 =	vadd.f32 v34, v23  }
0x209: {  	s8 =	sor.u32 s30, s3;
	v8 =	vsub.f32 $1.000000000e+00, v7;
	v63 =	vld.idx.msk [tilespmem:v22+s20+$0x0], $0xffff;
	v43 =	vmul.f32 v57, v9;
	v16 =	vmul.f32 v40, v16  }
0x20a: {  	v22 =	vld.idx.msk [tilespmem:v22+s21+$0x0], $0xffff;
	v20 =	vmul.f32 v20, v9;
	v9 =	vcvt.s32.f32 v26;
	v26 =	vor.u32 $0x1, v12;
	[tilespmem:s8+$0x0] =	vst v23  }
0x20b: {  	s12 =	simm.s32 $0x0;
	v47 =	vmul.f32 v8, v53;
	v57 =	vor.u32 $0x6, v19;
	v27 =	vmul.f32 v27, v15;
	v48 =	vld.idx.msk [tilespmem:v58+s20+$0x0], $0xffff  }
0x20c: {  	s15 =	sand.u32 $0x3, s12;
	v38 =	vadd.f32 v43, v38;
	v9 =	vsub.f32 v36, v9;
	v23 =	vmul.f32 v8, v52;
	v50 =	vld.idx.msk [tilespmem:v61+s20+$0x0], $0xffff  }
0x20d: {  	s23 =	sshll.u32 s15, $0x8;
	s14 =	simm.s32 $0xC0;
	v15 =	vmul.f32 v21, v15;
	v16 =	vadd.f32 v20, v16;
	v37 =	vadd.f32 v47, v35;
	v51 =	vld.idx.msk [tilespmem:v61+s21+$0x0], $0xffff  }
0x20e: {  	s4 =	sor.u32 s31, s3;
	s3 =	sand.u32 $0x3FFFFC00, s14;
	s14 =	simm.s32 $0x70;
	v38 =	vmul.f32 v38, v10;
	v10 =	vsub.f32 $1.000000000e+00, v9;
	v20 =	vadd.f32 v23, v62;
	v23 =	vld.idx.msk [tilespmem:v58+s21+$0x0], $0xffff  }
0x20f: {  	s3 =	sor.u32 s23, s3;
	s26 =	sand.u32 $0x70, s14;
	v18 =	vld.idx.msk [tilespmem:v18+s21+$0x0], $0xffff;
	v34 =	vor.u32 $0x6, v12;
	v52 =	vmul.f32 v63, v5;
	v22 =	vmul.f32 v22, v5  }
0x210: {  	s29 =	sor.u32 s26, s3;
	v35 =	vor.u32 $0x2, v12;
	v37 =	vmul.f32 v37, v9;
	v20 =	vmul.f32 v20, v10  }
0x211: {  	s25 =	simm.s32 $0x60;
	v27 =	vadd.f32 v42, v27;
	v16 =	vmul.f32 v16, v11;
	v11 =	vor.u32 $0x3, v12;
	v58 =	vld [tilespmem:s29+$0x0]  }
0x212: {  	s28 =	sand.u32 $0x60, s25;
	v20 =	vadd.f32 v37, v20;
	v53 =	vmul.f32 v32, v48;
	v54 =	vmul.f32 v30, v50  }
0x213: {  	s3 =	sor.u32 s28, s3;
	v28 =	vadd.f32 v28, v52;
	v41 =	vmul.f32 v51, v30;
	v23 =	vmul.f32 v32, v23  }
0x214: {  	v13 =	vmul.f32 v27, v14;
	v27 =	vld [tilespmem:s3+$0x0];
	v36 =	vadd.f32 v16, v38;
	v16 =	vmul.f32 v18, v3;
	[tilespmem:s4+$0x0] =	vst v20  }
0x215: {  	v12 =	vor.u32 $0x7, v12;
	v20 =	vadd.f32 v53, v54;
	v18 =	vld.idx.msk [tilespmem:v26+s20+$0x0], $0xffff;
	v23 =	vadd.f32 v41, v23  }
0x216: {  	v14 =	vadd.f32 v17, v15;
	v16 =	vadd.f32 v16, v22;
	v55 =	vld.idx.msk [tilespmem:v49+s20+$0x0], $0xffff;
	v41 =	vmul.f32 $1.024000000e+03, v58  }
0x217: {  	v21 =	vld.idx.msk [tilespmem:v26+s21+$0x0], $0xffff;
	v26 =	vor.u32 $0x2, v19;
	v20 =	vmul.f32 v20, v31;
	v22 =	vmul.f32 v23, v29  }
0x218: {  	v52 =	vmov s14;
	v28 =	vmul.f32 v28, v6;
	v16 =	vmul.f32 v16, v4;
	v53 =	vld [tilespmem:s3+$0x80]  }
0x219: {  	v27 =	vmul.f32 $1.024000000e+03, v27;
	v56 =	vld.idx.msk [tilespmem:v49+s21+$0x0], $0xffff;
	v41 =	vadd.f32 $-5.000000000e-01, v41;
	v20 =	vadd.f32 v22, v20  }
0x21a: {  	v43 =	vshll.u32 v52, $0x3;
	v28 =	vadd.f32 v16, v28;
	v23 =	vmov s25  }
0x21b: {  	v16 =	vld [tilespmem:s29+$0x80];
	v27 =	vadd.f32 $-5.000000000e-01, v27;
	v23 =	vshll.u32 v23, $0x3;
	v54 =	vtrunc.f32 v41;
	[tilespmem:s8+$0x80] =	vst v20  }
0x21c: {  	v37 =	vor.u32 v1, v23;
	v17 =	vmul.f32 v8, v18;
	v18 =	vmul.f32 v7, v55;
	v20 =	vld.idx.msk [tilespmem:v26+s20+$0x0], $0xffff  }
0x21d: {  	v44 =	vmul.f32 $1.024000000e+03, v53;
	v53 =	vor.u32 $0x7, v19;
	v21 =	vmul.f32 v8, v21;
	v51 =	vld.idx.msk [tilespmem:v57+s20+$0x0], $0xffff  }
0x21e: {  	v39 =	vmul.f32 v56, v7;
	vm12 =	vlt.f32 v41, v54;
	v18 =	vadd.f32 v17, v18;
	v26 =	vld.idx.msk [tilespmem:v26+s21+$0x0], $0xffff  }
0x21f: {  	v59 =	vor.u32 $0x4, v37;
	v60 =	vcvt.f32.s32 v54;
	v48 =	vsel vm12, $0xFFFFFFFF, v0;
	v40 =	vld.idx.msk [tilespmem:v57+s21+$0x0], $0xffff  }
0x220: {  	v21 =	vadd.f32 v39, v21;
	v39 =	vmul.f32 v18, v10;
	v18 =	vor.u32 v1, v43  }
0x221: {  	v23 =	vor.u32 $0x1, v37;
	v47 =	vadd.s32 v60, v48;
	v55 =	vor.u32 $0x4, v18  }
0x222: {  	[tilespmem:s0+$0x100] =	vst v28;
	v22 =	vor.u32 $0x5, v37;
	v16 =	vmul.f32 $1.024000000e+03, v16;
	v62 =	vcvt.s32.f32 v47  }
0x223: {  	v15 =	vor.u32 $0x2, v37;
	v47 =	vld.idx.msk [tilespmem:v24+s20+$0x0], $0xffff;
	v20 =	vmul.f32 v20, v32;
	v38 =	vmul.f32 v51, v30  }
0x224: {  	v16 =	vadd.f32 $-5.000000000e-01, v16;
	v43 =	vld.idx.msk [tilespmem:v59+s20+$0x0], $0xffff;
	v26 =	vmul.f32 v26, v32;
	v40 =	vmul.f32 v40, v30  }
0x225: {  	v56 =	vor.u32 $0x3, v19;
	v44 =	vadd.f32 $-5.000000000e-01, v44;
	v57 =	vtrunc.f32 v27;
	v50 =	vld.idx.msk [tilespmem:v18+s20+$0x0], $0xffff  }
0x226: {  	v49 =	vtrunc.f32 v16;
	v20 =	vadd.f32 v38, v20;
	v26 =	vadd.f32 v40, v26;
	v61 =	vld.idx.msk [tilespmem:v55+s20+$0x0], $0xffff  }
0x227: {  	vm14 =	vlt.f32 v27, v57;
	v63 =	vcvt.f32.s32 v49;
	vm13 =	vlt.f32 v16, v49;
	v45 =	vld.idx.msk [tilespmem:v55+s21+$0x0], $0xffff  }
0x228: {  	v52 =	vsel vm13, $0xFFFFFFFF, v0;
	v58 =	vld.idx.msk [tilespmem:v18+s21+$0x0], $0xffff;
	v20 =	vmul.f32 v20, v31;
	v26 =	vmul.f32 v26, v29  }
0x229: {  	v60 =	vsel vm14, $0xFFFFFFFF, v0;
	v42 =	vld.idx.msk [tilespmem:v59+s21+$0x0], $0xffff;
	v19 =	vsub.f32 v41, v62;
	v59 =	vadd.s32 v63, v52  }
0x22a: {  	v46 =	vld.idx.msk [tilespmem:v37+s21+$0x0], $0xffff;
	v51 =	vcvt.f32.s32 v57;
	v40 =	vcvt.s32.f32 v59;
	v26 =	vadd.f32 v26, v20  }
0x22b: {  	v41 =	vld.idx.msk [tilespmem:v37+s20+$0x0], $0xffff;
	v52 =	vmul.f32 v21, v9;
	v59 =	vtrunc.f32 v44;
	v20 =	vsub.f32 $1.000000000e+00, v19  }
0x22c: {  	v16 =	vsub.f32 v16, v40;
	[tilespmem:s8+$0x100] =	vst v26;
	v26 =	vmul.f32 v19, v61;
	v61 =	vmul.f32 v19, v45  }
0x22d: {  	v21 =	vadd.s32 v51, v60;
	v62 =	vmul.f32 v20, v50;
	v63 =	vmul.f32 v20, v58;
	v40 =	vld.idx.msk [tilespmem:v56+s20+$0x0], $0xffff  }
0x22e: {  	v39 =	vadd.f32 v52, v39;
	v58 =	vcvt.s32.f32 v21;
	v21 =	vsub.f32 $1.000000000e+00, v16;
	v57 =	vld.idx.msk [tilespmem:v53+s20+$0x0], $0xffff  }
0x22f: {  	v52 =	vor.u32 $0x1, v18;
	v48 =	vld.idx.msk [tilespmem:v56+s21+$0x0], $0xffff;
	v28 =	vadd.f32 v62, v26;
	v38 =	vadd.f32 v63, v61  }
0x230: {  	s30 =	simm.s32 $0x180;
	v54 =	vcvt.f32.s32 v59;
	vm15 =	vlt.f32 v44, v59;
	v60 =	vld.idx.msk [tilespmem:v53+s21+$0x0], $0xffff;
	v26 =	vsub.f32 v27, v58  }
0x231: {  	s31 =	sshll.u32 s15, $0x9;
	[tilespmem:s13+$0x180] =	vst v33;
	s3 =	sand.u32 $0x3FFFF800, s30;
	v50 =	vld.idx.msk [tilespmem:v25+s20+$0x0], $0xffff;
	v53 =	vor.u32 $0x5, v18;
	v61 =	vmul.f32 v28, v21;
	v38 =	vmul.f32 v38, v16  }
0x232: {  	s3 =	sor.u32 s31, s3;
	[tilespmem:s4+$0x80] =	vst v39;
	v28 =	vld.idx.msk [tilespmem:v24+s21+$0x0], $0xffff;
	v24 =	vsel vm15, $0xFFFFFFFF, v0;
	v27 =	vsub.f32 $1.000000000e+00, v26;
	v43 =	vmul.f32 v26, v43  }
0x233: {  	s3 =	sadd.s32 $0x18800, s3;
	v63 =	vld.idx.msk [tilespmem:v35+s20+$0x0], $0xffff;
	v59 =	vmul.f32 v26, v42;
	v40 =	vmul.f32 v40, v32;
	v38 =	vadd.f32 v38, v61  }
0x234: {  	s15 =	sor.u32 s26, s3;
	v55 =	vld.idx.msk [tilespmem:v34+s20+$0x0], $0xffff;
	v62 =	vadd.s32 v54, v24;
	v49 =	vmul.f32 v57, v30;
	v32 =	vmul.f32 v48, v32  }
0x235: {  	v17 =	vor.u32 $0x6, v37;
	v35 =	vld.idx.msk [tilespmem:v35+s21+$0x0], $0xffff;
	v30 =	vmul.f32 v60, v30;
	v39 =	vcvt.s32.f32 v62;
	[tilespmem:s15+$0x0] =	vst v38  }
0x236: {  	v56 =	vmul.f32 v27, v41;
	v58 =	vmul.f32 v27, v46;
	v40 =	vadd.f32 v49, v40;
	v57 =	vld.idx.msk [tilespmem:v52+s20+$0x0], $0xffff  }
0x237: {  	v33 =	vmul.f32 v50, v3;
	v32 =	vadd.f32 v30, v32;
	v30 =	vsub.f32 v44, v39;
	v60 =	vld.idx.msk [tilespmem:v53+s20+$0x0], $0xffff  }
0x238: {  	v62 =	vmul.f32 v63, v8;
	v43 =	vadd.f32 v56, v43;
	v61 =	vadd.f32 v58, v59;
	v38 =	vld.idx.msk [tilespmem:v52+s21+$0x0], $0xffff  }
0x239: {  	v39 =	vld.idx.msk [tilespmem:v53+s21+$0x0], $0xffff;
	v40 =	vmul.f32 v40, v31;
	v32 =	vmul.f32 v32, v29;
	v31 =	vsub.f32 $1.000000000e+00, v30  }
0x23a: {  	[tilespmem:s22+$0x180] =	vst v36;
	v36 =	vld.idx.msk [tilespmem:v34+s21+$0x0], $0xffff;
	v24 =	vor.u32 $0x3, v37;
	v63 =	vmul.f32 v55, v7;
	v35 =	vmul.f32 v35, v8  }
0x23b: {  	v44 =	vmul.f32 v61, v30;
	v40 =	vadd.f32 v32, v40;
	v43 =	vmul.f32 v43, v31  }
0x23c: {  	v29 =	vld.idx.msk [tilespmem:v25+s21+$0x0], $0xffff;
	v25 =	vor.u32 $0x7, v37;
	v37 =	vadd.f32 v63, v62;
	v32 =	vmul.f32 v47, v5  }
0x23d: {  	s22 =	simm.s32 $0x6;
	s13 =	sor.u32 s28, s3;
	[tilespmem:s8+$0x180] =	vst v40;
	v41 =	vadd.f32 v44, v43;
	v34 =	vmul.f32 v20, v57;
	v40 =	vmul.f32 v19, v60  }
.LBB2_10:
0x23e: {  	s22 =	sadd.s32 $0x2, s22;
	v38 =	vmul.f32 v20, v38;
	v39 =	vmul.f32 v39, v19;
	v32 =	vadd.f32 v33, v32  }
0x23f: {  	v33 =	vmul.f32 v36, v7;
	v36 =	vmul.f32 v37, v10;
	s3 =	sshrl.u32 s22, $0x3;
	p0 =	slt.u32 s22, $0x7E;
	[tilespmem:s13+$0x0] =	vst v41  }
0x240: {  	v28 =	vmul.f32 v28, v5;
	v34 =	vadd.f32 v34, v40;
	s9 =	sand.u32 $0x3, s3;
	s3 =	sshll.u32 s22, $0x5;
	v37 =	vld.idx.msk [tilespmem:v23+s20+$0x0], $0xffff;
	v38 =	vadd.f32 v39, v38  }
0x241: {  	s14 =	sadd.s32 $0x20, s14;
	v29 =	vmul.f32 v29, v3;
	v33 =	vadd.f32 v33, v35;
	v35 =	vmul.f32 v32, v6;
	s3 =	sand.u32 $0x3FFFFC00, s3;
	s8 =	sshll.u32 s9, $0x8;
	v39 =	vld.idx.msk [tilespmem:v22+s20+$0x0], $0xffff  }
0x242: {  	v3 =	vmovc v7;
	s12 =	sadd.s32 $0xFFFFFFF0, s14;
	v43 =	vmul.f32 v34, v21;
	v34 =	vor.u32 $0x2, v18;
	s3 =	sor.u32 s8, s3;
	s8 =	sand.u32 $0x70, s14;
	v40 =	vld.idx.msk [tilespmem:v23+s21+$0x0], $0xffff;
	v23 =	vmul.f32 v38, v16  }
0x243: {  	v7 =	vmovc v26;
	v5 =	vmovc v8;
	v41 =	vor.u32 $0x6, v18;
	s11 =	sand.u32 $0x60, s12;
	v32 =	vmov s12;
	s12 =	sor.u32 s8, s3;
	v38 =	vld.idx.msk [tilespmem:v22+s21+$0x0], $0xffff;
	v22 =	vmul.f32 v33, v9  }
0x244: {  	v8 =	vmovc v27;
	v28 =	vadd.f32 v29, v28;
	v6 =	vmovc v10;
	v26 =	vshll.u32 v32, $0x3;
	s3 =	sor.u32 s11, s3;
	v42 =	vld [tilespmem:s12+$0x0];
	v32 =	vadd.f32 v23, v43  }
0x245: {  	v29 =	vmul.f32 v14, v2;
	v2 =	vmovc v4;
	v26 =	vor.u32 v1, v26;
	v27 =	vld [tilespmem:s3+$0x0];
	v46 =	vadd.f32 v22, v36  }
0x246: {  	v4 =	vmovc v9;
	v14 =	vmovc v28;
	v23 =	vor.u32 $0x1, v26;
	v36 =	vor.u32 $0x4, v26;
	v22 =	vor.u32 $0x5, v26;
	v43 =	vld [tilespmem:s12+$0x80];
	[tilespmem:s15+$0x80] =	vst v32  }
0x247: {  	v33 =	vor.u32 $0x2, v26;
	v28 =	vmul.f32 v8, v37;
	v37 =	vmul.f32 v7, v39;
	v39 =	vld.idx.msk [tilespmem:v34+s20+$0x0], $0xffff;
	[tilespmem:s4+$0x100] =	vst v46  }
0x248: {  	v10 =	vmovc v31;
	v44 =	vor.u32 $0x3, v26;
	v9 =	vmovc v30;
	v32 =	vor.u32 $0x6, v26;
	v40 =	vmul.f32 v8, v40;
	v45 =	vld.idx.msk [tilespmem:v41+s20+$0x0], $0xffff  }
0x249: {  	v28 =	vadd.f32 v28, v37;
	v31 =	vmul.f32 v38, v7;
	v30 =	vmul.f32 $1.024000000e+03, v42;
	v34 =	vld.idx.msk [tilespmem:v34+s21+$0x0], $0xffff  }
0x24a: {  	v37 =	vor.u32 $0x7, v26;
	v38 =	vmov s14;
	v27 =	vmul.f32 $1.024000000e+03, v27;
	v41 =	vld.idx.msk [tilespmem:v41+s21+$0x0], $0xffff  }
0x24b: {  	v38 =	vshll.u32 v38, $0x3;
	v40 =	vadd.f32 v31, v40;
	v42 =	vld [tilespmem:s3+$0x80];
	v30 =	vadd.f32 $-5.000000000e-01, v30  }
0x24c: {  	v38 =	vor.u32 v1, v38;
	v47 =	vmul.f32 v28, v10;
	v27 =	vadd.f32 $-5.000000000e-01, v27;
	v46 =	vld.idx.msk [tilespmem:v36+s20+$0x0], $0xffff  }
0x24d: {  	v31 =	vld.idx.msk [tilespmem:v36+s21+$0x0], $0xffff;
	v28 =	vtrunc.f32 v30;
	v36 =	vmul.f32 $1.024000000e+03, v43;
	v43 =	vor.u32 $0x4, v38  }
0x24e: {  	v29 =	vadd.f32 v29, v13;
	v13 =	vmovc v35;
	v48 =	vtrunc.f32 v27;
	v49 =	vld.idx.msk [tilespmem:v26+s20+$0x0], $0xffff;
	v50 =	vcvt.f32.s32 v28  }
0x24f: {  	v35 =	vld.idx.msk [tilespmem:v26+s21+$0x0], $0xffff;
	v26 =	vadd.f32 $-5.000000000e-01, v36;
	v36 =	vmul.f32 v39, v20;
	v39 =	vmul.f32 v45, v19  }
0x250: {  	vm0 =	vlt.f32 v30, v28;
	v28 =	vmul.f32 v34, v20;
	v41 =	vmul.f32 v41, v19;
	v34 =	vld.idx.msk [tilespmem:v11+s20+$0x0], $0xffff  }
0x251: {  	v45 =	vsel vm0, $0xFFFFFFFF, v0;
	v42 =	vmul.f32 $1.024000000e+03, v42;
	v51 =	vtrunc.f32 v26;
	v52 =	vld.idx.msk [tilespmem:v38+s20+$0x0], $0xffff;
	[tilespmem:s24+$0x180] =	vst v29;
	s24 =	smov.u32 s0;
	s0 =	smov.u32 s4;
	s4 =	smov.u32 s13  }
0x252: {  	v29 =	vadd.s32 v50, v45;
	v36 =	vadd.f32 v39, v36;
	v28 =	vadd.f32 v41, v28;
	v45 =	vld.idx.msk [tilespmem:v43+s20+$0x0], $0xffff  }
0x253: {  	v29 =	vcvt.s32.f32 v29;
	v39 =	vcvt.f32.s32 v51;
	v41 =	vld.idx.msk [tilespmem:v43+s21+$0x0], $0xffff;
	v43 =	vor.u32 $0x3, v18  }
0x254: {  	vm0 =	vlt.f32 v26, v51;
	v36 =	vmul.f32 v36, v21;
	v28 =	vmul.f32 v28, v16;
	v50 =	vld.idx.msk [tilespmem:v38+s21+$0x0], $0xffff  }
0x255: {  	v54 =	vor.u32 $0x7, v18;
	v51 =	vcvt.f32.s32 v48;
	v53 =	vsel vm0, $0xFFFFFFFF, v0;
	v18 =	vmovc v38;
	v55 =	vld.idx.msk [tilespmem:v12+s20+$0x0], $0xffff  }
0x256: {  	v30 =	vsub.f32 v30, v29;
	v29 =	vadd.s32 v39, v53;
	v36 =	vadd.f32 v28, v36;
	v28 =	vld.idx.msk [tilespmem:v11+s21+$0x0], $0xffff  }
0x257: {  	vm0 =	vlt.f32 v27, v48;
	v38 =	vadd.f32 $-5.000000000e-01, v42;
	v39 =	vcvt.s32.f32 v29;
	v11 =	vmovc v24;
	v24 =	vmovc v44;
	v29 =	vld.idx.msk [tilespmem:v12+s21+$0x0], $0xffff  }
0x258: {  	v40 =	vmul.f32 v40, v9;
	v42 =	vsel vm0, $0xFFFFFFFF, v0;
	v44 =	vsub.f32 $1.000000000e+00, v30;
	v12 =	vmovc v25;
	v25 =	vmovc v37;
	[tilespmem:s15+$0x100] =	vst v36  }
0x259: {  	v36 =	vsub.f32 v26, v39;
	v26 =	vmul.f32 v30, v45;
	v37 =	vmul.f32 v30, v41;
	v39 =	vld.idx.msk [tilespmem:v43+s20+$0x0], $0xffff  }
0x25a: {  	v41 =	vadd.s32 v51, v42;
	v42 =	vmul.f32 v44, v52;
	v45 =	vmul.f32 v44, v50;
	v48 =	vld.idx.msk [tilespmem:v54+s20+$0x0], $0xffff  }
0x25b: {  	v41 =	vcvt.s32.f32 v41;
	v50 =	vtrunc.f32 v38;
	v51 =	vsub.f32 $1.000000000e+00, v36;
	v43 =	vld.idx.msk [tilespmem:v43+s21+$0x0], $0xffff  }
0x25c: {  	v52 =	vcvt.f32.s32 v50;
	v42 =	vadd.f32 v42, v26;
	v37 =	vadd.f32 v45, v37;
	v45 =	vld.idx.msk [tilespmem:v54+s21+$0x0], $0xffff  }
0x25d: {  	s3 =	sshll.u32 s22, $0x6;
	v40 =	vadd.f32 v40, v47;
	vm0 =	vlt.f32 v38, v50;
	v26 =	vsub.f32 v27, v41  }
0x25e: {  	s9 =	sshll.u32 s9, $0x9;
	s3 =	sand.u32 $0x3FFFF800, s3;
	v41 =	vmul.f32 v42, v51;
	v42 =	vor.u32 $0x1, v18;
	v37 =	vmul.f32 v37, v36  }
0x25f: {  	s3 =	sor.u32 s9, s3;
	v50 =	vor.u32 $0x5, v18;
	v47 =	vsel vm0, $0xFFFFFFFF, v0;
	v27 =	vsub.f32 $1.000000000e+00, v26;
	[tilespmem:s4+$0x80] =	vst v40  }
0x260: {  	s3 =	sadd.s32 $0x18800, s3;
	v46 =	vmul.f32 v26, v46;
	v40 =	vadd.s32 v52, v47;
	v37 =	vadd.f32 v37, v41;
	v41 =	vld.idx.msk [tilespmem:v15+s20+$0x0], $0xffff  }
0x261: {  	s13 =	sor.u32 s11, s3;
	s3 =	sor.u32 s8, s3;
	v39 =	vmul.f32 v39, v20;
	v48 =	vmul.f32 v48, v19;
	v47 =	vld.idx.msk [tilespmem:v17+s20+$0x0], $0xffff  }
0x262: {  	v43 =	vmul.f32 v43, v20;
	v45 =	vmul.f32 v45, v19;
	[tilespmem:s3+$0x0] =	vst v37;
	v37 =	vld.idx.msk [tilespmem:v15+s21+$0x0], $0xffff;
	v15 =	vmov v33  }
0x263: {  	v20 =	vmovc v44;
	v19 =	vmov v30;
	v33 =	vcvt.s32.f32 v40;
	v40 =	vmul.f32 v27, v49;
	v49 =	vld.idx.msk [tilespmem:v42+s20+$0x0], $0xffff  }
0x264: {  	v35 =	vmul.f32 v27, v35;
	v48 =	vadd.f32 v48, v39;
	v43 =	vadd.f32 v45, v43;
	v44 =	vld.idx.msk [tilespmem:v50+s20+$0x0], $0xffff  }
0x265: {  	v30 =	vsub.f32 v38, v33;
	v33 =	vadd.f32 v40, v46;
	v40 =	vmul.f32 v26, v31;
	v38 =	vld.idx.msk [tilespmem:v42+s21+$0x0], $0xffff  }
0x266: {  	v42 =	vmul.f32 v48, v21;
	v43 =	vmul.f32 v43, v16;
	v16 =	vmovc v36;
	v21 =	vmov v51;
	v39 =	vld.idx.msk [tilespmem:v50+s21+$0x0], $0xffff  }
.Ltmp6:
0x267: {  	v41 =	vmul.f32 v41, v8;
	v31 =	vsub.f32 $1.000000000e+00, v30;
	v40 =	vadd.f32 v35, v40;
	v36 =	vld.idx.msk [tilespmem:v17+s21+$0x0], $0xffff;
	v17 =	vmovc v32;
	(pc) =	sbr.rel @p0 .LBB2_10-.Ltmp6, $4  }
0x268: {  	v32 =	vmul.f32 v47, v7;
	v35 =	vmul.f32 v37, v8;
	v42 =	vadd.f32 v43, v42  }
0x269: {  	v43 =	vmul.f32 v33, v31;
	v40 =	vmul.f32 v40, v30  }
0x26a: {  	v33 =	vmul.f32 v55, v3;
	v37 =	vadd.f32 v32, v41;
	v32 =	vmul.f32 v34, v5;
	[tilespmem:s15+$0x180] =	vst v42;
	s15 =	smov.u32 s3  }
0x26b: {  	v34 =	vmul.f32 v20, v49;
	v41 =	vadd.f32 v40, v43;
	v40 =	vmul.f32 v19, v44  }
0x26c: {  	_ =	sdelay $0x2  }
0x26d: {  	[tilespmem:s13+$0x0] =	vst v41  }
0x26e: {  	v41 =	vld.idx.msk [tilespmem:v23+s20+$0x0], $0xffff  }
0x26f: {  	v42 =	vld.idx.msk [tilespmem:v22+s20+$0x0], $0xffff  }
0x270: {  	v38 =	vmul.f32 v20, v38;
	v39 =	vmul.f32 v39, v19;
	v47 =	vld.idx.msk [tilespmem:v23+s21+$0x0], $0xffff  }
0x271: {  	v48 =	vld.idx.msk [tilespmem:v22+s21+$0x0], $0xffff  }
0x272: {  	v34 =	vadd.f32 v34, v40;
	v38 =	vadd.f32 v39, v38;
	_ =	sdelay $0x1  }
0x273: {  	v49 =	vor.u32 $0x2, v18;
	v34 =	vmul.f32 v34, v21;
	v38 =	vmul.f32 v38, v16  }
0x274: {  	v50 =	vor.u32 $0x6, v18;
	v41 =	vmul.f32 v27, v41;
	v42 =	vmul.f32 v26, v42  }
0x275: {  	v34 =	vadd.f32 v38, v34;
	v23 =	vmul.f32 v27, v47;
	v22 =	vmul.f32 v48, v26;
	_ =	sdelay $0x1  }
0x276: {  	[tilespmem:s15+$0x80] =	vst v34;
	v51 =	vadd.f32 v41, v42;
	v22 =	vadd.f32 v22, v23  }
0x277: {  	v52 =	vld.idx.msk [tilespmem:v49+s20+$0x0], $0xffff  }
0x278: {  	v53 =	vld.idx.msk [tilespmem:v50+s20+$0x0], $0xffff;
	v34 =	vmul.f32 v51, v31;
	v22 =	vmul.f32 v22, v30  }
0x279: {  	v39 =	vld.idx.msk [tilespmem:v49+s21+$0x0], $0xffff  }
0x27a: {  	v40 =	vld.idx.msk [tilespmem:v50+s21+$0x0], $0xffff;
	v22 =	vadd.f32 v22, v34;
	_ =	sdelay $0x1  }
0x27b: {  	[tilespmem:s13+$0x80] =	vst v22  }
0x27c: {  	v54 =	vmul.f32 v36, v7;
	v22 =	vld.idx.msk [tilespmem:v15+s20+$0x0], $0xffff  }
0x27d: {  	v23 =	vmul.f32 v52, v20;
	v55 =	vmul.f32 v53, v19;
	v56 =	vld.idx.msk [tilespmem:v17+s20+$0x0], $0xffff  }
0x27e: {  	v34 =	vadd.f32 v54, v35;
	v57 =	vmul.f32 v39, v20;
	v58 =	vmul.f32 v40, v19;
	v59 =	vld.idx.msk [tilespmem:v15+s21+$0x0], $0xffff  }
0x27f: {  	v37 =	vmul.f32 v37, v10;
	v60 =	vld.idx.msk [tilespmem:v17+s21+$0x0], $0xffff  }
0x280: {  	v34 =	vmul.f32 v34, v9;
	v23 =	vadd.f32 v55, v23;
	v61 =	vadd.f32 v58, v57;
	_ =	sdelay $0x1  }
0x281: {  	v34 =	vadd.f32 v34, v37;
	v23 =	vmul.f32 v23, v21;
	v35 =	vmul.f32 v61, v16  }
0x282: {  	v22 =	vmul.f32 v22, v27;
	v36 =	vmul.f32 v56, v26  }
0x283: {  	v62 =	vor.u32 $0x3, v18;
	[tilespmem:s4+$0x100] =	vst v34;
	v15 =	vmul.f32 v59, v27;
	v17 =	vmul.f32 v60, v26  }
0x284: {  	v63 =	vor.u32 $0x7, v18;
	v23 =	vadd.f32 v35, v23;
	v34 =	vld.idx.msk [tilespmem:v11+s20+$0x0], $0xffff  }
0x285: {  	v38 =	vld.idx.msk [tilespmem:v12+s20+$0x0], $0xffff;
	v22 =	vadd.f32 v36, v22;
	v15 =	vadd.f32 v17, v15  }
0x286: {  	v40 =	vld.idx.msk [tilespmem:v11+s21+$0x0], $0xffff  }
0x287: {  	v41 =	vld.idx.msk [tilespmem:v12+s21+$0x0], $0xffff;
	[tilespmem:s15+$0x100] =	vst v23;
	v22 =	vmul.f32 v22, v31;
	v15 =	vmul.f32 v15, v30  }
0x288: {  	v39 =	vld.idx.msk [tilespmem:v62+s20+$0x0], $0xffff  }
0x289: {  	v23 =	vld.idx.msk [tilespmem:v63+s20+$0x0], $0xffff;
	v15 =	vadd.f32 v15, v22  }
0x28a: {  	v5 =	vmul.f32 v28, v5;
	v3 =	vmul.f32 v29, v3;
	v42 =	vld.idx.msk [tilespmem:v62+s21+$0x0], $0xffff  }
0x28b: {  	v18 =	vld.idx.msk [tilespmem:v63+s21+$0x0], $0xffff;
	[tilespmem:s13+$0x100] =	vst v15  }
0x28c: {  	v43 =	vadd.f32 v33, v32;
	v3 =	vadd.f32 v3, v5;
	v44 =	vld.idx.msk [tilespmem:v24+s20+$0x0], $0xffff  }
0x28d: {  	v2 =	vmul.f32 v14, v2;
	v45 =	vld.idx.msk [tilespmem:v25+s20+$0x0], $0xffff  }
0x28e: {  	v6 =	vmul.f32 v43, v6;
	v3 =	vmul.f32 v3, v4;
	v47 =	vld.idx.msk [tilespmem:v24+s21+$0x0], $0xffff  }
0x28f: {  	v50 =	vmul.f32 v34, v8;
	v51 =	vmul.f32 v38, v7;
	v49 =	vld.idx.msk [tilespmem:v25+s21+$0x0], $0xffff  }
0x290: {  	v52 =	vmul.f32 v40, v8;
	v53 =	vmul.f32 v41, v7  }
0x291: {  	v17 =	vmul.f32 v39, v20;
	v23 =	vmul.f32 v23, v19  }
0x292: {  	v2 =	vadd.f32 v2, v13;
	v48 =	vmul.f32 v42, v20;
	v18 =	vmul.f32 v18, v19  }
0x293: {  	v59 =	vadd.f32 v51, v50;
	v55 =	vmul.f32 v44, v27;
	v56 =	vmul.f32 v45, v26  }
0x294: {  	v5 =	vadd.f32 v53, v52;
	v57 =	vmul.f32 v47, v27;
	v58 =	vmul.f32 v49, v26  }
0x295: {  	v62 =	vmul.f32 v59, v10;
	v46 =	vadd.f32 v23, v17;
	v54 =	vadd.f32 v18, v48  }
0x296: {  	v5 =	vmul.f32 v5, v9;
	v60 =	vadd.f32 v56, v55;
	v61 =	vadd.f32 v58, v57  }
0x297: {  	[tilespmem:s24+$0x180] =	vst v2;
	v2 =	vadd.f32 v3, v6;
	v15 =	vmul.f32 v46, v21;
	v8 =	vmul.f32 v54, v16  }
0x298: {  	v5 =	vadd.f32 v5, v62;
	v3 =	vmul.f32 v60, v31;
	v63 =	vmul.f32 v61, v30  }
0x299: {  	[tilespmem:s0+$0x180] =	vst v2;
	v8 =	vadd.f32 v8, v15  }
0x29a: {  	[tilespmem:s4+$0x180] =	vst v5;
	v2 =	vadd.f32 v63, v3  }
0x29b: {  	[tilespmem:s15+$0x180] =	vst v8  }
0x29c: {  	[tilespmem:s13+$0x180] =	vst v2  }
0x29d: {  	s3 =	simm.s32 $0x18800;
	s0 =	rddreg [dreg:$0x7]  }
0x29e: {  	[hbm4b:s0+s5] =	stream.linear.scatter [tilespmem:s3], [sflag:$0x3], $0x2000, $0x38;
	[tilespmem:$0x1A800] =	vst v63  }
0x29f: {  	_ =	swait.ge [sflag:s19], $0x2000  }
0x2a0: {  	[sflag:s19] =	ssyncset.done $0x0  }
0x2a1: {  	[sflag:s19] =	ssyncadd.s32 $0xFFFFE000  }
0x2a2: {  	_ =	swait.ge [sflag:s19], $0x2000  }
0x2a3: {  	s30 =	rddreg [dreg:$0x9]  }
0x2a4: {  	s31 =	rddreg [dreg:$0x8];
	s3 =	sadd.s32 $0x1, s30  }
0x2a5: {  	p0 =	sne.s32 s3, s31  }
.Ltmp7:
0x2a6: {  	_ = 	snop;
	(pc) =	sbr.rel @p0 .LBB2_1-.Ltmp7, $3  }
0x2a7: {  	_ =	sdelay $0x1  }
0x2a8: {  	[sflag:s19] =	ssyncset.done $0x0  }
0x2a9: {  	[sflag:s19] =	ssyncadd.s32 $0xFFFFE000  }
0x2aa: {  	_ =	sfence.sel $0x180000  }
0x2ab: {  	[bflag:$0x0] =	sbarrier.arrive $0xFFFF  }
0x2ac: {  	_ =	strace $0x9000004A  }
0x2ad: {  	s0 =	stileid.u32;
	[bflag:$0x2] =	sbarrier.arrive $0xFFFF  }
0x2ae: {  	p0 =	sne.s32 s0, $0x0;
	s0 =	rddreg [dreg:$0x4]  }
0x2af: {  	s0 =	sadd.s32 @!p0 $0x100000, s0  }
0x2b0: {  	[sflag:s0] =	ssyncadd.tile.s32 @!p0 $0x1;
	_ =	shalt  }
.Lfunc_end2:
_tile_overlayer_lowered:
.L_overlay_start_2:
0x2b1: {  	(tag) =	ssettag $0x2  }
0x2b2: {  	s0 =	rddreg [dreg:$0x0];
	s2 =	stileid.u32  }
0x2b3: {  	s1 =	rddreg [dreg:$0x1];
	p0 =	sne.s32 s2, $0x0  }
0x2b4: {  	s3 =	rddreg [dreg:$0x2];
	[bflag:$0x3] =	sbarrier.arrive $0xFFFF;
	s2 =	simm.s32 @!p0 $0x1C04  }
0x2b5: {  	[timem:s3], [sflag:s2] =	dma.local @!p0 [hbm:s0], s1  }
0x2b6: {  	s0 =	simm.s32 @!p0 $0x4  }
0x2b7: {  	_ =	swait.ge @!p0 [sflag:s0], s1  }
0x2b8: {  	s1 =	ssub.s32 @!p0 $0x0, s1;
	[sflag:s0] =	ssyncset.done @!p0 $0x0  }
0x2b9: {  	[sflag:s0] =	ssyncadd.s32 @!p0 s1  }
0x2ba: {  	[bflag:$0x3] =	sbarrier.arrive $0xFFFF  }
0x2bb: {  	_ =	shalt  }

</sc_bundles>
